<compile_context>
chip_gen: v7x
topology: tpu7x:2x2x1
jax: 0.10.2.dev20260603
libtpu: 0.0.44.dev20260713+nightly
codegen_flags: <defaults>
</compile_context>

<pallas_src>
import functools

import jax
import jax.numpy as jnp
from jax import lax
from jax.experimental import pallas as pl
from jax.experimental.pallas import tpu as pltpu
from jax.experimental.pallas import tpu_sc as plsc

N = 10000
E = 5000
D = 256
HF = 128
NP = 10240
EP = 5120
NNZ = 160000
NNZ_P = 163840
PAD = NNZ_P - NNZ
CH = 128
NC, NS = 2, 16
EPT = NNZ_P // NS
F32 = jnp.float32



def _edge_stage(et0, et1, deg_e, w, a, want_e, bm=1024):
    m = et0.shape[0]

    def body(et0_ref, et1_ref, deg_ref, w_ref, a_ref, *out_refs):
        cnt = deg_ref[:, 0:1]
        s = jnp.where(cnt > 0.0, 1.0 / cnt, 0.0)
        al = a_ref[0, 0]
        e0 = et0_ref[...] * s
        e0 = jnp.where(e0 >= 0.0, e0, al * e0)
        e1 = et1_ref[...] * s
        e1 = jnp.where(e1 >= 0.0, e1, al * e1)
        xn = (jnp.dot(e0, w_ref[:HF, :], preferred_element_type=F32)
              + jnp.dot(e1, w_ref[HF:, :], preferred_element_type=F32))
        out_refs[0][...] = xn
        if want_e:
            out_refs[1][:, :HF] = e0
            out_refs[1][:, HF:] = e1

    n_out = 2 if want_e else 1
    return pl.pallas_call(
        body,
        grid=(m // bm,),
        in_specs=[pl.BlockSpec((bm, HF), lambda i: (i, 0)),
                  pl.BlockSpec((bm, HF), lambda i: (i, 0)),
                  pl.BlockSpec((bm, HF), lambda i: (i, 0)),
                  pl.BlockSpec((D, D), lambda i: (0, 0)),
                  pl.BlockSpec(memory_space=pltpu.SMEM)],
        out_specs=[pl.BlockSpec((bm, D), lambda i: (i, 0))] * n_out,
        out_shape=[jax.ShapeDtypeStruct((m, D), F32)] * n_out,
    )(et0, et1, deg_e, w, a)


def _front(x, w_n2e, w_e2n, a, bm=1024):
    m = x.shape[0]

    def body(x_ref, w1_ref, w2_ref, a_ref, xe_ref, xs_ref):
        al = a_ref[0, 0]
        xe = jnp.dot(x_ref[...], w1_ref[...], preferred_element_type=F32)
        xe_ref[...] = xe
        p = jnp.where(xe >= 0.0, xe, al * xe)
        xs_ref[...] = jnp.dot(p, w2_ref[...], preferred_element_type=F32)

    return pl.pallas_call(
        body,
        grid=(m // bm,),
        in_specs=[pl.BlockSpec((bm, D), lambda i: (i, 0)),
                  pl.BlockSpec((D, D), lambda i: (0, 0)),
                  pl.BlockSpec((D, D), lambda i: (0, 0)),
                  pl.BlockSpec(memory_space=pltpu.SMEM)],
        out_specs=[pl.BlockSpec((bm, D), lambda i: (i, 0))] * 2,
        out_shape=[jax.ShapeDtypeStruct((m, D), F32)] * 2,
    )(x, w_n2e, w_e2n, a)


def _mid(n0, n1, xn_self, deg_n, a_h, w_n2e, w_e2n, a, bm=1024):
    m = n0.shape[0]

    def body(n0_ref, n1_ref, xs_ref, deg_ref, ah_ref, w1_ref, w2_ref, a_ref,
             xe_ref, xs2_ref):
        sc = 1.0 / (deg_ref[:, 0:1] + 1.0)
        ah = ah_ref[0, 0]
        al = a_ref[0, 0]
        t0 = (n0_ref[...] + xs_ref[:, :HF]) * sc
        t0 = jnp.where(t0 >= 0.0, t0, ah * t0)
        t1 = (n1_ref[...] + xs_ref[:, HF:]) * sc
        t1 = jnp.where(t1 >= 0.0, t1, ah * t1)
        xe = (jnp.dot(t0, w1_ref[:HF, :], preferred_element_type=F32)
              + jnp.dot(t1, w1_ref[HF:, :], preferred_element_type=F32))
        xe_ref[...] = xe
        p = jnp.where(xe >= 0.0, xe, al * xe)
        xs2_ref[...] = jnp.dot(p, w2_ref[...], preferred_element_type=F32)

    return pl.pallas_call(
        body,
        grid=(m // bm,),
        in_specs=[pl.BlockSpec((bm, HF), lambda i: (i, 0)),
                  pl.BlockSpec((bm, HF), lambda i: (i, 0)),
                  pl.BlockSpec((bm, D), lambda i: (i, 0)),
                  pl.BlockSpec((bm, HF), lambda i: (i, 0)),
                  pl.BlockSpec(memory_space=pltpu.SMEM),
                  pl.BlockSpec((D, D), lambda i: (0, 0)),
                  pl.BlockSpec((D, D), lambda i: (0, 0)),
                  pl.BlockSpec(memory_space=pltpu.SMEM)],
        out_specs=[pl.BlockSpec((bm, D), lambda i: (i, 0))] * 2,
        out_shape=[jax.ShapeDtypeStruct((m, D), F32)] * 2,
    )(n0, n1, xn_self, deg_n, a_h, w_n2e, w_e2n, a)


def _node_stage(n0, n1, xn_self, deg_n, a_h, bm=1024):
    m = n0.shape[0]

    def body(n0_ref, n1_ref, xs_ref, deg_ref, a_ref, h_ref):
        s = 1.0 / (deg_ref[:, 0:1] + 1.0)
        ah = a_ref[0, 0]
        t0 = (n0_ref[...] + xs_ref[:, :HF]) * s
        t0 = jnp.where(t0 >= 0.0, t0, ah * t0)
        t1 = (n1_ref[...] + xs_ref[:, HF:]) * s
        t1 = jnp.where(t1 >= 0.0, t1, ah * t1)
        h_ref[:, :HF] = t0
        h_ref[:, HF:] = t1

    return pl.pallas_call(
        body,
        grid=(m // bm,),
        in_specs=[pl.BlockSpec((bm, HF), lambda i: (i, 0)),
                  pl.BlockSpec((bm, HF), lambda i: (i, 0)),
                  pl.BlockSpec((bm, D), lambda i: (i, 0)),
                  pl.BlockSpec((bm, HF), lambda i: (i, 0)),
                  pl.BlockSpec(memory_space=pltpu.SMEM)],
        out_specs=pl.BlockSpec((bm, D), lambda i: (i, 0)),
        out_shape=jax.ShapeDtypeStruct((m, D), F32),
    )(n0, n1, xn_self, deg_n, a_h)



@functools.cache
def _mesh():
    return plsc.VectorSubcoreMesh(core_axis_name="c", subcore_axis_name="s",
                                  num_cores=NC, num_subcores=NS)


NCHT = EPT // CH


def _sc_aggregate(table2, src2, dst, rows_out):
    rpt = rows_out // NS
    NH = NCHT // 2

    nbuf = 2

    def body(table2_r, src2_r, dst_r, zeros_r, out, src_b, dst_b, *rest):
        bufs, sems = rest[:nbuf], rest[nbuf + 1:]
        acc = rest[nbuf]
        c = lax.axis_index("c")
        s = lax.axis_index("s")
        r0 = s * rpt
        pltpu.sync_copy(zeros_r.at[pl.ds(r0, rpt)], acc.at[pl.ds(r0, rpt)])
        plsc.subcore_barrier()

        def gather(k, buf, sem):
            pltpu.async_copy(table2_r.at[src_b.at[k]], buf, sem)

        def gwait(buf, sem):
            pltpu.make_async_copy(table2_r.at[src_b.at[0]], buf, sem).wait()

        for h in range(2):
            srow = (c * NNZ_P + s * EPT) // CH + h * NH
            pltpu.sync_copy(
                src2_r.at[pl.ds(pl.multiple_of(srow, 8), NH)], src_b)
            pltpu.sync_copy(
                dst_r.at[pl.ds(pl.multiple_of(s * NCHT + h * NH, 8), NH)],
                dst_b)
            for j in range(nbuf - 1):
                gather(j, bufs[j], sems[j])

            def step(i, carry):
                k0 = i * nbuf
                for j in range(nbuf):
                    gather(k0 + j + nbuf - 1, bufs[(j + nbuf - 1) % nbuf],
                           sems[(j + nbuf - 1) % nbuf])
                    gwait(bufs[j], sems[j])
                    pltpu.sync_copy(bufs[j], acc.at[dst_b.at[k0 + j]],
                                    add=True)
                return carry

            lax.fori_loop(0, NH // nbuf - 1, step, 0)
            k0 = NH - nbuf
            gather(NH - 1, bufs[(nbuf - 1) % nbuf], sems[(nbuf - 1) % nbuf])
            for j in range(nbuf):
                gwait(bufs[j], sems[j])
                pltpu.sync_copy(bufs[j], acc.at[dst_b.at[k0 + j]], add=True)
        plsc.subcore_barrier()
        pltpu.sync_copy(acc.at[pl.ds(r0, rpt)], out.at[c, pl.ds(r0, rpt)])

    zeros = jnp.zeros((rows_out, HF), F32)
    return pl.kernel(
        body,
        out_type=jax.ShapeDtypeStruct((NC, rows_out, HF), F32),
        mesh=_mesh(),
        scratch_types=(
            [pltpu.VMEM((NCHT // 2, CH), jnp.int32),
             pltpu.VMEM((NCHT // 2, CH), jnp.int32)]
            + [pltpu.VMEM((CH, HF), F32)] * nbuf
            + [pltpu.VMEM_SHARED((rows_out, HF), F32)]
            + [pltpu.SemaphoreType.DMA] * nbuf
        ),
    )(table2, src2.reshape(2 * NNZ_P // CH, CH), dst.reshape(NNZ_P // CH, CH),
      zeros)


def _sc_degrees(dkey):
    rpt = NP // NS

    def body(dkey_r, zeros_r, ones_r, out, dk_b, ones_v, dacc, sem):
        c = lax.axis_index("c")
        s = lax.axis_index("s")
        r0 = s * rpt
        pltpu.sync_copy(zeros_r.at[pl.ds(r0, rpt)], dacc.at[pl.ds(r0, rpt)])
        pltpu.sync_copy(ones_r, ones_v)
        pltpu.sync_copy(
            dkey_r.at[pl.ds(pl.multiple_of((c * NNZ_P + s * EPT) // CH, 8),
                            NCHT)], dk_b)
        plsc.subcore_barrier()

        def chunk(i, carry):
            k0 = i * 4
            for j in range(4):
                pltpu.async_copy(ones_v, dacc.at[dk_b.at[k0 + j]], sem,
                                 add=True)
            for j in range(4):
                pltpu.make_async_copy(ones_v, dacc.at[dk_b.at[k0]],
                                      sem).wait()
            return carry

        lax.fori_loop(0, NCHT // 4, chunk, 0)
        plsc.subcore_barrier()
        pltpu.sync_copy(dacc.at[pl.ds(r0, rpt)], out.at[c, pl.ds(r0, rpt)])

    zeros = jnp.zeros((NP, HF), F32)
    ones = jnp.ones((CH, HF), F32)
    return pl.kernel(
        body,
        out_type=jax.ShapeDtypeStruct((NC, NP, HF), F32),
        mesh=_mesh(),
        scratch_types=[
            pltpu.VMEM((NCHT, CH), jnp.int32),
            pltpu.VMEM((CH, HF), F32),
            pltpu.VMEM_SHARED((NP, HF), F32),
            pltpu.SemaphoreType.DMA,
        ],
    )(dkey.reshape(2 * NNZ_P // CH, CH), zeros, ones)



def kernel(x, hyperedge_index, W_n2e1, W_e2n1, W_n2e2, W_e2n2,
           a1, a2, a_h, num_nodes, num_edges):
    node_idx = hyperedge_index[0]
    edge_idx = hyperedge_index[1]

    pad = jnp.arange(PAD, dtype=jnp.int32)
    node_pad = jnp.concatenate([node_idx, N + pad % (NP - N)])
    edge_pad = jnp.concatenate([edge_idx, E + pad % (EP - E)])
    src_e = jnp.concatenate([2 * node_pad, 2 * node_pad + 1])
    src_n = jnp.concatenate([2 * edge_pad, 2 * edge_pad + 1])

    x_pad = jnp.pad(x, ((0, NP - N), (0, 0)))
    a1r = jnp.reshape(a1, (1, 1)).astype(F32)
    a2r = jnp.reshape(a2, (1, 1)).astype(F32)
    ahr = jnp.reshape(a_h, (1, 1)).astype(F32)

    dego = _sc_degrees(jnp.concatenate([edge_pad, node_pad]))
    deg_e = dego[0, :EP]
    deg_n = dego[1]

    xe1, xn_self1 = _front(x_pad, W_n2e1, W_e2n1, a1r)
    et = _sc_aggregate(xe1.reshape(2 * NP, HF), src_e, edge_pad, EP)
    (xn_top1,) = _edge_stage(et[0], et[1], deg_e, W_e2n1, a1r, want_e=False)
    nn = _sc_aggregate(xn_top1.reshape(2 * EP, HF), src_n, node_pad, NP)

    xe2, xn_self2 = _mid(nn[0], nn[1], xn_self1, deg_n, ahr,
                         W_n2e2, W_e2n2, a2r)
    etb = _sc_aggregate(xe2.reshape(2 * NP, HF), src_e, edge_pad, EP)
    xn_top2, e_out = _edge_stage(etb[0], etb[1], deg_e, W_e2n2, a2r,
                                 want_e=True)
    mm = _sc_aggregate(xn_top2.reshape(2 * EP, HF), src_n, node_pad, NP)
    h2 = _node_stage(mm[0], mm[1], xn_self2, deg_n, ahr)

    return h2[:N], e_out[:E]

# --- scband reference (transcript-rebuilt; emitter-appended) ---
"""Pipeline reference for scband-fg-hgcl-40673340293179 (READ-ONLY COPY).

The authoritative reference and input builder live on the scoring server;
editing this copy changes nothing except your own understanding.
"""

import jax, jax.numpy as jnp
import numpy as np

NUM_NODES = 10000
NUM_HYPEREDGES = 5000
NNZ = 160000
D = 256

def prelu(x, a):
    return jnp.where(x >= 0, x, a * x)

def setup_inputs(seed: int = 0):
    key = jax.random.key(seed)
    ks = jax.random.split(key, 10)
    x = jax.random.normal(ks[0], (NUM_NODES, D), dtype=jnp.float32)
    node_idx = jax.random.randint(ks[1], (NNZ,), 0, NUM_NODES, dtype=jnp.int32)
    edge_idx = jax.random.randint(ks[2], (NNZ,), 0, NUM_HYPEREDGES, dtype=jnp.int32)
    hyperedge_index = jnp.stack([node_idx, edge_idx])
    s = 1.0 / np.sqrt(D)
    W_n2e1 = jax.random.normal(ks[3], (D, D), dtype=jnp.float32) * s
    W_e2n1 = jax.random.normal(ks[4], (D, D), dtype=jnp.float32) * s
    W_n2e2 = jax.random.normal(ks[5], (D, D), dtype=jnp.float32) * s
    W_e2n2 = jax.random.normal(ks[6], (D, D), dtype=jnp.float32) * s
    a1 = jnp.array(0.25, dtype=jnp.float32)
    a2 = jnp.array(0.25, dtype=jnp.float32)
    a_h = jnp.array(0.25, dtype=jnp.float32)
    return {"x": x, "hyperedge_index": hyperedge_index,
            "W_n2e1": W_n2e1, "W_e2n1": W_e2n1,
            "W_n2e2": W_n2e2, "W_e2n2": W_e2n2,
            "a1": a1, "a2": a2, "a_h": a_h,
            "num_nodes": NUM_NODES, "num_edges": NUM_HYPEREDGES}

def _conv(x, node_idx, edge_idx, num_nodes, num_edges, W_n2e, W_e2n, a_conv):
    # ProposedConv (TriCL-style two-stage hypergraph conv with row normalization)
    ones = jnp.ones(node_idx.shape[0], dtype=x.dtype)
    Dn = jax.ops.segment_sum(ones, node_idx, num_segments=num_nodes)
    De = jax.ops.segment_sum(ones, edge_idx, num_segments=num_edges)
    Dn_inv = jnp.where(Dn > 0, 1.0 / Dn, 0.0)
    De_inv = jnp.where(De > 0, 1.0 / De, 0.0)
    # node -> hyperedge
    xe = x @ W_n2e
    e = jax.ops.segment_sum(xe[node_idx] * De_inv[edge_idx][:, None], edge_idx, num_segments=num_edges)
    e = prelu(e, a_conv)
    # dropout_rate = 0.0 -> identity
    # hyperedge -> node
    xn = e @ W_e2n
    n = jax.ops.segment_sum(xn[edge_idx] * Dn_inv[node_idx][:, None], node_idx, num_segments=num_nodes)
    return n, e

def reference(x, hyperedge_index, W_n2e1, W_e2n1, W_n2e2, W_e2n2, a1, a2, a_h, num_nodes, num_edges):
    # FG_HGCL.forward with dropout_rate=0.0, noise_std=0.0
    nn_static = x.shape[0]
    ne_static = NUM_HYPEREDGES
    nn_res = jnp.asarray(num_nodes, dtype=hyperedge_index.dtype) - nn_static
    ne_res = jnp.asarray(num_edges, dtype=hyperedge_index.dtype) - ne_static
    node_sl = jnp.arange(nn_static, dtype=hyperedge_index.dtype) + nn_res
    edge_sl = jnp.arange(ne_static, ne_static + nn_static, dtype=hyperedge_index.dtype) + ne_res
    hei = jnp.concatenate([hyperedge_index, jnp.stack([node_sl, edge_sl])], axis=1)
    node_idx, edge_idx = hei[0], hei[1]
    ne = ne_static + nn_static
    h, e = _conv(x, node_idx, edge_idx, nn_static, ne, W_n2e1, W_e2n1, a1)
    h = prelu(h, a_h)
    h, e = _conv(h, node_idx, edge_idx, nn_static, ne, W_n2e2, W_e2n2, a2)
    h = prelu(h, a_h)
    return h, e[:ne_static]

if __name__ == "__main__":
    import jax
    _d = setup_inputs()
    print(jax.jit(kernel)(*tuple(_d.values())))

</pallas_src>

<mosaic_0001>
#map = affine_map<(d0, d1) -> (0, 0)>
#map1 = affine_map<(d0, d1) -> (0, 0, 0)>
module attributes {stable_mosaic.version = 14 : i64} {
  func.func @body(%arg0: i32, %arg1: i32, %arg2: memref<20480x128xf32, #tpu.memory_space<hbm>>, %arg3: memref<2560x128xi32, #tpu.memory_space<hbm>>, %arg4: memref<1280x128xi32, #tpu.memory_space<hbm>>, %arg5: memref<5120x128xf32, #tpu.memory_space<hbm>>, %arg6: memref<2x5120x128xf32, #tpu.memory_space<hbm>>, %arg7: memref<40x128xi32, #tpu.memory_space<vmem>>, %arg8: memref<40x128xi32, #tpu.memory_space<vmem>>, %arg9: memref<128x128xf32, #tpu.memory_space<vmem>>, %arg10: memref<128x128xf32, #tpu.memory_space<vmem>>, %arg11: memref<5120x128xf32, #tpu.memory_space<vmem_shared>>, %arg12: memref<!tpu.dma_semaphore, #tpu.memory_space<semaphore_mem>>, %arg13: memref<!tpu.dma_semaphore, #tpu.memory_space<semaphore_mem>>) attributes {dimension_semantics = [#tpu.dimension_semantics<core_parallel>, #tpu.dimension_semantics<subcore_parallel>], iteration_bounds = array<i64: 2, 16>, scalar_prefetch = 0 : i64, scratch_operands = 7 : i64, tpu.core_type = #tpu.core_type<sc_vector_subcore>, window_params = [{transform_indices = #map}, {transform_indices = #map}, {transform_indices = #map}, {transform_indices = #map}, {transform_indices = #map1}]} {
    %mul3A = arith.constant 320 : i32
    %mul3A_0 = arith.muli %arg1, %mul3A : i32
    "tpu.region"() ({
      %run_scoped3A_134 = tpu.sem_alloc : memref<!tpu.dma_semaphore, #tpu.memory_space<semaphore_mem>>
      %dma_start3A_135 = arith.constant 0 : i32
      %dma_start3A_136 = tpu.memref_slice %arg11[%mul3A_0, %dma_start3A_135] : memref<5120x128xf32, #tpu.memory_space<vmem_shared>> -> memref<320x128xf32, #tpu.memory_space<vmem_shared>>
      %dma_start3A_137 = arith.constant 0 : i32
      %dma_start3A_138 = tpu.memref_slice %arg5[%mul3A_0, %dma_start3A_137] : memref<5120x128xf32, #tpu.memory_space<hbm>> -> memref<320x128xf32, #tpu.memory_space<hbm>>
      tpu.enqueue_dma source(%dma_start3A_138 : memref<320x128xf32, #tpu.memory_space<hbm>>) target(%dma_start3A_136 : memref<320x128xf32, #tpu.memory_space<vmem_shared>>) target_semaphore(%run_scoped3A_134 : memref<!tpu.dma_semaphore, #tpu.memory_space<semaphore_mem>>)
      %dma_wait3A_139 = arith.constant 0 : i32
      %dma_wait3A_140 = tpu.memref_slice %arg11[%mul3A_0, %dma_wait3A_139] : memref<5120x128xf32, #tpu.memory_space<vmem_shared>> -> memref<320x128xf32, #tpu.memory_space<vmem_shared>>
      %dma_wait3A_141 = arith.constant 0 : i32
      %dma_wait3A_142 = tpu.memref_slice %arg5[%mul3A_0, %dma_wait3A_141] : memref<5120x128xf32, #tpu.memory_space<hbm>> -> memref<320x128xf32, #tpu.memory_space<hbm>>
      tpu.wait_dma2 semaphore(%run_scoped3A_134 : memref<!tpu.dma_semaphore, #tpu.memory_space<semaphore_mem>>) src(%dma_wait3A_142 : memref<320x128xf32, #tpu.memory_space<hbm>>) dst(%dma_wait3A_140 : memref<320x128xf32, #tpu.memory_space<vmem_shared>>)
      tpu.yield
    }) : () -> ()
    %barrier3A = arith.constant 0 : index
    tpu.barrier barrier_id(%barrier3A)
    %mul3A_1 = arith.constant 163840 : i32
    %mul3A_2 = arith.muli %arg0, %mul3A_1 : i32
    %mul3A_3 = arith.constant 10240 : i32
    %mul3A_4 = arith.muli %arg1, %mul3A_3 : i32
    %add3A = arith.addi %mul3A_2, %mul3A_4 : i32
    %jit3A = arith.constant 128 : i32
    %div3A = arith.divsi %add3A, %jit3A : i32
    %sign3A = arith.constant 0 : i32
    %sign3A_5 = arith.cmpi sgt, %add3A, %sign3A : i32
    %sign3A_6 = arith.extui %sign3A_5 : i1 to i32
    %sign3A_7 = arith.constant 0 : i32
    %sign3A_8 = arith.cmpi slt, %add3A, %sign3A_7 : i32
    %sign3A_9 = arith.extui %sign3A_8 : i1 to i32
    %sign3A_10 = arith.subi %sign3A_6, %sign3A_9 : i32
    %sign3A_11 = arith.constant 0 : i32
    %sign3A_12 = arith.cmpi sgt, %jit3A, %sign3A_11 : i32
    %sign3A_13 = arith.extui %sign3A_12 : i1 to i32
    %sign3A_14 = arith.constant 0 : i32
    %sign3A_15 = arith.cmpi slt, %jit3A, %sign3A_14 : i32
    %sign3A_16 = arith.extui %sign3A_15 : i1 to i32
    %sign3A_17 = arith.subi %sign3A_13, %sign3A_16 : i32
    %ne3A = arith.cmpi ne, %sign3A_10, %sign3A_17 : i32
    %rem3A = arith.remsi %add3A, %jit3A : i32
    %ne3A_18 = arith.constant 0 : i32
    %ne3A_19 = arith.cmpi ne, %rem3A, %ne3A_18 : i32
    %and3A = arith.andi %ne3A, %ne3A_19 : i1
    %sub3A = arith.constant 1 : i32
    %sub3A_20 = arith.subi %div3A, %sub3A : i32
    %select_n3A = arith.select %and3A, %sub3A_20, %div3A : i32
    %add3A_21 = arith.constant 0 : i32
    %add3A_22 = arith.addi %select_n3A, %add3A_21 : i32
    %multiple_of3A = tpu.assume_multiple %add3A_22, 8 : i32
    "tpu.region"() ({
      %run_scoped3A_134 = tpu.sem_alloc : memref<!tpu.dma_semaphore, #tpu.memory_space<semaphore_mem>>
      %dma_start3A_135 = arith.constant 0 : i32
      %dma_start3A_136 = tpu.memref_slice %arg3[%multiple_of3A, %dma_start3A_135] : memref<2560x128xi32, #tpu.memory_space<hbm>> -> memref<40x128xi32, #tpu.memory_space<hbm>>
      %dma_start3A_137 = arith.constant 0 : i32
      %dma_start3A_138 = tpu.memref_slice %arg3[%multiple_of3A, %dma_start3A_137] : memref<2560x128xi32, #tpu.memory_space<hbm>> -> memref<40x128xi32, #tpu.memory_space<hbm>>
      tpu.enqueue_dma source(%dma_start3A_138 : memref<40x128xi32, #tpu.memory_space<hbm>>) target(%arg7 : memref<40x128xi32, #tpu.memory_space<vmem>>) target_semaphore(%run_scoped3A_134 : memref<!tpu.dma_semaphore, #tpu.memory_space<semaphore_mem>>)
      %dma_wait3A_139 = arith.constant 0 : i32
      %dma_wait3A_140 = tpu.memref_slice %arg3[%multiple_of3A, %dma_wait3A_139] : memref<2560x128xi32, #tpu.memory_space<hbm>> -> memref<40x128xi32, #tpu.memory_space<hbm>>
      %dma_wait3A_141 = arith.constant 0 : i32
      %dma_wait3A_142 = tpu.memref_slice %arg3[%multiple_of3A, %dma_wait3A_141] : memref<2560x128xi32, #tpu.memory_space<hbm>> -> memref<40x128xi32, #tpu.memory_space<hbm>>
      tpu.wait_dma2 semaphore(%run_scoped3A_134 : memref<!tpu.dma_semaphore, #tpu.memory_space<semaphore_mem>>) src(%dma_wait3A_142 : memref<40x128xi32, #tpu.memory_space<hbm>>) dst(%arg7 : memref<40x128xi32, #tpu.memory_space<vmem>>)
      tpu.yield
    }) : () -> ()
    %mul3A_23 = arith.constant 80 : i32
    %mul3A_24 = arith.muli %arg1, %mul3A_23 : i32
    %add3A_25 = arith.constant 0 : i32
    %add3A_26 = arith.addi %mul3A_24, %add3A_25 : i32
    %multiple_of3A_27 = tpu.assume_multiple %add3A_26, 8 : i32
    "tpu.region"() ({
      %run_scoped3A_134 = tpu.sem_alloc : memref<!tpu.dma_semaphore, #tpu.memory_space<semaphore_mem>>
      %dma_start3A_135 = arith.constant 0 : i32
      %dma_start3A_136 = tpu.memref_slice %arg4[%multiple_of3A_27, %dma_start3A_135] : memref<1280x128xi32, #tpu.memory_space<hbm>> -> memref<40x128xi32, #tpu.memory_space<hbm>>
      %dma_start3A_137 = arith.constant 0 : i32
      %dma_start3A_138 = tpu.memref_slice %arg4[%multiple_of3A_27, %dma_start3A_137] : memref<1280x128xi32, #tpu.memory_space<hbm>> -> memref<40x128xi32, #tpu.memory_space<hbm>>
      tpu.enqueue_dma source(%dma_start3A_138 : memref<40x128xi32, #tpu.memory_space<hbm>>) target(%arg8 : memref<40x128xi32, #tpu.memory_space<vmem>>) target_semaphore(%run_scoped3A_134 : memref<!tpu.dma_semaphore, #tpu.memory_space<semaphore_mem>>)
      %dma_wait3A_139 = arith.constant 0 : i32
      %dma_wait3A_140 = tpu.memref_slice %arg4[%multiple_of3A_27, %dma_wait3A_139] : memref<1280x128xi32, #tpu.memory_space<hbm>> -> memref<40x128xi32, #tpu.memory_space<hbm>>
      %dma_wait3A_141 = arith.constant 0 : i32
      %dma_wait3A_142 = tpu.memref_slice %arg4[%multiple_of3A_27, %dma_wait3A_141] : memref<1280x128xi32, #tpu.memory_space<hbm>> -> memref<40x128xi32, #tpu.memory_space<hbm>>
      tpu.wait_dma2 semaphore(%run_scoped3A_134 : memref<!tpu.dma_semaphore, #tpu.memory_space<semaphore_mem>>) src(%dma_wait3A_142 : memref<40x128xi32, #tpu.memory_space<hbm>>) dst(%arg8 : memref<40x128xi32, #tpu.memory_space<vmem>>)
      tpu.yield
    }) : () -> ()
    %dma_start3A = arith.constant 0 : i32
    %dma_start3A_28 = arith.constant 0 : i32
    %dma_start3A_29 = tpu.memref_slice %arg7[%dma_start3A, %dma_start3A_28] : memref<40x128xi32, #tpu.memory_space<vmem>> -> memref<1x128xi32, #tpu.memory_space<vmem>>
    %dma_start3A_30 = tpu.memref_squeeze %dma_start3A_29 : memref<1x128xi32, #tpu.memory_space<vmem>> -> memref<128xi32, #tpu.memory_space<vmem>>
    %dma_start3A_31 = arith.constant 0 : i32
    %dma_start3A_32 = arith.constant 0 : i32
    %dma_start3A_33 = tpu.memref_slice %arg2[%dma_start3A_31, %dma_start3A_32] : memref<20480x128xf32, #tpu.memory_space<hbm>> -> memref<20480x128xf32, #tpu.memory_space<hbm>>
    tpu.enqueue_indirect_dma source(%dma_start3A_33 : memref<20480x128xf32, #tpu.memory_space<hbm>>) target(%arg9 : memref<128x128xf32, #tpu.memory_space<vmem>>) offsets(%dma_start3A_30 : memref<128xi32, #tpu.memory_space<vmem>>) semaphore(%arg12 : memref<!tpu.dma_semaphore, #tpu.memory_space<semaphore_mem>>)
    %scan3A = arith.constant 0 : i32
    %scan3A_34 = arith.constant 0 : i32
    %scan3A_35 = arith.constant 19 : i32
    %scan3A_36 = arith.addi %scan3A_34, %scan3A_35 : i32
    %scan3A_37 = arith.constant 1 : i32
    scf.for %scan3A_134 = %scan3A_34 to %scan3A_36 step %scan3A_37  : i32 {
      %mul3A_135 = arith.constant 2 : i32
      %mul3A_136 = arith.muli %scan3A_134, %mul3A_135 : i32
      %add3A_137 = arith.constant 0 : i32
      %add3A_138 = arith.addi %mul3A_136, %add3A_137 : i32
      %add3A_139 = arith.constant 2 : i32
      %add3A_140 = arith.addi %add3A_138, %add3A_139 : i32
      %sub3A_141 = arith.constant 1 : i32
      %sub3A_142 = arith.subi %add3A_140, %sub3A_141 : i32
      %dma_start3A_143 = arith.constant 0 : i32
      %dma_start3A_144 = tpu.memref_slice %arg7[%sub3A_142, %dma_start3A_143] : memref<40x128xi32, #tpu.memory_space<vmem>> -> memref<1x128xi32, #tpu.memory_space<vmem>>
      %dma_start3A_145 = tpu.memref_squeeze %dma_start3A_144 : memref<1x128xi32, #tpu.memory_space<vmem>> -> memref<128xi32, #tpu.memory_space<vmem>>
      %dma_start3A_146 = arith.constant 0 : i32
      %dma_start3A_147 = arith.constant 0 : i32
      %dma_start3A_148 = tpu.memref_slice %arg2[%dma_start3A_146, %dma_start3A_147] : memref<20480x128xf32, #tpu.memory_space<hbm>> -> memref<20480x128xf32, #tpu.memory_space<hbm>>
      tpu.enqueue_indirect_dma source(%dma_start3A_148 : memref<20480x128xf32, #tpu.memory_space<hbm>>) target(%arg10 : memref<128x128xf32, #tpu.memory_space<vmem>>) offsets(%dma_start3A_145 : memref<128xi32, #tpu.memory_space<vmem>>) semaphore(%arg13 : memref<!tpu.dma_semaphore, #tpu.memory_space<semaphore_mem>>)
      %dma_wait3A_149 = arith.constant 0 : i32
      %dma_wait3A_150 = arith.constant 0 : i32
      %dma_wait3A_151 = tpu.memref_slice %arg7[%dma_wait3A_149, %dma_wait3A_150] : memref<40x128xi32, #tpu.memory_space<vmem>> -> memref<1x128xi32, #tpu.memory_space<vmem>>
      %dma_wait3A_152 = tpu.memref_squeeze %dma_wait3A_151 : memref<1x128xi32, #tpu.memory_space<vmem>> -> memref<128xi32, #tpu.memory_space<vmem>>
      %dma_wait3A_153 = arith.constant 0 : i32
      %dma_wait3A_154 = arith.constant 0 : i32
      %dma_wait3A_155 = tpu.memref_slice %arg2[%dma_wait3A_153, %dma_wait3A_154] : memref<20480x128xf32, #tpu.memory_space<hbm>> -> memref<20480x128xf32, #tpu.memory_space<hbm>>
      tpu.wait_indirect_dma semaphore(%arg12 : memref<!tpu.dma_semaphore, #tpu.memory_space<semaphore_mem>>) src(%dma_wait3A_155 : memref<20480x128xf32, #tpu.memory_space<hbm>>) dst(%arg9 : memref<128x128xf32, #tpu.memory_space<vmem>>)
      %add3A_156 = arith.constant 0 : i32
      %add3A_157 = arith.addi %mul3A_136, %add3A_156 : i32
      "tpu.region"() ({
        %run_scoped3A_179 = tpu.sem_alloc : memref<!tpu.dma_semaphore, #tpu.memory_space<semaphore_mem>>
        %dma_start3A_180 = arith.constant 0 : i32
        %dma_start3A_181 = tpu.memref_slice %arg8[%add3A_157, %dma_start3A_180] : memref<40x128xi32, #tpu.memory_space<vmem>> -> memref<1x128xi32, #tpu.memory_space<vmem>>
        %dma_start3A_182 = tpu.memref_squeeze %dma_start3A_181 : memref<1x128xi32, #tpu.memory_space<vmem>> -> memref<128xi32, #tpu.memory_space<vmem>>
        %dma_start3A_183 = arith.constant 0 : i32
        %dma_start3A_184 = arith.constant 0 : i32
        %dma_start3A_185 = tpu.memref_slice %arg11[%dma_start3A_183, %dma_start3A_184] : memref<5120x128xf32, #tpu.memory_space<vmem_shared>> -> memref<5120x128xf32, #tpu.memory_space<vmem_shared>>
        tpu.enqueue_indirect_dma source(%arg9 : memref<128x128xf32, #tpu.memory_space<vmem>>) target(%dma_start3A_185 : memref<5120x128xf32, #tpu.memory_space<vmem_shared>>) offsets(%dma_start3A_182 : memref<128xi32, #tpu.memory_space<vmem>>) semaphore(%run_scoped3A_179 : memref<!tpu.dma_semaphore, #tpu.memory_space<semaphore_mem>>) {add = true}
        %dma_wait3A_186 = arith.constant 0 : i32
        %dma_wait3A_187 = tpu.memref_slice %arg8[%add3A_157, %dma_wait3A_186] : memref<40x128xi32, #tpu.memory_space<vmem>> -> memref<1x128xi32, #tpu.memory_space<vmem>>
        %dma_wait3A_188 = tpu.memref_squeeze %dma_wait3A_187 : memref<1x128xi32, #tpu.memory_space<vmem>> -> memref<128xi32, #tpu.memory_space<vmem>>
        %dma_wait3A_189 = arith.constant 0 : i32
        %dma_wait3A_190 = arith.constant 0 : i32
        %dma_wait3A_191 = tpu.memref_slice %arg11[%dma_wait3A_189, %dma_wait3A_190] : memref<5120x128xf32, #tpu.memory_space<vmem_shared>> -> memref<5120x128xf32, #tpu.memory_space<vmem_shared>>
        tpu.wait_indirect_dma semaphore(%run_scoped3A_179 : memref<!tpu.dma_semaphore, #tpu.memory_space<semaphore_mem>>) src(%arg9 : memref<128x128xf32, #tpu.memory_space<vmem>>) dst(%dma_wait3A_191 : memref<5120x128xf32, #tpu.memory_space<vmem_shared>>)
        tpu.yield
      }) : () -> ()
      %add3A_158 = arith.constant 1 : i32
      %add3A_159 = arith.addi %mul3A_136, %add3A_158 : i32
      %add3A_160 = arith.constant 2 : i32
      %add3A_161 = arith.addi %add3A_159, %add3A_160 : i32
      %sub3A_162 = arith.constant 1 : i32
      %sub3A_163 = arith.subi %add3A_161, %sub3A_162 : i32
      %dma_start3A_164 = arith.constant 0 : i32
      %dma_start3A_165 = tpu.memref_slice %arg7[%sub3A_163, %dma_start3A_164] : memref<40x128xi32, #tpu.memory_space<vmem>> -> memref<1x128xi32, #tpu.memory_space<vmem>>
      %dma_start3A_166 = tpu.memref_squeeze %dma_start3A_165 : memref<1x128xi32, #tpu.memory_space<vmem>> -> memref<128xi32, #tpu.memory_space<vmem>>
      %dma_start3A_167 = arith.constant 0 : i32
      %dma_start3A_168 = arith.constant 0 : i32
      %dma_start3A_169 = tpu.memref_slice %arg2[%dma_start3A_167, %dma_start3A_168] : memref<20480x128xf32, #tpu.memory_space<hbm>> -> memref<20480x128xf32, #tpu.memory_space<hbm>>
      tpu.enqueue_indirect_dma source(%dma_start3A_169 : memref<20480x128xf32, #tpu.memory_space<hbm>>) target(%arg9 : memref<128x128xf32, #tpu.memory_space<vmem>>) offsets(%dma_start3A_166 : memref<128xi32, #tpu.memory_space<vmem>>) semaphore(%arg12 : memref<!tpu.dma_semaphore, #tpu.memory_space<semaphore_mem>>)
      %dma_wait3A_170 = arith.constant 0 : i32
      %dma_wait3A_171 = arith.constant 0 : i32
      %dma_wait3A_172 = tpu.memref_slice %arg7[%dma_wait3A_170, %dma_wait3A_171] : memref<40x128xi32, #tpu.memory_space<vmem>> -> memref<1x128xi32, #tpu.memory_space<vmem>>
      %dma_wait3A_173 = tpu.memref_squeeze %dma_wait3A_172 : memref<1x128xi32, #tpu.memory_space<vmem>> -> memref<128xi32, #tpu.memory_space<vmem>>
      %dma_wait3A_174 = arith.constant 0 : i32
      %dma_wait3A_175 = arith.constant 0 : i32
      %dma_wait3A_176 = tpu.memref_slice %arg2[%dma_wait3A_174, %dma_wait3A_175] : memref<20480x128xf32, #tpu.memory_space<hbm>> -> memref<20480x128xf32, #tpu.memory_space<hbm>>
      tpu.wait_indirect_dma semaphore(%arg13 : memref<!tpu.dma_semaphore, #tpu.memory_space<semaphore_mem>>) src(%dma_wait3A_176 : memref<20480x128xf32, #tpu.memory_space<hbm>>) dst(%arg10 : memref<128x128xf32, #tpu.memory_space<vmem>>)
      %add3A_177 = arith.constant 1 : i32
      %add3A_178 = arith.addi %mul3A_136, %add3A_177 : i32
      "tpu.region"() ({
        %run_scoped3A_179 = tpu.sem_alloc : memref<!tpu.dma_semaphore, #tpu.memory_space<semaphore_mem>>
        %dma_start3A_180 = arith.constant 0 : i32
        %dma_start3A_181 = tpu.memref_slice %arg8[%add3A_178, %dma_start3A_180] : memref<40x128xi32, #tpu.memory_space<vmem>> -> memref<1x128xi32, #tpu.memory_space<vmem>>
        %dma_start3A_182 = tpu.memref_squeeze %dma_start3A_181 : memref<1x128xi32, #tpu.memory_space<vmem>> -> memref<128xi32, #tpu.memory_space<vmem>>
        %dma_start3A_183 = arith.constant 0 : i32
        %dma_start3A_184 = arith.constant 0 : i32
        %dma_start3A_185 = tpu.memref_slice %arg11[%dma_start3A_183, %dma_start3A_184] : memref<5120x128xf32, #tpu.memory_space<vmem_shared>> -> memref<5120x128xf32, #tpu.memory_space<vmem_shared>>
        tpu.enqueue_indirect_dma source(%arg10 : memref<128x128xf32, #tpu.memory_space<vmem>>) target(%dma_start3A_185 : memref<5120x128xf32, #tpu.memory_space<vmem_shared>>) offsets(%dma_start3A_182 : memref<128xi32, #tpu.memory_space<vmem>>) semaphore(%run_scoped3A_179 : memref<!tpu.dma_semaphore, #tpu.memory_space<semaphore_mem>>) {add = true}
        %dma_wait3A_186 = arith.constant 0 : i32
        %dma_wait3A_187 = tpu.memref_slice %arg8[%add3A_178, %dma_wait3A_186] : memref<40x128xi32, #tpu.memory_space<vmem>> -> memref<1x128xi32, #tpu.memory_space<vmem>>
        %dma_wait3A_188 = tpu.memref_squeeze %dma_wait3A_187 : memref<1x128xi32, #tpu.memory_space<vmem>> -> memref<128xi32, #tpu.memory_space<vmem>>
        %dma_wait3A_189 = arith.constant 0 : i32
        %dma_wait3A_190 = arith.constant 0 : i32
        %dma_wait3A_191 = tpu.memref_slice %arg11[%dma_wait3A_189, %dma_wait3A_190] : memref<5120x128xf32, #tpu.memory_space<vmem_shared>> -> memref<5120x128xf32, #tpu.memory_space<vmem_shared>>
        tpu.wait_indirect_dma semaphore(%run_scoped3A_179 : memref<!tpu.dma_semaphore, #tpu.memory_space<semaphore_mem>>) src(%arg10 : memref<128x128xf32, #tpu.memory_space<vmem>>) dst(%dma_wait3A_191 : memref<5120x128xf32, #tpu.memory_space<vmem_shared>>)
        tpu.yield
      }) : () -> ()
    }
    %scan3A_38 = arith.constant 19 : i32
    %dma_start3A_39 = arith.constant 39 : i32
    %dma_start3A_40 = arith.constant 0 : i32
    %dma_start3A_41 = tpu.memref_slice %arg7[%dma_start3A_39, %dma_start3A_40] : memref<40x128xi32, #tpu.memory_space<vmem>> -> memref<1x128xi32, #tpu.memory_space<vmem>>
    %dma_start3A_42 = tpu.memref_squeeze %dma_start3A_41 : memref<1x128xi32, #tpu.memory_space<vmem>> -> memref<128xi32, #tpu.memory_space<vmem>>
    %dma_start3A_43 = arith.constant 0 : i32
    %dma_start3A_44 = arith.constant 0 : i32
    %dma_start3A_45 = tpu.memref_slice %arg2[%dma_start3A_43, %dma_start3A_44] : memref<20480x128xf32, #tpu.memory_space<hbm>> -> memref<20480x128xf32, #tpu.memory_space<hbm>>
    tpu.enqueue_indirect_dma source(%dma_start3A_45 : memref<20480x128xf32, #tpu.memory_space<hbm>>) target(%arg10 : memref<128x128xf32, #tpu.memory_space<vmem>>) offsets(%dma_start3A_42 : memref<128xi32, #tpu.memory_space<vmem>>) semaphore(%arg13 : memref<!tpu.dma_semaphore, #tpu.memory_space<semaphore_mem>>)
    %dma_wait3A = arith.constant 0 : i32
    %dma_wait3A_46 = arith.constant 0 : i32
    %dma_wait3A_47 = tpu.memref_slice %arg7[%dma_wait3A, %dma_wait3A_46] : memref<40x128xi32, #tpu.memory_space<vmem>> -> memref<1x128xi32, #tpu.memory_space<vmem>>
    %dma_wait3A_48 = tpu.memref_squeeze %dma_wait3A_47 : memref<1x128xi32, #tpu.memory_space<vmem>> -> memref<128xi32, #tpu.memory_space<vmem>>
    %dma_wait3A_49 = arith.constant 0 : i32
    %dma_wait3A_50 = arith.constant 0 : i32
    %dma_wait3A_51 = tpu.memref_slice %arg2[%dma_wait3A_49, %dma_wait3A_50] : memref<20480x128xf32, #tpu.memory_space<hbm>> -> memref<20480x128xf32, #tpu.memory_space<hbm>>
    tpu.wait_indirect_dma semaphore(%arg12 : memref<!tpu.dma_semaphore, #tpu.memory_space<semaphore_mem>>) src(%dma_wait3A_51 : memref<20480x128xf32, #tpu.memory_space<hbm>>) dst(%arg9 : memref<128x128xf32, #tpu.memory_space<vmem>>)
    %run_scoped3A = arith.constant 38 : i32
    "tpu.region"() ({
      %run_scoped3A_134 = tpu.sem_alloc : memref<!tpu.dma_semaphore, #tpu.memory_space<semaphore_mem>>
      %dma_start3A_135 = arith.constant 0 : i32
      %dma_start3A_136 = tpu.memref_slice %arg8[%run_scoped3A, %dma_start3A_135] : memref<40x128xi32, #tpu.memory_space<vmem>> -> memref<1x128xi32, #tpu.memory_space<vmem>>
      %dma_start3A_137 = tpu.memref_squeeze %dma_start3A_136 : memref<1x128xi32, #tpu.memory_space<vmem>> -> memref<128xi32, #tpu.memory_space<vmem>>
      %dma_start3A_138 = arith.constant 0 : i32
      %dma_start3A_139 = arith.constant 0 : i32
      %dma_start3A_140 = tpu.memref_slice %arg11[%dma_start3A_138, %dma_start3A_139] : memref<5120x128xf32, #tpu.memory_space<vmem_shared>> -> memref<5120x128xf32, #tpu.memory_space<vmem_shared>>
      tpu.enqueue_indirect_dma source(%arg9 : memref<128x128xf32, #tpu.memory_space<vmem>>) target(%dma_start3A_140 : memref<5120x128xf32, #tpu.memory_space<vmem_shared>>) offsets(%dma_start3A_137 : memref<128xi32, #tpu.memory_space<vmem>>) semaphore(%run_scoped3A_134 : memref<!tpu.dma_semaphore, #tpu.memory_space<semaphore_mem>>) {add = true}
      %dma_wait3A_141 = arith.constant 0 : i32
      %dma_wait3A_142 = tpu.memref_slice %arg8[%run_scoped3A, %dma_wait3A_141] : memref<40x128xi32, #tpu.memory_space<vmem>> -> memref<1x128xi32, #tpu.memory_space<vmem>>
      %dma_wait3A_143 = tpu.memref_squeeze %dma_wait3A_142 : memref<1x128xi32, #tpu.memory_space<vmem>> -> memref<128xi32, #tpu.memory_space<vmem>>
      %dma_wait3A_144 = arith.constant 0 : i32
      %dma_wait3A_145 = arith.constant 0 : i32
      %dma_wait3A_146 = tpu.memref_slice %arg11[%dma_wait3A_144, %dma_wait3A_145] : memref<5120x128xf32, #tpu.memory_space<vmem_shared>> -> memref<5120x128xf32, #tpu.memory_space<vmem_shared>>
      tpu.wait_indirect_dma semaphore(%run_scoped3A_134 : memref<!tpu.dma_semaphore, #tpu.memory_space<semaphore_mem>>) src(%arg9 : memref<128x128xf32, #tpu.memory_space<vmem>>) dst(%dma_wait3A_146 : memref<5120x128xf32, #tpu.memory_space<vmem_shared>>)
      tpu.yield
    }) : () -> ()
    %dma_wait3A_52 = arith.constant 0 : i32
    %dma_wait3A_53 = arith.constant 0 : i32
    %dma_wait3A_54 = tpu.memref_slice %arg7[%dma_wait3A_52, %dma_wait3A_53] : memref<40x128xi32, #tpu.memory_space<vmem>> -> memref<1x128xi32, #tpu.memory_space<vmem>>
    %dma_wait3A_55 = tpu.memref_squeeze %dma_wait3A_54 : memref<1x128xi32, #tpu.memory_space<vmem>> -> memref<128xi32, #tpu.memory_space<vmem>>
    %dma_wait3A_56 = arith.constant 0 : i32
    %dma_wait3A_57 = arith.constant 0 : i32
    %dma_wait3A_58 = tpu.memref_slice %arg2[%dma_wait3A_56, %dma_wait3A_57] : memref<20480x128xf32, #tpu.memory_space<hbm>> -> memref<20480x128xf32, #tpu.memory_space<hbm>>
    tpu.wait_indirect_dma semaphore(%arg13 : memref<!tpu.dma_semaphore, #tpu.memory_space<semaphore_mem>>) src(%dma_wait3A_58 : memref<20480x128xf32, #tpu.memory_space<hbm>>) dst(%arg10 : memref<128x128xf32, #tpu.memory_space<vmem>>)
    %run_scoped3A_59 = arith.constant 39 : i32
    "tpu.region"() ({
      %run_scoped3A_134 = tpu.sem_alloc : memref<!tpu.dma_semaphore, #tpu.memory_space<semaphore_mem>>
      %dma_start3A_135 = arith.constant 0 : i32
      %dma_start3A_136 = tpu.memref_slice %arg8[%run_scoped3A_59, %dma_start3A_135] : memref<40x128xi32, #tpu.memory_space<vmem>> -> memref<1x128xi32, #tpu.memory_space<vmem>>
      %dma_start3A_137 = tpu.memref_squeeze %dma_start3A_136 : memref<1x128xi32, #tpu.memory_space<vmem>> -> memref<128xi32, #tpu.memory_space<vmem>>
      %dma_start3A_138 = arith.constant 0 : i32
      %dma_start3A_139 = arith.constant 0 : i32
      %dma_start3A_140 = tpu.memref_slice %arg11[%dma_start3A_138, %dma_start3A_139] : memref<5120x128xf32, #tpu.memory_space<vmem_shared>> -> memref<5120x128xf32, #tpu.memory_space<vmem_shared>>
      tpu.enqueue_indirect_dma source(%arg10 : memref<128x128xf32, #tpu.memory_space<vmem>>) target(%dma_start3A_140 : memref<5120x128xf32, #tpu.memory_space<vmem_shared>>) offsets(%dma_start3A_137 : memref<128xi32, #tpu.memory_space<vmem>>) semaphore(%run_scoped3A_134 : memref<!tpu.dma_semaphore, #tpu.memory_space<semaphore_mem>>) {add = true}
      %dma_wait3A_141 = arith.constant 0 : i32
      %dma_wait3A_142 = tpu.memref_slice %arg8[%run_scoped3A_59, %dma_wait3A_141] : memref<40x128xi32, #tpu.memory_space<vmem>> -> memref<1x128xi32, #tpu.memory_space<vmem>>
      %dma_wait3A_143 = tpu.memref_squeeze %dma_wait3A_142 : memref<1x128xi32, #tpu.memory_space<vmem>> -> memref<128xi32, #tpu.memory_space<vmem>>
      %dma_wait3A_144 = arith.constant 0 : i32
      %dma_wait3A_145 = arith.constant 0 : i32
      %dma_wait3A_146 = tpu.memref_slice %arg11[%dma_wait3A_144, %dma_wait3A_145] : memref<5120x128xf32, #tpu.memory_space<vmem_shared>> -> memref<5120x128xf32, #tpu.memory_space<vmem_shared>>
      tpu.wait_indirect_dma semaphore(%run_scoped3A_134 : memref<!tpu.dma_semaphore, #tpu.memory_space<semaphore_mem>>) src(%arg10 : memref<128x128xf32, #tpu.memory_space<vmem>>) dst(%dma_wait3A_146 : memref<5120x128xf32, #tpu.memory_space<vmem_shared>>)
      tpu.yield
    }) : () -> ()
    %mul3A_60 = arith.constant 163840 : i32
    %mul3A_61 = arith.muli %arg0, %mul3A_60 : i32
    %mul3A_62 = arith.constant 10240 : i32
    %mul3A_63 = arith.muli %arg1, %mul3A_62 : i32
    %add3A_64 = arith.addi %mul3A_61, %mul3A_63 : i32
    %jit3A_65 = arith.constant 128 : i32
    %div3A_66 = arith.divsi %add3A_64, %jit3A_65 : i32
    %sign3A_67 = arith.constant 0 : i32
    %sign3A_68 = arith.cmpi sgt, %add3A_64, %sign3A_67 : i32
    %sign3A_69 = arith.extui %sign3A_68 : i1 to i32
    %sign3A_70 = arith.constant 0 : i32
    %sign3A_71 = arith.cmpi slt, %add3A_64, %sign3A_70 : i32
    %sign3A_72 = arith.extui %sign3A_71 : i1 to i32
    %sign3A_73 = arith.subi %sign3A_69, %sign3A_72 : i32
    %sign3A_74 = arith.constant 0 : i32
    %sign3A_75 = arith.cmpi sgt, %jit3A_65, %sign3A_74 : i32
    %sign3A_76 = arith.extui %sign3A_75 : i1 to i32
    %sign3A_77 = arith.constant 0 : i32
    %sign3A_78 = arith.cmpi slt, %jit3A_65, %sign3A_77 : i32
    %sign3A_79 = arith.extui %sign3A_78 : i1 to i32
    %sign3A_80 = arith.subi %sign3A_76, %sign3A_79 : i32
    %ne3A_81 = arith.cmpi ne, %sign3A_73, %sign3A_80 : i32
    %rem3A_82 = arith.remsi %add3A_64, %jit3A_65 : i32
    %ne3A_83 = arith.constant 0 : i32
    %ne3A_84 = arith.cmpi ne, %rem3A_82, %ne3A_83 : i32
    %and3A_85 = arith.andi %ne3A_81, %ne3A_84 : i1
    %sub3A_86 = arith.constant 1 : i32
    %sub3A_87 = arith.subi %div3A_66, %sub3A_86 : i32
    %select_n3A_88 = arith.select %and3A_85, %sub3A_87, %div3A_66 : i32
    %add3A_89 = arith.constant 40 : i32
    %add3A_90 = arith.addi %select_n3A_88, %add3A_89 : i32
    %multiple_of3A_91 = tpu.assume_multiple %add3A_90, 8 : i32
    "tpu.region"() ({
      %run_scoped3A_134 = tpu.sem_alloc : memref<!tpu.dma_semaphore, #tpu.memory_space<semaphore_mem>>
      %dma_start3A_135 = arith.constant 0 : i32
      %dma_start3A_136 = tpu.memref_slice %arg3[%multiple_of3A_91, %dma_start3A_135] : memref<2560x128xi32, #tpu.memory_space<hbm>> -> memref<40x128xi32, #tpu.memory_space<hbm>>
      %dma_start3A_137 = arith.constant 0 : i32
      %dma_start3A_138 = tpu.memref_slice %arg3[%multiple_of3A_91, %dma_start3A_137] : memref<2560x128xi32, #tpu.memory_space<hbm>> -> memref<40x128xi32, #tpu.memory_space<hbm>>
      tpu.enqueue_dma source(%dma_start3A_138 : memref<40x128xi32, #tpu.memory_space<hbm>>) target(%arg7 : memref<40x128xi32, #tpu.memory_space<vmem>>) target_semaphore(%run_scoped3A_134 : memref<!tpu.dma_semaphore, #tpu.memory_space<semaphore_mem>>)
      %dma_wait3A_139 = arith.constant 0 : i32
      %dma_wait3A_140 = tpu.memref_slice %arg3[%multiple_of3A_91, %dma_wait3A_139] : memref<2560x128xi32, #tpu.memory_space<hbm>> -> memref<40x128xi32, #tpu.memory_space<hbm>>
      %dma_wait3A_141 = arith.constant 0 : i32
      %dma_wait3A_142 = tpu.memref_slice %arg3[%multiple_of3A_91, %dma_wait3A_141] : memref<2560x128xi32, #tpu.memory_space<hbm>> -> memref<40x128xi32, #tpu.memory_space<hbm>>
      tpu.wait_dma2 semaphore(%run_scoped3A_134 : memref<!tpu.dma_semaphore, #tpu.memory_space<semaphore_mem>>) src(%dma_wait3A_142 : memref<40x128xi32, #tpu.memory_space<hbm>>) dst(%arg7 : memref<40x128xi32, #tpu.memory_space<vmem>>)
      tpu.yield
    }) : () -> ()
    %mul3A_92 = arith.constant 80 : i32
    %mul3A_93 = arith.muli %arg1, %mul3A_92 : i32
    %add3A_94 = arith.constant 40 : i32
    %add3A_95 = arith.addi %mul3A_93, %add3A_94 : i32
    %multiple_of3A_96 = tpu.assume_multiple %add3A_95, 8 : i32
    "tpu.region"() ({
      %run_scoped3A_134 = tpu.sem_alloc : memref<!tpu.dma_semaphore, #tpu.memory_space<semaphore_mem>>
      %dma_start3A_135 = arith.constant 0 : i32
      %dma_start3A_136 = tpu.memref_slice %arg4[%multiple_of3A_96, %dma_start3A_135] : memref<1280x128xi32, #tpu.memory_space<hbm>> -> memref<40x128xi32, #tpu.memory_space<hbm>>
      %dma_start3A_137 = arith.constant 0 : i32
      %dma_start3A_138 = tpu.memref_slice %arg4[%multiple_of3A_96, %dma_start3A_137] : memref<1280x128xi32, #tpu.memory_space<hbm>> -> memref<40x128xi32, #tpu.memory_space<hbm>>
      tpu.enqueue_dma source(%dma_start3A_138 : memref<40x128xi32, #tpu.memory_space<hbm>>) target(%arg8 : memref<40x128xi32, #tpu.memory_space<vmem>>) target_semaphore(%run_scoped3A_134 : memref<!tpu.dma_semaphore, #tpu.memory_space<semaphore_mem>>)
      %dma_wait3A_139 = arith.constant 0 : i32
      %dma_wait3A_140 = tpu.memref_slice %arg4[%multiple_of3A_96, %dma_wait3A_139] : memref<1280x128xi32, #tpu.memory_space<hbm>> -> memref<40x128xi32, #tpu.memory_space<hbm>>
      %dma_wait3A_141 = arith.constant 0 : i32
      %dma_wait3A_142 = tpu.memref_slice %arg4[%multiple_of3A_96, %dma_wait3A_141] : memref<1280x128xi32, #tpu.memory_space<hbm>> -> memref<40x128xi32, #tpu.memory_space<hbm>>
      tpu.wait_dma2 semaphore(%run_scoped3A_134 : memref<!tpu.dma_semaphore, #tpu.memory_space<semaphore_mem>>) src(%dma_wait3A_142 : memref<40x128xi32, #tpu.memory_space<hbm>>) dst(%arg8 : memref<40x128xi32, #tpu.memory_space<vmem>>)
      tpu.yield
    }) : () -> ()
    %dma_start3A_97 = arith.constant 0 : i32
    %dma_start3A_98 = arith.constant 0 : i32
    %dma_start3A_99 = tpu.memref_slice %arg7[%dma_start3A_97, %dma_start3A_98] : memref<40x128xi32, #tpu.memory_space<vmem>> -> memref<1x128xi32, #tpu.memory_space<vmem>>
    %dma_start3A_100 = tpu.memref_squeeze %dma_start3A_99 : memref<1x128xi32, #tpu.memory_space<vmem>> -> memref<128xi32, #tpu.memory_space<vmem>>
    %dma_start3A_101 = arith.constant 0 : i32
    %dma_start3A_102 = arith.constant 0 : i32
    %dma_start3A_103 = tpu.memref_slice %arg2[%dma_start3A_101, %dma_start3A_102] : memref<20480x128xf32, #tpu.memory_space<hbm>> -> memref<20480x128xf32, #tpu.memory_space<hbm>>
    tpu.enqueue_indirect_dma source(%dma_start3A_103 : memref<20480x128xf32, #tpu.memory_space<hbm>>) target(%arg9 : memref<128x128xf32, #tpu.memory_space<vmem>>) offsets(%dma_start3A_100 : memref<128xi32, #tpu.memory_space<vmem>>) semaphore(%arg12 : memref<!tpu.dma_semaphore, #tpu.memory_space<semaphore_mem>>)
    %scan3A_104 = arith.constant 0 : i32
    %scan3A_105 = arith.constant 0 : i32
    %scan3A_106 = arith.constant 19 : i32
    %scan3A_107 = arith.addi %scan3A_105, %scan3A_106 : i32
    %scan3A_108 = arith.constant 1 : i32
    scf.for %scan3A_134 = %scan3A_105 to %scan3A_107 step %scan3A_108  : i32 {
      %mul3A_135 = arith.constant 2 : i32
      %mul3A_136 = arith.muli %scan3A_134, %mul3A_135 : i32
      %add3A_137 = arith.constant 0 : i32
      %add3A_138 = arith.addi %mul3A_136, %add3A_137 : i32
      %add3A_139 = arith.constant 2 : i32
      %add3A_140 = arith.addi %add3A_138, %add3A_139 : i32
      %sub3A_141 = arith.constant 1 : i32
      %sub3A_142 = arith.subi %add3A_140, %sub3A_141 : i32
      %dma_start3A_143 = arith.constant 0 : i32
      %dma_start3A_144 = tpu.memref_slice %arg7[%sub3A_142, %dma_start3A_143] : memref<40x128xi32, #tpu.memory_space<vmem>> -> memref<1x128xi32, #tpu.memory_space<vmem>>
      %dma_start3A_145 = tpu.memref_squeeze %dma_start3A_144 : memref<1x128xi32, #tpu.memory_space<vmem>> -> memref<128xi32, #tpu.memory_space<vmem>>
      %dma_start3A_146 = arith.constant 0 : i32
      %dma_start3A_147 = arith.constant 0 : i32
      %dma_start3A_148 = tpu.memref_slice %arg2[%dma_start3A_146, %dma_start3A_147] : memref<20480x128xf32, #tpu.memory_space<hbm>> -> memref<20480x128xf32, #tpu.memory_space<hbm>>
      tpu.enqueue_indirect_dma source(%dma_start3A_148 : memref<20480x128xf32, #tpu.memory_space<hbm>>) target(%arg10 : memref<128x128xf32, #tpu.memory_space<vmem>>) offsets(%dma_start3A_145 : memref<128xi32, #tpu.memory_space<vmem>>) semaphore(%arg13 : memref<!tpu.dma_semaphore, #tpu.memory_space<semaphore_mem>>)
      %dma_wait3A_149 = arith.constant 0 : i32
      %dma_wait3A_150 = arith.constant 0 : i32
      %dma_wait3A_151 = tpu.memref_slice %arg7[%dma_wait3A_149, %dma_wait3A_150] : memref<40x128xi32, #tpu.memory_space<vmem>> -> memref<1x128xi32, #tpu.memory_space<vmem>>
      %dma_wait3A_152 = tpu.memref_squeeze %dma_wait3A_151 : memref<1x128xi32, #tpu.memory_space<vmem>> -> memref<128xi32, #tpu.memory_space<vmem>>
      %dma_wait3A_153 = arith.constant 0 : i32
      %dma_wait3A_154 = arith.constant 0 : i32
      %dma_wait3A_155 = tpu.memref_slice %arg2[%dma_wait3A_153, %dma_wait3A_154] : memref<20480x128xf32, #tpu.memory_space<hbm>> -> memref<20480x128xf32, #tpu.memory_space<hbm>>
      tpu.wait_indirect_dma semaphore(%arg12 : memref<!tpu.dma_semaphore, #tpu.memory_space<semaphore_mem>>) src(%dma_wait3A_155 : memref<20480x128xf32, #tpu.memory_space<hbm>>) dst(%arg9 : memref<128x128xf32, #tpu.memory_space<vmem>>)
      %add3A_156 = arith.constant 0 : i32
      %add3A_157 = arith.addi %mul3A_136, %add3A_156 : i32
      "tpu.region"() ({
        %run_scoped3A_179 = tpu.sem_alloc : memref<!tpu.dma_semaphore, #tpu.memory_space<semaphore_mem>>
        %dma_start3A_180 = arith.constant 0 : i32
        %dma_start3A_181 = tpu.memref_slice %arg8[%add3A_157, %dma_start3A_180] : memref<40x128xi32, #tpu.memory_space<vmem>> -> memref<1x128xi32, #tpu.memory_space<vmem>>
        %dma_start3A_182 = tpu.memref_squeeze %dma_start3A_181 : memref<1x128xi32, #tpu.memory_space<vmem>> -> memref<128xi32, #tpu.memory_space<vmem>>
        %dma_start3A_183 = arith.constant 0 : i32
        %dma_start3A_184 = arith.constant 0 : i32
        %dma_start3A_185 = tpu.memref_slice %arg11[%dma_start3A_183, %dma_start3A_184] : memref<5120x128xf32, #tpu.memory_space<vmem_shared>> -> memref<5120x128xf32, #tpu.memory_space<vmem_shared>>
        tpu.enqueue_indirect_dma source(%arg9 : memref<128x128xf32, #tpu.memory_space<vmem>>) target(%dma_start3A_185 : memref<5120x128xf32, #tpu.memory_space<vmem_shared>>) offsets(%dma_start3A_182 : memref<128xi32, #tpu.memory_space<vmem>>) semaphore(%run_scoped3A_179 : memref<!tpu.dma_semaphore, #tpu.memory_space<semaphore_mem>>) {add = true}
        %dma_wait3A_186 = arith.constant 0 : i32
        %dma_wait3A_187 = tpu.memref_slice %arg8[%add3A_157, %dma_wait3A_186] : memref<40x128xi32, #tpu.memory_space<vmem>> -> memref<1x128xi32, #tpu.memory_space<vmem>>
        %dma_wait3A_188 = tpu.memref_squeeze %dma_wait3A_187 : memref<1x128xi32, #tpu.memory_space<vmem>> -> memref<128xi32, #tpu.memory_space<vmem>>
        %dma_wait3A_189 = arith.constant 0 : i32
        %dma_wait3A_190 = arith.constant 0 : i32
        %dma_wait3A_191 = tpu.memref_slice %arg11[%dma_wait3A_189, %dma_wait3A_190] : memref<5120x128xf32, #tpu.memory_space<vmem_shared>> -> memref<5120x128xf32, #tpu.memory_space<vmem_shared>>
        tpu.wait_indirect_dma semaphore(%run_scoped3A_179 : memref<!tpu.dma_semaphore, #tpu.memory_space<semaphore_mem>>) src(%arg9 : memref<128x128xf32, #tpu.memory_space<vmem>>) dst(%dma_wait3A_191 : memref<5120x128xf32, #tpu.memory_space<vmem_shared>>)
        tpu.yield
      }) : () -> ()
      %add3A_158 = arith.constant 1 : i32
      %add3A_159 = arith.addi %mul3A_136, %add3A_158 : i32
      %add3A_160 = arith.constant 2 : i32
      %add3A_161 = arith.addi %add3A_159, %add3A_160 : i32
      %sub3A_162 = arith.constant 1 : i32
      %sub3A_163 = arith.subi %add3A_161, %sub3A_162 : i32
      %dma_start3A_164 = arith.constant 0 : i32
      %dma_start3A_165 = tpu.memref_slice %arg7[%sub3A_163, %dma_start3A_164] : memref<40x128xi32, #tpu.memory_space<vmem>> -> memref<1x128xi32, #tpu.memory_space<vmem>>
      %dma_start3A_166 = tpu.memref_squeeze %dma_start3A_165 : memref<1x128xi32, #tpu.memory_space<vmem>> -> memref<128xi32, #tpu.memory_space<vmem>>
      %dma_start3A_167 = arith.constant 0 : i32
      %dma_start3A_168 = arith.constant 0 : i32
      %dma_start3A_169 = tpu.memref_slice %arg2[%dma_start3A_167, %dma_start3A_168] : memref<20480x128xf32, #tpu.memory_space<hbm>> -> memref<20480x128xf32, #tpu.memory_space<hbm>>
      tpu.enqueue_indirect_dma source(%dma_start3A_169 : memref<20480x128xf32, #tpu.memory_space<hbm>>) target(%arg9 : memref<128x128xf32, #tpu.memory_space<vmem>>) offsets(%dma_start3A_166 : memref<128xi32, #tpu.memory_space<vmem>>) semaphore(%arg12 : memref<!tpu.dma_semaphore, #tpu.memory_space<semaphore_mem>>)
      %dma_wait3A_170 = arith.constant 0 : i32
      %dma_wait3A_171 = arith.constant 0 : i32
      %dma_wait3A_172 = tpu.memref_slice %arg7[%dma_wait3A_170, %dma_wait3A_171] : memref<40x128xi32, #tpu.memory_space<vmem>> -> memref<1x128xi32, #tpu.memory_space<vmem>>
      %dma_wait3A_173 = tpu.memref_squeeze %dma_wait3A_172 : memref<1x128xi32, #tpu.memory_space<vmem>> -> memref<128xi32, #tpu.memory_space<vmem>>
      %dma_wait3A_174 = arith.constant 0 : i32
      %dma_wait3A_175 = arith.constant 0 : i32
      %dma_wait3A_176 = tpu.memref_slice %arg2[%dma_wait3A_174, %dma_wait3A_175] : memref<20480x128xf32, #tpu.memory_space<hbm>> -> memref<20480x128xf32, #tpu.memory_space<hbm>>
      tpu.wait_indirect_dma semaphore(%arg13 : memref<!tpu.dma_semaphore, #tpu.memory_space<semaphore_mem>>) src(%dma_wait3A_176 : memref<20480x128xf32, #tpu.memory_space<hbm>>) dst(%arg10 : memref<128x128xf32, #tpu.memory_space<vmem>>)
      %add3A_177 = arith.constant 1 : i32
      %add3A_178 = arith.addi %mul3A_136, %add3A_177 : i32
      "tpu.region"() ({
        %run_scoped3A_179 = tpu.sem_alloc : memref<!tpu.dma_semaphore, #tpu.memory_space<semaphore_mem>>
        %dma_start3A_180 = arith.constant 0 : i32
        %dma_start3A_181 = tpu.memref_slice %arg8[%add3A_178, %dma_start3A_180] : memref<40x128xi32, #tpu.memory_space<vmem>> -> memref<1x128xi32, #tpu.memory_space<vmem>>
        %dma_start3A_182 = tpu.memref_squeeze %dma_start3A_181 : memref<1x128xi32, #tpu.memory_space<vmem>> -> memref<128xi32, #tpu.memory_space<vmem>>
        %dma_start3A_183 = arith.constant 0 : i32
        %dma_start3A_184 = arith.constant 0 : i32
        %dma_start3A_185 = tpu.memref_slice %arg11[%dma_start3A_183, %dma_start3A_184] : memref<5120x128xf32, #tpu.memory_space<vmem_shared>> -> memref<5120x128xf32, #tpu.memory_space<vmem_shared>>
        tpu.enqueue_indirect_dma source(%arg10 : memref<128x128xf32, #tpu.memory_space<vmem>>) target(%dma_start3A_185 : memref<5120x128xf32, #tpu.memory_space<vmem_shared>>) offsets(%dma_start3A_182 : memref<128xi32, #tpu.memory_space<vmem>>) semaphore(%run_scoped3A_179 : memref<!tpu.dma_semaphore, #tpu.memory_space<semaphore_mem>>) {add = true}
        %dma_wait3A_186 = arith.constant 0 : i32
        %dma_wait3A_187 = tpu.memref_slice %arg8[%add3A_178, %dma_wait3A_186] : memref<40x128xi32, #tpu.memory_space<vmem>> -> memref<1x128xi32, #tpu.memory_space<vmem>>
        %dma_wait3A_188 = tpu.memref_squeeze %dma_wait3A_187 : memref<1x128xi32, #tpu.memory_space<vmem>> -> memref<128xi32, #tpu.memory_space<vmem>>
        %dma_wait3A_189 = arith.constant 0 : i32
        %dma_wait3A_190 = arith.constant 0 : i32
        %dma_wait3A_191 = tpu.memref_slice %arg11[%dma_wait3A_189, %dma_wait3A_190] : memref<5120x128xf32, #tpu.memory_space<vmem_shared>> -> memref<5120x128xf32, #tpu.memory_space<vmem_shared>>
        tpu.wait_indirect_dma semaphore(%run_scoped3A_179 : memref<!tpu.dma_semaphore, #tpu.memory_space<semaphore_mem>>) src(%arg10 : memref<128x128xf32, #tpu.memory_space<vmem>>) dst(%dma_wait3A_191 : memref<5120x128xf32, #tpu.memory_space<vmem_shared>>)
        tpu.yield
      }) : () -> ()
    }
    %scan3A_109 = arith.constant 19 : i32
    %dma_start3A_110 = arith.constant 39 : i32
    %dma_start3A_111 = arith.constant 0 : i32
    %dma_start3A_112 = tpu.memref_slice %arg7[%dma_start3A_110, %dma_start3A_111] : memref<40x128xi32, #tpu.memory_space<vmem>> -> memref<1x128xi32, #tpu.memory_space<vmem>>
    %dma_start3A_113 = tpu.memref_squeeze %dma_start3A_112 : memref<1x128xi32, #tpu.memory_space<vmem>> -> memref<128xi32, #tpu.memory_space<vmem>>
    %dma_start3A_114 = arith.constant 0 : i32
    %dma_start3A_115 = arith.constant 0 : i32
    %dma_start3A_116 = tpu.memref_slice %arg2[%dma_start3A_114, %dma_start3A_115] : memref<20480x128xf32, #tpu.memory_space<hbm>> -> memref<20480x128xf32, #tpu.memory_space<hbm>>
    tpu.enqueue_indirect_dma source(%dma_start3A_116 : memref<20480x128xf32, #tpu.memory_space<hbm>>) target(%arg10 : memref<128x128xf32, #tpu.memory_space<vmem>>) offsets(%dma_start3A_113 : memref<128xi32, #tpu.memory_space<vmem>>) semaphore(%arg13 : memref<!tpu.dma_semaphore, #tpu.memory_space<semaphore_mem>>)
    %dma_wait3A_117 = arith.constant 0 : i32
    %dma_wait3A_118 = arith.constant 0 : i32
    %dma_wait3A_119 = tpu.memref_slice %arg7[%dma_wait3A_117, %dma_wait3A_118] : memref<40x128xi32, #tpu.memory_space<vmem>> -> memref<1x128xi32, #tpu.memory_space<vmem>>
    %dma_wait3A_120 = tpu.memref_squeeze %dma_wait3A_119 : memref<1x128xi32, #tpu.memory_space<vmem>> -> memref<128xi32, #tpu.memory_space<vmem>>
    %dma_wait3A_121 = arith.constant 0 : i32
    %dma_wait3A_122 = arith.constant 0 : i32
    %dma_wait3A_123 = tpu.memref_slice %arg2[%dma_wait3A_121, %dma_wait3A_122] : memref<20480x128xf32, #tpu.memory_space<hbm>> -> memref<20480x128xf32, #tpu.memory_space<hbm>>
    tpu.wait_indirect_dma semaphore(%arg12 : memref<!tpu.dma_semaphore, #tpu.memory_space<semaphore_mem>>) src(%dma_wait3A_123 : memref<20480x128xf32, #tpu.memory_space<hbm>>) dst(%arg9 : memref<128x128xf32, #tpu.memory_space<vmem>>)
    %run_scoped3A_124 = arith.constant 38 : i32
    "tpu.region"() ({
      %run_scoped3A_134 = tpu.sem_alloc : memref<!tpu.dma_semaphore, #tpu.memory_space<semaphore_mem>>
      %dma_start3A_135 = arith.constant 0 : i32
      %dma_start3A_136 = tpu.memref_slice %arg8[%run_scoped3A_124, %dma_start3A_135] : memref<40x128xi32, #tpu.memory_space<vmem>> -> memref<1x128xi32, #tpu.memory_space<vmem>>
      %dma_start3A_137 = tpu.memref_squeeze %dma_start3A_136 : memref<1x128xi32, #tpu.memory_space<vmem>> -> memref<128xi32, #tpu.memory_space<vmem>>
      %dma_start3A_138 = arith.constant 0 : i32
      %dma_start3A_139 = arith.constant 0 : i32
      %dma_start3A_140 = tpu.memref_slice %arg11[%dma_start3A_138, %dma_start3A_139] : memref<5120x128xf32, #tpu.memory_space<vmem_shared>> -> memref<5120x128xf32, #tpu.memory_space<vmem_shared>>
      tpu.enqueue_indirect_dma source(%arg9 : memref<128x128xf32, #tpu.memory_space<vmem>>) target(%dma_start3A_140 : memref<5120x128xf32, #tpu.memory_space<vmem_shared>>) offsets(%dma_start3A_137 : memref<128xi32, #tpu.memory_space<vmem>>) semaphore(%run_scoped3A_134 : memref<!tpu.dma_semaphore, #tpu.memory_space<semaphore_mem>>) {add = true}
      %dma_wait3A_141 = arith.constant 0 : i32
      %dma_wait3A_142 = tpu.memref_slice %arg8[%run_scoped3A_124, %dma_wait3A_141] : memref<40x128xi32, #tpu.memory_space<vmem>> -> memref<1x128xi32, #tpu.memory_space<vmem>>
      %dma_wait3A_143 = tpu.memref_squeeze %dma_wait3A_142 : memref<1x128xi32, #tpu.memory_space<vmem>> -> memref<128xi32, #tpu.memory_space<vmem>>
      %dma_wait3A_144 = arith.constant 0 : i32
      %dma_wait3A_145 = arith.constant 0 : i32
      %dma_wait3A_146 = tpu.memref_slice %arg11[%dma_wait3A_144, %dma_wait3A_145] : memref<5120x128xf32, #tpu.memory_space<vmem_shared>> -> memref<5120x128xf32, #tpu.memory_space<vmem_shared>>
      tpu.wait_indirect_dma semaphore(%run_scoped3A_134 : memref<!tpu.dma_semaphore, #tpu.memory_space<semaphore_mem>>) src(%arg9 : memref<128x128xf32, #tpu.memory_space<vmem>>) dst(%dma_wait3A_146 : memref<5120x128xf32, #tpu.memory_space<vmem_shared>>)
      tpu.yield
    }) : () -> ()
    %dma_wait3A_125 = arith.constant 0 : i32
    %dma_wait3A_126 = arith.constant 0 : i32
    %dma_wait3A_127 = tpu.memref_slice %arg7[%dma_wait3A_125, %dma_wait3A_126] : memref<40x128xi32, #tpu.memory_space<vmem>> -> memref<1x128xi32, #tpu.memory_space<vmem>>
    %dma_wait3A_128 = tpu.memref_squeeze %dma_wait3A_127 : memref<1x128xi32, #tpu.memory_space<vmem>> -> memref<128xi32, #tpu.memory_space<vmem>>
    %dma_wait3A_129 = arith.constant 0 : i32
    %dma_wait3A_130 = arith.constant 0 : i32
    %dma_wait3A_131 = tpu.memref_slice %arg2[%dma_wait3A_129, %dma_wait3A_130] : memref<20480x128xf32, #tpu.memory_space<hbm>> -> memref<20480x128xf32, #tpu.memory_space<hbm>>
    tpu.wait_indirect_dma semaphore(%arg13 : memref<!tpu.dma_semaphore, #tpu.memory_space<semaphore_mem>>) src(%dma_wait3A_131 : memref<20480x128xf32, #tpu.memory_space<hbm>>) dst(%arg10 : memref<128x128xf32, #tpu.memory_space<vmem>>)
    %run_scoped3A_132 = arith.constant 39 : i32
    "tpu.region"() ({
      %run_scoped3A_134 = tpu.sem_alloc : memref<!tpu.dma_semaphore, #tpu.memory_space<semaphore_mem>>
      %dma_start3A_135 = arith.constant 0 : i32
      %dma_start3A_136 = tpu.memref_slice %arg8[%run_scoped3A_132, %dma_start3A_135] : memref<40x128xi32, #tpu.memory_space<vmem>> -> memref<1x128xi32, #tpu.memory_space<vmem>>
      %dma_start3A_137 = tpu.memref_squeeze %dma_start3A_136 : memref<1x128xi32, #tpu.memory_space<vmem>> -> memref<128xi32, #tpu.memory_space<vmem>>
      %dma_start3A_138 = arith.constant 0 : i32
      %dma_start3A_139 = arith.constant 0 : i32
      %dma_start3A_140 = tpu.memref_slice %arg11[%dma_start3A_138, %dma_start3A_139] : memref<5120x128xf32, #tpu.memory_space<vmem_shared>> -> memref<5120x128xf32, #tpu.memory_space<vmem_shared>>
      tpu.enqueue_indirect_dma source(%arg10 : memref<128x128xf32, #tpu.memory_space<vmem>>) target(%dma_start3A_140 : memref<5120x128xf32, #tpu.memory_space<vmem_shared>>) offsets(%dma_start3A_137 : memref<128xi32, #tpu.memory_space<vmem>>) semaphore(%run_scoped3A_134 : memref<!tpu.dma_semaphore, #tpu.memory_space<semaphore_mem>>) {add = true}
      %dma_wait3A_141 = arith.constant 0 : i32
      %dma_wait3A_142 = tpu.memref_slice %arg8[%run_scoped3A_132, %dma_wait3A_141] : memref<40x128xi32, #tpu.memory_space<vmem>> -> memref<1x128xi32, #tpu.memory_space<vmem>>
      %dma_wait3A_143 = tpu.memref_squeeze %dma_wait3A_142 : memref<1x128xi32, #tpu.memory_space<vmem>> -> memref<128xi32, #tpu.memory_space<vmem>>
      %dma_wait3A_144 = arith.constant 0 : i32
      %dma_wait3A_145 = arith.constant 0 : i32
      %dma_wait3A_146 = tpu.memref_slice %arg11[%dma_wait3A_144, %dma_wait3A_145] : memref<5120x128xf32, #tpu.memory_space<vmem_shared>> -> memref<5120x128xf32, #tpu.memory_space<vmem_shared>>
      tpu.wait_indirect_dma semaphore(%run_scoped3A_134 : memref<!tpu.dma_semaphore, #tpu.memory_space<semaphore_mem>>) src(%arg10 : memref<128x128xf32, #tpu.memory_space<vmem>>) dst(%dma_wait3A_146 : memref<5120x128xf32, #tpu.memory_space<vmem_shared>>)
      tpu.yield
    }) : () -> ()
    %barrier3A_133 = arith.constant 0 : index
    tpu.barrier barrier_id(%barrier3A_133)
    "tpu.region"() ({
      %run_scoped3A_134 = tpu.sem_alloc : memref<!tpu.dma_semaphore, #tpu.memory_space<semaphore_mem>>
      %dma_start3A_135 = arith.constant 0 : i32
      %dma_start3A_136 = tpu.memref_slice %arg6[%arg0, %mul3A_0, %dma_start3A_135] : memref<2x5120x128xf32, #tpu.memory_space<hbm>> -> memref<1x320x128xf32, #tpu.memory_space<hbm>>
      %dma_start3A_137 = tpu.memref_squeeze %dma_start3A_136 : memref<1x320x128xf32, #tpu.memory_space<hbm>> -> memref<320x128xf32, #tpu.memory_space<hbm>>
      %dma_start3A_138 = arith.constant 0 : i32
      %dma_start3A_139 = tpu.memref_slice %arg11[%mul3A_0, %dma_start3A_138] : memref<5120x128xf32, #tpu.memory_space<vmem_shared>> -> memref<320x128xf32, #tpu.memory_space<vmem_shared>>
      tpu.enqueue_dma source(%dma_start3A_139 : memref<320x128xf32, #tpu.memory_space<vmem_shared>>) target(%dma_start3A_137 : memref<320x128xf32, #tpu.memory_space<hbm>>) target_semaphore(%run_scoped3A_134 : memref<!tpu.dma_semaphore, #tpu.memory_space<semaphore_mem>>)
      %dma_wait3A_140 = arith.constant 0 : i32
      %dma_wait3A_141 = tpu.memref_slice %arg6[%arg0, %mul3A_0, %dma_wait3A_140] : memref<2x5120x128xf32, #tpu.memory_space<hbm>> -> memref<1x320x128xf32, #tpu.memory_space<hbm>>
      %dma_wait3A_142 = tpu.memref_squeeze %dma_wait3A_141 : memref<1x320x128xf32, #tpu.memory_space<hbm>> -> memref<320x128xf32, #tpu.memory_space<hbm>>
      %dma_wait3A_143 = arith.constant 0 : i32
      %dma_wait3A_144 = tpu.memref_slice %arg11[%mul3A_0, %dma_wait3A_143] : memref<5120x128xf32, #tpu.memory_space<vmem_shared>> -> memref<320x128xf32, #tpu.memory_space<vmem_shared>>
      tpu.wait_dma2 semaphore(%run_scoped3A_134 : memref<!tpu.dma_semaphore, #tpu.memory_space<semaphore_mem>>) src(%dma_wait3A_144 : memref<320x128xf32, #tpu.memory_space<vmem_shared>>) dst(%dma_wait3A_142 : memref<320x128xf32, #tpu.memory_space<hbm>>)
      tpu.yield
    }) : () -> ()
    return
  }
}

#map = affine_map<(d0, d1) -> (0, 0)>
#map1 = affine_map<(d0, d1) -> (0, 0, 0)>
module attributes {stable_mosaic.version = 14 : i64} {
  func.func @body(%arg0: i32, %arg1: i32, %arg2: memref<2560x128xi32, #tpu.memory_space<hbm>>, %arg3: memref<10240x128xf32, #tpu.memory_space<hbm>>, %arg4: memref<128x128xf32, #tpu.memory_space<hbm>>, %arg5: memref<2x10240x128xf32, #tpu.memory_space<hbm>>, %arg6: memref<80x128xi32, #tpu.memory_space<vmem>>, %arg7: memref<128x128xf32, #tpu.memory_space<vmem>>, %arg8: memref<10240x128xf32, #tpu.memory_space<vmem_shared>>, %arg9: memref<!tpu.dma_semaphore, #tpu.memory_space<semaphore_mem>>) attributes {dimension_semantics = [#tpu.dimension_semantics<core_parallel>, #tpu.dimension_semantics<subcore_parallel>], iteration_bounds = array<i64: 2, 16>, scalar_prefetch = 0 : i64, scratch_operands = 4 : i64, tpu.core_type = #tpu.core_type<sc_vector_subcore>, window_params = [{transform_indices = #map}, {transform_indices = #map}, {transform_indices = #map}, {transform_indices = #map1}]} {
    %mul3A = arith.constant 640 : i32
    %mul3A_0 = arith.muli %arg1, %mul3A : i32
    "tpu.region"() ({
      %run_scoped3A = tpu.sem_alloc : memref<!tpu.dma_semaphore, #tpu.memory_space<semaphore_mem>>
      %dma_start3A = arith.constant 0 : i32
      %dma_start3A_27 = tpu.memref_slice %arg8[%mul3A_0, %dma_start3A] : memref<10240x128xf32, #tpu.memory_space<vmem_shared>> -> memref<640x128xf32, #tpu.memory_space<vmem_shared>>
      %dma_start3A_28 = arith.constant 0 : i32
      %dma_start3A_29 = tpu.memref_slice %arg3[%mul3A_0, %dma_start3A_28] : memref<10240x128xf32, #tpu.memory_space<hbm>> -> memref<640x128xf32, #tpu.memory_space<hbm>>
      tpu.enqueue_dma source(%dma_start3A_29 : memref<640x128xf32, #tpu.memory_space<hbm>>) target(%dma_start3A_27 : memref<640x128xf32, #tpu.memory_space<vmem_shared>>) target_semaphore(%run_scoped3A : memref<!tpu.dma_semaphore, #tpu.memory_space<semaphore_mem>>)
      %dma_wait3A = arith.constant 0 : i32
      %dma_wait3A_30 = tpu.memref_slice %arg8[%mul3A_0, %dma_wait3A] : memref<10240x128xf32, #tpu.memory_space<vmem_shared>> -> memref<640x128xf32, #tpu.memory_space<vmem_shared>>
      %dma_wait3A_31 = arith.constant 0 : i32
      %dma_wait3A_32 = tpu.memref_slice %arg3[%mul3A_0, %dma_wait3A_31] : memref<10240x128xf32, #tpu.memory_space<hbm>> -> memref<640x128xf32, #tpu.memory_space<hbm>>
      tpu.wait_dma2 semaphore(%run_scoped3A : memref<!tpu.dma_semaphore, #tpu.memory_space<semaphore_mem>>) src(%dma_wait3A_32 : memref<640x128xf32, #tpu.memory_space<hbm>>) dst(%dma_wait3A_30 : memref<640x128xf32, #tpu.memory_space<vmem_shared>>)
      tpu.yield
    }) : () -> ()
    "tpu.region"() ({
      %run_scoped3A = tpu.sem_alloc : memref<!tpu.dma_semaphore, #tpu.memory_space<semaphore_mem>>
      tpu.enqueue_dma source(%arg4 : memref<128x128xf32, #tpu.memory_space<hbm>>) target(%arg7 : memref<128x128xf32, #tpu.memory_space<vmem>>) target_semaphore(%run_scoped3A : memref<!tpu.dma_semaphore, #tpu.memory_space<semaphore_mem>>)
      tpu.wait_dma2 semaphore(%run_scoped3A : memref<!tpu.dma_semaphore, #tpu.memory_space<semaphore_mem>>) src(%arg4 : memref<128x128xf32, #tpu.memory_space<hbm>>) dst(%arg7 : memref<128x128xf32, #tpu.memory_space<vmem>>)
      tpu.yield
    }) : () -> ()
    %mul3A_1 = arith.constant 163840 : i32
    %mul3A_2 = arith.muli %arg0, %mul3A_1 : i32
    %mul3A_3 = arith.constant 10240 : i32
    %mul3A_4 = arith.muli %arg1, %mul3A_3 : i32
    %add3A = arith.addi %mul3A_2, %mul3A_4 : i32
    %jit3A = arith.constant 128 : i32
    %div3A = arith.divsi %add3A, %jit3A : i32
    %sign3A = arith.constant 0 : i32
    %sign3A_5 = arith.cmpi sgt, %add3A, %sign3A : i32
    %sign3A_6 = arith.extui %sign3A_5 : i1 to i32
    %sign3A_7 = arith.constant 0 : i32
    %sign3A_8 = arith.cmpi slt, %add3A, %sign3A_7 : i32
    %sign3A_9 = arith.extui %sign3A_8 : i1 to i32
    %sign3A_10 = arith.subi %sign3A_6, %sign3A_9 : i32
    %sign3A_11 = arith.constant 0 : i32
    %sign3A_12 = arith.cmpi sgt, %jit3A, %sign3A_11 : i32
    %sign3A_13 = arith.extui %sign3A_12 : i1 to i32
    %sign3A_14 = arith.constant 0 : i32
    %sign3A_15 = arith.cmpi slt, %jit3A, %sign3A_14 : i32
    %sign3A_16 = arith.extui %sign3A_15 : i1 to i32
    %sign3A_17 = arith.subi %sign3A_13, %sign3A_16 : i32
    %ne3A = arith.cmpi ne, %sign3A_10, %sign3A_17 : i32
    %rem3A = arith.remsi %add3A, %jit3A : i32
    %ne3A_18 = arith.constant 0 : i32
    %ne3A_19 = arith.cmpi ne, %rem3A, %ne3A_18 : i32
    %and3A = arith.andi %ne3A, %ne3A_19 : i1
    %sub3A = arith.constant 1 : i32
    %sub3A_20 = arith.subi %div3A, %sub3A : i32
    %select_n3A = arith.select %and3A, %sub3A_20, %div3A : i32
    %multiple_of3A = tpu.assume_multiple %select_n3A, 8 : i32
    "tpu.region"() ({
      %run_scoped3A = tpu.sem_alloc : memref<!tpu.dma_semaphore, #tpu.memory_space<semaphore_mem>>
      %dma_start3A = arith.constant 0 : i32
      %dma_start3A_27 = tpu.memref_slice %arg2[%multiple_of3A, %dma_start3A] : memref<2560x128xi32, #tpu.memory_space<hbm>> -> memref<80x128xi32, #tpu.memory_space<hbm>>
      %dma_start3A_28 = arith.constant 0 : i32
      %dma_start3A_29 = tpu.memref_slice %arg2[%multiple_of3A, %dma_start3A_28] : memref<2560x128xi32, #tpu.memory_space<hbm>> -> memref<80x128xi32, #tpu.memory_space<hbm>>
      tpu.enqueue_dma source(%dma_start3A_29 : memref<80x128xi32, #tpu.memory_space<hbm>>) target(%arg6 : memref<80x128xi32, #tpu.memory_space<vmem>>) target_semaphore(%run_scoped3A : memref<!tpu.dma_semaphore, #tpu.memory_space<semaphore_mem>>)
      %dma_wait3A = arith.constant 0 : i32
      %dma_wait3A_30 = tpu.memref_slice %arg2[%multiple_of3A, %dma_wait3A] : memref<2560x128xi32, #tpu.memory_space<hbm>> -> memref<80x128xi32, #tpu.memory_space<hbm>>
      %dma_wait3A_31 = arith.constant 0 : i32
      %dma_wait3A_32 = tpu.memref_slice %arg2[%multiple_of3A, %dma_wait3A_31] : memref<2560x128xi32, #tpu.memory_space<hbm>> -> memref<80x128xi32, #tpu.memory_space<hbm>>
      tpu.wait_dma2 semaphore(%run_scoped3A : memref<!tpu.dma_semaphore, #tpu.memory_space<semaphore_mem>>) src(%dma_wait3A_32 : memref<80x128xi32, #tpu.memory_space<hbm>>) dst(%arg6 : memref<80x128xi32, #tpu.memory_space<vmem>>)
      tpu.yield
    }) : () -> ()
    %barrier3A = arith.constant 0 : index
    tpu.barrier barrier_id(%barrier3A)
    %scan3A = arith.constant 0 : i32
    %scan3A_21 = arith.constant 0 : i32
    %scan3A_22 = arith.constant 20 : i32
    %scan3A_23 = arith.addi %scan3A_21, %scan3A_22 : i32
    %scan3A_24 = arith.constant 1 : i32
    scf.for %scan3A_27 = %scan3A_21 to %scan3A_23 step %scan3A_24  : i32 {
      %mul3A_28 = arith.constant 4 : i32
      %mul3A_29 = arith.muli %scan3A_27, %mul3A_28 : i32
      %add3A_30 = arith.constant 0 : i32
      %add3A_31 = arith.addi %mul3A_29, %add3A_30 : i32
      %dma_start3A = arith.constant 0 : i32
      %dma_start3A_32 = tpu.memref_slice %arg6[%add3A_31, %dma_start3A] : memref<80x128xi32, #tpu.memory_space<vmem>> -> memref<1x128xi32, #tpu.memory_space<vmem>>
      %dma_start3A_33 = tpu.memref_squeeze %dma_start3A_32 : memref<1x128xi32, #tpu.memory_space<vmem>> -> memref<128xi32, #tpu.memory_space<vmem>>
      %dma_start3A_34 = arith.constant 0 : i32
      %dma_start3A_35 = arith.constant 0 : i32
      %dma_start3A_36 = tpu.memref_slice %arg8[%dma_start3A_34, %dma_start3A_35] : memref<10240x128xf32, #tpu.memory_space<vmem_shared>> -> memref<10240x128xf32, #tpu.memory_space<vmem_shared>>
      tpu.enqueue_indirect_dma source(%arg7 : memref<128x128xf32, #tpu.memory_space<vmem>>) target(%dma_start3A_36 : memref<10240x128xf32, #tpu.memory_space<vmem_shared>>) offsets(%dma_start3A_33 : memref<128xi32, #tpu.memory_space<vmem>>) semaphore(%arg9 : memref<!tpu.dma_semaphore, #tpu.memory_space<semaphore_mem>>) {add = true}
      %add3A_37 = arith.constant 1 : i32
      %add3A_38 = arith.addi %mul3A_29, %add3A_37 : i32
      %dma_start3A_39 = arith.constant 0 : i32
      %dma_start3A_40 = tpu.memref_slice %arg6[%add3A_38, %dma_start3A_39] : memref<80x128xi32, #tpu.memory_space<vmem>> -> memref<1x128xi32, #tpu.memory_space<vmem>>
      %dma_start3A_41 = tpu.memref_squeeze %dma_start3A_40 : memref<1x128xi32, #tpu.memory_space<vmem>> -> memref<128xi32, #tpu.memory_space<vmem>>
      %dma_start3A_42 = arith.constant 0 : i32
      %dma_start3A_43 = arith.constant 0 : i32
      %dma_start3A_44 = tpu.memref_slice %arg8[%dma_start3A_42, %dma_start3A_43] : memref<10240x128xf32, #tpu.memory_space<vmem_shared>> -> memref<10240x128xf32, #tpu.memory_space<vmem_shared>>
      tpu.enqueue_indirect_dma source(%arg7 : memref<128x128xf32, #tpu.memory_space<vmem>>) target(%dma_start3A_44 : memref<10240x128xf32, #tpu.memory_space<vmem_shared>>) offsets(%dma_start3A_41 : memref<128xi32, #tpu.memory_space<vmem>>) semaphore(%arg9 : memref<!tpu.dma_semaphore, #tpu.memory_space<semaphore_mem>>) {add = true}
      %add3A_45 = arith.constant 2 : i32
      %add3A_46 = arith.addi %mul3A_29, %add3A_45 : i32
      %dma_start3A_47 = arith.constant 0 : i32
      %dma_start3A_48 = tpu.memref_slice %arg6[%add3A_46, %dma_start3A_47] : memref<80x128xi32, #tpu.memory_space<vmem>> -> memref<1x128xi32, #tpu.memory_space<vmem>>
      %dma_start3A_49 = tpu.memref_squeeze %dma_start3A_48 : memref<1x128xi32, #tpu.memory_space<vmem>> -> memref<128xi32, #tpu.memory_space<vmem>>
      %dma_start3A_50 = arith.constant 0 : i32
      %dma_start3A_51 = arith.constant 0 : i32
      %dma_start3A_52 = tpu.memref_slice %arg8[%dma_start3A_50, %dma_start3A_51] : memref<10240x128xf32, #tpu.memory_space<vmem_shared>> -> memref<10240x128xf32, #tpu.memory_space<vmem_shared>>
      tpu.enqueue_indirect_dma source(%arg7 : memref<128x128xf32, #tpu.memory_space<vmem>>) target(%dma_start3A_52 : memref<10240x128xf32, #tpu.memory_space<vmem_shared>>) offsets(%dma_start3A_49 : memref<128xi32, #tpu.memory_space<vmem>>) semaphore(%arg9 : memref<!tpu.dma_semaphore, #tpu.memory_space<semaphore_mem>>) {add = true}
      %add3A_53 = arith.constant 3 : i32
      %add3A_54 = arith.addi %mul3A_29, %add3A_53 : i32
      %dma_start3A_55 = arith.constant 0 : i32
      %dma_start3A_56 = tpu.memref_slice %arg6[%add3A_54, %dma_start3A_55] : memref<80x128xi32, #tpu.memory_space<vmem>> -> memref<1x128xi32, #tpu.memory_space<vmem>>
      %dma_start3A_57 = tpu.memref_squeeze %dma_start3A_56 : memref<1x128xi32, #tpu.memory_space<vmem>> -> memref<128xi32, #tpu.memory_space<vmem>>
      %dma_start3A_58 = arith.constant 0 : i32
      %dma_start3A_59 = arith.constant 0 : i32
      %dma_start3A_60 = tpu.memref_slice %arg8[%dma_start3A_58, %dma_start3A_59] : memref<10240x128xf32, #tpu.memory_space<vmem_shared>> -> memref<10240x128xf32, #tpu.memory_space<vmem_shared>>
      tpu.enqueue_indirect_dma source(%arg7 : memref<128x128xf32, #tpu.memory_space<vmem>>) target(%dma_start3A_60 : memref<10240x128xf32, #tpu.memory_space<vmem_shared>>) offsets(%dma_start3A_57 : memref<128xi32, #tpu.memory_space<vmem>>) semaphore(%arg9 : memref<!tpu.dma_semaphore, #tpu.memory_space<semaphore_mem>>) {add = true}
      %dma_wait3A = arith.constant 0 : i32
      %dma_wait3A_61 = tpu.memref_slice %arg6[%mul3A_29, %dma_wait3A] : memref<80x128xi32, #tpu.memory_space<vmem>> -> memref<1x128xi32, #tpu.memory_space<vmem>>
      %dma_wait3A_62 = tpu.memref_squeeze %dma_wait3A_61 : memref<1x128xi32, #tpu.memory_space<vmem>> -> memref<128xi32, #tpu.memory_space<vmem>>
      %dma_wait3A_63 = arith.constant 0 : i32
      %dma_wait3A_64 = arith.constant 0 : i32
      %dma_wait3A_65 = tpu.memref_slice %arg8[%dma_wait3A_63, %dma_wait3A_64] : memref<10240x128xf32, #tpu.memory_space<vmem_shared>> -> memref<10240x128xf32, #tpu.memory_space<vmem_shared>>
      tpu.wait_indirect_dma semaphore(%arg9 : memref<!tpu.dma_semaphore, #tpu.memory_space<semaphore_mem>>) src(%arg7 : memref<128x128xf32, #tpu.memory_space<vmem>>) dst(%dma_wait3A_65 : memref<10240x128xf32, #tpu.memory_space<vmem_shared>>)
      %dma_wait3A_66 = arith.constant 0 : i32
      %dma_wait3A_67 = tpu.memref_slice %arg6[%mul3A_29, %dma_wait3A_66] : memref<80x128xi32, #tpu.memory_space<vmem>> -> memref<1x128xi32, #tpu.memory_space<vmem>>
      %dma_wait3A_68 = tpu.memref_squeeze %dma_wait3A_67 : memref<1x128xi32, #tpu.memory_space<vmem>> -> memref<128xi32, #tpu.memory_space<vmem>>
      %dma_wait3A_69 = arith.constant 0 : i32
      %dma_wait3A_70 = arith.constant 0 : i32
      %dma_wait3A_71 = tpu.memref_slice %arg8[%dma_wait3A_69, %dma_wait3A_70] : memref<10240x128xf32, #tpu.memory_space<vmem_shared>> -> memref<10240x128xf32, #tpu.memory_space<vmem_shared>>
      tpu.wait_indirect_dma semaphore(%arg9 : memref<!tpu.dma_semaphore, #tpu.memory_space<semaphore_mem>>) src(%arg7 : memref<128x128xf32, #tpu.memory_space<vmem>>) dst(%dma_wait3A_71 : memref<10240x128xf32, #tpu.memory_space<vmem_shared>>)
      %dma_wait3A_72 = arith.constant 0 : i32
      %dma_wait3A_73 = tpu.memref_slice %arg6[%mul3A_29, %dma_wait3A_72] : memref<80x128xi32, #tpu.memory_space<vmem>> -> memref<1x128xi32, #tpu.memory_space<vmem>>
      %dma_wait3A_74 = tpu.memref_squeeze %dma_wait3A_73 : memref<1x128xi32, #tpu.memory_space<vmem>> -> memref<128xi32, #tpu.memory_space<vmem>>
      %dma_wait3A_75 = arith.constant 0 : i32
      %dma_wait3A_76 = arith.constant 0 : i32
      %dma_wait3A_77 = tpu.memref_slice %arg8[%dma_wait3A_75, %dma_wait3A_76] : memref<10240x128xf32, #tpu.memory_space<vmem_shared>> -> memref<10240x128xf32, #tpu.memory_space<vmem_shared>>
      tpu.wait_indirect_dma semaphore(%arg9 : memref<!tpu.dma_semaphore, #tpu.memory_space<semaphore_mem>>) src(%arg7 : memref<128x128xf32, #tpu.memory_space<vmem>>) dst(%dma_wait3A_77 : memref<10240x128xf32, #tpu.memory_space<vmem_shared>>)
      %dma_wait3A_78 = arith.constant 0 : i32
      %dma_wait3A_79 = tpu.memref_slice %arg6[%mul3A_29, %dma_wait3A_78] : memref<80x128xi32, #tpu.memory_space<vmem>> -> memref<1x128xi32, #tpu.memory_space<vmem>>
      %dma_wait3A_80 = tpu.memref_squeeze %dma_wait3A_79 : memref<1x128xi32, #tpu.memory_space<vmem>> -> memref<128xi32, #tpu.memory_space<vmem>>
      %dma_wait3A_81 = arith.constant 0 : i32
      %dma_wait3A_82 = arith.constant 0 : i32
      %dma_wait3A_83 = tpu.memref_slice %arg8[%dma_wait3A_81, %dma_wait3A_82] : memref<10240x128xf32, #tpu.memory_space<vmem_shared>> -> memref<10240x128xf32, #tpu.memory_space<vmem_shared>>
      tpu.wait_indirect_dma semaphore(%arg9 : memref<!tpu.dma_semaphore, #tpu.memory_space<semaphore_mem>>) src(%arg7 : memref<128x128xf32, #tpu.memory_space<vmem>>) dst(%dma_wait3A_83 : memref<10240x128xf32, #tpu.memory_space<vmem_shared>>)
    }
    %scan3A_25 = arith.constant 20 : i32
    %barrier3A_26 = arith.constant 0 : index
    tpu.barrier barrier_id(%barrier3A_26)
    "tpu.region"() ({
      %run_scoped3A = tpu.sem_alloc : memref<!tpu.dma_semaphore, #tpu.memory_space<semaphore_mem>>
      %dma_start3A = arith.constant 0 : i32
      %dma_start3A_27 = tpu.memref_slice %arg5[%arg0, %mul3A_0, %dma_start3A] : memref<2x10240x128xf32, #tpu.memory_space<hbm>> -> memref<1x640x128xf32, #tpu.memory_space<hbm>>
      %dma_start3A_28 = tpu.memref_squeeze %dma_start3A_27 : memref<1x640x128xf32, #tpu.memory_space<hbm>> -> memref<640x128xf32, #tpu.memory_space<hbm>>
      %dma_start3A_29 = arith.constant 0 : i32
      %dma_start3A_30 = tpu.memref_slice %arg8[%mul3A_0, %dma_start3A_29] : memref<10240x128xf32, #tpu.memory_space<vmem_shared>> -> memref<640x128xf32, #tpu.memory_space<vmem_shared>>
      tpu.enqueue_dma source(%dma_start3A_30 : memref<640x128xf32, #tpu.memory_space<vmem_shared>>) target(%dma_start3A_28 : memref<640x128xf32, #tpu.memory_space<hbm>>) target_semaphore(%run_scoped3A : memref<!tpu.dma_semaphore, #tpu.memory_space<semaphore_mem>>)
      %dma_wait3A = arith.constant 0 : i32
      %dma_wait3A_31 = tpu.memref_slice %arg5[%arg0, %mul3A_0, %dma_wait3A] : memref<2x10240x128xf32, #tpu.memory_space<hbm>> -> memref<1x640x128xf32, #tpu.memory_space<hbm>>
      %dma_wait3A_32 = tpu.memref_squeeze %dma_wait3A_31 : memref<1x640x128xf32, #tpu.memory_space<hbm>> -> memref<640x128xf32, #tpu.memory_space<hbm>>
      %dma_wait3A_33 = arith.constant 0 : i32
      %dma_wait3A_34 = tpu.memref_slice %arg8[%mul3A_0, %dma_wait3A_33] : memref<10240x128xf32, #tpu.memory_space<vmem_shared>> -> memref<640x128xf32, #tpu.memory_space<vmem_shared>>
      tpu.wait_dma2 semaphore(%run_scoped3A : memref<!tpu.dma_semaphore, #tpu.memory_space<semaphore_mem>>) src(%dma_wait3A_34 : memref<640x128xf32, #tpu.memory_space<vmem_shared>>) dst(%dma_wait3A_32 : memref<640x128xf32, #tpu.memory_space<hbm>>)
      tpu.yield
    }) : () -> ()
    return
  }
}

#map = affine_map<(d0, d1) -> (0, 0)>
#map1 = affine_map<(d0, d1) -> (0, 0, 0)>
module attributes {stable_mosaic.version = 14 : i64} {
  func.func @body(%arg0: i32, %arg1: i32, %arg2: memref<10240x128xf32, #tpu.memory_space<hbm>>, %arg3: memref<2560x128xi32, #tpu.memory_space<hbm>>, %arg4: memref<1280x128xi32, #tpu.memory_space<hbm>>, %arg5: memref<10240x128xf32, #tpu.memory_space<hbm>>, %arg6: memref<2x10240x128xf32, #tpu.memory_space<hbm>>, %arg7: memref<40x128xi32, #tpu.memory_space<vmem>>, %arg8: memref<40x128xi32, #tpu.memory_space<vmem>>, %arg9: memref<128x128xf32, #tpu.memory_space<vmem>>, %arg10: memref<128x128xf32, #tpu.memory_space<vmem>>, %arg11: memref<10240x128xf32, #tpu.memory_space<vmem_shared>>, %arg12: memref<!tpu.dma_semaphore, #tpu.memory_space<semaphore_mem>>, %arg13: memref<!tpu.dma_semaphore, #tpu.memory_space<semaphore_mem>>) attributes {dimension_semantics = [#tpu.dimension_semantics<core_parallel>, #tpu.dimension_semantics<subcore_parallel>], iteration_bounds = array<i64: 2, 16>, scalar_prefetch = 0 : i64, scratch_operands = 7 : i64, tpu.core_type = #tpu.core_type<sc_vector_subcore>, window_params = [{transform_indices = #map}, {transform_indices = #map}, {transform_indices = #map}, {transform_indices = #map}, {transform_indices = #map1}]} {
    %mul3A = arith.constant 640 : i32
    %mul3A_0 = arith.muli %arg1, %mul3A : i32
    "tpu.region"() ({
      %run_scoped3A_134 = tpu.sem_alloc : memref<!tpu.dma_semaphore, #tpu.memory_space<semaphore_mem>>
      %dma_start3A_135 = arith.constant 0 : i32
      %dma_start3A_136 = tpu.memref_slice %arg11[%mul3A_0, %dma_start3A_135] : memref<10240x128xf32, #tpu.memory_space<vmem_shared>> -> memref<640x128xf32, #tpu.memory_space<vmem_shared>>
      %dma_start3A_137 = arith.constant 0 : i32
      %dma_start3A_138 = tpu.memref_slice %arg5[%mul3A_0, %dma_start3A_137] : memref<10240x128xf32, #tpu.memory_space<hbm>> -> memref<640x128xf32, #tpu.memory_space<hbm>>
      tpu.enqueue_dma source(%dma_start3A_138 : memref<640x128xf32, #tpu.memory_space<hbm>>) target(%dma_start3A_136 : memref<640x128xf32, #tpu.memory_space<vmem_shared>>) target_semaphore(%run_scoped3A_134 : memref<!tpu.dma_semaphore, #tpu.memory_space<semaphore_mem>>)
      %dma_wait3A_139 = arith.constant 0 : i32
      %dma_wait3A_140 = tpu.memref_slice %arg11[%mul3A_0, %dma_wait3A_139] : memref<10240x128xf32, #tpu.memory_space<vmem_shared>> -> memref<640x128xf32, #tpu.memory_space<vmem_shared>>
      %dma_wait3A_141 = arith.constant 0 : i32
      %dma_wait3A_142 = tpu.memref_slice %arg5[%mul3A_0, %dma_wait3A_141] : memref<10240x128xf32, #tpu.memory_space<hbm>> -> memref<640x128xf32, #tpu.memory_space<hbm>>
      tpu.wait_dma2 semaphore(%run_scoped3A_134 : memref<!tpu.dma_semaphore, #tpu.memory_space<semaphore_mem>>) src(%dma_wait3A_142 : memref<640x128xf32, #tpu.memory_space<hbm>>) dst(%dma_wait3A_140 : memref<640x128xf32, #tpu.memory_space<vmem_shared>>)
      tpu.yield
    }) : () -> ()
    %barrier3A = arith.constant 0 : index
    tpu.barrier barrier_id(%barrier3A)
    %mul3A_1 = arith.constant 163840 : i32
    %mul3A_2 = arith.muli %arg0, %mul3A_1 : i32
    %mul3A_3 = arith.constant 10240 : i32
    %mul3A_4 = arith.muli %arg1, %mul3A_3 : i32
    %add3A = arith.addi %mul3A_2, %mul3A_4 : i32
    %jit3A = arith.constant 128 : i32
    %div3A = arith.divsi %add3A, %jit3A : i32
    %sign3A = arith.constant 0 : i32
    %sign3A_5 = arith.cmpi sgt, %add3A, %sign3A : i32
    %sign3A_6 = arith.extui %sign3A_5 : i1 to i32
    %sign3A_7 = arith.constant 0 : i32
    %sign3A_8 = arith.cmpi slt, %add3A, %sign3A_7 : i32
    %sign3A_9 = arith.extui %sign3A_8 : i1 to i32
    %sign3A_10 = arith.subi %sign3A_6, %sign3A_9 : i32
    %sign3A_11 = arith.constant 0 : i32
    %sign3A_12 = arith.cmpi sgt, %jit3A, %sign3A_11 : i32
    %sign3A_13 = arith.extui %sign3A_12 : i1 to i32
    %sign3A_14 = arith.constant 0 : i32
    %sign3A_15 = arith.cmpi slt, %jit3A, %sign3A_14 : i32
    %sign3A_16 = arith.extui %sign3A_15 : i1 to i32
    %sign3A_17 = arith.subi %sign3A_13, %sign3A_16 : i32
    %ne3A = arith.cmpi ne, %sign3A_10, %sign3A_17 : i32
    %rem3A = arith.remsi %add3A, %jit3A : i32
    %ne3A_18 = arith.constant 0 : i32
    %ne3A_19 = arith.cmpi ne, %rem3A, %ne3A_18 : i32
    %and3A = arith.andi %ne3A, %ne3A_19 : i1
    %sub3A = arith.constant 1 : i32
    %sub3A_20 = arith.subi %div3A, %sub3A : i32
    %select_n3A = arith.select %and3A, %sub3A_20, %div3A : i32
    %add3A_21 = arith.constant 0 : i32
    %add3A_22 = arith.addi %select_n3A, %add3A_21 : i32
    %multiple_of3A = tpu.assume_multiple %add3A_22, 8 : i32
    "tpu.region"() ({
      %run_scoped3A_134 = tpu.sem_alloc : memref<!tpu.dma_semaphore, #tpu.memory_space<semaphore_mem>>
      %dma_start3A_135 = arith.constant 0 : i32
      %dma_start3A_136 = tpu.memref_slice %arg3[%multiple_of3A, %dma_start3A_135] : memref<2560x128xi32, #tpu.memory_space<hbm>> -> memref<40x128xi32, #tpu.memory_space<hbm>>
      %dma_start3A_137 = arith.constant 0 : i32
      %dma_start3A_138 = tpu.memref_slice %arg3[%multiple_of3A, %dma_start3A_137] : memref<2560x128xi32, #tpu.memory_space<hbm>> -> memref<40x128xi32, #tpu.memory_space<hbm>>
      tpu.enqueue_dma source(%dma_start3A_138 : memref<40x128xi32, #tpu.memory_space<hbm>>) target(%arg7 : memref<40x128xi32, #tpu.memory_space<vmem>>) target_semaphore(%run_scoped3A_134 : memref<!tpu.dma_semaphore, #tpu.memory_space<semaphore_mem>>)
      %dma_wait3A_139 = arith.constant 0 : i32
      %dma_wait3A_140 = tpu.memref_slice %arg3[%multiple_of3A, %dma_wait3A_139] : memref<2560x128xi32, #tpu.memory_space<hbm>> -> memref<40x128xi32, #tpu.memory_space<hbm>>
      %dma_wait3A_141 = arith.constant 0 : i32
      %dma_wait3A_142 = tpu.memref_slice %arg3[%multiple_of3A, %dma_wait3A_141] : memref<2560x128xi32, #tpu.memory_space<hbm>> -> memref<40x128xi32, #tpu.memory_space<hbm>>
      tpu.wait_dma2 semaphore(%run_scoped3A_134 : memref<!tpu.dma_semaphore, #tpu.memory_space<semaphore_mem>>) src(%dma_wait3A_142 : memref<40x128xi32, #tpu.memory_space<hbm>>) dst(%arg7 : memref<40x128xi32, #tpu.memory_space<vmem>>)
      tpu.yield
    }) : () -> ()
    %mul3A_23 = arith.constant 80 : i32
    %mul3A_24 = arith.muli %arg1, %mul3A_23 : i32
    %add3A_25 = arith.constant 0 : i32
    %add3A_26 = arith.addi %mul3A_24, %add3A_25 : i32
    %multiple_of3A_27 = tpu.assume_multiple %add3A_26, 8 : i32
    "tpu.region"() ({
      %run_scoped3A_134 = tpu.sem_alloc : memref<!tpu.dma_semaphore, #tpu.memory_space<semaphore_mem>>
      %dma_start3A_135 = arith.constant 0 : i32
      %dma_start3A_136 = tpu.memref_slice %arg4[%multiple_of3A_27, %dma_start3A_135] : memref<1280x128xi32, #tpu.memory_space<hbm>> -> memref<40x128xi32, #tpu.memory_space<hbm>>
      %dma_start3A_137 = arith.constant 0 : i32
      %dma_start3A_138 = tpu.memref_slice %arg4[%multiple_of3A_27, %dma_start3A_137] : memref<1280x128xi32, #tpu.memory_space<hbm>> -> memref<40x128xi32, #tpu.memory_space<hbm>>
      tpu.enqueue_dma source(%dma_start3A_138 : memref<40x128xi32, #tpu.memory_space<hbm>>) target(%arg8 : memref<40x128xi32, #tpu.memory_space<vmem>>) target_semaphore(%run_scoped3A_134 : memref<!tpu.dma_semaphore, #tpu.memory_space<semaphore_mem>>)
      %dma_wait3A_139 = arith.constant 0 : i32
      %dma_wait3A_140 = tpu.memref_slice %arg4[%multiple_of3A_27, %dma_wait3A_139] : memref<1280x128xi32, #tpu.memory_space<hbm>> -> memref<40x128xi32, #tpu.memory_space<hbm>>
      %dma_wait3A_141 = arith.constant 0 : i32
      %dma_wait3A_142 = tpu.memref_slice %arg4[%multiple_of3A_27, %dma_wait3A_141] : memref<1280x128xi32, #tpu.memory_space<hbm>> -> memref<40x128xi32, #tpu.memory_space<hbm>>
      tpu.wait_dma2 semaphore(%run_scoped3A_134 : memref<!tpu.dma_semaphore, #tpu.memory_space<semaphore_mem>>) src(%dma_wait3A_142 : memref<40x128xi32, #tpu.memory_space<hbm>>) dst(%arg8 : memref<40x128xi32, #tpu.memory_space<vmem>>)
      tpu.yield
    }) : () -> ()
    %dma_start3A = arith.constant 0 : i32
    %dma_start3A_28 = arith.constant 0 : i32
    %dma_start3A_29 = tpu.memref_slice %arg7[%dma_start3A, %dma_start3A_28] : memref<40x128xi32, #tpu.memory_space<vmem>> -> memref<1x128xi32, #tpu.memory_space<vmem>>
    %dma_start3A_30 = tpu.memref_squeeze %dma_start3A_29 : memref<1x128xi32, #tpu.memory_space<vmem>> -> memref<128xi32, #tpu.memory_space<vmem>>
    %dma_start3A_31 = arith.constant 0 : i32
    %dma_start3A_32 = arith.constant 0 : i32
    %dma_start3A_33 = tpu.memref_slice %arg2[%dma_start3A_31, %dma_start3A_32] : memref<10240x128xf32, #tpu.memory_space<hbm>> -> memref<10240x128xf32, #tpu.memory_space<hbm>>
    tpu.enqueue_indirect_dma source(%dma_start3A_33 : memref<10240x128xf32, #tpu.memory_space<hbm>>) target(%arg9 : memref<128x128xf32, #tpu.memory_space<vmem>>) offsets(%dma_start3A_30 : memref<128xi32, #tpu.memory_space<vmem>>) semaphore(%arg12 : memref<!tpu.dma_semaphore, #tpu.memory_space<semaphore_mem>>)
    %scan3A = arith.constant 0 : i32
    %scan3A_34 = arith.constant 0 : i32
    %scan3A_35 = arith.constant 19 : i32
    %scan3A_36 = arith.addi %scan3A_34, %scan3A_35 : i32
    %scan3A_37 = arith.constant 1 : i32
    scf.for %scan3A_134 = %scan3A_34 to %scan3A_36 step %scan3A_37  : i32 {
      %mul3A_135 = arith.constant 2 : i32
      %mul3A_136 = arith.muli %scan3A_134, %mul3A_135 : i32
      %add3A_137 = arith.constant 0 : i32
      %add3A_138 = arith.addi %mul3A_136, %add3A_137 : i32
      %add3A_139 = arith.constant 2 : i32
      %add3A_140 = arith.addi %add3A_138, %add3A_139 : i32
      %sub3A_141 = arith.constant 1 : i32
      %sub3A_142 = arith.subi %add3A_140, %sub3A_141 : i32
      %dma_start3A_143 = arith.constant 0 : i32
      %dma_start3A_144 = tpu.memref_slice %arg7[%sub3A_142, %dma_start3A_143] : memref<40x128xi32, #tpu.memory_space<vmem>> -> memref<1x128xi32, #tpu.memory_space<vmem>>
      %dma_start3A_145 = tpu.memref_squeeze %dma_start3A_144 : memref<1x128xi32, #tpu.memory_space<vmem>> -> memref<128xi32, #tpu.memory_space<vmem>>
      %dma_start3A_146 = arith.constant 0 : i32
      %dma_start3A_147 = arith.constant 0 : i32
      %dma_start3A_148 = tpu.memref_slice %arg2[%dma_start3A_146, %dma_start3A_147] : memref<10240x128xf32, #tpu.memory_space<hbm>> -> memref<10240x128xf32, #tpu.memory_space<hbm>>
      tpu.enqueue_indirect_dma source(%dma_start3A_148 : memref<10240x128xf32, #tpu.memory_space<hbm>>) target(%arg10 : memref<128x128xf32, #tpu.memory_space<vmem>>) offsets(%dma_start3A_145 : memref<128xi32, #tpu.memory_space<vmem>>) semaphore(%arg13 : memref<!tpu.dma_semaphore, #tpu.memory_space<semaphore_mem>>)
      %dma_wait3A_149 = arith.constant 0 : i32
      %dma_wait3A_150 = arith.constant 0 : i32
      %dma_wait3A_151 = tpu.memref_slice %arg7[%dma_wait3A_149, %dma_wait3A_150] : memref<40x128xi32, #tpu.memory_space<vmem>> -> memref<1x128xi32, #tpu.memory_space<vmem>>
      %dma_wait3A_152 = tpu.memref_squeeze %dma_wait3A_151 : memref<1x128xi32, #tpu.memory_space<vmem>> -> memref<128xi32, #tpu.memory_space<vmem>>
      %dma_wait3A_153 = arith.constant 0 : i32
      %dma_wait3A_154 = arith.constant 0 : i32
      %dma_wait3A_155 = tpu.memref_slice %arg2[%dma_wait3A_153, %dma_wait3A_154] : memref<10240x128xf32, #tpu.memory_space<hbm>> -> memref<10240x128xf32, #tpu.memory_space<hbm>>
      tpu.wait_indirect_dma semaphore(%arg12 : memref<!tpu.dma_semaphore, #tpu.memory_space<semaphore_mem>>) src(%dma_wait3A_155 : memref<10240x128xf32, #tpu.memory_space<hbm>>) dst(%arg9 : memref<128x128xf32, #tpu.memory_space<vmem>>)
      %add3A_156 = arith.constant 0 : i32
      %add3A_157 = arith.addi %mul3A_136, %add3A_156 : i32
      "tpu.region"() ({
        %run_scoped3A_179 = tpu.sem_alloc : memref<!tpu.dma_semaphore, #tpu.memory_space<semaphore_mem>>
        %dma_start3A_180 = arith.constant 0 : i32
        %dma_start3A_181 = tpu.memref_slice %arg8[%add3A_157, %dma_start3A_180] : memref<40x128xi32, #tpu.memory_space<vmem>> -> memref<1x128xi32, #tpu.memory_space<vmem>>
        %dma_start3A_182 = tpu.memref_squeeze %dma_start3A_181 : memref<1x128xi32, #tpu.memory_space<vmem>> -> memref<128xi32, #tpu.memory_space<vmem>>
        %dma_start3A_183 = arith.constant 0 : i32
        %dma_start3A_184 = arith.constant 0 : i32
        %dma_start3A_185 = tpu.memref_slice %arg11[%dma_start3A_183, %dma_start3A_184] : memref<10240x128xf32, #tpu.memory_space<vmem_shared>> -> memref<10240x128xf32, #tpu.memory_space<vmem_shared>>
        tpu.enqueue_indirect_dma source(%arg9 : memref<128x128xf32, #tpu.memory_space<vmem>>) target(%dma_start3A_185 : memref<10240x128xf32, #tpu.memory_space<vmem_shared>>) offsets(%dma_start3A_182 : memref<128xi32, #tpu.memory_space<vmem>>) semaphore(%run_scoped3A_179 : memref<!tpu.dma_semaphore, #tpu.memory_space<semaphore_mem>>) {add = true}
        %dma_wait3A_186 = arith.constant 0 : i32
        %dma_wait3A_187 = tpu.memref_slice %arg8[%add3A_157, %dma_wait3A_186] : memref<40x128xi32, #tpu.memory_space<vmem>> -> memref<1x128xi32, #tpu.memory_space<vmem>>
        %dma_wait3A_188 = tpu.memref_squeeze %dma_wait3A_187 : memref<1x128xi32, #tpu.memory_space<vmem>> -> memref<128xi32, #tpu.memory_space<vmem>>
        %dma_wait3A_189 = arith.constant 0 : i32
        %dma_wait3A_190 = arith.constant 0 : i32
        %dma_wait3A_191 = tpu.memref_slice %arg11[%dma_wait3A_189, %dma_wait3A_190] : memref<10240x128xf32, #tpu.memory_space<vmem_shared>> -> memref<10240x128xf32, #tpu.memory_space<vmem_shared>>
        tpu.wait_indirect_dma semaphore(%run_scoped3A_179 : memref<!tpu.dma_semaphore, #tpu.memory_space<semaphore_mem>>) src(%arg9 : memref<128x128xf32, #tpu.memory_space<vmem>>) dst(%dma_wait3A_191 : memref<10240x128xf32, #tpu.memory_space<vmem_shared>>)
        tpu.yield
      }) : () -> ()
      %add3A_158 = arith.constant 1 : i32
      %add3A_159 = arith.addi %mul3A_136, %add3A_158 : i32
      %add3A_160 = arith.constant 2 : i32
      %add3A_161 = arith.addi %add3A_159, %add3A_160 : i32
      %sub3A_162 = arith.constant 1 : i32
      %sub3A_163 = arith.subi %add3A_161, %sub3A_162 : i32
      %dma_start3A_164 = arith.constant 0 : i32
      %dma_start3A_165 = tpu.memref_slice %arg7[%sub3A_163, %dma_start3A_164] : memref<40x128xi32, #tpu.memory_space<vmem>> -> memref<1x128xi32, #tpu.memory_space<vmem>>
      %dma_start3A_166 = tpu.memref_squeeze %dma_start3A_165 : memref<1x128xi32, #tpu.memory_space<vmem>> -> memref<128xi32, #tpu.memory_space<vmem>>
      %dma_start3A_167 = arith.constant 0 : i32
      %dma_start3A_168 = arith.constant 0 : i32
      %dma_start3A_169 = tpu.memref_slice %arg2[%dma_start3A_167, %dma_start3A_168] : memref<10240x128xf32, #tpu.memory_space<hbm>> -> memref<10240x128xf32, #tpu.memory_space<hbm>>
      tpu.enqueue_indirect_dma source(%dma_start3A_169 : memref<10240x128xf32, #tpu.memory_space<hbm>>) target(%arg9 : memref<128x128xf32, #tpu.memory_space<vmem>>) offsets(%dma_start3A_166 : memref<128xi32, #tpu.memory_space<vmem>>) semaphore(%arg12 : memref<!tpu.dma_semaphore, #tpu.memory_space<semaphore_mem>>)
      %dma_wait3A_170 = arith.constant 0 : i32
      %dma_wait3A_171 = arith.constant 0 : i32
      %dma_wait3A_172 = tpu.memref_slice %arg7[%dma_wait3A_170, %dma_wait3A_171] : memref<40x128xi32, #tpu.memory_space<vmem>> -> memref<1x128xi32, #tpu.memory_space<vmem>>
      %dma_wait3A_173 = tpu.memref_squeeze %dma_wait3A_172 : memref<1x128xi32, #tpu.memory_space<vmem>> -> memref<128xi32, #tpu.memory_space<vmem>>
      %dma_wait3A_174 = arith.constant 0 : i32
      %dma_wait3A_175 = arith.constant 0 : i32
      %dma_wait3A_176 = tpu.memref_slice %arg2[%dma_wait3A_174, %dma_wait3A_175] : memref<10240x128xf32, #tpu.memory_space<hbm>> -> memref<10240x128xf32, #tpu.memory_space<hbm>>
      tpu.wait_indirect_dma semaphore(%arg13 : memref<!tpu.dma_semaphore, #tpu.memory_space<semaphore_mem>>) src(%dma_wait3A_176 : memref<10240x128xf32, #tpu.memory_space<hbm>>) dst(%arg10 : memref<128x128xf32, #tpu.memory_space<vmem>>)
      %add3A_177 = arith.constant 1 : i32
      %add3A_178 = arith.addi %mul3A_136, %add3A_177 : i32
      "tpu.region"() ({
        %run_scoped3A_179 = tpu.sem_alloc : memref<!tpu.dma_semaphore, #tpu.memory_space<semaphore_mem>>
        %dma_start3A_180 = arith.constant 0 : i32
        %dma_start3A_181 = tpu.memref_slice %arg8[%add3A_178, %dma_start3A_180] : memref<40x128xi32, #tpu.memory_space<vmem>> -> memref<1x128xi32, #tpu.memory_space<vmem>>
        %dma_start3A_182 = tpu.memref_squeeze %dma_start3A_181 : memref<1x128xi32, #tpu.memory_space<vmem>> -> memref<128xi32, #tpu.memory_space<vmem>>
        %dma_start3A_183 = arith.constant 0 : i32
        %dma_start3A_184 = arith.constant 0 : i32
        %dma_start3A_185 = tpu.memref_slice %arg11[%dma_start3A_183, %dma_start3A_184] : memref<10240x128xf32, #tpu.memory_space<vmem_shared>> -> memref<10240x128xf32, #tpu.memory_space<vmem_shared>>
        tpu.enqueue_indirect_dma source(%arg10 : memref<128x128xf32, #tpu.memory_space<vmem>>) target(%dma_start3A_185 : memref<10240x128xf32, #tpu.memory_space<vmem_shared>>) offsets(%dma_start3A_182 : memref<128xi32, #tpu.memory_space<vmem>>) semaphore(%run_scoped3A_179 : memref<!tpu.dma_semaphore, #tpu.memory_space<semaphore_mem>>) {add = true}
        %dma_wait3A_186 = arith.constant 0 : i32
        %dma_wait3A_187 = tpu.memref_slice %arg8[%add3A_178, %dma_wait3A_186] : memref<40x128xi32, #tpu.memory_space<vmem>> -> memref<1x128xi32, #tpu.memory_space<vmem>>
        %dma_wait3A_188 = tpu.memref_squeeze %dma_wait3A_187 : memref<1x128xi32, #tpu.memory_space<vmem>> -> memref<128xi32, #tpu.memory_space<vmem>>
        %dma_wait3A_189 = arith.constant 0 : i32
        %dma_wait3A_190 = arith.constant 0 : i32
        %dma_wait3A_191 = tpu.memref_slice %arg11[%dma_wait3A_189, %dma_wait3A_190] : memref<10240x128xf32, #tpu.memory_space<vmem_shared>> -> memref<10240x128xf32, #tpu.memory_space<vmem_shared>>
        tpu.wait_indirect_dma semaphore(%run_scoped3A_179 : memref<!tpu.dma_semaphore, #tpu.memory_space<semaphore_mem>>) src(%arg10 : memref<128x128xf32, #tpu.memory_space<vmem>>) dst(%dma_wait3A_191 : memref<10240x128xf32, #tpu.memory_space<vmem_shared>>)
        tpu.yield
      }) : () -> ()
    }
    %scan3A_38 = arith.constant 19 : i32
    %dma_start3A_39 = arith.constant 39 : i32
    %dma_start3A_40 = arith.constant 0 : i32
    %dma_start3A_41 = tpu.memref_slice %arg7[%dma_start3A_39, %dma_start3A_40] : memref<40x128xi32, #tpu.memory_space<vmem>> -> memref<1x128xi32, #tpu.memory_space<vmem>>
    %dma_start3A_42 = tpu.memref_squeeze %dma_start3A_41 : memref<1x128xi32, #tpu.memory_space<vmem>> -> memref<128xi32, #tpu.memory_space<vmem>>
    %dma_start3A_43 = arith.constant 0 : i32
    %dma_start3A_44 = arith.constant 0 : i32
    %dma_start3A_45 = tpu.memref_slice %arg2[%dma_start3A_43, %dma_start3A_44] : memref<10240x128xf32, #tpu.memory_space<hbm>> -> memref<10240x128xf32, #tpu.memory_space<hbm>>
    tpu.enqueue_indirect_dma source(%dma_start3A_45 : memref<10240x128xf32, #tpu.memory_space<hbm>>) target(%arg10 : memref<128x128xf32, #tpu.memory_space<vmem>>) offsets(%dma_start3A_42 : memref<128xi32, #tpu.memory_space<vmem>>) semaphore(%arg13 : memref<!tpu.dma_semaphore, #tpu.memory_space<semaphore_mem>>)
    %dma_wait3A = arith.constant 0 : i32
    %dma_wait3A_46 = arith.constant 0 : i32
    %dma_wait3A_47 = tpu.memref_slice %arg7[%dma_wait3A, %dma_wait3A_46] : memref<40x128xi32, #tpu.memory_space<vmem>> -> memref<1x128xi32, #tpu.memory_space<vmem>>
    %dma_wait3A_48 = tpu.memref_squeeze %dma_wait3A_47 : memref<1x128xi32, #tpu.memory_space<vmem>> -> memref<128xi32, #tpu.memory_space<vmem>>
    %dma_wait3A_49 = arith.constant 0 : i32
    %dma_wait3A_50 = arith.constant 0 : i32
    %dma_wait3A_51 = tpu.memref_slice %arg2[%dma_wait3A_49, %dma_wait3A_50] : memref<10240x128xf32, #tpu.memory_space<hbm>> -> memref<10240x128xf32, #tpu.memory_space<hbm>>
    tpu.wait_indirect_dma semaphore(%arg12 : memref<!tpu.dma_semaphore, #tpu.memory_space<semaphore_mem>>) src(%dma_wait3A_51 : memref<10240x128xf32, #tpu.memory_space<hbm>>) dst(%arg9 : memref<128x128xf32, #tpu.memory_space<vmem>>)
    %run_scoped3A = arith.constant 38 : i32
    "tpu.region"() ({
      %run_scoped3A_134 = tpu.sem_alloc : memref<!tpu.dma_semaphore, #tpu.memory_space<semaphore_mem>>
      %dma_start3A_135 = arith.constant 0 : i32
      %dma_start3A_136 = tpu.memref_slice %arg8[%run_scoped3A, %dma_start3A_135] : memref<40x128xi32, #tpu.memory_space<vmem>> -> memref<1x128xi32, #tpu.memory_space<vmem>>
      %dma_start3A_137 = tpu.memref_squeeze %dma_start3A_136 : memref<1x128xi32, #tpu.memory_space<vmem>> -> memref<128xi32, #tpu.memory_space<vmem>>
      %dma_start3A_138 = arith.constant 0 : i32
      %dma_start3A_139 = arith.constant 0 : i32
      %dma_start3A_140 = tpu.memref_slice %arg11[%dma_start3A_138, %dma_start3A_139] : memref<10240x128xf32, #tpu.memory_space<vmem_shared>> -> memref<10240x128xf32, #tpu.memory_space<vmem_shared>>
      tpu.enqueue_indirect_dma source(%arg9 : memref<128x128xf32, #tpu.memory_space<vmem>>) target(%dma_start3A_140 : memref<10240x128xf32, #tpu.memory_space<vmem_shared>>) offsets(%dma_start3A_137 : memref<128xi32, #tpu.memory_space<vmem>>) semaphore(%run_scoped3A_134 : memref<!tpu.dma_semaphore, #tpu.memory_space<semaphore_mem>>) {add = true}
      %dma_wait3A_141 = arith.constant 0 : i32
      %dma_wait3A_142 = tpu.memref_slice %arg8[%run_scoped3A, %dma_wait3A_141] : memref<40x128xi32, #tpu.memory_space<vmem>> -> memref<1x128xi32, #tpu.memory_space<vmem>>
      %dma_wait3A_143 = tpu.memref_squeeze %dma_wait3A_142 : memref<1x128xi32, #tpu.memory_space<vmem>> -> memref<128xi32, #tpu.memory_space<vmem>>
      %dma_wait3A_144 = arith.constant 0 : i32
      %dma_wait3A_145 = arith.constant 0 : i32
      %dma_wait3A_146 = tpu.memref_slice %arg11[%dma_wait3A_144, %dma_wait3A_145] : memref<10240x128xf32, #tpu.memory_space<vmem_shared>> -> memref<10240x128xf32, #tpu.memory_space<vmem_shared>>
      tpu.wait_indirect_dma semaphore(%run_scoped3A_134 : memref<!tpu.dma_semaphore, #tpu.memory_space<semaphore_mem>>) src(%arg9 : memref<128x128xf32, #tpu.memory_space<vmem>>) dst(%dma_wait3A_146 : memref<10240x128xf32, #tpu.memory_space<vmem_shared>>)
      tpu.yield
    }) : () -> ()
    %dma_wait3A_52 = arith.constant 0 : i32
    %dma_wait3A_53 = arith.constant 0 : i32
    %dma_wait3A_54 = tpu.memref_slice %arg7[%dma_wait3A_52, %dma_wait3A_53] : memref<40x128xi32, #tpu.memory_space<vmem>> -> memref<1x128xi32, #tpu.memory_space<vmem>>
    %dma_wait3A_55 = tpu.memref_squeeze %dma_wait3A_54 : memref<1x128xi32, #tpu.memory_space<vmem>> -> memref<128xi32, #tpu.memory_space<vmem>>
    %dma_wait3A_56 = arith.constant 0 : i32
    %dma_wait3A_57 = arith.constant 0 : i32
    %dma_wait3A_58 = tpu.memref_slice %arg2[%dma_wait3A_56, %dma_wait3A_57] : memref<10240x128xf32, #tpu.memory_space<hbm>> -> memref<10240x128xf32, #tpu.memory_space<hbm>>
    tpu.wait_indirect_dma semaphore(%arg13 : memref<!tpu.dma_semaphore, #tpu.memory_space<semaphore_mem>>) src(%dma_wait3A_58 : memref<10240x128xf32, #tpu.memory_space<hbm>>) dst(%arg10 : memref<128x128xf32, #tpu.memory_space<vmem>>)
    %run_scoped3A_59 = arith.constant 39 : i32
    "tpu.region"() ({
      %run_scoped3A_134 = tpu.sem_alloc : memref<!tpu.dma_semaphore, #tpu.memory_space<semaphore_mem>>
      %dma_start3A_135 = arith.constant 0 : i32
      %dma_start3A_136 = tpu.memref_slice %arg8[%run_scoped3A_59, %dma_start3A_135] : memref<40x128xi32, #tpu.memory_space<vmem>> -> memref<1x128xi32, #tpu.memory_space<vmem>>
      %dma_start3A_137 = tpu.memref_squeeze %dma_start3A_136 : memref<1x128xi32, #tpu.memory_space<vmem>> -> memref<128xi32, #tpu.memory_space<vmem>>
      %dma_start3A_138 = arith.constant 0 : i32
      %dma_start3A_139 = arith.constant 0 : i32
      %dma_start3A_140 = tpu.memref_slice %arg11[%dma_start3A_138, %dma_start3A_139] : memref<10240x128xf32, #tpu.memory_space<vmem_shared>> -> memref<10240x128xf32, #tpu.memory_space<vmem_shared>>
      tpu.enqueue_indirect_dma source(%arg10 : memref<128x128xf32, #tpu.memory_space<vmem>>) target(%dma_start3A_140 : memref<10240x128xf32, #tpu.memory_space<vmem_shared>>) offsets(%dma_start3A_137 : memref<128xi32, #tpu.memory_space<vmem>>) semaphore(%run_scoped3A_134 : memref<!tpu.dma_semaphore, #tpu.memory_space<semaphore_mem>>) {add = true}
      %dma_wait3A_141 = arith.constant 0 : i32
      %dma_wait3A_142 = tpu.memref_slice %arg8[%run_scoped3A_59, %dma_wait3A_141] : memref<40x128xi32, #tpu.memory_space<vmem>> -> memref<1x128xi32, #tpu.memory_space<vmem>>
      %dma_wait3A_143 = tpu.memref_squeeze %dma_wait3A_142 : memref<1x128xi32, #tpu.memory_space<vmem>> -> memref<128xi32, #tpu.memory_space<vmem>>
      %dma_wait3A_144 = arith.constant 0 : i32
      %dma_wait3A_145 = arith.constant 0 : i32
      %dma_wait3A_146 = tpu.memref_slice %arg11[%dma_wait3A_144, %dma_wait3A_145] : memref<10240x128xf32, #tpu.memory_space<vmem_shared>> -> memref<10240x128xf32, #tpu.memory_space<vmem_shared>>
      tpu.wait_indirect_dma semaphore(%run_scoped3A_134 : memref<!tpu.dma_semaphore, #tpu.memory_space<semaphore_mem>>) src(%arg10 : memref<128x128xf32, #tpu.memory_space<vmem>>) dst(%dma_wait3A_146 : memref<10240x128xf32, #tpu.memory_space<vmem_shared>>)
      tpu.yield
    }) : () -> ()
    %mul3A_60 = arith.constant 163840 : i32
    %mul3A_61 = arith.muli %arg0, %mul3A_60 : i32
    %mul3A_62 = arith.constant 10240 : i32
    %mul3A_63 = arith.muli %arg1, %mul3A_62 : i32
    %add3A_64 = arith.addi %mul3A_61, %mul3A_63 : i32
    %jit3A_65 = arith.constant 128 : i32
    %div3A_66 = arith.divsi %add3A_64, %jit3A_65 : i32
    %sign3A_67 = arith.constant 0 : i32
    %sign3A_68 = arith.cmpi sgt, %add3A_64, %sign3A_67 : i32
    %sign3A_69 = arith.extui %sign3A_68 : i1 to i32
    %sign3A_70 = arith.constant 0 : i32
    %sign3A_71 = arith.cmpi slt, %add3A_64, %sign3A_70 : i32
    %sign3A_72 = arith.extui %sign3A_71 : i1 to i32
    %sign3A_73 = arith.subi %sign3A_69, %sign3A_72 : i32
    %sign3A_74 = arith.constant 0 : i32
    %sign3A_75 = arith.cmpi sgt, %jit3A_65, %sign3A_74 : i32
    %sign3A_76 = arith.extui %sign3A_75 : i1 to i32
    %sign3A_77 = arith.constant 0 : i32
    %sign3A_78 = arith.cmpi slt, %jit3A_65, %sign3A_77 : i32
    %sign3A_79 = arith.extui %sign3A_78 : i1 to i32
    %sign3A_80 = arith.subi %sign3A_76, %sign3A_79 : i32
    %ne3A_81 = arith.cmpi ne, %sign3A_73, %sign3A_80 : i32
    %rem3A_82 = arith.remsi %add3A_64, %jit3A_65 : i32
    %ne3A_83 = arith.constant 0 : i32
    %ne3A_84 = arith.cmpi ne, %rem3A_82, %ne3A_83 : i32
    %and3A_85 = arith.andi %ne3A_81, %ne3A_84 : i1
    %sub3A_86 = arith.constant 1 : i32
    %sub3A_87 = arith.subi %div3A_66, %sub3A_86 : i32
    %select_n3A_88 = arith.select %and3A_85, %sub3A_87, %div3A_66 : i32
    %add3A_89 = arith.constant 40 : i32
    %add3A_90 = arith.addi %select_n3A_88, %add3A_89 : i32
    %multiple_of3A_91 = tpu.assume_multiple %add3A_90, 8 : i32
    "tpu.region"() ({
      %run_scoped3A_134 = tpu.sem_alloc : memref<!tpu.dma_semaphore, #tpu.memory_space<semaphore_mem>>
      %dma_start3A_135 = arith.constant 0 : i32
      %dma_start3A_136 = tpu.memref_slice %arg3[%multiple_of3A_91, %dma_start3A_135] : memref<2560x128xi32, #tpu.memory_space<hbm>> -> memref<40x128xi32, #tpu.memory_space<hbm>>
      %dma_start3A_137 = arith.constant 0 : i32
      %dma_start3A_138 = tpu.memref_slice %arg3[%multiple_of3A_91, %dma_start3A_137] : memref<2560x128xi32, #tpu.memory_space<hbm>> -> memref<40x128xi32, #tpu.memory_space<hbm>>
      tpu.enqueue_dma source(%dma_start3A_138 : memref<40x128xi32, #tpu.memory_space<hbm>>) target(%arg7 : memref<40x128xi32, #tpu.memory_space<vmem>>) target_semaphore(%run_scoped3A_134 : memref<!tpu.dma_semaphore, #tpu.memory_space<semaphore_mem>>)
      %dma_wait3A_139 = arith.constant 0 : i32
      %dma_wait3A_140 = tpu.memref_slice %arg3[%multiple_of3A_91, %dma_wait3A_139] : memref<2560x128xi32, #tpu.memory_space<hbm>> -> memref<40x128xi32, #tpu.memory_space<hbm>>
      %dma_wait3A_141 = arith.constant 0 : i32
      %dma_wait3A_142 = tpu.memref_slice %arg3[%multiple_of3A_91, %dma_wait3A_141] : memref<2560x128xi32, #tpu.memory_space<hbm>> -> memref<40x128xi32, #tpu.memory_space<hbm>>
      tpu.wait_dma2 semaphore(%run_scoped3A_134 : memref<!tpu.dma_semaphore, #tpu.memory_space<semaphore_mem>>) src(%dma_wait3A_142 : memref<40x128xi32, #tpu.memory_space<hbm>>) dst(%arg7 : memref<40x128xi32, #tpu.memory_space<vmem>>)
      tpu.yield
    }) : () -> ()
    %mul3A_92 = arith.constant 80 : i32
    %mul3A_93 = arith.muli %arg1, %mul3A_92 : i32
    %add3A_94 = arith.constant 40 : i32
    %add3A_95 = arith.addi %mul3A_93, %add3A_94 : i32
    %multiple_of3A_96 = tpu.assume_multiple %add3A_95, 8 : i32
    "tpu.region"() ({
      %run_scoped3A_134 = tpu.sem_alloc : memref<!tpu.dma_semaphore, #tpu.memory_space<semaphore_mem>>
      %dma_start3A_135 = arith.constant 0 : i32
      %dma_start3A_136 = tpu.memref_slice %arg4[%multiple_of3A_96, %dma_start3A_135] : memref<1280x128xi32, #tpu.memory_space<hbm>> -> memref<40x128xi32, #tpu.memory_space<hbm>>
      %dma_start3A_137 = arith.constant 0 : i32
      %dma_start3A_138 = tpu.memref_slice %arg4[%multiple_of3A_96, %dma_start3A_137] : memref<1280x128xi32, #tpu.memory_space<hbm>> -> memref<40x128xi32, #tpu.memory_space<hbm>>
      tpu.enqueue_dma source(%dma_start3A_138 : memref<40x128xi32, #tpu.memory_space<hbm>>) target(%arg8 : memref<40x128xi32, #tpu.memory_space<vmem>>) target_semaphore(%run_scoped3A_134 : memref<!tpu.dma_semaphore, #tpu.memory_space<semaphore_mem>>)
      %dma_wait3A_139 = arith.constant 0 : i32
      %dma_wait3A_140 = tpu.memref_slice %arg4[%multiple_of3A_96, %dma_wait3A_139] : memref<1280x128xi32, #tpu.memory_space<hbm>> -> memref<40x128xi32, #tpu.memory_space<hbm>>
      %dma_wait3A_141 = arith.constant 0 : i32
      %dma_wait3A_142 = tpu.memref_slice %arg4[%multiple_of3A_96, %dma_wait3A_141] : memref<1280x128xi32, #tpu.memory_space<hbm>> -> memref<40x128xi32, #tpu.memory_space<hbm>>
      tpu.wait_dma2 semaphore(%run_scoped3A_134 : memref<!tpu.dma_semaphore, #tpu.memory_space<semaphore_mem>>) src(%dma_wait3A_142 : memref<40x128xi32, #tpu.memory_space<hbm>>) dst(%arg8 : memref<40x128xi32, #tpu.memory_space<vmem>>)
      tpu.yield
    }) : () -> ()
    %dma_start3A_97 = arith.constant 0 : i32
    %dma_start3A_98 = arith.constant 0 : i32
    %dma_start3A_99 = tpu.memref_slice %arg7[%dma_start3A_97, %dma_start3A_98] : memref<40x128xi32, #tpu.memory_space<vmem>> -> memref<1x128xi32, #tpu.memory_space<vmem>>
    %dma_start3A_100 = tpu.memref_squeeze %dma_start3A_99 : memref<1x128xi32, #tpu.memory_space<vmem>> -> memref<128xi32, #tpu.memory_space<vmem>>
    %dma_start3A_101 = arith.constant 0 : i32
    %dma_start3A_102 = arith.constant 0 : i32
    %dma_start3A_103 = tpu.memref_slice %arg2[%dma_start3A_101, %dma_start3A_102] : memref<10240x128xf32, #tpu.memory_space<hbm>> -> memref<10240x128xf32, #tpu.memory_space<hbm>>
    tpu.enqueue_indirect_dma source(%dma_start3A_103 : memref<10240x128xf32, #tpu.memory_space<hbm>>) target(%arg9 : memref<128x128xf32, #tpu.memory_space<vmem>>) offsets(%dma_start3A_100 : memref<128xi32, #tpu.memory_space<vmem>>) semaphore(%arg12 : memref<!tpu.dma_semaphore, #tpu.memory_space<semaphore_mem>>)
    %scan3A_104 = arith.constant 0 : i32
    %scan3A_105 = arith.constant 0 : i32
    %scan3A_106 = arith.constant 19 : i32
    %scan3A_107 = arith.addi %scan3A_105, %scan3A_106 : i32
    %scan3A_108 = arith.constant 1 : i32
    scf.for %scan3A_134 = %scan3A_105 to %scan3A_107 step %scan3A_108  : i32 {
      %mul3A_135 = arith.constant 2 : i32
      %mul3A_136 = arith.muli %scan3A_134, %mul3A_135 : i32
      %add3A_137 = arith.constant 0 : i32
      %add3A_138 = arith.addi %mul3A_136, %add3A_137 : i32
      %add3A_139 = arith.constant 2 : i32
      %add3A_140 = arith.addi %add3A_138, %add3A_139 : i32
      %sub3A_141 = arith.constant 1 : i32
      %sub3A_142 = arith.subi %add3A_140, %sub3A_141 : i32
      %dma_start3A_143 = arith.constant 0 : i32
      %dma_start3A_144 = tpu.memref_slice %arg7[%sub3A_142, %dma_start3A_143] : memref<40x128xi32, #tpu.memory_space<vmem>> -> memref<1x128xi32, #tpu.memory_space<vmem>>
      %dma_start3A_145 = tpu.memref_squeeze %dma_start3A_144 : memref<1x128xi32, #tpu.memory_space<vmem>> -> memref<128xi32, #tpu.memory_space<vmem>>
      %dma_start3A_146 = arith.constant 0 : i32
      %dma_start3A_147 = arith.constant 0 : i32
      %dma_start3A_148 = tpu.memref_slice %arg2[%dma_start3A_146, %dma_start3A_147] : memref<10240x128xf32, #tpu.memory_space<hbm>> -> memref<10240x128xf32, #tpu.memory_space<hbm>>
      tpu.enqueue_indirect_dma source(%dma_start3A_148 : memref<10240x128xf32, #tpu.memory_space<hbm>>) target(%arg10 : memref<128x128xf32, #tpu.memory_space<vmem>>) offsets(%dma_start3A_145 : memref<128xi32, #tpu.memory_space<vmem>>) semaphore(%arg13 : memref<!tpu.dma_semaphore, #tpu.memory_space<semaphore_mem>>)
      %dma_wait3A_149 = arith.constant 0 : i32
      %dma_wait3A_150 = arith.constant 0 : i32
      %dma_wait3A_151 = tpu.memref_slice %arg7[%dma_wait3A_149, %dma_wait3A_150] : memref<40x128xi32, #tpu.memory_space<vmem>> -> memref<1x128xi32, #tpu.memory_space<vmem>>
      %dma_wait3A_152 = tpu.memref_squeeze %dma_wait3A_151 : memref<1x128xi32, #tpu.memory_space<vmem>> -> memref<128xi32, #tpu.memory_space<vmem>>
      %dma_wait3A_153 = arith.constant 0 : i32
      %dma_wait3A_154 = arith.constant 0 : i32
      %dma_wait3A_155 = tpu.memref_slice %arg2[%dma_wait3A_153, %dma_wait3A_154] : memref<10240x128xf32, #tpu.memory_space<hbm>> -> memref<10240x128xf32, #tpu.memory_space<hbm>>
      tpu.wait_indirect_dma semaphore(%arg12 : memref<!tpu.dma_semaphore, #tpu.memory_space<semaphore_mem>>) src(%dma_wait3A_155 : memref<10240x128xf32, #tpu.memory_space<hbm>>) dst(%arg9 : memref<128x128xf32, #tpu.memory_space<vmem>>)
      %add3A_156 = arith.constant 0 : i32
      %add3A_157 = arith.addi %mul3A_136, %add3A_156 : i32
      "tpu.region"() ({
        %run_scoped3A_179 = tpu.sem_alloc : memref<!tpu.dma_semaphore, #tpu.memory_space<semaphore_mem>>
        %dma_start3A_180 = arith.constant 0 : i32
        %dma_start3A_181 = tpu.memref_slice %arg8[%add3A_157, %dma_start3A_180] : memref<40x128xi32, #tpu.memory_space<vmem>> -> memref<1x128xi32, #tpu.memory_space<vmem>>
        %dma_start3A_182 = tpu.memref_squeeze %dma_start3A_181 : memref<1x128xi32, #tpu.memory_space<vmem>> -> memref<128xi32, #tpu.memory_space<vmem>>
        %dma_start3A_183 = arith.constant 0 : i32
        %dma_start3A_184 = arith.constant 0 : i32
        %dma_start3A_185 = tpu.memref_slice %arg11[%dma_start3A_183, %dma_start3A_184] : memref<10240x128xf32, #tpu.memory_space<vmem_shared>> -> memref<10240x128xf32, #tpu.memory_space<vmem_shared>>
        tpu.enqueue_indirect_dma source(%arg9 : memref<128x128xf32, #tpu.memory_space<vmem>>) target(%dma_start3A_185 : memref<10240x128xf32, #tpu.memory_space<vmem_shared>>) offsets(%dma_start3A_182 : memref<128xi32, #tpu.memory_space<vmem>>) semaphore(%run_scoped3A_179 : memref<!tpu.dma_semaphore, #tpu.memory_space<semaphore_mem>>) {add = true}
        %dma_wait3A_186 = arith.constant 0 : i32
        %dma_wait3A_187 = tpu.memref_slice %arg8[%add3A_157, %dma_wait3A_186] : memref<40x128xi32, #tpu.memory_space<vmem>> -> memref<1x128xi32, #tpu.memory_space<vmem>>
        %dma_wait3A_188 = tpu.memref_squeeze %dma_wait3A_187 : memref<1x128xi32, #tpu.memory_space<vmem>> -> memref<128xi32, #tpu.memory_space<vmem>>
        %dma_wait3A_189 = arith.constant 0 : i32
        %dma_wait3A_190 = arith.constant 0 : i32
        %dma_wait3A_191 = tpu.memref_slice %arg11[%dma_wait3A_189, %dma_wait3A_190] : memref<10240x128xf32, #tpu.memory_space<vmem_shared>> -> memref<10240x128xf32, #tpu.memory_space<vmem_shared>>
        tpu.wait_indirect_dma semaphore(%run_scoped3A_179 : memref<!tpu.dma_semaphore, #tpu.memory_space<semaphore_mem>>) src(%arg9 : memref<128x128xf32, #tpu.memory_space<vmem>>) dst(%dma_wait3A_191 : memref<10240x128xf32, #tpu.memory_space<vmem_shared>>)
        tpu.yield
      }) : () -> ()
      %add3A_158 = arith.constant 1 : i32
      %add3A_159 = arith.addi %mul3A_136, %add3A_158 : i32
      %add3A_160 = arith.constant 2 : i32
      %add3A_161 = arith.addi %add3A_159, %add3A_160 : i32
      %sub3A_162 = arith.constant 1 : i32
      %sub3A_163 = arith.subi %add3A_161, %sub3A_162 : i32
      %dma_start3A_164 = arith.constant 0 : i32
      %dma_start3A_165 = tpu.memref_slice %arg7[%sub3A_163, %dma_start3A_164] : memref<40x128xi32, #tpu.memory_space<vmem>> -> memref<1x128xi32, #tpu.memory_space<vmem>>
      %dma_start3A_166 = tpu.memref_squeeze %dma_start3A_165 : memref<1x128xi32, #tpu.memory_space<vmem>> -> memref<128xi32, #tpu.memory_space<vmem>>
      %dma_start3A_167 = arith.constant 0 : i32
      %dma_start3A_168 = arith.constant 0 : i32
      %dma_start3A_169 = tpu.memref_slice %arg2[%dma_start3A_167, %dma_start3A_168] : memref<10240x128xf32, #tpu.memory_space<hbm>> -> memref<10240x128xf32, #tpu.memory_space<hbm>>
      tpu.enqueue_indirect_dma source(%dma_start3A_169 : memref<10240x128xf32, #tpu.memory_space<hbm>>) target(%arg9 : memref<128x128xf32, #tpu.memory_space<vmem>>) offsets(%dma_start3A_166 : memref<128xi32, #tpu.memory_space<vmem>>) semaphore(%arg12 : memref<!tpu.dma_semaphore, #tpu.memory_space<semaphore_mem>>)
      %dma_wait3A_170 = arith.constant 0 : i32
      %dma_wait3A_171 = arith.constant 0 : i32
      %dma_wait3A_172 = tpu.memref_slice %arg7[%dma_wait3A_170, %dma_wait3A_171] : memref<40x128xi32, #tpu.memory_space<vmem>> -> memref<1x128xi32, #tpu.memory_space<vmem>>
      %dma_wait3A_173 = tpu.memref_squeeze %dma_wait3A_172 : memref<1x128xi32, #tpu.memory_space<vmem>> -> memref<128xi32, #tpu.memory_space<vmem>>
      %dma_wait3A_174 = arith.constant 0 : i32
      %dma_wait3A_175 = arith.constant 0 : i32
      %dma_wait3A_176 = tpu.memref_slice %arg2[%dma_wait3A_174, %dma_wait3A_175] : memref<10240x128xf32, #tpu.memory_space<hbm>> -> memref<10240x128xf32, #tpu.memory_space<hbm>>
      tpu.wait_indirect_dma semaphore(%arg13 : memref<!tpu.dma_semaphore, #tpu.memory_space<semaphore_mem>>) src(%dma_wait3A_176 : memref<10240x128xf32, #tpu.memory_space<hbm>>) dst(%arg10 : memref<128x128xf32, #tpu.memory_space<vmem>>)
      %add3A_177 = arith.constant 1 : i32
      %add3A_178 = arith.addi %mul3A_136, %add3A_177 : i32
      "tpu.region"() ({
        %run_scoped3A_179 = tpu.sem_alloc : memref<!tpu.dma_semaphore, #tpu.memory_space<semaphore_mem>>
        %dma_start3A_180 = arith.constant 0 : i32
        %dma_start3A_181 = tpu.memref_slice %arg8[%add3A_178, %dma_start3A_180] : memref<40x128xi32, #tpu.memory_space<vmem>> -> memref<1x128xi32, #tpu.memory_space<vmem>>
        %dma_start3A_182 = tpu.memref_squeeze %dma_start3A_181 : memref<1x128xi32, #tpu.memory_space<vmem>> -> memref<128xi32, #tpu.memory_space<vmem>>
        %dma_start3A_183 = arith.constant 0 : i32
        %dma_start3A_184 = arith.constant 0 : i32
        %dma_start3A_185 = tpu.memref_slice %arg11[%dma_start3A_183, %dma_start3A_184] : memref<10240x128xf32, #tpu.memory_space<vmem_shared>> -> memref<10240x128xf32, #tpu.memory_space<vmem_shared>>
        tpu.enqueue_indirect_dma source(%arg10 : memref<128x128xf32, #tpu.memory_space<vmem>>) target(%dma_start3A_185 : memref<10240x128xf32, #tpu.memory_space<vmem_shared>>) offsets(%dma_start3A_182 : memref<128xi32, #tpu.memory_space<vmem>>) semaphore(%run_scoped3A_179 : memref<!tpu.dma_semaphore, #tpu.memory_space<semaphore_mem>>) {add = true}
        %dma_wait3A_186 = arith.constant 0 : i32
        %dma_wait3A_187 = tpu.memref_slice %arg8[%add3A_178, %dma_wait3A_186] : memref<40x128xi32, #tpu.memory_space<vmem>> -> memref<1x128xi32, #tpu.memory_space<vmem>>
        %dma_wait3A_188 = tpu.memref_squeeze %dma_wait3A_187 : memref<1x128xi32, #tpu.memory_space<vmem>> -> memref<128xi32, #tpu.memory_space<vmem>>
        %dma_wait3A_189 = arith.constant 0 : i32
        %dma_wait3A_190 = arith.constant 0 : i32
        %dma_wait3A_191 = tpu.memref_slice %arg11[%dma_wait3A_189, %dma_wait3A_190] : memref<10240x128xf32, #tpu.memory_space<vmem_shared>> -> memref<10240x128xf32, #tpu.memory_space<vmem_shared>>
        tpu.wait_indirect_dma semaphore(%run_scoped3A_179 : memref<!tpu.dma_semaphore, #tpu.memory_space<semaphore_mem>>) src(%arg10 : memref<128x128xf32, #tpu.memory_space<vmem>>) dst(%dma_wait3A_191 : memref<10240x128xf32, #tpu.memory_space<vmem_shared>>)
        tpu.yield
      }) : () -> ()
    }
    %scan3A_109 = arith.constant 19 : i32
    %dma_start3A_110 = arith.constant 39 : i32
    %dma_start3A_111 = arith.constant 0 : i32
    %dma_start3A_112 = tpu.memref_slice %arg7[%dma_start3A_110, %dma_start3A_111] : memref<40x128xi32, #tpu.memory_space<vmem>> -> memref<1x128xi32, #tpu.memory_space<vmem>>
    %dma_start3A_113 = tpu.memref_squeeze %dma_start3A_112 : memref<1x128xi32, #tpu.memory_space<vmem>> -> memref<128xi32, #tpu.memory_space<vmem>>
    %dma_start3A_114 = arith.constant 0 : i32
    %dma_start3A_115 = arith.constant 0 : i32
    %dma_start3A_116 = tpu.memref_slice %arg2[%dma_start3A_114, %dma_start3A_115] : memref<10240x128xf32, #tpu.memory_space<hbm>> -> memref<10240x128xf32, #tpu.memory_space<hbm>>
    tpu.enqueue_indirect_dma source(%dma_start3A_116 : memref<10240x128xf32, #tpu.memory_space<hbm>>) target(%arg10 : memref<128x128xf32, #tpu.memory_space<vmem>>) offsets(%dma_start3A_113 : memref<128xi32, #tpu.memory_space<vmem>>) semaphore(%arg13 : memref<!tpu.dma_semaphore, #tpu.memory_space<semaphore_mem>>)
    %dma_wait3A_117 = arith.constant 0 : i32
    %dma_wait3A_118 = arith.constant 0 : i32
    %dma_wait3A_119 = tpu.memref_slice %arg7[%dma_wait3A_117, %dma_wait3A_118] : memref<40x128xi32, #tpu.memory_space<vmem>> -> memref<1x128xi32, #tpu.memory_space<vmem>>
    %dma_wait3A_120 = tpu.memref_squeeze %dma_wait3A_119 : memref<1x128xi32, #tpu.memory_space<vmem>> -> memref<128xi32, #tpu.memory_space<vmem>>
    %dma_wait3A_121 = arith.constant 0 : i32
    %dma_wait3A_122 = arith.constant 0 : i32
    %dma_wait3A_123 = tpu.memref_slice %arg2[%dma_wait3A_121, %dma_wait3A_122] : memref<10240x128xf32, #tpu.memory_space<hbm>> -> memref<10240x128xf32, #tpu.memory_space<hbm>>
    tpu.wait_indirect_dma semaphore(%arg12 : memref<!tpu.dma_semaphore, #tpu.memory_space<semaphore_mem>>) src(%dma_wait3A_123 : memref<10240x128xf32, #tpu.memory_space<hbm>>) dst(%arg9 : memref<128x128xf32, #tpu.memory_space<vmem>>)
    %run_scoped3A_124 = arith.constant 38 : i32
    "tpu.region"() ({
      %run_scoped3A_134 = tpu.sem_alloc : memref<!tpu.dma_semaphore, #tpu.memory_space<semaphore_mem>>
      %dma_start3A_135 = arith.constant 0 : i32
      %dma_start3A_136 = tpu.memref_slice %arg8[%run_scoped3A_124, %dma_start3A_135] : memref<40x128xi32, #tpu.memory_space<vmem>> -> memref<1x128xi32, #tpu.memory_space<vmem>>
      %dma_start3A_137 = tpu.memref_squeeze %dma_start3A_136 : memref<1x128xi32, #tpu.memory_space<vmem>> -> memref<128xi32, #tpu.memory_space<vmem>>
      %dma_start3A_138 = arith.constant 0 : i32
      %dma_start3A_139 = arith.constant 0 : i32
      %dma_start3A_140 = tpu.memref_slice %arg11[%dma_start3A_138, %dma_start3A_139] : memref<10240x128xf32, #tpu.memory_space<vmem_shared>> -> memref<10240x128xf32, #tpu.memory_space<vmem_shared>>
      tpu.enqueue_indirect_dma source(%arg9 : memref<128x128xf32, #tpu.memory_space<vmem>>) target(%dma_start3A_140 : memref<10240x128xf32, #tpu.memory_space<vmem_shared>>) offsets(%dma_start3A_137 : memref<128xi32, #tpu.memory_space<vmem>>) semaphore(%run_scoped3A_134 : memref<!tpu.dma_semaphore, #tpu.memory_space<semaphore_mem>>) {add = true}
      %dma_wait3A_141 = arith.constant 0 : i32
      %dma_wait3A_142 = tpu.memref_slice %arg8[%run_scoped3A_124, %dma_wait3A_141] : memref<40x128xi32, #tpu.memory_space<vmem>> -> memref<1x128xi32, #tpu.memory_space<vmem>>
      %dma_wait3A_143 = tpu.memref_squeeze %dma_wait3A_142 : memref<1x128xi32, #tpu.memory_space<vmem>> -> memref<128xi32, #tpu.memory_space<vmem>>
      %dma_wait3A_144 = arith.constant 0 : i32
      %dma_wait3A_145 = arith.constant 0 : i32
      %dma_wait3A_146 = tpu.memref_slice %arg11[%dma_wait3A_144, %dma_wait3A_145] : memref<10240x128xf32, #tpu.memory_space<vmem_shared>> -> memref<10240x128xf32, #tpu.memory_space<vmem_shared>>
      tpu.wait_indirect_dma semaphore(%run_scoped3A_134 : memref<!tpu.dma_semaphore, #tpu.memory_space<semaphore_mem>>) src(%arg9 : memref<128x128xf32, #tpu.memory_space<vmem>>) dst(%dma_wait3A_146 : memref<10240x128xf32, #tpu.memory_space<vmem_shared>>)
      tpu.yield
    }) : () -> ()
    %dma_wait3A_125 = arith.constant 0 : i32
    %dma_wait3A_126 = arith.constant 0 : i32
    %dma_wait3A_127 = tpu.memref_slice %arg7[%dma_wait3A_125, %dma_wait3A_126] : memref<40x128xi32, #tpu.memory_space<vmem>> -> memref<1x128xi32, #tpu.memory_space<vmem>>
    %dma_wait3A_128 = tpu.memref_squeeze %dma_wait3A_127 : memref<1x128xi32, #tpu.memory_space<vmem>> -> memref<128xi32, #tpu.memory_space<vmem>>
    %dma_wait3A_129 = arith.constant 0 : i32
    %dma_wait3A_130 = arith.constant 0 : i32
    %dma_wait3A_131 = tpu.memref_slice %arg2[%dma_wait3A_129, %dma_wait3A_130] : memref<10240x128xf32, #tpu.memory_space<hbm>> -> memref<10240x128xf32, #tpu.memory_space<hbm>>
    tpu.wait_indirect_dma semaphore(%arg13 : memref<!tpu.dma_semaphore, #tpu.memory_space<semaphore_mem>>) src(%dma_wait3A_131 : memref<10240x128xf32, #tpu.memory_space<hbm>>) dst(%arg10 : memref<128x128xf32, #tpu.memory_space<vmem>>)
    %run_scoped3A_132 = arith.constant 39 : i32
    "tpu.region"() ({
      %run_scoped3A_134 = tpu.sem_alloc : memref<!tpu.dma_semaphore, #tpu.memory_space<semaphore_mem>>
      %dma_start3A_135 = arith.constant 0 : i32
      %dma_start3A_136 = tpu.memref_slice %arg8[%run_scoped3A_132, %dma_start3A_135] : memref<40x128xi32, #tpu.memory_space<vmem>> -> memref<1x128xi32, #tpu.memory_space<vmem>>
      %dma_start3A_137 = tpu.memref_squeeze %dma_start3A_136 : memref<1x128xi32, #tpu.memory_space<vmem>> -> memref<128xi32, #tpu.memory_space<vmem>>
      %dma_start3A_138 = arith.constant 0 : i32
      %dma_start3A_139 = arith.constant 0 : i32
      %dma_start3A_140 = tpu.memref_slice %arg11[%dma_start3A_138, %dma_start3A_139] : memref<10240x128xf32, #tpu.memory_space<vmem_shared>> -> memref<10240x128xf32, #tpu.memory_space<vmem_shared>>
      tpu.enqueue_indirect_dma source(%arg10 : memref<128x128xf32, #tpu.memory_space<vmem>>) target(%dma_start3A_140 : memref<10240x128xf32, #tpu.memory_space<vmem_shared>>) offsets(%dma_start3A_137 : memref<128xi32, #tpu.memory_space<vmem>>) semaphore(%run_scoped3A_134 : memref<!tpu.dma_semaphore, #tpu.memory_space<semaphore_mem>>) {add = true}
      %dma_wait3A_141 = arith.constant 0 : i32
      %dma_wait3A_142 = tpu.memref_slice %arg8[%run_scoped3A_132, %dma_wait3A_141] : memref<40x128xi32, #tpu.memory_space<vmem>> -> memref<1x128xi32, #tpu.memory_space<vmem>>
      %dma_wait3A_143 = tpu.memref_squeeze %dma_wait3A_142 : memref<1x128xi32, #tpu.memory_space<vmem>> -> memref<128xi32, #tpu.memory_space<vmem>>
      %dma_wait3A_144 = arith.constant 0 : i32
      %dma_wait3A_145 = arith.constant 0 : i32
      %dma_wait3A_146 = tpu.memref_slice %arg11[%dma_wait3A_144, %dma_wait3A_145] : memref<10240x128xf32, #tpu.memory_space<vmem_shared>> -> memref<10240x128xf32, #tpu.memory_space<vmem_shared>>
      tpu.wait_indirect_dma semaphore(%run_scoped3A_134 : memref<!tpu.dma_semaphore, #tpu.memory_space<semaphore_mem>>) src(%arg10 : memref<128x128xf32, #tpu.memory_space<vmem>>) dst(%dma_wait3A_146 : memref<10240x128xf32, #tpu.memory_space<vmem_shared>>)
      tpu.yield
    }) : () -> ()
    %barrier3A_133 = arith.constant 0 : index
    tpu.barrier barrier_id(%barrier3A_133)
    "tpu.region"() ({
      %run_scoped3A_134 = tpu.sem_alloc : memref<!tpu.dma_semaphore, #tpu.memory_space<semaphore_mem>>
      %dma_start3A_135 = arith.constant 0 : i32
      %dma_start3A_136 = tpu.memref_slice %arg6[%arg0, %mul3A_0, %dma_start3A_135] : memref<2x10240x128xf32, #tpu.memory_space<hbm>> -> memref<1x640x128xf32, #tpu.memory_space<hbm>>
      %dma_start3A_137 = tpu.memref_squeeze %dma_start3A_136 : memref<1x640x128xf32, #tpu.memory_space<hbm>> -> memref<640x128xf32, #tpu.memory_space<hbm>>
      %dma_start3A_138 = arith.constant 0 : i32
      %dma_start3A_139 = tpu.memref_slice %arg11[%mul3A_0, %dma_start3A_138] : memref<10240x128xf32, #tpu.memory_space<vmem_shared>> -> memref<640x128xf32, #tpu.memory_space<vmem_shared>>
      tpu.enqueue_dma source(%dma_start3A_139 : memref<640x128xf32, #tpu.memory_space<vmem_shared>>) target(%dma_start3A_137 : memref<640x128xf32, #tpu.memory_space<hbm>>) target_semaphore(%run_scoped3A_134 : memref<!tpu.dma_semaphore, #tpu.memory_space<semaphore_mem>>)
      %dma_wait3A_140 = arith.constant 0 : i32
      %dma_wait3A_141 = tpu.memref_slice %arg6[%arg0, %mul3A_0, %dma_wait3A_140] : memref<2x10240x128xf32, #tpu.memory_space<hbm>> -> memref<1x640x128xf32, #tpu.memory_space<hbm>>
      %dma_wait3A_142 = tpu.memref_squeeze %dma_wait3A_141 : memref<1x640x128xf32, #tpu.memory_space<hbm>> -> memref<640x128xf32, #tpu.memory_space<hbm>>
      %dma_wait3A_143 = arith.constant 0 : i32
      %dma_wait3A_144 = tpu.memref_slice %arg11[%mul3A_0, %dma_wait3A_143] : memref<10240x128xf32, #tpu.memory_space<vmem_shared>> -> memref<640x128xf32, #tpu.memory_space<vmem_shared>>
      tpu.wait_dma2 semaphore(%run_scoped3A_134 : memref<!tpu.dma_semaphore, #tpu.memory_space<semaphore_mem>>) src(%dma_wait3A_144 : memref<640x128xf32, #tpu.memory_space<vmem_shared>>) dst(%dma_wait3A_142 : memref<640x128xf32, #tpu.memory_space<hbm>>)
      tpu.yield
    }) : () -> ()
    return
  }
}

#map = affine_map<(d0, d1) -> (0, 0)>
#map1 = affine_map<(d0, d1) -> (0, 0, 0)>
module attributes {stable_mosaic.version = 14 : i64} {
  func.func @body(%arg0: i32, %arg1: i32, %arg2: memref<20480x128xf32, #tpu.memory_space<hbm>>, %arg3: memref<2560x128xi32, #tpu.memory_space<hbm>>, %arg4: memref<1280x128xi32, #tpu.memory_space<hbm>>, %arg5: memref<5120x128xf32, #tpu.memory_space<hbm>>, %arg6: memref<2x5120x128xf32, #tpu.memory_space<hbm>>, %arg7: memref<40x128xi32, #tpu.memory_space<vmem>>, %arg8: memref<40x128xi32, #tpu.memory_space<vmem>>, %arg9: memref<128x128xf32, #tpu.memory_space<vmem>>, %arg10: memref<128x128xf32, #tpu.memory_space<vmem>>, %arg11: memref<5120x128xf32, #tpu.memory_space<vmem_shared>>, %arg12: memref<!tpu.dma_semaphore, #tpu.memory_space<semaphore_mem>>, %arg13: memref<!tpu.dma_semaphore, #tpu.memory_space<semaphore_mem>>) attributes {dimension_semantics = [#tpu.dimension_semantics<core_parallel>, #tpu.dimension_semantics<subcore_parallel>], iteration_bounds = array<i64: 2, 16>, scalar_prefetch = 0 : i64, scratch_operands = 7 : i64, tpu.core_type = #tpu.core_type<sc_vector_subcore>, window_params = [{transform_indices = #map}, {transform_indices = #map}, {transform_indices = #map}, {transform_indices = #map}, {transform_indices = #map1}]} {
    %mul3A = arith.constant 320 : i32
    %mul3A_0 = arith.muli %arg1, %mul3A : i32
    "tpu.region"() ({
      %run_scoped3A_134 = tpu.sem_alloc : memref<!tpu.dma_semaphore, #tpu.memory_space<semaphore_mem>>
      %dma_start3A_135 = arith.constant 0 : i32
      %dma_start3A_136 = tpu.memref_slice %arg11[%mul3A_0, %dma_start3A_135] : memref<5120x128xf32, #tpu.memory_space<vmem_shared>> -> memref<320x128xf32, #tpu.memory_space<vmem_shared>>
      %dma_start3A_137 = arith.constant 0 : i32
      %dma_start3A_138 = tpu.memref_slice %arg5[%mul3A_0, %dma_start3A_137] : memref<5120x128xf32, #tpu.memory_space<hbm>> -> memref<320x128xf32, #tpu.memory_space<hbm>>
      tpu.enqueue_dma source(%dma_start3A_138 : memref<320x128xf32, #tpu.memory_space<hbm>>) target(%dma_start3A_136 : memref<320x128xf32, #tpu.memory_space<vmem_shared>>) target_semaphore(%run_scoped3A_134 : memref<!tpu.dma_semaphore, #tpu.memory_space<semaphore_mem>>)
      %dma_wait3A_139 = arith.constant 0 : i32
      %dma_wait3A_140 = tpu.memref_slice %arg11[%mul3A_0, %dma_wait3A_139] : memref<5120x128xf32, #tpu.memory_space<vmem_shared>> -> memref<320x128xf32, #tpu.memory_space<vmem_shared>>
      %dma_wait3A_141 = arith.constant 0 : i32
      %dma_wait3A_142 = tpu.memref_slice %arg5[%mul3A_0, %dma_wait3A_141] : memref<5120x128xf32, #tpu.memory_space<hbm>> -> memref<320x128xf32, #tpu.memory_space<hbm>>
      tpu.wait_dma2 semaphore(%run_scoped3A_134 : memref<!tpu.dma_semaphore, #tpu.memory_space<semaphore_mem>>) src(%dma_wait3A_142 : memref<320x128xf32, #tpu.memory_space<hbm>>) dst(%dma_wait3A_140 : memref<320x128xf32, #tpu.memory_space<vmem_shared>>)
      tpu.yield
    }) : () -> ()
    %barrier3A = arith.constant 0 : index
    tpu.barrier barrier_id(%barrier3A)
    %mul3A_1 = arith.constant 163840 : i32
    %mul3A_2 = arith.muli %arg0, %mul3A_1 : i32
    %mul3A_3 = arith.constant 10240 : i32
    %mul3A_4 = arith.muli %arg1, %mul3A_3 : i32
    %add3A = arith.addi %mul3A_2, %mul3A_4 : i32
    %jit3A = arith.constant 128 : i32
    %div3A = arith.divsi %add3A, %jit3A : i32
    %sign3A = arith.constant 0 : i32
    %sign3A_5 = arith.cmpi sgt, %add3A, %sign3A : i32
    %sign3A_6 = arith.extui %sign3A_5 : i1 to i32
    %sign3A_7 = arith.constant 0 : i32
    %sign3A_8 = arith.cmpi slt, %add3A, %sign3A_7 : i32
    %sign3A_9 = arith.extui %sign3A_8 : i1 to i32
    %sign3A_10 = arith.subi %sign3A_6, %sign3A_9 : i32
    %sign3A_11 = arith.constant 0 : i32
    %sign3A_12 = arith.cmpi sgt, %jit3A, %sign3A_11 : i32
    %sign3A_13 = arith.extui %sign3A_12 : i1 to i32
    %sign3A_14 = arith.constant 0 : i32
    %sign3A_15 = arith.cmpi slt, %jit3A, %sign3A_14 : i32
    %sign3A_16 = arith.extui %sign3A_15 : i1 to i32
    %sign3A_17 = arith.subi %sign3A_13, %sign3A_16 : i32
    %ne3A = arith.cmpi ne, %sign3A_10, %sign3A_17 : i32
    %rem3A = arith.remsi %add3A, %jit3A : i32
    %ne3A_18 = arith.constant 0 : i32
    %ne3A_19 = arith.cmpi ne, %rem3A, %ne3A_18 : i32
    %and3A = arith.andi %ne3A, %ne3A_19 : i1
    %sub3A = arith.constant 1 : i32
    %sub3A_20 = arith.subi %div3A, %sub3A : i32
    %select_n3A = arith.select %and3A, %sub3A_20, %div3A : i32
    %add3A_21 = arith.constant 0 : i32
    %add3A_22 = arith.addi %select_n3A, %add3A_21 : i32
    %multiple_of3A = tpu.assume_multiple %add3A_22, 8 : i32
    "tpu.region"() ({
      %run_scoped3A_134 = tpu.sem_alloc : memref<!tpu.dma_semaphore, #tpu.memory_space<semaphore_mem>>
      %dma_start3A_135 = arith.constant 0 : i32
      %dma_start3A_136 = tpu.memref_slice %arg3[%multiple_of3A, %dma_start3A_135] : memref<2560x128xi32, #tpu.memory_space<hbm>> -> memref<40x128xi32, #tpu.memory_space<hbm>>
      %dma_start3A_137 = arith.constant 0 : i32
      %dma_start3A_138 = tpu.memref_slice %arg3[%multiple_of3A, %dma_start3A_137] : memref<2560x128xi32, #tpu.memory_space<hbm>> -> memref<40x128xi32, #tpu.memory_space<hbm>>
      tpu.enqueue_dma source(%dma_start3A_138 : memref<40x128xi32, #tpu.memory_space<hbm>>) target(%arg7 : memref<40x128xi32, #tpu.memory_space<vmem>>) target_semaphore(%run_scoped3A_134 : memref<!tpu.dma_semaphore, #tpu.memory_space<semaphore_mem>>)
      %dma_wait3A_139 = arith.constant 0 : i32
      %dma_wait3A_140 = tpu.memref_slice %arg3[%multiple_of3A, %dma_wait3A_139] : memref<2560x128xi32, #tpu.memory_space<hbm>> -> memref<40x128xi32, #tpu.memory_space<hbm>>
      %dma_wait3A_141 = arith.constant 0 : i32
      %dma_wait3A_142 = tpu.memref_slice %arg3[%multiple_of3A, %dma_wait3A_141] : memref<2560x128xi32, #tpu.memory_space<hbm>> -> memref<40x128xi32, #tpu.memory_space<hbm>>
      tpu.wait_dma2 semaphore(%run_scoped3A_134 : memref<!tpu.dma_semaphore, #tpu.memory_space<semaphore_mem>>) src(%dma_wait3A_142 : memref<40x128xi32, #tpu.memory_space<hbm>>) dst(%arg7 : memref<40x128xi32, #tpu.memory_space<vmem>>)
      tpu.yield
    }) : () -> ()
    %mul3A_23 = arith.constant 80 : i32
    %mul3A_24 = arith.muli %arg1, %mul3A_23 : i32
    %add3A_25 = arith.constant 0 : i32
    %add3A_26 = arith.addi %mul3A_24, %add3A_25 : i32
    %multiple_of3A_27 = tpu.assume_multiple %add3A_26, 8 : i32
    "tpu.region"() ({
      %run_scoped3A_134 = tpu.sem_alloc : memref<!tpu.dma_semaphore, #tpu.memory_space<semaphore_mem>>
      %dma_start3A_135 = arith.constant 0 : i32
      %dma_start3A_136 = tpu.memref_slice %arg4[%multiple_of3A_27, %dma_start3A_135] : memref<1280x128xi32, #tpu.memory_space<hbm>> -> memref<40x128xi32, #tpu.memory_space<hbm>>
      %dma_start3A_137 = arith.constant 0 : i32
      %dma_start3A_138 = tpu.memref_slice %arg4[%multiple_of3A_27, %dma_start3A_137] : memref<1280x128xi32, #tpu.memory_space<hbm>> -> memref<40x128xi32, #tpu.memory_space<hbm>>
      tpu.enqueue_dma source(%dma_start3A_138 : memref<40x128xi32, #tpu.memory_space<hbm>>) target(%arg8 : memref<40x128xi32, #tpu.memory_space<vmem>>) target_semaphore(%run_scoped3A_134 : memref<!tpu.dma_semaphore, #tpu.memory_space<semaphore_mem>>)
      %dma_wait3A_139 = arith.constant 0 : i32
      %dma_wait3A_140 = tpu.memref_slice %arg4[%multiple_of3A_27, %dma_wait3A_139] : memref<1280x128xi32, #tpu.memory_space<hbm>> -> memref<40x128xi32, #tpu.memory_space<hbm>>
      %dma_wait3A_141 = arith.constant 0 : i32
      %dma_wait3A_142 = tpu.memref_slice %arg4[%multiple_of3A_27, %dma_wait3A_141] : memref<1280x128xi32, #tpu.memory_space<hbm>> -> memref<40x128xi32, #tpu.memory_space<hbm>>
      tpu.wait_dma2 semaphore(%run_scoped3A_134 : memref<!tpu.dma_semaphore, #tpu.memory_space<semaphore_mem>>) src(%dma_wait3A_142 : memref<40x128xi32, #tpu.memory_space<hbm>>) dst(%arg8 : memref<40x128xi32, #tpu.memory_space<vmem>>)
      tpu.yield
    }) : () -> ()
    %dma_start3A = arith.constant 0 : i32
    %dma_start3A_28 = arith.constant 0 : i32
    %dma_start3A_29 = tpu.memref_slice %arg7[%dma_start3A, %dma_start3A_28] : memref<40x128xi32, #tpu.memory_space<vmem>> -> memref<1x128xi32, #tpu.memory_space<vmem>>
    %dma_start3A_30 = tpu.memref_squeeze %dma_start3A_29 : memref<1x128xi32, #tpu.memory_space<vmem>> -> memref<128xi32, #tpu.memory_space<vmem>>
    %dma_start3A_31 = arith.constant 0 : i32
    %dma_start3A_32 = arith.constant 0 : i32
    %dma_start3A_33 = tpu.memref_slice %arg2[%dma_start3A_31, %dma_start3A_32] : memref<20480x128xf32, #tpu.memory_space<hbm>> -> memref<20480x128xf32, #tpu.memory_space<hbm>>
    tpu.enqueue_indirect_dma source(%dma_start3A_33 : memref<20480x128xf32, #tpu.memory_space<hbm>>) target(%arg9 : memref<128x128xf32, #tpu.memory_space<vmem>>) offsets(%dma_start3A_30 : memref<128xi32, #tpu.memory_space<vmem>>) semaphore(%arg12 : memref<!tpu.dma_semaphore, #tpu.memory_space<semaphore_mem>>)
    %scan3A = arith.constant 0 : i32
    %scan3A_34 = arith.constant 0 : i32
    %scan3A_35 = arith.constant 19 : i32
    %scan3A_36 = arith.addi %scan3A_34, %scan3A_35 : i32
    %scan3A_37 = arith.constant 1 : i32
    scf.for %scan3A_134 = %scan3A_34 to %scan3A_36 step %scan3A_37  : i32 {
      %mul3A_135 = arith.constant 2 : i32
      %mul3A_136 = arith.muli %scan3A_134, %mul3A_135 : i32
      %add3A_137 = arith.constant 0 : i32
      %add3A_138 = arith.addi %mul3A_136, %add3A_137 : i32
      %add3A_139 = arith.constant 2 : i32
      %add3A_140 = arith.addi %add3A_138, %add3A_139 : i32
      %sub3A_141 = arith.constant 1 : i32
      %sub3A_142 = arith.subi %add3A_140, %sub3A_141 : i32
      %dma_start3A_143 = arith.constant 0 : i32
      %dma_start3A_144 = tpu.memref_slice %arg7[%sub3A_142, %dma_start3A_143] : memref<40x128xi32, #tpu.memory_space<vmem>> -> memref<1x128xi32, #tpu.memory_space<vmem>>
      %dma_start3A_145 = tpu.memref_squeeze %dma_start3A_144 : memref<1x128xi32, #tpu.memory_space<vmem>> -> memref<128xi32, #tpu.memory_space<vmem>>
      %dma_start3A_146 = arith.constant 0 : i32
      %dma_start3A_147 = arith.constant 0 : i32
      %dma_start3A_148 = tpu.memref_slice %arg2[%dma_start3A_146, %dma_start3A_147] : memref<20480x128xf32, #tpu.memory_space<hbm>> -> memref<20480x128xf32, #tpu.memory_space<hbm>>
      tpu.enqueue_indirect_dma source(%dma_start3A_148 : memref<20480x128xf32, #tpu.memory_space<hbm>>) target(%arg10 : memref<128x128xf32, #tpu.memory_space<vmem>>) offsets(%dma_start3A_145 : memref<128xi32, #tpu.memory_space<vmem>>) semaphore(%arg13 : memref<!tpu.dma_semaphore, #tpu.memory_space<semaphore_mem>>)
      %dma_wait3A_149 = arith.constant 0 : i32
      %dma_wait3A_150 = arith.constant 0 : i32
      %dma_wait3A_151 = tpu.memref_slice %arg7[%dma_wait3A_149, %dma_wait3A_150] : memref<40x128xi32, #tpu.memory_space<vmem>> -> memref<1x128xi32, #tpu.memory_space<vmem>>
      %dma_wait3A_152 = tpu.memref_squeeze %dma_wait3A_151 : memref<1x128xi32, #tpu.memory_space<vmem>> -> memref<128xi32, #tpu.memory_space<vmem>>
      %dma_wait3A_153 = arith.constant 0 : i32
      %dma_wait3A_154 = arith.constant 0 : i32
      %dma_wait3A_155 = tpu.memref_slice %arg2[%dma_wait3A_153, %dma_wait3A_154] : memref<20480x128xf32, #tpu.memory_space<hbm>> -> memref<20480x128xf32, #tpu.memory_space<hbm>>
      tpu.wait_indirect_dma semaphore(%arg12 : memref<!tpu.dma_semaphore, #tpu.memory_space<semaphore_mem>>) src(%dma_wait3A_155 : memref<20480x128xf32, #tpu.memory_space<hbm>>) dst(%arg9 : memref<128x128xf32, #tpu.memory_space<vmem>>)
      %add3A_156 = arith.constant 0 : i32
      %add3A_157 = arith.addi %mul3A_136, %add3A_156 : i32
      "tpu.region"() ({
        %run_scoped3A_179 = tpu.sem_alloc : memref<!tpu.dma_semaphore, #tpu.memory_space<semaphore_mem>>
        %dma_start3A_180 = arith.constant 0 : i32
        %dma_start3A_181 = tpu.memref_slice %arg8[%add3A_157, %dma_start3A_180] : memref<40x128xi32, #tpu.memory_space<vmem>> -> memref<1x128xi32, #tpu.memory_space<vmem>>
        %dma_start3A_182 = tpu.memref_squeeze %dma_start3A_181 : memref<1x128xi32, #tpu.memory_space<vmem>> -> memref<128xi32, #tpu.memory_space<vmem>>
        %dma_start3A_183 = arith.constant 0 : i32
        %dma_start3A_184 = arith.constant 0 : i32
        %dma_start3A_185 = tpu.memref_slice %arg11[%dma_start3A_183, %dma_start3A_184] : memref<5120x128xf32, #tpu.memory_space<vmem_shared>> -> memref<5120x128xf32, #tpu.memory_space<vmem_shared>>
        tpu.enqueue_indirect_dma source(%arg9 : memref<128x128xf32, #tpu.memory_space<vmem>>) target(%dma_start3A_185 : memref<5120x128xf32, #tpu.memory_space<vmem_shared>>) offsets(%dma_start3A_182 : memref<128xi32, #tpu.memory_space<vmem>>) semaphore(%run_scoped3A_179 : memref<!tpu.dma_semaphore, #tpu.memory_space<semaphore_mem>>) {add = true}
        %dma_wait3A_186 = arith.constant 0 : i32
        %dma_wait3A_187 = tpu.memref_slice %arg8[%add3A_157, %dma_wait3A_186] : memref<40x128xi32, #tpu.memory_space<vmem>> -> memref<1x128xi32, #tpu.memory_space<vmem>>
        %dma_wait3A_188 = tpu.memref_squeeze %dma_wait3A_187 : memref<1x128xi32, #tpu.memory_space<vmem>> -> memref<128xi32, #tpu.memory_space<vmem>>
        %dma_wait3A_189 = arith.constant 0 : i32
        %dma_wait3A_190 = arith.constant 0 : i32
        %dma_wait3A_191 = tpu.memref_slice %arg11[%dma_wait3A_189, %dma_wait3A_190] : memref<5120x128xf32, #tpu.memory_space<vmem_shared>> -> memref<5120x128xf32, #tpu.memory_space<vmem_shared>>
        tpu.wait_indirect_dma semaphore(%run_scoped3A_179 : memref<!tpu.dma_semaphore, #tpu.memory_space<semaphore_mem>>) src(%arg9 : memref<128x128xf32, #tpu.memory_space<vmem>>) dst(%dma_wait3A_191 : memref<5120x128xf32, #tpu.memory_space<vmem_shared>>)
        tpu.yield
      }) : () -> ()
      %add3A_158 = arith.constant 1 : i32
      %add3A_159 = arith.addi %mul3A_136, %add3A_158 : i32
      %add3A_160 = arith.constant 2 : i32
      %add3A_161 = arith.addi %add3A_159, %add3A_160 : i32
      %sub3A_162 = arith.constant 1 : i32
      %sub3A_163 = arith.subi %add3A_161, %sub3A_162 : i32
      %dma_start3A_164 = arith.constant 0 : i32
      %dma_start3A_165 = tpu.memref_slice %arg7[%sub3A_163, %dma_start3A_164] : memref<40x128xi32, #tpu.memory_space<vmem>> -> memref<1x128xi32, #tpu.memory_space<vmem>>
      %dma_start3A_166 = tpu.memref_squeeze %dma_start3A_165 : memref<1x128xi32, #tpu.memory_space<vmem>> -> memref<128xi32, #tpu.memory_space<vmem>>
      %dma_start3A_167 = arith.constant 0 : i32
      %dma_start3A_168 = arith.constant 0 : i32
      %dma_start3A_169 = tpu.memref_slice %arg2[%dma_start3A_167, %dma_start3A_168] : memref<20480x128xf32, #tpu.memory_space<hbm>> -> memref<20480x128xf32, #tpu.memory_space<hbm>>
      tpu.enqueue_indirect_dma source(%dma_start3A_169 : memref<20480x128xf32, #tpu.memory_space<hbm>>) target(%arg9 : memref<128x128xf32, #tpu.memory_space<vmem>>) offsets(%dma_start3A_166 : memref<128xi32, #tpu.memory_space<vmem>>) semaphore(%arg12 : memref<!tpu.dma_semaphore, #tpu.memory_space<semaphore_mem>>)
      %dma_wait3A_170 = arith.constant 0 : i32
      %dma_wait3A_171 = arith.constant 0 : i32
      %dma_wait3A_172 = tpu.memref_slice %arg7[%dma_wait3A_170, %dma_wait3A_171] : memref<40x128xi32, #tpu.memory_space<vmem>> -> memref<1x128xi32, #tpu.memory_space<vmem>>
      %dma_wait3A_173 = tpu.memref_squeeze %dma_wait3A_172 : memref<1x128xi32, #tpu.memory_space<vmem>> -> memref<128xi32, #tpu.memory_space<vmem>>
      %dma_wait3A_174 = arith.constant 0 : i32
      %dma_wait3A_175 = arith.constant 0 : i32
      %dma_wait3A_176 = tpu.memref_slice %arg2[%dma_wait3A_174, %dma_wait3A_175] : memref<20480x128xf32, #tpu.memory_space<hbm>> -> memref<20480x128xf32, #tpu.memory_space<hbm>>
      tpu.wait_indirect_dma semaphore(%arg13 : memref<!tpu.dma_semaphore, #tpu.memory_space<semaphore_mem>>) src(%dma_wait3A_176 : memref<20480x128xf32, #tpu.memory_space<hbm>>) dst(%arg10 : memref<128x128xf32, #tpu.memory_space<vmem>>)
      %add3A_177 = arith.constant 1 : i32
      %add3A_178 = arith.addi %mul3A_136, %add3A_177 : i32
      "tpu.region"() ({
        %run_scoped3A_179 = tpu.sem_alloc : memref<!tpu.dma_semaphore, #tpu.memory_space<semaphore_mem>>
        %dma_start3A_180 = arith.constant 0 : i32
        %dma_start3A_181 = tpu.memref_slice %arg8[%add3A_178, %dma_start3A_180] : memref<40x128xi32, #tpu.memory_space<vmem>> -> memref<1x128xi32, #tpu.memory_space<vmem>>
        %dma_start3A_182 = tpu.memref_squeeze %dma_start3A_181 : memref<1x128xi32, #tpu.memory_space<vmem>> -> memref<128xi32, #tpu.memory_space<vmem>>
        %dma_start3A_183 = arith.constant 0 : i32
        %dma_start3A_184 = arith.constant 0 : i32
        %dma_start3A_185 = tpu.memref_slice %arg11[%dma_start3A_183, %dma_start3A_184] : memref<5120x128xf32, #tpu.memory_space<vmem_shared>> -> memref<5120x128xf32, #tpu.memory_space<vmem_shared>>
        tpu.enqueue_indirect_dma source(%arg10 : memref<128x128xf32, #tpu.memory_space<vmem>>) target(%dma_start3A_185 : memref<5120x128xf32, #tpu.memory_space<vmem_shared>>) offsets(%dma_start3A_182 : memref<128xi32, #tpu.memory_space<vmem>>) semaphore(%run_scoped3A_179 : memref<!tpu.dma_semaphore, #tpu.memory_space<semaphore_mem>>) {add = true}
        %dma_wait3A_186 = arith.constant 0 : i32
        %dma_wait3A_187 = tpu.memref_slice %arg8[%add3A_178, %dma_wait3A_186] : memref<40x128xi32, #tpu.memory_space<vmem>> -> memref<1x128xi32, #tpu.memory_space<vmem>>
        %dma_wait3A_188 = tpu.memref_squeeze %dma_wait3A_187 : memref<1x128xi32, #tpu.memory_space<vmem>> -> memref<128xi32, #tpu.memory_space<vmem>>
        %dma_wait3A_189 = arith.constant 0 : i32
        %dma_wait3A_190 = arith.constant 0 : i32
        %dma_wait3A_191 = tpu.memref_slice %arg11[%dma_wait3A_189, %dma_wait3A_190] : memref<5120x128xf32, #tpu.memory_space<vmem_shared>> -> memref<5120x128xf32, #tpu.memory_space<vmem_shared>>
        tpu.wait_indirect_dma semaphore(%run_scoped3A_179 : memref<!tpu.dma_semaphore, #tpu.memory_space<semaphore_mem>>) src(%arg10 : memref<128x128xf32, #tpu.memory_space<vmem>>) dst(%dma_wait3A_191 : memref<5120x128xf32, #tpu.memory_space<vmem_shared>>)
        tpu.yield
      }) : () -> ()
    }
    %scan3A_38 = arith.constant 19 : i32
    %dma_start3A_39 = arith.constant 39 : i32
    %dma_start3A_40 = arith.constant 0 : i32
    %dma_start3A_41 = tpu.memref_slice %arg7[%dma_start3A_39, %dma_start3A_40] : memref<40x128xi32, #tpu.memory_space<vmem>> -> memref<1x128xi32, #tpu.memory_space<vmem>>
    %dma_start3A_42 = tpu.memref_squeeze %dma_start3A_41 : memref<1x128xi32, #tpu.memory_space<vmem>> -> memref<128xi32, #tpu.memory_space<vmem>>
    %dma_start3A_43 = arith.constant 0 : i32
    %dma_start3A_44 = arith.constant 0 : i32
    %dma_start3A_45 = tpu.memref_slice %arg2[%dma_start3A_43, %dma_start3A_44] : memref<20480x128xf32, #tpu.memory_space<hbm>> -> memref<20480x128xf32, #tpu.memory_space<hbm>>
    tpu.enqueue_indirect_dma source(%dma_start3A_45 : memref<20480x128xf32, #tpu.memory_space<hbm>>) target(%arg10 : memref<128x128xf32, #tpu.memory_space<vmem>>) offsets(%dma_start3A_42 : memref<128xi32, #tpu.memory_space<vmem>>) semaphore(%arg13 : memref<!tpu.dma_semaphore, #tpu.memory_space<semaphore_mem>>)
    %dma_wait3A = arith.constant 0 : i32
    %dma_wait3A_46 = arith.constant 0 : i32
    %dma_wait3A_47 = tpu.memref_slice %arg7[%dma_wait3A, %dma_wait3A_46] : memref<40x128xi32, #tpu.memory_space<vmem>> -> memref<1x128xi32, #tpu.memory_space<vmem>>
    %dma_wait3A_48 = tpu.memref_squeeze %dma_wait3A_47 : memref<1x128xi32, #tpu.memory_space<vmem>> -> memref<128xi32, #tpu.memory_space<vmem>>
    %dma_wait3A_49 = arith.constant 0 : i32
    %dma_wait3A_50 = arith.constant 0 : i32
    %dma_wait3A_51 = tpu.memref_slice %arg2[%dma_wait3A_49, %dma_wait3A_50] : memref<20480x128xf32, #tpu.memory_space<hbm>> -> memref<20480x128xf32, #tpu.memory_space<hbm>>
    tpu.wait_indirect_dma semaphore(%arg12 : memref<!tpu.dma_semaphore, #tpu.memory_space<semaphore_mem>>) src(%dma_wait3A_51 : memref<20480x128xf32, #tpu.memory_space<hbm>>) dst(%arg9 : memref<128x128xf32, #tpu.memory_space<vmem>>)
    %run_scoped3A = arith.constant 38 : i32
    "tpu.region"() ({
      %run_scoped3A_134 = tpu.sem_alloc : memref<!tpu.dma_semaphore, #tpu.memory_space<semaphore_mem>>
      %dma_start3A_135 = arith.constant 0 : i32
      %dma_start3A_136 = tpu.memref_slice %arg8[%run_scoped3A, %dma_start3A_135] : memref<40x128xi32, #tpu.memory_space<vmem>> -> memref<1x128xi32, #tpu.memory_space<vmem>>
      %dma_start3A_137 = tpu.memref_squeeze %dma_start3A_136 : memref<1x128xi32, #tpu.memory_space<vmem>> -> memref<128xi32, #tpu.memory_space<vmem>>
      %dma_start3A_138 = arith.constant 0 : i32
      %dma_start3A_139 = arith.constant 0 : i32
      %dma_start3A_140 = tpu.memref_slice %arg11[%dma_start3A_138, %dma_start3A_139] : memref<5120x128xf32, #tpu.memory_space<vmem_shared>> -> memref<5120x128xf32, #tpu.memory_space<vmem_shared>>
      tpu.enqueue_indirect_dma source(%arg9 : memref<128x128xf32, #tpu.memory_space<vmem>>) target(%dma_start3A_140 : memref<5120x128xf32, #tpu.memory_space<vmem_shared>>) offsets(%dma_start3A_137 : memref<128xi32, #tpu.memory_space<vmem>>) semaphore(%run_scoped3A_134 : memref<!tpu.dma_semaphore, #tpu.memory_space<semaphore_mem>>) {add = true}
      %dma_wait3A_141 = arith.constant 0 : i32
      %dma_wait3A_142 = tpu.memref_slice %arg8[%run_scoped3A, %dma_wait3A_141] : memref<40x128xi32, #tpu.memory_space<vmem>> -> memref<1x128xi32, #tpu.memory_space<vmem>>
      %dma_wait3A_143 = tpu.memref_squeeze %dma_wait3A_142 : memref<1x128xi32, #tpu.memory_space<vmem>> -> memref<128xi32, #tpu.memory_space<vmem>>
      %dma_wait3A_144 = arith.constant 0 : i32
      %dma_wait3A_145 = arith.constant 0 : i32
      %dma_wait3A_146 = tpu.memref_slice %arg11[%dma_wait3A_144, %dma_wait3A_145] : memref<5120x128xf32, #tpu.memory_space<vmem_shared>> -> memref<5120x128xf32, #tpu.memory_space<vmem_shared>>
      tpu.wait_indirect_dma semaphore(%run_scoped3A_134 : memref<!tpu.dma_semaphore, #tpu.memory_space<semaphore_mem>>) src(%arg9 : memref<128x128xf32, #tpu.memory_space<vmem>>) dst(%dma_wait3A_146 : memref<5120x128xf32, #tpu.memory_space<vmem_shared>>)
      tpu.yield
    }) : () -> ()
    %dma_wait3A_52 = arith.constant 0 : i32
    %dma_wait3A_53 = arith.constant 0 : i32
    %dma_wait3A_54 = tpu.memref_slice %arg7[%dma_wait3A_52, %dma_wait3A_53] : memref<40x128xi32, #tpu.memory_space<vmem>> -> memref<1x128xi32, #tpu.memory_space<vmem>>
    %dma_wait3A_55 = tpu.memref_squeeze %dma_wait3A_54 : memref<1x128xi32, #tpu.memory_space<vmem>> -> memref<128xi32, #tpu.memory_space<vmem>>
    %dma_wait3A_56 = arith.constant 0 : i32
    %dma_wait3A_57 = arith.constant 0 : i32
    %dma_wait3A_58 = tpu.memref_slice %arg2[%dma_wait3A_56, %dma_wait3A_57] : memref<20480x128xf32, #tpu.memory_space<hbm>> -> memref<20480x128xf32, #tpu.memory_space<hbm>>
    tpu.wait_indirect_dma semaphore(%arg13 : memref<!tpu.dma_semaphore, #tpu.memory_space<semaphore_mem>>) src(%dma_wait3A_58 : memref<20480x128xf32, #tpu.memory_space<hbm>>) dst(%arg10 : memref<128x128xf32, #tpu.memory_space<vmem>>)
    %run_scoped3A_59 = arith.constant 39 : i32
    "tpu.region"() ({
      %run_scoped3A_134 = tpu.sem_alloc : memref<!tpu.dma_semaphore, #tpu.memory_space<semaphore_mem>>
      %dma_start3A_135 = arith.constant 0 : i32
      %dma_start3A_136 = tpu.memref_slice %arg8[%run_scoped3A_59, %dma_start3A_135] : memref<40x128xi32, #tpu.memory_space<vmem>> -> memref<1x128xi32, #tpu.memory_space<vmem>>
      %dma_start3A_137 = tpu.memref_squeeze %dma_start3A_136 : memref<1x128xi32, #tpu.memory_space<vmem>> -> memref<128xi32, #tpu.memory_space<vmem>>
      %dma_start3A_138 = arith.constant 0 : i32
      %dma_start3A_139 = arith.constant 0 : i32
      %dma_start3A_140 = tpu.memref_slice %arg11[%dma_start3A_138, %dma_start3A_139] : memref<5120x128xf32, #tpu.memory_space<vmem_shared>> -> memref<5120x128xf32, #tpu.memory_space<vmem_shared>>
      tpu.enqueue_indirect_dma source(%arg10 : memref<128x128xf32, #tpu.memory_space<vmem>>) target(%dma_start3A_140 : memref<5120x128xf32, #tpu.memory_space<vmem_shared>>) offsets(%dma_start3A_137 : memref<128xi32, #tpu.memory_space<vmem>>) semaphore(%run_scoped3A_134 : memref<!tpu.dma_semaphore, #tpu.memory_space<semaphore_mem>>) {add = true}
      %dma_wait3A_141 = arith.constant 0 : i32
      %dma_wait3A_142 = tpu.memref_slice %arg8[%run_scoped3A_59, %dma_wait3A_141] : memref<40x128xi32, #tpu.memory_space<vmem>> -> memref<1x128xi32, #tpu.memory_space<vmem>>
      %dma_wait3A_143 = tpu.memref_squeeze %dma_wait3A_142 : memref<1x128xi32, #tpu.memory_space<vmem>> -> memref<128xi32, #tpu.memory_space<vmem>>
      %dma_wait3A_144 = arith.constant 0 : i32
      %dma_wait3A_145 = arith.constant 0 : i32
      %dma_wait3A_146 = tpu.memref_slice %arg11[%dma_wait3A_144, %dma_wait3A_145] : memref<5120x128xf32, #tpu.memory_space<vmem_shared>> -> memref<5120x128xf32, #tpu.memory_space<vmem_shared>>
      tpu.wait_indirect_dma semaphore(%run_scoped3A_134 : memref<!tpu.dma_semaphore, #tpu.memory_space<semaphore_mem>>) src(%arg10 : memref<128x128xf32, #tpu.memory_space<vmem>>) dst(%dma_wait3A_146 : memref<5120x128xf32, #tpu.memory_space<vmem_shared>>)
      tpu.yield
    }) : () -> ()
    %mul3A_60 = arith.constant 163840 : i32
    %mul3A_61 = arith.muli %arg0, %mul3A_60 : i32
    %mul3A_62 = arith.constant 10240 : i32
    %mul3A_63 = arith.muli %arg1, %mul3A_62 : i32
    %add3A_64 = arith.addi %mul3A_61, %mul3A_63 : i32
    %jit3A_65 = arith.constant 128 : i32
    %div3A_66 = arith.divsi %add3A_64, %jit3A_65 : i32
    %sign3A_67 = arith.constant 0 : i32
    %sign3A_68 = arith.cmpi sgt, %add3A_64, %sign3A_67 : i32
    %sign3A_69 = arith.extui %sign3A_68 : i1 to i32
    %sign3A_70 = arith.constant 0 : i32
    %sign3A_71 = arith.cmpi slt, %add3A_64, %sign3A_70 : i32
    %sign3A_72 = arith.extui %sign3A_71 : i1 to i32
    %sign3A_73 = arith.subi %sign3A_69, %sign3A_72 : i32
    %sign3A_74 = arith.constant 0 : i32
    %sign3A_75 = arith.cmpi sgt, %jit3A_65, %sign3A_74 : i32
    %sign3A_76 = arith.extui %sign3A_75 : i1 to i32
    %sign3A_77 = arith.constant 0 : i32
    %sign3A_78 = arith.cmpi slt, %jit3A_65, %sign3A_77 : i32
    %sign3A_79 = arith.extui %sign3A_78 : i1 to i32
    %sign3A_80 = arith.subi %sign3A_76, %sign3A_79 : i32
    %ne3A_81 = arith.cmpi ne, %sign3A_73, %sign3A_80 : i32
    %rem3A_82 = arith.remsi %add3A_64, %jit3A_65 : i32
    %ne3A_83 = arith.constant 0 : i32
    %ne3A_84 = arith.cmpi ne, %rem3A_82, %ne3A_83 : i32
    %and3A_85 = arith.andi %ne3A_81, %ne3A_84 : i1
    %sub3A_86 = arith.constant 1 : i32
    %sub3A_87 = arith.subi %div3A_66, %sub3A_86 : i32
    %select_n3A_88 = arith.select %and3A_85, %sub3A_87, %div3A_66 : i32
    %add3A_89 = arith.constant 40 : i32
    %add3A_90 = arith.addi %select_n3A_88, %add3A_89 : i32
    %multiple_of3A_91 = tpu.assume_multiple %add3A_90, 8 : i32
    "tpu.region"() ({
      %run_scoped3A_134 = tpu.sem_alloc : memref<!tpu.dma_semaphore, #tpu.memory_space<semaphore_mem>>
      %dma_start3A_135 = arith.constant 0 : i32
      %dma_start3A_136 = tpu.memref_slice %arg3[%multiple_of3A_91, %dma_start3A_135] : memref<2560x128xi32, #tpu.memory_space<hbm>> -> memref<40x128xi32, #tpu.memory_space<hbm>>
      %dma_start3A_137 = arith.constant 0 : i32
      %dma_start3A_138 = tpu.memref_slice %arg3[%multiple_of3A_91, %dma_start3A_137] : memref<2560x128xi32, #tpu.memory_space<hbm>> -> memref<40x128xi32, #tpu.memory_space<hbm>>
      tpu.enqueue_dma source(%dma_start3A_138 : memref<40x128xi32, #tpu.memory_space<hbm>>) target(%arg7 : memref<40x128xi32, #tpu.memory_space<vmem>>) target_semaphore(%run_scoped3A_134 : memref<!tpu.dma_semaphore, #tpu.memory_space<semaphore_mem>>)
      %dma_wait3A_139 = arith.constant 0 : i32
      %dma_wait3A_140 = tpu.memref_slice %arg3[%multiple_of3A_91, %dma_wait3A_139] : memref<2560x128xi32, #tpu.memory_space<hbm>> -> memref<40x128xi32, #tpu.memory_space<hbm>>
      %dma_wait3A_141 = arith.constant 0 : i32
      %dma_wait3A_142 = tpu.memref_slice %arg3[%multiple_of3A_91, %dma_wait3A_141] : memref<2560x128xi32, #tpu.memory_space<hbm>> -> memref<40x128xi32, #tpu.memory_space<hbm>>
      tpu.wait_dma2 semaphore(%run_scoped3A_134 : memref<!tpu.dma_semaphore, #tpu.memory_space<semaphore_mem>>) src(%dma_wait3A_142 : memref<40x128xi32, #tpu.memory_space<hbm>>) dst(%arg7 : memref<40x128xi32, #tpu.memory_space<vmem>>)
      tpu.yield
    }) : () -> ()
    %mul3A_92 = arith.constant 80 : i32
    %mul3A_93 = arith.muli %arg1, %mul3A_92 : i32
    %add3A_94 = arith.constant 40 : i32
    %add3A_95 = arith.addi %mul3A_93, %add3A_94 : i32
    %multiple_of3A_96 = tpu.assume_multiple %add3A_95, 8 : i32
    "tpu.region"() ({
      %run_scoped3A_134 = tpu.sem_alloc : memref<!tpu.dma_semaphore, #tpu.memory_space<semaphore_mem>>
      %dma_start3A_135 = arith.constant 0 : i32
      %dma_start3A_136 = tpu.memref_slice %arg4[%multiple_of3A_96, %dma_start3A_135] : memref<1280x128xi32, #tpu.memory_space<hbm>> -> memref<40x128xi32, #tpu.memory_space<hbm>>
      %dma_start3A_137 = arith.constant 0 : i32
      %dma_start3A_138 = tpu.memref_slice %arg4[%multiple_of3A_96, %dma_start3A_137] : memref<1280x128xi32, #tpu.memory_space<hbm>> -> memref<40x128xi32, #tpu.memory_space<hbm>>
      tpu.enqueue_dma source(%dma_start3A_138 : memref<40x128xi32, #tpu.memory_space<hbm>>) target(%arg8 : memref<40x128xi32, #tpu.memory_space<vmem>>) target_semaphore(%run_scoped3A_134 : memref<!tpu.dma_semaphore, #tpu.memory_space<semaphore_mem>>)
      %dma_wait3A_139 = arith.constant 0 : i32
      %dma_wait3A_140 = tpu.memref_slice %arg4[%multiple_of3A_96, %dma_wait3A_139] : memref<1280x128xi32, #tpu.memory_space<hbm>> -> memref<40x128xi32, #tpu.memory_space<hbm>>
      %dma_wait3A_141 = arith.constant 0 : i32
      %dma_wait3A_142 = tpu.memref_slice %arg4[%multiple_of3A_96, %dma_wait3A_141] : memref<1280x128xi32, #tpu.memory_space<hbm>> -> memref<40x128xi32, #tpu.memory_space<hbm>>
      tpu.wait_dma2 semaphore(%run_scoped3A_134 : memref<!tpu.dma_semaphore, #tpu.memory_space<semaphore_mem>>) src(%dma_wait3A_142 : memref<40x128xi32, #tpu.memory_space<hbm>>) dst(%arg8 : memref<40x128xi32, #tpu.memory_space<vmem>>)
      tpu.yield
    }) : () -> ()
    %dma_start3A_97 = arith.constant 0 : i32
    %dma_start3A_98 = arith.constant 0 : i32
    %dma_start3A_99 = tpu.memref_slice %arg7[%dma_start3A_97, %dma_start3A_98] : memref<40x128xi32, #tpu.memory_space<vmem>> -> memref<1x128xi32, #tpu.memory_space<vmem>>
    %dma_start3A_100 = tpu.memref_squeeze %dma_start3A_99 : memref<1x128xi32, #tpu.memory_space<vmem>> -> memref<128xi32, #tpu.memory_space<vmem>>
    %dma_start3A_101 = arith.constant 0 : i32
    %dma_start3A_102 = arith.constant 0 : i32
    %dma_start3A_103 = tpu.memref_slice %arg2[%dma_start3A_101, %dma_start3A_102] : memref<20480x128xf32, #tpu.memory_space<hbm>> -> memref<20480x128xf32, #tpu.memory_space<hbm>>
    tpu.enqueue_indirect_dma source(%dma_start3A_103 : memref<20480x128xf32, #tpu.memory_space<hbm>>) target(%arg9 : memref<128x128xf32, #tpu.memory_space<vmem>>) offsets(%dma_start3A_100 : memref<128xi32, #tpu.memory_space<vmem>>) semaphore(%arg12 : memref<!tpu.dma_semaphore, #tpu.memory_space<semaphore_mem>>)
    %scan3A_104 = arith.constant 0 : i32
    %scan3A_105 = arith.constant 0 : i32
    %scan3A_106 = arith.constant 19 : i32
    %scan3A_107 = arith.addi %scan3A_105, %scan3A_106 : i32
    %scan3A_108 = arith.constant 1 : i32
    scf.for %scan3A_134 = %scan3A_105 to %scan3A_107 step %scan3A_108  : i32 {
      %mul3A_135 = arith.constant 2 : i32
      %mul3A_136 = arith.muli %scan3A_134, %mul3A_135 : i32
      %add3A_137 = arith.constant 0 : i32
      %add3A_138 = arith.addi %mul3A_136, %add3A_137 : i32
      %add3A_139 = arith.constant 2 : i32
      %add3A_140 = arith.addi %add3A_138, %add3A_139 : i32
      %sub3A_141 = arith.constant 1 : i32
      %sub3A_142 = arith.subi %add3A_140, %sub3A_141 : i32
      %dma_start3A_143 = arith.constant 0 : i32
      %dma_start3A_144 = tpu.memref_slice %arg7[%sub3A_142, %dma_start3A_143] : memref<40x128xi32, #tpu.memory_space<vmem>> -> memref<1x128xi32, #tpu.memory_space<vmem>>
      %dma_start3A_145 = tpu.memref_squeeze %dma_start3A_144 : memref<1x128xi32, #tpu.memory_space<vmem>> -> memref<128xi32, #tpu.memory_space<vmem>>
      %dma_start3A_146 = arith.constant 0 : i32
      %dma_start3A_147 = arith.constant 0 : i32
      %dma_start3A_148 = tpu.memref_slice %arg2[%dma_start3A_146, %dma_start3A_147] : memref<20480x128xf32, #tpu.memory_space<hbm>> -> memref<20480x128xf32, #tpu.memory_space<hbm>>
      tpu.enqueue_indirect_dma source(%dma_start3A_148 : memref<20480x128xf32, #tpu.memory_space<hbm>>) target(%arg10 : memref<128x128xf32, #tpu.memory_space<vmem>>) offsets(%dma_start3A_145 : memref<128xi32, #tpu.memory_space<vmem>>) semaphore(%arg13 : memref<!tpu.dma_semaphore, #tpu.memory_space<semaphore_mem>>)
      %dma_wait3A_149 = arith.constant 0 : i32
      %dma_wait3A_150 = arith.constant 0 : i32
      %dma_wait3A_151 = tpu.memref_slice %arg7[%dma_wait3A_149, %dma_wait3A_150] : memref<40x128xi32, #tpu.memory_space<vmem>> -> memref<1x128xi32, #tpu.memory_space<vmem>>
      %dma_wait3A_152 = tpu.memref_squeeze %dma_wait3A_151 : memref<1x128xi32, #tpu.memory_space<vmem>> -> memref<128xi32, #tpu.memory_space<vmem>>
      %dma_wait3A_153 = arith.constant 0 : i32
      %dma_wait3A_154 = arith.constant 0 : i32
      %dma_wait3A_155 = tpu.memref_slice %arg2[%dma_wait3A_153, %dma_wait3A_154] : memref<20480x128xf32, #tpu.memory_space<hbm>> -> memref<20480x128xf32, #tpu.memory_space<hbm>>
      tpu.wait_indirect_dma semaphore(%arg12 : memref<!tpu.dma_semaphore, #tpu.memory_space<semaphore_mem>>) src(%dma_wait3A_155 : memref<20480x128xf32, #tpu.memory_space<hbm>>) dst(%arg9 : memref<128x128xf32, #tpu.memory_space<vmem>>)
      %add3A_156 = arith.constant 0 : i32
      %add3A_157 = arith.addi %mul3A_136, %add3A_156 : i32
      "tpu.region"() ({
        %run_scoped3A_179 = tpu.sem_alloc : memref<!tpu.dma_semaphore, #tpu.memory_space<semaphore_mem>>
        %dma_start3A_180 = arith.constant 0 : i32
        %dma_start3A_181 = tpu.memref_slice %arg8[%add3A_157, %dma_start3A_180] : memref<40x128xi32, #tpu.memory_space<vmem>> -> memref<1x128xi32, #tpu.memory_space<vmem>>
        %dma_start3A_182 = tpu.memref_squeeze %dma_start3A_181 : memref<1x128xi32, #tpu.memory_space<vmem>> -> memref<128xi32, #tpu.memory_space<vmem>>
        %dma_start3A_183 = arith.constant 0 : i32
        %dma_start3A_184 = arith.constant 0 : i32
        %dma_start3A_185 = tpu.memref_slice %arg11[%dma_start3A_183, %dma_start3A_184] : memref<5120x128xf32, #tpu.memory_space<vmem_shared>> -> memref<5120x128xf32, #tpu.memory_space<vmem_shared>>
        tpu.enqueue_indirect_dma source(%arg9 : memref<128x128xf32, #tpu.memory_space<vmem>>) target(%dma_start3A_185 : memref<5120x128xf32, #tpu.memory_space<vmem_shared>>) offsets(%dma_start3A_182 : memref<128xi32, #tpu.memory_space<vmem>>) semaphore(%run_scoped3A_179 : memref<!tpu.dma_semaphore, #tpu.memory_space<semaphore_mem>>) {add = true}
        %dma_wait3A_186 = arith.constant 0 : i32
        %dma_wait3A_187 = tpu.memref_slice %arg8[%add3A_157, %dma_wait3A_186] : memref<40x128xi32, #tpu.memory_space<vmem>> -> memref<1x128xi32, #tpu.memory_space<vmem>>
        %dma_wait3A_188 = tpu.memref_squeeze %dma_wait3A_187 : memref<1x128xi32, #tpu.memory_space<vmem>> -> memref<128xi32, #tpu.memory_space<vmem>>
        %dma_wait3A_189 = arith.constant 0 : i32
        %dma_wait3A_190 = arith.constant 0 : i32
        %dma_wait3A_191 = tpu.memref_slice %arg11[%dma_wait3A_189, %dma_wait3A_190] : memref<5120x128xf32, #tpu.memory_space<vmem_shared>> -> memref<5120x128xf32, #tpu.memory_space<vmem_shared>>
        tpu.wait_indirect_dma semaphore(%run_scoped3A_179 : memref<!tpu.dma_semaphore, #tpu.memory_space<semaphore_mem>>) src(%arg9 : memref<128x128xf32, #tpu.memory_space<vmem>>) dst(%dma_wait3A_191 : memref<5120x128xf32, #tpu.memory_space<vmem_shared>>)
        tpu.yield
      }) : () -> ()
      %add3A_158 = arith.constant 1 : i32
      %add3A_159 = arith.addi %mul3A_136, %add3A_158 : i32
      %add3A_160 = arith.constant 2 : i32
      %add3A_161 = arith.addi %add3A_159, %add3A_160 : i32
      %sub3A_162 = arith.constant 1 : i32
      %sub3A_163 = arith.subi %add3A_161, %sub3A_162 : i32
      %dma_start3A_164 = arith.constant 0 : i32
      %dma_start3A_165 = tpu.memref_slice %arg7[%sub3A_163, %dma_start3A_164] : memref<40x128xi32, #tpu.memory_space<vmem>> -> memref<1x128xi32, #tpu.memory_space<vmem>>
      %dma_start3A_166 = tpu.memref_squeeze %dma_start3A_165 : memref<1x128xi32, #tpu.memory_space<vmem>> -> memref<128xi32, #tpu.memory_space<vmem>>
      %dma_start3A_167 = arith.constant 0 : i32
      %dma_start3A_168 = arith.constant 0 : i32
      %dma_start3A_169 = tpu.memref_slice %arg2[%dma_start3A_167, %dma_start3A_168] : memref<20480x128xf32, #tpu.memory_space<hbm>> -> memref<20480x128xf32, #tpu.memory_space<hbm>>
      tpu.enqueue_indirect_dma source(%dma_start3A_169 : memref<20480x128xf32, #tpu.memory_space<hbm>>) target(%arg9 : memref<128x128xf32, #tpu.memory_space<vmem>>) offsets(%dma_start3A_166 : memref<128xi32, #tpu.memory_space<vmem>>) semaphore(%arg12 : memref<!tpu.dma_semaphore, #tpu.memory_space<semaphore_mem>>)
      %dma_wait3A_170 = arith.constant 0 : i32
      %dma_wait3A_171 = arith.constant 0 : i32
      %dma_wait3A_172 = tpu.memref_slice %arg7[%dma_wait3A_170, %dma_wait3A_171] : memref<40x128xi32, #tpu.memory_space<vmem>> -> memref<1x128xi32, #tpu.memory_space<vmem>>
      %dma_wait3A_173 = tpu.memref_squeeze %dma_wait3A_172 : memref<1x128xi32, #tpu.memory_space<vmem>> -> memref<128xi32, #tpu.memory_space<vmem>>
      %dma_wait3A_174 = arith.constant 0 : i32
      %dma_wait3A_175 = arith.constant 0 : i32
      %dma_wait3A_176 = tpu.memref_slice %arg2[%dma_wait3A_174, %dma_wait3A_175] : memref<20480x128xf32, #tpu.memory_space<hbm>> -> memref<20480x128xf32, #tpu.memory_space<hbm>>
      tpu.wait_indirect_dma semaphore(%arg13 : memref<!tpu.dma_semaphore, #tpu.memory_space<semaphore_mem>>) src(%dma_wait3A_176 : memref<20480x128xf32, #tpu.memory_space<hbm>>) dst(%arg10 : memref<128x128xf32, #tpu.memory_space<vmem>>)
      %add3A_177 = arith.constant 1 : i32
      %add3A_178 = arith.addi %mul3A_136, %add3A_177 : i32
      "tpu.region"() ({
        %run_scoped3A_179 = tpu.sem_alloc : memref<!tpu.dma_semaphore, #tpu.memory_space<semaphore_mem>>
        %dma_start3A_180 = arith.constant 0 : i32
        %dma_start3A_181 = tpu.memref_slice %arg8[%add3A_178, %dma_start3A_180] : memref<40x128xi32, #tpu.memory_space<vmem>> -> memref<1x128xi32, #tpu.memory_space<vmem>>
        %dma_start3A_182 = tpu.memref_squeeze %dma_start3A_181 : memref<1x128xi32, #tpu.memory_space<vmem>> -> memref<128xi32, #tpu.memory_space<vmem>>
        %dma_start3A_183 = arith.constant 0 : i32
        %dma_start3A_184 = arith.constant 0 : i32
        %dma_start3A_185 = tpu.memref_slice %arg11[%dma_start3A_183, %dma_start3A_184] : memref<5120x128xf32, #tpu.memory_space<vmem_shared>> -> memref<5120x128xf32, #tpu.memory_space<vmem_shared>>
        tpu.enqueue_indirect_dma source(%arg10 : memref<128x128xf32, #tpu.memory_space<vmem>>) target(%dma_start3A_185 : memref<5120x128xf32, #tpu.memory_space<vmem_shared>>) offsets(%dma_start3A_182 : memref<128xi32, #tpu.memory_space<vmem>>) semaphore(%run_scoped3A_179 : memref<!tpu.dma_semaphore, #tpu.memory_space<semaphore_mem>>) {add = true}
        %dma_wait3A_186 = arith.constant 0 : i32
        %dma_wait3A_187 = tpu.memref_slice %arg8[%add3A_178, %dma_wait3A_186] : memref<40x128xi32, #tpu.memory_space<vmem>> -> memref<1x128xi32, #tpu.memory_space<vmem>>
        %dma_wait3A_188 = tpu.memref_squeeze %dma_wait3A_187 : memref<1x128xi32, #tpu.memory_space<vmem>> -> memref<128xi32, #tpu.memory_space<vmem>>
        %dma_wait3A_189 = arith.constant 0 : i32
        %dma_wait3A_190 = arith.constant 0 : i32
        %dma_wait3A_191 = tpu.memref_slice %arg11[%dma_wait3A_189, %dma_wait3A_190] : memref<5120x128xf32, #tpu.memory_space<vmem_shared>> -> memref<5120x128xf32, #tpu.memory_space<vmem_shared>>
        tpu.wait_indirect_dma semaphore(%run_scoped3A_179 : memref<!tpu.dma_semaphore, #tpu.memory_space<semaphore_mem>>) src(%arg10 : memref<128x128xf32, #tpu.memory_space<vmem>>) dst(%dma_wait3A_191 : memref<5120x128xf32, #tpu.memory_space<vmem_shared>>)
        tpu.yield
      }) : () -> ()
    }
    %scan3A_109 = arith.constant 19 : i32
    %dma_start3A_110 = arith.constant 39 : i32
    %dma_start3A_111 = arith.constant 0 : i32
    %dma_start3A_112 = tpu.memref_slice %arg7[%dma_start3A_110, %dma_start3A_111] : memref<40x128xi32, #tpu.memory_space<vmem>> -> memref<1x128xi32, #tpu.memory_space<vmem>>
    %dma_start3A_113 = tpu.memref_squeeze %dma_start3A_112 : memref<1x128xi32, #tpu.memory_space<vmem>> -> memref<128xi32, #tpu.memory_space<vmem>>
    %dma_start3A_114 = arith.constant 0 : i32
    %dma_start3A_115 = arith.constant 0 : i32
    %dma_start3A_116 = tpu.memref_slice %arg2[%dma_start3A_114, %dma_start3A_115] : memref<20480x128xf32, #tpu.memory_space<hbm>> -> memref<20480x128xf32, #tpu.memory_space<hbm>>
    tpu.enqueue_indirect_dma source(%dma_start3A_116 : memref<20480x128xf32, #tpu.memory_space<hbm>>) target(%arg10 : memref<128x128xf32, #tpu.memory_space<vmem>>) offsets(%dma_start3A_113 : memref<128xi32, #tpu.memory_space<vmem>>) semaphore(%arg13 : memref<!tpu.dma_semaphore, #tpu.memory_space<semaphore_mem>>)
    %dma_wait3A_117 = arith.constant 0 : i32
    %dma_wait3A_118 = arith.constant 0 : i32
    %dma_wait3A_119 = tpu.memref_slice %arg7[%dma_wait3A_117, %dma_wait3A_118] : memref<40x128xi32, #tpu.memory_space<vmem>> -> memref<1x128xi32, #tpu.memory_space<vmem>>
    %dma_wait3A_120 = tpu.memref_squeeze %dma_wait3A_119 : memref<1x128xi32, #tpu.memory_space<vmem>> -> memref<128xi32, #tpu.memory_space<vmem>>
    %dma_wait3A_121 = arith.constant 0 : i32
    %dma_wait3A_122 = arith.constant 0 : i32
    %dma_wait3A_123 = tpu.memref_slice %arg2[%dma_wait3A_121, %dma_wait3A_122] : memref<20480x128xf32, #tpu.memory_space<hbm>> -> memref<20480x128xf32, #tpu.memory_space<hbm>>
    tpu.wait_indirect_dma semaphore(%arg12 : memref<!tpu.dma_semaphore, #tpu.memory_space<semaphore_mem>>) src(%dma_wait3A_123 : memref<20480x128xf32, #tpu.memory_space<hbm>>) dst(%arg9 : memref<128x128xf32, #tpu.memory_space<vmem>>)
    %run_scoped3A_124 = arith.constant 38 : i32
    "tpu.region"() ({
      %run_scoped3A_134 = tpu.sem_alloc : memref<!tpu.dma_semaphore, #tpu.memory_space<semaphore_mem>>
      %dma_start3A_135 = arith.constant 0 : i32
      %dma_start3A_136 = tpu.memref_slice %arg8[%run_scoped3A_124, %dma_start3A_135] : memref<40x128xi32, #tpu.memory_space<vmem>> -> memref<1x128xi32, #tpu.memory_space<vmem>>
      %dma_start3A_137 = tpu.memref_squeeze %dma_start3A_136 : memref<1x128xi32, #tpu.memory_space<vmem>> -> memref<128xi32, #tpu.memory_space<vmem>>
      %dma_start3A_138 = arith.constant 0 : i32
      %dma_start3A_139 = arith.constant 0 : i32
      %dma_start3A_140 = tpu.memref_slice %arg11[%dma_start3A_138, %dma_start3A_139] : memref<5120x128xf32, #tpu.memory_space<vmem_shared>> -> memref<5120x128xf32, #tpu.memory_space<vmem_shared>>
      tpu.enqueue_indirect_dma source(%arg9 : memref<128x128xf32, #tpu.memory_space<vmem>>) target(%dma_start3A_140 : memref<5120x128xf32, #tpu.memory_space<vmem_shared>>) offsets(%dma_start3A_137 : memref<128xi32, #tpu.memory_space<vmem>>) semaphore(%run_scoped3A_134 : memref<!tpu.dma_semaphore, #tpu.memory_space<semaphore_mem>>) {add = true}
      %dma_wait3A_141 = arith.constant 0 : i32
      %dma_wait3A_142 = tpu.memref_slice %arg8[%run_scoped3A_124, %dma_wait3A_141] : memref<40x128xi32, #tpu.memory_space<vmem>> -> memref<1x128xi32, #tpu.memory_space<vmem>>
      %dma_wait3A_143 = tpu.memref_squeeze %dma_wait3A_142 : memref<1x128xi32, #tpu.memory_space<vmem>> -> memref<128xi32, #tpu.memory_space<vmem>>
      %dma_wait3A_144 = arith.constant 0 : i32
      %dma_wait3A_145 = arith.constant 0 : i32
      %dma_wait3A_146 = tpu.memref_slice %arg11[%dma_wait3A_144, %dma_wait3A_145] : memref<5120x128xf32, #tpu.memory_space<vmem_shared>> -> memref<5120x128xf32, #tpu.memory_space<vmem_shared>>
      tpu.wait_indirect_dma semaphore(%run_scoped3A_134 : memref<!tpu.dma_semaphore, #tpu.memory_space<semaphore_mem>>) src(%arg9 : memref<128x128xf32, #tpu.memory_space<vmem>>) dst(%dma_wait3A_146 : memref<5120x128xf32, #tpu.memory_space<vmem_shared>>)
      tpu.yield
    }) : () -> ()
    %dma_wait3A_125 = arith.constant 0 : i32
    %dma_wait3A_126 = arith.constant 0 : i32
    %dma_wait3A_127 = tpu.memref_slice %arg7[%dma_wait3A_125, %dma_wait3A_126] : memref<40x128xi32, #tpu.memory_space<vmem>> -> memref<1x128xi32, #tpu.memory_space<vmem>>
    %dma_wait3A_128 = tpu.memref_squeeze %dma_wait3A_127 : memref<1x128xi32, #tpu.memory_space<vmem>> -> memref<128xi32, #tpu.memory_space<vmem>>
    %dma_wait3A_129 = arith.constant 0 : i32
    %dma_wait3A_130 = arith.constant 0 : i32
    %dma_wait3A_131 = tpu.memref_slice %arg2[%dma_wait3A_129, %dma_wait3A_130] : memref<20480x128xf32, #tpu.memory_space<hbm>> -> memref<20480x128xf32, #tpu.memory_space<hbm>>
    tpu.wait_indirect_dma semaphore(%arg13 : memref<!tpu.dma_semaphore, #tpu.memory_space<semaphore_mem>>) src(%dma_wait3A_131 : memref<20480x128xf32, #tpu.memory_space<hbm>>) dst(%arg10 : memref<128x128xf32, #tpu.memory_space<vmem>>)
    %run_scoped3A_132 = arith.constant 39 : i32
    "tpu.region"() ({
      %run_scoped3A_134 = tpu.sem_alloc : memref<!tpu.dma_semaphore, #tpu.memory_space<semaphore_mem>>
      %dma_start3A_135 = arith.constant 0 : i32
      %dma_start3A_136 = tpu.memref_slice %arg8[%run_scoped3A_132, %dma_start3A_135] : memref<40x128xi32, #tpu.memory_space<vmem>> -> memref<1x128xi32, #tpu.memory_space<vmem>>
      %dma_start3A_137 = tpu.memref_squeeze %dma_start3A_136 : memref<1x128xi32, #tpu.memory_space<vmem>> -> memref<128xi32, #tpu.memory_space<vmem>>
      %dma_start3A_138 = arith.constant 0 : i32
      %dma_start3A_139 = arith.constant 0 : i32
      %dma_start3A_140 = tpu.memref_slice %arg11[%dma_start3A_138, %dma_start3A_139] : memref<5120x128xf32, #tpu.memory_space<vmem_shared>> -> memref<5120x128xf32, #tpu.memory_space<vmem_shared>>
      tpu.enqueue_indirect_dma source(%arg10 : memref<128x128xf32, #tpu.memory_space<vmem>>) target(%dma_start3A_140 : memref<5120x128xf32, #tpu.memory_space<vmem_shared>>) offsets(%dma_start3A_137 : memref<128xi32, #tpu.memory_space<vmem>>) semaphore(%run_scoped3A_134 : memref<!tpu.dma_semaphore, #tpu.memory_space<semaphore_mem>>) {add = true}
      %dma_wait3A_141 = arith.constant 0 : i32
      %dma_wait3A_142 = tpu.memref_slice %arg8[%run_scoped3A_132, %dma_wait3A_141] : memref<40x128xi32, #tpu.memory_space<vmem>> -> memref<1x128xi32, #tpu.memory_space<vmem>>
      %dma_wait3A_143 = tpu.memref_squeeze %dma_wait3A_142 : memref<1x128xi32, #tpu.memory_space<vmem>> -> memref<128xi32, #tpu.memory_space<vmem>>
      %dma_wait3A_144 = arith.constant 0 : i32
      %dma_wait3A_145 = arith.constant 0 : i32
      %dma_wait3A_146 = tpu.memref_slice %arg11[%dma_wait3A_144, %dma_wait3A_145] : memref<5120x128xf32, #tpu.memory_space<vmem_shared>> -> memref<5120x128xf32, #tpu.memory_space<vmem_shared>>
      tpu.wait_indirect_dma semaphore(%run_scoped3A_134 : memref<!tpu.dma_semaphore, #tpu.memory_space<semaphore_mem>>) src(%arg10 : memref<128x128xf32, #tpu.memory_space<vmem>>) dst(%dma_wait3A_146 : memref<5120x128xf32, #tpu.memory_space<vmem_shared>>)
      tpu.yield
    }) : () -> ()
    %barrier3A_133 = arith.constant 0 : index
    tpu.barrier barrier_id(%barrier3A_133)
    "tpu.region"() ({
      %run_scoped3A_134 = tpu.sem_alloc : memref<!tpu.dma_semaphore, #tpu.memory_space<semaphore_mem>>
      %dma_start3A_135 = arith.constant 0 : i32
      %dma_start3A_136 = tpu.memref_slice %arg6[%arg0, %mul3A_0, %dma_start3A_135] : memref<2x5120x128xf32, #tpu.memory_space<hbm>> -> memref<1x320x128xf32, #tpu.memory_space<hbm>>
      %dma_start3A_137 = tpu.memref_squeeze %dma_start3A_136 : memref<1x320x128xf32, #tpu.memory_space<hbm>> -> memref<320x128xf32, #tpu.memory_space<hbm>>
      %dma_start3A_138 = arith.constant 0 : i32
      %dma_start3A_139 = tpu.memref_slice %arg11[%mul3A_0, %dma_start3A_138] : memref<5120x128xf32, #tpu.memory_space<vmem_shared>> -> memref<320x128xf32, #tpu.memory_space<vmem_shared>>
      tpu.enqueue_dma source(%dma_start3A_139 : memref<320x128xf32, #tpu.memory_space<vmem_shared>>) target(%dma_start3A_137 : memref<320x128xf32, #tpu.memory_space<hbm>>) target_semaphore(%run_scoped3A_134 : memref<!tpu.dma_semaphore, #tpu.memory_space<semaphore_mem>>)
      %dma_wait3A_140 = arith.constant 0 : i32
      %dma_wait3A_141 = tpu.memref_slice %arg6[%arg0, %mul3A_0, %dma_wait3A_140] : memref<2x5120x128xf32, #tpu.memory_space<hbm>> -> memref<1x320x128xf32, #tpu.memory_space<hbm>>
      %dma_wait3A_142 = tpu.memref_squeeze %dma_wait3A_141 : memref<1x320x128xf32, #tpu.memory_space<hbm>> -> memref<320x128xf32, #tpu.memory_space<hbm>>
      %dma_wait3A_143 = arith.constant 0 : i32
      %dma_wait3A_144 = tpu.memref_slice %arg11[%mul3A_0, %dma_wait3A_143] : memref<5120x128xf32, #tpu.memory_space<vmem_shared>> -> memref<320x128xf32, #tpu.memory_space<vmem_shared>>
      tpu.wait_dma2 semaphore(%run_scoped3A_134 : memref<!tpu.dma_semaphore, #tpu.memory_space<semaphore_mem>>) src(%dma_wait3A_144 : memref<320x128xf32, #tpu.memory_space<vmem_shared>>) dst(%dma_wait3A_142 : memref<320x128xf32, #tpu.memory_space<hbm>>)
      tpu.yield
    }) : () -> ()
    return
  }
}

#map = affine_map<(d0, d1) -> (0, 0)>
#map1 = affine_map<(d0, d1) -> (0, 0, 0)>
module attributes {stable_mosaic.version = 14 : i64} {
  func.func @body(%arg0: i32, %arg1: i32, %arg2: memref<10240x128xf32, #tpu.memory_space<hbm>>, %arg3: memref<2560x128xi32, #tpu.memory_space<hbm>>, %arg4: memref<1280x128xi32, #tpu.memory_space<hbm>>, %arg5: memref<10240x128xf32, #tpu.memory_space<hbm>>, %arg6: memref<2x10240x128xf32, #tpu.memory_space<hbm>>, %arg7: memref<40x128xi32, #tpu.memory_space<vmem>>, %arg8: memref<40x128xi32, #tpu.memory_space<vmem>>, %arg9: memref<128x128xf32, #tpu.memory_space<vmem>>, %arg10: memref<128x128xf32, #tpu.memory_space<vmem>>, %arg11: memref<10240x128xf32, #tpu.memory_space<vmem_shared>>, %arg12: memref<!tpu.dma_semaphore, #tpu.memory_space<semaphore_mem>>, %arg13: memref<!tpu.dma_semaphore, #tpu.memory_space<semaphore_mem>>) attributes {dimension_semantics = [#tpu.dimension_semantics<core_parallel>, #tpu.dimension_semantics<subcore_parallel>], iteration_bounds = array<i64: 2, 16>, scalar_prefetch = 0 : i64, scratch_operands = 7 : i64, tpu.core_type = #tpu.core_type<sc_vector_subcore>, window_params = [{transform_indices = #map}, {transform_indices = #map}, {transform_indices = #map}, {transform_indices = #map}, {transform_indices = #map1}]} {
    %mul3A = arith.constant 640 : i32
    %mul3A_0 = arith.muli %arg1, %mul3A : i32
    "tpu.region"() ({
      %run_scoped3A_134 = tpu.sem_alloc : memref<!tpu.dma_semaphore, #tpu.memory_space<semaphore_mem>>
      %dma_start3A_135 = arith.constant 0 : i32
      %dma_start3A_136 = tpu.memref_slice %arg11[%mul3A_0, %dma_start3A_135] : memref<10240x128xf32, #tpu.memory_space<vmem_shared>> -> memref<640x128xf32, #tpu.memory_space<vmem_shared>>
      %dma_start3A_137 = arith.constant 0 : i32
      %dma_start3A_138 = tpu.memref_slice %arg5[%mul3A_0, %dma_start3A_137] : memref<10240x128xf32, #tpu.memory_space<hbm>> -> memref<640x128xf32, #tpu.memory_space<hbm>>
      tpu.enqueue_dma source(%dma_start3A_138 : memref<640x128xf32, #tpu.memory_space<hbm>>) target(%dma_start3A_136 : memref<640x128xf32, #tpu.memory_space<vmem_shared>>) target_semaphore(%run_scoped3A_134 : memref<!tpu.dma_semaphore, #tpu.memory_space<semaphore_mem>>)
      %dma_wait3A_139 = arith.constant 0 : i32
      %dma_wait3A_140 = tpu.memref_slice %arg11[%mul3A_0, %dma_wait3A_139] : memref<10240x128xf32, #tpu.memory_space<vmem_shared>> -> memref<640x128xf32, #tpu.memory_space<vmem_shared>>
      %dma_wait3A_141 = arith.constant 0 : i32
      %dma_wait3A_142 = tpu.memref_slice %arg5[%mul3A_0, %dma_wait3A_141] : memref<10240x128xf32, #tpu.memory_space<hbm>> -> memref<640x128xf32, #tpu.memory_space<hbm>>
      tpu.wait_dma2 semaphore(%run_scoped3A_134 : memref<!tpu.dma_semaphore, #tpu.memory_space<semaphore_mem>>) src(%dma_wait3A_142 : memref<640x128xf32, #tpu.memory_space<hbm>>) dst(%dma_wait3A_140 : memref<640x128xf32, #tpu.memory_space<vmem_shared>>)
      tpu.yield
    }) : () -> ()
    %barrier3A = arith.constant 0 : index
    tpu.barrier barrier_id(%barrier3A)
    %mul3A_1 = arith.constant 163840 : i32
    %mul3A_2 = arith.muli %arg0, %mul3A_1 : i32
    %mul3A_3 = arith.constant 10240 : i32
    %mul3A_4 = arith.muli %arg1, %mul3A_3 : i32
    %add3A = arith.addi %mul3A_2, %mul3A_4 : i32
    %jit3A = arith.constant 128 : i32
    %div3A = arith.divsi %add3A, %jit3A : i32
    %sign3A = arith.constant 0 : i32
    %sign3A_5 = arith.cmpi sgt, %add3A, %sign3A : i32
    %sign3A_6 = arith.extui %sign3A_5 : i1 to i32
    %sign3A_7 = arith.constant 0 : i32
    %sign3A_8 = arith.cmpi slt, %add3A, %sign3A_7 : i32
    %sign3A_9 = arith.extui %sign3A_8 : i1 to i32
    %sign3A_10 = arith.subi %sign3A_6, %sign3A_9 : i32
    %sign3A_11 = arith.constant 0 : i32
    %sign3A_12 = arith.cmpi sgt, %jit3A, %sign3A_11 : i32
    %sign3A_13 = arith.extui %sign3A_12 : i1 to i32
    %sign3A_14 = arith.constant 0 : i32
    %sign3A_15 = arith.cmpi slt, %jit3A, %sign3A_14 : i32
    %sign3A_16 = arith.extui %sign3A_15 : i1 to i32
    %sign3A_17 = arith.subi %sign3A_13, %sign3A_16 : i32
    %ne3A = arith.cmpi ne, %sign3A_10, %sign3A_17 : i32
    %rem3A = arith.remsi %add3A, %jit3A : i32
    %ne3A_18 = arith.constant 0 : i32
    %ne3A_19 = arith.cmpi ne, %rem3A, %ne3A_18 : i32
    %and3A = arith.andi %ne3A, %ne3A_19 : i1
    %sub3A = arith.constant 1 : i32
    %sub3A_20 = arith.subi %div3A, %sub3A : i32
    %select_n3A = arith.select %and3A, %sub3A_20, %div3A : i32
    %add3A_21 = arith.constant 0 : i32
    %add3A_22 = arith.addi %select_n3A, %add3A_21 : i32
    %multiple_of3A = tpu.assume_multiple %add3A_22, 8 : i32
    "tpu.region"() ({
      %run_scoped3A_134 = tpu.sem_alloc : memref<!tpu.dma_semaphore, #tpu.memory_space<semaphore_mem>>
      %dma_start3A_135 = arith.constant 0 : i32
      %dma_start3A_136 = tpu.memref_slice %arg3[%multiple_of3A, %dma_start3A_135] : memref<2560x128xi32, #tpu.memory_space<hbm>> -> memref<40x128xi32, #tpu.memory_space<hbm>>
      %dma_start3A_137 = arith.constant 0 : i32
      %dma_start3A_138 = tpu.memref_slice %arg3[%multiple_of3A, %dma_start3A_137] : memref<2560x128xi32, #tpu.memory_space<hbm>> -> memref<40x128xi32, #tpu.memory_space<hbm>>
      tpu.enqueue_dma source(%dma_start3A_138 : memref<40x128xi32, #tpu.memory_space<hbm>>) target(%arg7 : memref<40x128xi32, #tpu.memory_space<vmem>>) target_semaphore(%run_scoped3A_134 : memref<!tpu.dma_semaphore, #tpu.memory_space<semaphore_mem>>)
      %dma_wait3A_139 = arith.constant 0 : i32
      %dma_wait3A_140 = tpu.memref_slice %arg3[%multiple_of3A, %dma_wait3A_139] : memref<2560x128xi32, #tpu.memory_space<hbm>> -> memref<40x128xi32, #tpu.memory_space<hbm>>
      %dma_wait3A_141 = arith.constant 0 : i32
      %dma_wait3A_142 = tpu.memref_slice %arg3[%multiple_of3A, %dma_wait3A_141] : memref<2560x128xi32, #tpu.memory_space<hbm>> -> memref<40x128xi32, #tpu.memory_space<hbm>>
      tpu.wait_dma2 semaphore(%run_scoped3A_134 : memref<!tpu.dma_semaphore, #tpu.memory_space<semaphore_mem>>) src(%dma_wait3A_142 : memref<40x128xi32, #tpu.memory_space<hbm>>) dst(%arg7 : memref<40x128xi32, #tpu.memory_space<vmem>>)
      tpu.yield
    }) : () -> ()
    %mul3A_23 = arith.constant 80 : i32
    %mul3A_24 = arith.muli %arg1, %mul3A_23 : i32
    %add3A_25 = arith.constant 0 : i32
    %add3A_26 = arith.addi %mul3A_24, %add3A_25 : i32
    %multiple_of3A_27 = tpu.assume_multiple %add3A_26, 8 : i32
    "tpu.region"() ({
      %run_scoped3A_134 = tpu.sem_alloc : memref<!tpu.dma_semaphore, #tpu.memory_space<semaphore_mem>>
      %dma_start3A_135 = arith.constant 0 : i32
      %dma_start3A_136 = tpu.memref_slice %arg4[%multiple_of3A_27, %dma_start3A_135] : memref<1280x128xi32, #tpu.memory_space<hbm>> -> memref<40x128xi32, #tpu.memory_space<hbm>>
      %dma_start3A_137 = arith.constant 0 : i32
      %dma_start3A_138 = tpu.memref_slice %arg4[%multiple_of3A_27, %dma_start3A_137] : memref<1280x128xi32, #tpu.memory_space<hbm>> -> memref<40x128xi32, #tpu.memory_space<hbm>>
      tpu.enqueue_dma source(%dma_start3A_138 : memref<40x128xi32, #tpu.memory_space<hbm>>) target(%arg8 : memref<40x128xi32, #tpu.memory_space<vmem>>) target_semaphore(%run_scoped3A_134 : memref<!tpu.dma_semaphore, #tpu.memory_space<semaphore_mem>>)
      %dma_wait3A_139 = arith.constant 0 : i32
      %dma_wait3A_140 = tpu.memref_slice %arg4[%multiple_of3A_27, %dma_wait3A_139] : memref<1280x128xi32, #tpu.memory_space<hbm>> -> memref<40x128xi32, #tpu.memory_space<hbm>>
      %dma_wait3A_141 = arith.constant 0 : i32
      %dma_wait3A_142 = tpu.memref_slice %arg4[%multiple_of3A_27, %dma_wait3A_141] : memref<1280x128xi32, #tpu.memory_space<hbm>> -> memref<40x128xi32, #tpu.memory_space<hbm>>
      tpu.wait_dma2 semaphore(%run_scoped3A_134 : memref<!tpu.dma_semaphore, #tpu.memory_space<semaphore_mem>>) src(%dma_wait3A_142 : memref<40x128xi32, #tpu.memory_space<hbm>>) dst(%arg8 : memref<40x128xi32, #tpu.memory_space<vmem>>)
      tpu.yield
    }) : () -> ()
    %dma_start3A = arith.constant 0 : i32
    %dma_start3A_28 = arith.constant 0 : i32
    %dma_start3A_29 = tpu.memref_slice %arg7[%dma_start3A, %dma_start3A_28] : memref<40x128xi32, #tpu.memory_space<vmem>> -> memref<1x128xi32, #tpu.memory_space<vmem>>
    %dma_start3A_30 = tpu.memref_squeeze %dma_start3A_29 : memref<1x128xi32, #tpu.memory_space<vmem>> -> memref<128xi32, #tpu.memory_space<vmem>>
    %dma_start3A_31 = arith.constant 0 : i32
    %dma_start3A_32 = arith.constant 0 : i32
    %dma_start3A_33 = tpu.memref_slice %arg2[%dma_start3A_31, %dma_start3A_32] : memref<10240x128xf32, #tpu.memory_space<hbm>> -> memref<10240x128xf32, #tpu.memory_space<hbm>>
    tpu.enqueue_indirect_dma source(%dma_start3A_33 : memref<10240x128xf32, #tpu.memory_space<hbm>>) target(%arg9 : memref<128x128xf32, #tpu.memory_space<vmem>>) offsets(%dma_start3A_30 : memref<128xi32, #tpu.memory_space<vmem>>) semaphore(%arg12 : memref<!tpu.dma_semaphore, #tpu.memory_space<semaphore_mem>>)
    %scan3A = arith.constant 0 : i32
    %scan3A_34 = arith.constant 0 : i32
    %scan3A_35 = arith.constant 19 : i32
    %scan3A_36 = arith.addi %scan3A_34, %scan3A_35 : i32
    %scan3A_37 = arith.constant 1 : i32
    scf.for %scan3A_134 = %scan3A_34 to %scan3A_36 step %scan3A_37  : i32 {
      %mul3A_135 = arith.constant 2 : i32
      %mul3A_136 = arith.muli %scan3A_134, %mul3A_135 : i32
      %add3A_137 = arith.constant 0 : i32
      %add3A_138 = arith.addi %mul3A_136, %add3A_137 : i32
      %add3A_139 = arith.constant 2 : i32
      %add3A_140 = arith.addi %add3A_138, %add3A_139 : i32
      %sub3A_141 = arith.constant 1 : i32
      %sub3A_142 = arith.subi %add3A_140, %sub3A_141 : i32
      %dma_start3A_143 = arith.constant 0 : i32
      %dma_start3A_144 = tpu.memref_slice %arg7[%sub3A_142, %dma_start3A_143] : memref<40x128xi32, #tpu.memory_space<vmem>> -> memref<1x128xi32, #tpu.memory_space<vmem>>
      %dma_start3A_145 = tpu.memref_squeeze %dma_start3A_144 : memref<1x128xi32, #tpu.memory_space<vmem>> -> memref<128xi32, #tpu.memory_space<vmem>>
      %dma_start3A_146 = arith.constant 0 : i32
      %dma_start3A_147 = arith.constant 0 : i32
      %dma_start3A_148 = tpu.memref_slice %arg2[%dma_start3A_146, %dma_start3A_147] : memref<10240x128xf32, #tpu.memory_space<hbm>> -> memref<10240x128xf32, #tpu.memory_space<hbm>>
      tpu.enqueue_indirect_dma source(%dma_start3A_148 : memref<10240x128xf32, #tpu.memory_space<hbm>>) target(%arg10 : memref<128x128xf32, #tpu.memory_space<vmem>>) offsets(%dma_start3A_145 : memref<128xi32, #tpu.memory_space<vmem>>) semaphore(%arg13 : memref<!tpu.dma_semaphore, #tpu.memory_space<semaphore_mem>>)
      %dma_wait3A_149 = arith.constant 0 : i32
      %dma_wait3A_150 = arith.constant 0 : i32
      %dma_wait3A_151 = tpu.memref_slice %arg7[%dma_wait3A_149, %dma_wait3A_150] : memref<40x128xi32, #tpu.memory_space<vmem>> -> memref<1x128xi32, #tpu.memory_space<vmem>>
      %dma_wait3A_152 = tpu.memref_squeeze %dma_wait3A_151 : memref<1x128xi32, #tpu.memory_space<vmem>> -> memref<128xi32, #tpu.memory_space<vmem>>
      %dma_wait3A_153 = arith.constant 0 : i32
      %dma_wait3A_154 = arith.constant 0 : i32
      %dma_wait3A_155 = tpu.memref_slice %arg2[%dma_wait3A_153, %dma_wait3A_154] : memref<10240x128xf32, #tpu.memory_space<hbm>> -> memref<10240x128xf32, #tpu.memory_space<hbm>>
      tpu.wait_indirect_dma semaphore(%arg12 : memref<!tpu.dma_semaphore, #tpu.memory_space<semaphore_mem>>) src(%dma_wait3A_155 : memref<10240x128xf32, #tpu.memory_space<hbm>>) dst(%arg9 : memref<128x128xf32, #tpu.memory_space<vmem>>)
      %add3A_156 = arith.constant 0 : i32
      %add3A_157 = arith.addi %mul3A_136, %add3A_156 : i32
      "tpu.region"() ({
        %run_scoped3A_179 = tpu.sem_alloc : memref<!tpu.dma_semaphore, #tpu.memory_space<semaphore_mem>>
        %dma_start3A_180 = arith.constant 0 : i32
        %dma_start3A_181 = tpu.memref_slice %arg8[%add3A_157, %dma_start3A_180] : memref<40x128xi32, #tpu.memory_space<vmem>> -> memref<1x128xi32, #tpu.memory_space<vmem>>
        %dma_start3A_182 = tpu.memref_squeeze %dma_start3A_181 : memref<1x128xi32, #tpu.memory_space<vmem>> -> memref<128xi32, #tpu.memory_space<vmem>>
        %dma_start3A_183 = arith.constant 0 : i32
        %dma_start3A_184 = arith.constant 0 : i32
        %dma_start3A_185 = tpu.memref_slice %arg11[%dma_start3A_183, %dma_start3A_184] : memref<10240x128xf32, #tpu.memory_space<vmem_shared>> -> memref<10240x128xf32, #tpu.memory_space<vmem_shared>>
        tpu.enqueue_indirect_dma source(%arg9 : memref<128x128xf32, #tpu.memory_space<vmem>>) target(%dma_start3A_185 : memref<10240x128xf32, #tpu.memory_space<vmem_shared>>) offsets(%dma_start3A_182 : memref<128xi32, #tpu.memory_space<vmem>>) semaphore(%run_scoped3A_179 : memref<!tpu.dma_semaphore, #tpu.memory_space<semaphore_mem>>) {add = true}
        %dma_wait3A_186 = arith.constant 0 : i32
        %dma_wait3A_187 = tpu.memref_slice %arg8[%add3A_157, %dma_wait3A_186] : memref<40x128xi32, #tpu.memory_space<vmem>> -> memref<1x128xi32, #tpu.memory_space<vmem>>
        %dma_wait3A_188 = tpu.memref_squeeze %dma_wait3A_187 : memref<1x128xi32, #tpu.memory_space<vmem>> -> memref<128xi32, #tpu.memory_space<vmem>>
        %dma_wait3A_189 = arith.constant 0 : i32
        %dma_wait3A_190 = arith.constant 0 : i32
        %dma_wait3A_191 = tpu.memref_slice %arg11[%dma_wait3A_189, %dma_wait3A_190] : memref<10240x128xf32, #tpu.memory_space<vmem_shared>> -> memref<10240x128xf32, #tpu.memory_space<vmem_shared>>
        tpu.wait_indirect_dma semaphore(%run_scoped3A_179 : memref<!tpu.dma_semaphore, #tpu.memory_space<semaphore_mem>>) src(%arg9 : memref<128x128xf32, #tpu.memory_space<vmem>>) dst(%dma_wait3A_191 : memref<10240x128xf32, #tpu.memory_space<vmem_shared>>)
        tpu.yield
      }) : () -> ()
      %add3A_158 = arith.constant 1 : i32
      %add3A_159 = arith.addi %mul3A_136, %add3A_158 : i32
      %add3A_160 = arith.constant 2 : i32
      %add3A_161 = arith.addi %add3A_159, %add3A_160 : i32
      %sub3A_162 = arith.constant 1 : i32
      %sub3A_163 = arith.subi %add3A_161, %sub3A_162 : i32
      %dma_start3A_164 = arith.constant 0 : i32
      %dma_start3A_165 = tpu.memref_slice %arg7[%sub3A_163, %dma_start3A_164] : memref<40x128xi32, #tpu.memory_space<vmem>> -> memref<1x128xi32, #tpu.memory_space<vmem>>
      %dma_start3A_166 = tpu.memref_squeeze %dma_start3A_165 : memref<1x128xi32, #tpu.memory_space<vmem>> -> memref<128xi32, #tpu.memory_space<vmem>>
      %dma_start3A_167 = arith.constant 0 : i32
      %dma_start3A_168 = arith.constant 0 : i32
      %dma_start3A_169 = tpu.memref_slice %arg2[%dma_start3A_167, %dma_start3A_168] : memref<10240x128xf32, #tpu.memory_space<hbm>> -> memref<10240x128xf32, #tpu.memory_space<hbm>>
      tpu.enqueue_indirect_dma source(%dma_start3A_169 : memref<10240x128xf32, #tpu.memory_space<hbm>>) target(%arg9 : memref<128x128xf32, #tpu.memory_space<vmem>>) offsets(%dma_start3A_166 : memref<128xi32, #tpu.memory_space<vmem>>) semaphore(%arg12 : memref<!tpu.dma_semaphore, #tpu.memory_space<semaphore_mem>>)
      %dma_wait3A_170 = arith.constant 0 : i32
      %dma_wait3A_171 = arith.constant 0 : i32
      %dma_wait3A_172 = tpu.memref_slice %arg7[%dma_wait3A_170, %dma_wait3A_171] : memref<40x128xi32, #tpu.memory_space<vmem>> -> memref<1x128xi32, #tpu.memory_space<vmem>>
      %dma_wait3A_173 = tpu.memref_squeeze %dma_wait3A_172 : memref<1x128xi32, #tpu.memory_space<vmem>> -> memref<128xi32, #tpu.memory_space<vmem>>
      %dma_wait3A_174 = arith.constant 0 : i32
      %dma_wait3A_175 = arith.constant 0 : i32
      %dma_wait3A_176 = tpu.memref_slice %arg2[%dma_wait3A_174, %dma_wait3A_175] : memref<10240x128xf32, #tpu.memory_space<hbm>> -> memref<10240x128xf32, #tpu.memory_space<hbm>>
      tpu.wait_indirect_dma semaphore(%arg13 : memref<!tpu.dma_semaphore, #tpu.memory_space<semaphore_mem>>) src(%dma_wait3A_176 : memref<10240x128xf32, #tpu.memory_space<hbm>>) dst(%arg10 : memref<128x128xf32, #tpu.memory_space<vmem>>)
      %add3A_177 = arith.constant 1 : i32
      %add3A_178 = arith.addi %mul3A_136, %add3A_177 : i32
      "tpu.region"() ({
        %run_scoped3A_179 = tpu.sem_alloc : memref<!tpu.dma_semaphore, #tpu.memory_space<semaphore_mem>>
        %dma_start3A_180 = arith.constant 0 : i32
        %dma_start3A_181 = tpu.memref_slice %arg8[%add3A_178, %dma_start3A_180] : memref<40x128xi32, #tpu.memory_space<vmem>> -> memref<1x128xi32, #tpu.memory_space<vmem>>
        %dma_start3A_182 = tpu.memref_squeeze %dma_start3A_181 : memref<1x128xi32, #tpu.memory_space<vmem>> -> memref<128xi32, #tpu.memory_space<vmem>>
        %dma_start3A_183 = arith.constant 0 : i32
        %dma_start3A_184 = arith.constant 0 : i32
        %dma_start3A_185 = tpu.memref_slice %arg11[%dma_start3A_183, %dma_start3A_184] : memref<10240x128xf32, #tpu.memory_space<vmem_shared>> -> memref<10240x128xf32, #tpu.memory_space<vmem_shared>>
        tpu.enqueue_indirect_dma source(%arg10 : memref<128x128xf32, #tpu.memory_space<vmem>>) target(%dma_start3A_185 : memref<10240x128xf32, #tpu.memory_space<vmem_shared>>) offsets(%dma_start3A_182 : memref<128xi32, #tpu.memory_space<vmem>>) semaphore(%run_scoped3A_179 : memref<!tpu.dma_semaphore, #tpu.memory_space<semaphore_mem>>) {add = true}
        %dma_wait3A_186 = arith.constant 0 : i32
        %dma_wait3A_187 = tpu.memref_slice %arg8[%add3A_178, %dma_wait3A_186] : memref<40x128xi32, #tpu.memory_space<vmem>> -> memref<1x128xi32, #tpu.memory_space<vmem>>
        %dma_wait3A_188 = tpu.memref_squeeze %dma_wait3A_187 : memref<1x128xi32, #tpu.memory_space<vmem>> -> memref<128xi32, #tpu.memory_space<vmem>>
        %dma_wait3A_189 = arith.constant 0 : i32
        %dma_wait3A_190 = arith.constant 0 : i32
        %dma_wait3A_191 = tpu.memref_slice %arg11[%dma_wait3A_189, %dma_wait3A_190] : memref<10240x128xf32, #tpu.memory_space<vmem_shared>> -> memref<10240x128xf32, #tpu.memory_space<vmem_shared>>
        tpu.wait_indirect_dma semaphore(%run_scoped3A_179 : memref<!tpu.dma_semaphore, #tpu.memory_space<semaphore_mem>>) src(%arg10 : memref<128x128xf32, #tpu.memory_space<vmem>>) dst(%dma_wait3A_191 : memref<10240x128xf32, #tpu.memory_space<vmem_shared>>)
        tpu.yield
      }) : () -> ()
    }
    %scan3A_38 = arith.constant 19 : i32
    %dma_start3A_39 = arith.constant 39 : i32
    %dma_start3A_40 = arith.constant 0 : i32
    %dma_start3A_41 = tpu.memref_slice %arg7[%dma_start3A_39, %dma_start3A_40] : memref<40x128xi32, #tpu.memory_space<vmem>> -> memref<1x128xi32, #tpu.memory_space<vmem>>
    %dma_start3A_42 = tpu.memref_squeeze %dma_start3A_41 : memref<1x128xi32, #tpu.memory_space<vmem>> -> memref<128xi32, #tpu.memory_space<vmem>>
    %dma_start3A_43 = arith.constant 0 : i32
    %dma_start3A_44 = arith.constant 0 : i32
    %dma_start3A_45 = tpu.memref_slice %arg2[%dma_start3A_43, %dma_start3A_44] : memref<10240x128xf32, #tpu.memory_space<hbm>> -> memref<10240x128xf32, #tpu.memory_space<hbm>>
    tpu.enqueue_indirect_dma source(%dma_start3A_45 : memref<10240x128xf32, #tpu.memory_space<hbm>>) target(%arg10 : memref<128x128xf32, #tpu.memory_space<vmem>>) offsets(%dma_start3A_42 : memref<128xi32, #tpu.memory_space<vmem>>) semaphore(%arg13 : memref<!tpu.dma_semaphore, #tpu.memory_space<semaphore_mem>>)
    %dma_wait3A = arith.constant 0 : i32
    %dma_wait3A_46 = arith.constant 0 : i32
    %dma_wait3A_47 = tpu.memref_slice %arg7[%dma_wait3A, %dma_wait3A_46] : memref<40x128xi32, #tpu.memory_space<vmem>> -> memref<1x128xi32, #tpu.memory_space<vmem>>
    %dma_wait3A_48 = tpu.memref_squeeze %dma_wait3A_47 : memref<1x128xi32, #tpu.memory_space<vmem>> -> memref<128xi32, #tpu.memory_space<vmem>>
    %dma_wait3A_49 = arith.constant 0 : i32
    %dma_wait3A_50 = arith.constant 0 : i32
    %dma_wait3A_51 = tpu.memref_slice %arg2[%dma_wait3A_49, %dma_wait3A_50] : memref<10240x128xf32, #tpu.memory_space<hbm>> -> memref<10240x128xf32, #tpu.memory_space<hbm>>
    tpu.wait_indirect_dma semaphore(%arg12 : memref<!tpu.dma_semaphore, #tpu.memory_space<semaphore_mem>>) src(%dma_wait3A_51 : memref<10240x128xf32, #tpu.memory_space<hbm>>) dst(%arg9 : memref<128x128xf32, #tpu.memory_space<vmem>>)
    %run_scoped3A = arith.constant 38 : i32
    "tpu.region"() ({
      %run_scoped3A_134 = tpu.sem_alloc : memref<!tpu.dma_semaphore, #tpu.memory_space<semaphore_mem>>
      %dma_start3A_135 = arith.constant 0 : i32
      %dma_start3A_136 = tpu.memref_slice %arg8[%run_scoped3A, %dma_start3A_135] : memref<40x128xi32, #tpu.memory_space<vmem>> -> memref<1x128xi32, #tpu.memory_space<vmem>>
      %dma_start3A_137 = tpu.memref_squeeze %dma_start3A_136 : memref<1x128xi32, #tpu.memory_space<vmem>> -> memref<128xi32, #tpu.memory_space<vmem>>
      %dma_start3A_138 = arith.constant 0 : i32
      %dma_start3A_139 = arith.constant 0 : i32
      %dma_start3A_140 = tpu.memref_slice %arg11[%dma_start3A_138, %dma_start3A_139] : memref<10240x128xf32, #tpu.memory_space<vmem_shared>> -> memref<10240x128xf32, #tpu.memory_space<vmem_shared>>
      tpu.enqueue_indirect_dma source(%arg9 : memref<128x128xf32, #tpu.memory_space<vmem>>) target(%dma_start3A_140 : memref<10240x128xf32, #tpu.memory_space<vmem_shared>>) offsets(%dma_start3A_137 : memref<128xi32, #tpu.memory_space<vmem>>) semaphore(%run_scoped3A_134 : memref<!tpu.dma_semaphore, #tpu.memory_space<semaphore_mem>>) {add = true}
      %dma_wait3A_141 = arith.constant 0 : i32
      %dma_wait3A_142 = tpu.memref_slice %arg8[%run_scoped3A, %dma_wait3A_141] : memref<40x128xi32, #tpu.memory_space<vmem>> -> memref<1x128xi32, #tpu.memory_space<vmem>>
      %dma_wait3A_143 = tpu.memref_squeeze %dma_wait3A_142 : memref<1x128xi32, #tpu.memory_space<vmem>> -> memref<128xi32, #tpu.memory_space<vmem>>
      %dma_wait3A_144 = arith.constant 0 : i32
      %dma_wait3A_145 = arith.constant 0 : i32
      %dma_wait3A_146 = tpu.memref_slice %arg11[%dma_wait3A_144, %dma_wait3A_145] : memref<10240x128xf32, #tpu.memory_space<vmem_shared>> -> memref<10240x128xf32, #tpu.memory_space<vmem_shared>>
      tpu.wait_indirect_dma semaphore(%run_scoped3A_134 : memref<!tpu.dma_semaphore, #tpu.memory_space<semaphore_mem>>) src(%arg9 : memref<128x128xf32, #tpu.memory_space<vmem>>) dst(%dma_wait3A_146 : memref<10240x128xf32, #tpu.memory_space<vmem_shared>>)
      tpu.yield
    }) : () -> ()
    %dma_wait3A_52 = arith.constant 0 : i32
    %dma_wait3A_53 = arith.constant 0 : i32
    %dma_wait3A_54 = tpu.memref_slice %arg7[%dma_wait3A_52, %dma_wait3A_53] : memref<40x128xi32, #tpu.memory_space<vmem>> -> memref<1x128xi32, #tpu.memory_space<vmem>>
    %dma_wait3A_55 = tpu.memref_squeeze %dma_wait3A_54 : memref<1x128xi32, #tpu.memory_space<vmem>> -> memref<128xi32, #tpu.memory_space<vmem>>
    %dma_wait3A_56 = arith.constant 0 : i32
    %dma_wait3A_57 = arith.constant 0 : i32
    %dma_wait3A_58 = tpu.memref_slice %arg2[%dma_wait3A_56, %dma_wait3A_57] : memref<10240x128xf32, #tpu.memory_space<hbm>> -> memref<10240x128xf32, #tpu.memory_space<hbm>>
    tpu.wait_indirect_dma semaphore(%arg13 : memref<!tpu.dma_semaphore, #tpu.memory_space<semaphore_mem>>) src(%dma_wait3A_58 : memref<10240x128xf32, #tpu.memory_space<hbm>>) dst(%arg10 : memref<128x128xf32, #tpu.memory_space<vmem>>)
    %run_scoped3A_59 = arith.constant 39 : i32
    "tpu.region"() ({
      %run_scoped3A_134 = tpu.sem_alloc : memref<!tpu.dma_semaphore, #tpu.memory_space<semaphore_mem>>
      %dma_start3A_135 = arith.constant 0 : i32
      %dma_start3A_136 = tpu.memref_slice %arg8[%run_scoped3A_59, %dma_start3A_135] : memref<40x128xi32, #tpu.memory_space<vmem>> -> memref<1x128xi32, #tpu.memory_space<vmem>>
      %dma_start3A_137 = tpu.memref_squeeze %dma_start3A_136 : memref<1x128xi32, #tpu.memory_space<vmem>> -> memref<128xi32, #tpu.memory_space<vmem>>
      %dma_start3A_138 = arith.constant 0 : i32
      %dma_start3A_139 = arith.constant 0 : i32
      %dma_start3A_140 = tpu.memref_slice %arg11[%dma_start3A_138, %dma_start3A_139] : memref<10240x128xf32, #tpu.memory_space<vmem_shared>> -> memref<10240x128xf32, #tpu.memory_space<vmem_shared>>
      tpu.enqueue_indirect_dma source(%arg10 : memref<128x128xf32, #tpu.memory_space<vmem>>) target(%dma_start3A_140 : memref<10240x128xf32, #tpu.memory_space<vmem_shared>>) offsets(%dma_start3A_137 : memref<128xi32, #tpu.memory_space<vmem>>) semaphore(%run_scoped3A_134 : memref<!tpu.dma_semaphore, #tpu.memory_space<semaphore_mem>>) {add = true}
      %dma_wait3A_141 = arith.constant 0 : i32
      %dma_wait3A_142 = tpu.memref_slice %arg8[%run_scoped3A_59, %dma_wait3A_141] : memref<40x128xi32, #tpu.memory_space<vmem>> -> memref<1x128xi32, #tpu.memory_space<vmem>>
      %dma_wait3A_143 = tpu.memref_squeeze %dma_wait3A_142 : memref<1x128xi32, #tpu.memory_space<vmem>> -> memref<128xi32, #tpu.memory_space<vmem>>
      %dma_wait3A_144 = arith.constant 0 : i32
      %dma_wait3A_145 = arith.constant 0 : i32
      %dma_wait3A_146 = tpu.memref_slice %arg11[%dma_wait3A_144, %dma_wait3A_145] : memref<10240x128xf32, #tpu.memory_space<vmem_shared>> -> memref<10240x128xf32, #tpu.memory_space<vmem_shared>>
      tpu.wait_indirect_dma semaphore(%run_scoped3A_134 : memref<!tpu.dma_semaphore, #tpu.memory_space<semaphore_mem>>) src(%arg10 : memref<128x128xf32, #tpu.memory_space<vmem>>) dst(%dma_wait3A_146 : memref<10240x128xf32, #tpu.memory_space<vmem_shared>>)
      tpu.yield
    }) : () -> ()
    %mul3A_60 = arith.constant 163840 : i32
    %mul3A_61 = arith.muli %arg0, %mul3A_60 : i32
    %mul3A_62 = arith.constant 10240 : i32
    %mul3A_63 = arith.muli %arg1, %mul3A_62 : i32
    %add3A_64 = arith.addi %mul3A_61, %mul3A_63 : i32
    %jit3A_65 = arith.constant 128 : i32
    %div3A_66 = arith.divsi %add3A_64, %jit3A_65 : i32
    %sign3A_67 = arith.constant 0 : i32
    %sign3A_68 = arith.cmpi sgt, %add3A_64, %sign3A_67 : i32
    %sign3A_69 = arith.extui %sign3A_68 : i1 to i32
    %sign3A_70 = arith.constant 0 : i32
    %sign3A_71 = arith.cmpi slt, %add3A_64, %sign3A_70 : i32
    %sign3A_72 = arith.extui %sign3A_71 : i1 to i32
    %sign3A_73 = arith.subi %sign3A_69, %sign3A_72 : i32
    %sign3A_74 = arith.constant 0 : i32
    %sign3A_75 = arith.cmpi sgt, %jit3A_65, %sign3A_74 : i32
    %sign3A_76 = arith.extui %sign3A_75 : i1 to i32
    %sign3A_77 = arith.constant 0 : i32
    %sign3A_78 = arith.cmpi slt, %jit3A_65, %sign3A_77 : i32
    %sign3A_79 = arith.extui %sign3A_78 : i1 to i32
    %sign3A_80 = arith.subi %sign3A_76, %sign3A_79 : i32
    %ne3A_81 = arith.cmpi ne, %sign3A_73, %sign3A_80 : i32
    %rem3A_82 = arith.remsi %add3A_64, %jit3A_65 : i32
    %ne3A_83 = arith.constant 0 : i32
    %ne3A_84 = arith.cmpi ne, %rem3A_82, %ne3A_83 : i32
    %and3A_85 = arith.andi %ne3A_81, %ne3A_84 : i1
    %sub3A_86 = arith.constant 1 : i32
    %sub3A_87 = arith.subi %div3A_66, %sub3A_86 : i32
    %select_n3A_88 = arith.select %and3A_85, %sub3A_87, %div3A_66 : i32
    %add3A_89 = arith.constant 40 : i32
    %add3A_90 = arith.addi %select_n3A_88, %add3A_89 : i32
    %multiple_of3A_91 = tpu.assume_multiple %add3A_90, 8 : i32
    "tpu.region"() ({
      %run_scoped3A_134 = tpu.sem_alloc : memref<!tpu.dma_semaphore, #tpu.memory_space<semaphore_mem>>
      %dma_start3A_135 = arith.constant 0 : i32
      %dma_start3A_136 = tpu.memref_slice %arg3[%multiple_of3A_91, %dma_start3A_135] : memref<2560x128xi32, #tpu.memory_space<hbm>> -> memref<40x128xi32, #tpu.memory_space<hbm>>
      %dma_start3A_137 = arith.constant 0 : i32
      %dma_start3A_138 = tpu.memref_slice %arg3[%multiple_of3A_91, %dma_start3A_137] : memref<2560x128xi32, #tpu.memory_space<hbm>> -> memref<40x128xi32, #tpu.memory_space<hbm>>
      tpu.enqueue_dma source(%dma_start3A_138 : memref<40x128xi32, #tpu.memory_space<hbm>>) target(%arg7 : memref<40x128xi32, #tpu.memory_space<vmem>>) target_semaphore(%run_scoped3A_134 : memref<!tpu.dma_semaphore, #tpu.memory_space<semaphore_mem>>)
      %dma_wait3A_139 = arith.constant 0 : i32
      %dma_wait3A_140 = tpu.memref_slice %arg3[%multiple_of3A_91, %dma_wait3A_139] : memref<2560x128xi32, #tpu.memory_space<hbm>> -> memref<40x128xi32, #tpu.memory_space<hbm>>
      %dma_wait3A_141 = arith.constant 0 : i32
      %dma_wait3A_142 = tpu.memref_slice %arg3[%multiple_of3A_91, %dma_wait3A_141] : memref<2560x128xi32, #tpu.memory_space<hbm>> -> memref<40x128xi32, #tpu.memory_space<hbm>>
      tpu.wait_dma2 semaphore(%run_scoped3A_134 : memref<!tpu.dma_semaphore, #tpu.memory_space<semaphore_mem>>) src(%dma_wait3A_142 : memref<40x128xi32, #tpu.memory_space<hbm>>) dst(%arg7 : memref<40x128xi32, #tpu.memory_space<vmem>>)
      tpu.yield
    }) : () -> ()
    %mul3A_92 = arith.constant 80 : i32
    %mul3A_93 = arith.muli %arg1, %mul3A_92 : i32
    %add3A_94 = arith.constant 40 : i32
    %add3A_95 = arith.addi %mul3A_93, %add3A_94 : i32
    %multiple_of3A_96 = tpu.assume_multiple %add3A_95, 8 : i32
    "tpu.region"() ({
      %run_scoped3A_134 = tpu.sem_alloc : memref<!tpu.dma_semaphore, #tpu.memory_space<semaphore_mem>>
      %dma_start3A_135 = arith.constant 0 : i32
      %dma_start3A_136 = tpu.memref_slice %arg4[%multiple_of3A_96, %dma_start3A_135] : memref<1280x128xi32, #tpu.memory_space<hbm>> -> memref<40x128xi32, #tpu.memory_space<hbm>>
      %dma_start3A_137 = arith.constant 0 : i32
      %dma_start3A_138 = tpu.memref_slice %arg4[%multiple_of3A_96, %dma_start3A_137] : memref<1280x128xi32, #tpu.memory_space<hbm>> -> memref<40x128xi32, #tpu.memory_space<hbm>>
      tpu.enqueue_dma source(%dma_start3A_138 : memref<40x128xi32, #tpu.memory_space<hbm>>) target(%arg8 : memref<40x128xi32, #tpu.memory_space<vmem>>) target_semaphore(%run_scoped3A_134 : memref<!tpu.dma_semaphore, #tpu.memory_space<semaphore_mem>>)
      %dma_wait3A_139 = arith.constant 0 : i32
      %dma_wait3A_140 = tpu.memref_slice %arg4[%multiple_of3A_96, %dma_wait3A_139] : memref<1280x128xi32, #tpu.memory_space<hbm>> -> memref<40x128xi32, #tpu.memory_space<hbm>>
      %dma_wait3A_141 = arith.constant 0 : i32
      %dma_wait3A_142 = tpu.memref_slice %arg4[%multiple_of3A_96, %dma_wait3A_141] : memref<1280x128xi32, #tpu.memory_space<hbm>> -> memref<40x128xi32, #tpu.memory_space<hbm>>
      tpu.wait_dma2 semaphore(%run_scoped3A_134 : memref<!tpu.dma_semaphore, #tpu.memory_space<semaphore_mem>>) src(%dma_wait3A_142 : memref<40x128xi32, #tpu.memory_space<hbm>>) dst(%arg8 : memref<40x128xi32, #tpu.memory_space<vmem>>)
      tpu.yield
    }) : () -> ()
    %dma_start3A_97 = arith.constant 0 : i32
    %dma_start3A_98 = arith.constant 0 : i32
    %dma_start3A_99 = tpu.memref_slice %arg7[%dma_start3A_97, %dma_start3A_98] : memref<40x128xi32, #tpu.memory_space<vmem>> -> memref<1x128xi32, #tpu.memory_space<vmem>>
    %dma_start3A_100 = tpu.memref_squeeze %dma_start3A_99 : memref<1x128xi32, #tpu.memory_space<vmem>> -> memref<128xi32, #tpu.memory_space<vmem>>
    %dma_start3A_101 = arith.constant 0 : i32
    %dma_start3A_102 = arith.constant 0 : i32
    %dma_start3A_103 = tpu.memref_slice %arg2[%dma_start3A_101, %dma_start3A_102] : memref<10240x128xf32, #tpu.memory_space<hbm>> -> memref<10240x128xf32, #tpu.memory_space<hbm>>
    tpu.enqueue_indirect_dma source(%dma_start3A_103 : memref<10240x128xf32, #tpu.memory_space<hbm>>) target(%arg9 : memref<128x128xf32, #tpu.memory_space<vmem>>) offsets(%dma_start3A_100 : memref<128xi32, #tpu.memory_space<vmem>>) semaphore(%arg12 : memref<!tpu.dma_semaphore, #tpu.memory_space<semaphore_mem>>)
    %scan3A_104 = arith.constant 0 : i32
    %scan3A_105 = arith.constant 0 : i32
    %scan3A_106 = arith.constant 19 : i32
    %scan3A_107 = arith.addi %scan3A_105, %scan3A_106 : i32
    %scan3A_108 = arith.constant 1 : i32
    scf.for %scan3A_134 = %scan3A_105 to %scan3A_107 step %scan3A_108  : i32 {
      %mul3A_135 = arith.constant 2 : i32
      %mul3A_136 = arith.muli %scan3A_134, %mul3A_135 : i32
      %add3A_137 = arith.constant 0 : i32
      %add3A_138 = arith.addi %mul3A_136, %add3A_137 : i32
      %add3A_139 = arith.constant 2 : i32
      %add3A_140 = arith.addi %add3A_138, %add3A_139 : i32
      %sub3A_141 = arith.constant 1 : i32
      %sub3A_142 = arith.subi %add3A_140, %sub3A_141 : i32
      %dma_start3A_143 = arith.constant 0 : i32
      %dma_start3A_144 = tpu.memref_slice %arg7[%sub3A_142, %dma_start3A_143] : memref<40x128xi32, #tpu.memory_space<vmem>> -> memref<1x128xi32, #tpu.memory_space<vmem>>
      %dma_start3A_145 = tpu.memref_squeeze %dma_start3A_144 : memref<1x128xi32, #tpu.memory_space<vmem>> -> memref<128xi32, #tpu.memory_space<vmem>>
      %dma_start3A_146 = arith.constant 0 : i32
      %dma_start3A_147 = arith.constant 0 : i32
      %dma_start3A_148 = tpu.memref_slice %arg2[%dma_start3A_146, %dma_start3A_147] : memref<10240x128xf32, #tpu.memory_space<hbm>> -> memref<10240x128xf32, #tpu.memory_space<hbm>>
      tpu.enqueue_indirect_dma source(%dma_start3A_148 : memref<10240x128xf32, #tpu.memory_space<hbm>>) target(%arg10 : memref<128x128xf32, #tpu.memory_space<vmem>>) offsets(%dma_start3A_145 : memref<128xi32, #tpu.memory_space<vmem>>) semaphore(%arg13 : memref<!tpu.dma_semaphore, #tpu.memory_space<semaphore_mem>>)
      %dma_wait3A_149 = arith.constant 0 : i32
      %dma_wait3A_150 = arith.constant 0 : i32
      %dma_wait3A_151 = tpu.memref_slice %arg7[%dma_wait3A_149, %dma_wait3A_150] : memref<40x128xi32, #tpu.memory_space<vmem>> -> memref<1x128xi32, #tpu.memory_space<vmem>>
      %dma_wait3A_152 = tpu.memref_squeeze %dma_wait3A_151 : memref<1x128xi32, #tpu.memory_space<vmem>> -> memref<128xi32, #tpu.memory_space<vmem>>
      %dma_wait3A_153 = arith.constant 0 : i32
      %dma_wait3A_154 = arith.constant 0 : i32
      %dma_wait3A_155 = tpu.memref_slice %arg2[%dma_wait3A_153, %dma_wait3A_154] : memref<10240x128xf32, #tpu.memory_space<hbm>> -> memref<10240x128xf32, #tpu.memory_space<hbm>>
      tpu.wait_indirect_dma semaphore(%arg12 : memref<!tpu.dma_semaphore, #tpu.memory_space<semaphore_mem>>) src(%dma_wait3A_155 : memref<10240x128xf32, #tpu.memory_space<hbm>>) dst(%arg9 : memref<128x128xf32, #tpu.memory_space<vmem>>)
      %add3A_156 = arith.constant 0 : i32
      %add3A_157 = arith.addi %mul3A_136, %add3A_156 : i32
      "tpu.region"() ({
        %run_scoped3A_179 = tpu.sem_alloc : memref<!tpu.dma_semaphore, #tpu.memory_space<semaphore_mem>>
        %dma_start3A_180 = arith.constant 0 : i32
        %dma_start3A_181 = tpu.memref_slice %arg8[%add3A_157, %dma_start3A_180] : memref<40x128xi32, #tpu.memory_space<vmem>> -> memref<1x128xi32, #tpu.memory_space<vmem>>
        %dma_start3A_182 = tpu.memref_squeeze %dma_start3A_181 : memref<1x128xi32, #tpu.memory_space<vmem>> -> memref<128xi32, #tpu.memory_space<vmem>>
        %dma_start3A_183 = arith.constant 0 : i32
        %dma_start3A_184 = arith.constant 0 : i32
        %dma_start3A_185 = tpu.memref_slice %arg11[%dma_start3A_183, %dma_start3A_184] : memref<10240x128xf32, #tpu.memory_space<vmem_shared>> -> memref<10240x128xf32, #tpu.memory_space<vmem_shared>>
        tpu.enqueue_indirect_dma source(%arg9 : memref<128x128xf32, #tpu.memory_space<vmem>>) target(%dma_start3A_185 : memref<10240x128xf32, #tpu.memory_space<vmem_shared>>) offsets(%dma_start3A_182 : memref<128xi32, #tpu.memory_space<vmem>>) semaphore(%run_scoped3A_179 : memref<!tpu.dma_semaphore, #tpu.memory_space<semaphore_mem>>) {add = true}
        %dma_wait3A_186 = arith.constant 0 : i32
        %dma_wait3A_187 = tpu.memref_slice %arg8[%add3A_157, %dma_wait3A_186] : memref<40x128xi32, #tpu.memory_space<vmem>> -> memref<1x128xi32, #tpu.memory_space<vmem>>
        %dma_wait3A_188 = tpu.memref_squeeze %dma_wait3A_187 : memref<1x128xi32, #tpu.memory_space<vmem>> -> memref<128xi32, #tpu.memory_space<vmem>>
        %dma_wait3A_189 = arith.constant 0 : i32
        %dma_wait3A_190 = arith.constant 0 : i32
        %dma_wait3A_191 = tpu.memref_slice %arg11[%dma_wait3A_189, %dma_wait3A_190] : memref<10240x128xf32, #tpu.memory_space<vmem_shared>> -> memref<10240x128xf32, #tpu.memory_space<vmem_shared>>
        tpu.wait_indirect_dma semaphore(%run_scoped3A_179 : memref<!tpu.dma_semaphore, #tpu.memory_space<semaphore_mem>>) src(%arg9 : memref<128x128xf32, #tpu.memory_space<vmem>>) dst(%dma_wait3A_191 : memref<10240x128xf32, #tpu.memory_space<vmem_shared>>)
        tpu.yield
      }) : () -> ()
      %add3A_158 = arith.constant 1 : i32
      %add3A_159 = arith.addi %mul3A_136, %add3A_158 : i32
      %add3A_160 = arith.constant 2 : i32
      %add3A_161 = arith.addi %add3A_159, %add3A_160 : i32
      %sub3A_162 = arith.constant 1 : i32
      %sub3A_163 = arith.subi %add3A_161, %sub3A_162 : i32
      %dma_start3A_164 = arith.constant 0 : i32
      %dma_start3A_165 = tpu.memref_slice %arg7[%sub3A_163, %dma_start3A_164] : memref<40x128xi32, #tpu.memory_space<vmem>> -> memref<1x128xi32, #tpu.memory_space<vmem>>
      %dma_start3A_166 = tpu.memref_squeeze %dma_start3A_165 : memref<1x128xi32, #tpu.memory_space<vmem>> -> memref<128xi32, #tpu.memory_space<vmem>>
      %dma_start3A_167 = arith.constant 0 : i32
      %dma_start3A_168 = arith.constant 0 : i32
      %dma_start3A_169 = tpu.memref_slice %arg2[%dma_start3A_167, %dma_start3A_168] : memref<10240x128xf32, #tpu.memory_space<hbm>> -> memref<10240x128xf32, #tpu.memory_space<hbm>>
      tpu.enqueue_indirect_dma source(%dma_start3A_169 : memref<10240x128xf32, #tpu.memory_space<hbm>>) target(%arg9 : memref<128x128xf32, #tpu.memory_space<vmem>>) offsets(%dma_start3A_166 : memref<128xi32, #tpu.memory_space<vmem>>) semaphore(%arg12 : memref<!tpu.dma_semaphore, #tpu.memory_space<semaphore_mem>>)
      %dma_wait3A_170 = arith.constant 0 : i32
      %dma_wait3A_171 = arith.constant 0 : i32
      %dma_wait3A_172 = tpu.memref_slice %arg7[%dma_wait3A_170, %dma_wait3A_171] : memref<40x128xi32, #tpu.memory_space<vmem>> -> memref<1x128xi32, #tpu.memory_space<vmem>>
      %dma_wait3A_173 = tpu.memref_squeeze %dma_wait3A_172 : memref<1x128xi32, #tpu.memory_space<vmem>> -> memref<128xi32, #tpu.memory_space<vmem>>
      %dma_wait3A_174 = arith.constant 0 : i32
      %dma_wait3A_175 = arith.constant 0 : i32
      %dma_wait3A_176 = tpu.memref_slice %arg2[%dma_wait3A_174, %dma_wait3A_175] : memref<10240x128xf32, #tpu.memory_space<hbm>> -> memref<10240x128xf32, #tpu.memory_space<hbm>>
      tpu.wait_indirect_dma semaphore(%arg13 : memref<!tpu.dma_semaphore, #tpu.memory_space<semaphore_mem>>) src(%dma_wait3A_176 : memref<10240x128xf32, #tpu.memory_space<hbm>>) dst(%arg10 : memref<128x128xf32, #tpu.memory_space<vmem>>)
      %add3A_177 = arith.constant 1 : i32
      %add3A_178 = arith.addi %mul3A_136, %add3A_177 : i32
      "tpu.region"() ({
        %run_scoped3A_179 = tpu.sem_alloc : memref<!tpu.dma_semaphore, #tpu.memory_space<semaphore_mem>>
        %dma_start3A_180 = arith.constant 0 : i32
        %dma_start3A_181 = tpu.memref_slice %arg8[%add3A_178, %dma_start3A_180] : memref<40x128xi32, #tpu.memory_space<vmem>> -> memref<1x128xi32, #tpu.memory_space<vmem>>
        %dma_start3A_182 = tpu.memref_squeeze %dma_start3A_181 : memref<1x128xi32, #tpu.memory_space<vmem>> -> memref<128xi32, #tpu.memory_space<vmem>>
        %dma_start3A_183 = arith.constant 0 : i32
        %dma_start3A_184 = arith.constant 0 : i32
        %dma_start3A_185 = tpu.memref_slice %arg11[%dma_start3A_183, %dma_start3A_184] : memref<10240x128xf32, #tpu.memory_space<vmem_shared>> -> memref<10240x128xf32, #tpu.memory_space<vmem_shared>>
        tpu.enqueue_indirect_dma source(%arg10 : memref<128x128xf32, #tpu.memory_space<vmem>>) target(%dma_start3A_185 : memref<10240x128xf32, #tpu.memory_space<vmem_shared>>) offsets(%dma_start3A_182 : memref<128xi32, #tpu.memory_space<vmem>>) semaphore(%run_scoped3A_179 : memref<!tpu.dma_semaphore, #tpu.memory_space<semaphore_mem>>) {add = true}
        %dma_wait3A_186 = arith.constant 0 : i32
        %dma_wait3A_187 = tpu.memref_slice %arg8[%add3A_178, %dma_wait3A_186] : memref<40x128xi32, #tpu.memory_space<vmem>> -> memref<1x128xi32, #tpu.memory_space<vmem>>
        %dma_wait3A_188 = tpu.memref_squeeze %dma_wait3A_187 : memref<1x128xi32, #tpu.memory_space<vmem>> -> memref<128xi32, #tpu.memory_space<vmem>>
        %dma_wait3A_189 = arith.constant 0 : i32
        %dma_wait3A_190 = arith.constant 0 : i32
        %dma_wait3A_191 = tpu.memref_slice %arg11[%dma_wait3A_189, %dma_wait3A_190] : memref<10240x128xf32, #tpu.memory_space<vmem_shared>> -> memref<10240x128xf32, #tpu.memory_space<vmem_shared>>
        tpu.wait_indirect_dma semaphore(%run_scoped3A_179 : memref<!tpu.dma_semaphore, #tpu.memory_space<semaphore_mem>>) src(%arg10 : memref<128x128xf32, #tpu.memory_space<vmem>>) dst(%dma_wait3A_191 : memref<10240x128xf32, #tpu.memory_space<vmem_shared>>)
        tpu.yield
      }) : () -> ()
    }
    %scan3A_109 = arith.constant 19 : i32
    %dma_start3A_110 = arith.constant 39 : i32
    %dma_start3A_111 = arith.constant 0 : i32
    %dma_start3A_112 = tpu.memref_slice %arg7[%dma_start3A_110, %dma_start3A_111] : memref<40x128xi32, #tpu.memory_space<vmem>> -> memref<1x128xi32, #tpu.memory_space<vmem>>
    %dma_start3A_113 = tpu.memref_squeeze %dma_start3A_112 : memref<1x128xi32, #tpu.memory_space<vmem>> -> memref<128xi32, #tpu.memory_space<vmem>>
    %dma_start3A_114 = arith.constant 0 : i32
    %dma_start3A_115 = arith.constant 0 : i32
    %dma_start3A_116 = tpu.memref_slice %arg2[%dma_start3A_114, %dma_start3A_115] : memref<10240x128xf32, #tpu.memory_space<hbm>> -> memref<10240x128xf32, #tpu.memory_space<hbm>>
    tpu.enqueue_indirect_dma source(%dma_start3A_116 : memref<10240x128xf32, #tpu.memory_space<hbm>>) target(%arg10 : memref<128x128xf32, #tpu.memory_space<vmem>>) offsets(%dma_start3A_113 : memref<128xi32, #tpu.memory_space<vmem>>) semaphore(%arg13 : memref<!tpu.dma_semaphore, #tpu.memory_space<semaphore_mem>>)
    %dma_wait3A_117 = arith.constant 0 : i32
    %dma_wait3A_118 = arith.constant 0 : i32
    %dma_wait3A_119 = tpu.memref_slice %arg7[%dma_wait3A_117, %dma_wait3A_118] : memref<40x128xi32, #tpu.memory_space<vmem>> -> memref<1x128xi32, #tpu.memory_space<vmem>>
    %dma_wait3A_120 = tpu.memref_squeeze %dma_wait3A_119 : memref<1x128xi32, #tpu.memory_space<vmem>> -> memref<128xi32, #tpu.memory_space<vmem>>
    %dma_wait3A_121 = arith.constant 0 : i32
    %dma_wait3A_122 = arith.constant 0 : i32
    %dma_wait3A_123 = tpu.memref_slice %arg2[%dma_wait3A_121, %dma_wait3A_122] : memref<10240x128xf32, #tpu.memory_space<hbm>> -> memref<10240x128xf32, #tpu.memory_space<hbm>>
    tpu.wait_indirect_dma semaphore(%arg12 : memref<!tpu.dma_semaphore, #tpu.memory_space<semaphore_mem>>) src(%dma_wait3A_123 : memref<10240x128xf32, #tpu.memory_space<hbm>>) dst(%arg9 : memref<128x128xf32, #tpu.memory_space<vmem>>)
    %run_scoped3A_124 = arith.constant 38 : i32
    "tpu.region"() ({
      %run_scoped3A_134 = tpu.sem_alloc : memref<!tpu.dma_semaphore, #tpu.memory_space<semaphore_mem>>
      %dma_start3A_135 = arith.constant 0 : i32
      %dma_start3A_136 = tpu.memref_slice %arg8[%run_scoped3A_124, %dma_start3A_135] : memref<40x128xi32, #tpu.memory_space<vmem>> -> memref<1x128xi32, #tpu.memory_space<vmem>>
      %dma_start3A_137 = tpu.memref_squeeze %dma_start3A_136 : memref<1x128xi32, #tpu.memory_space<vmem>> -> memref<128xi32, #tpu.memory_space<vmem>>
      %dma_start3A_138 = arith.constant 0 : i32
      %dma_start3A_139 = arith.constant 0 : i32
      %dma_start3A_140 = tpu.memref_slice %arg11[%dma_start3A_138, %dma_start3A_139] : memref<10240x128xf32, #tpu.memory_space<vmem_shared>> -> memref<10240x128xf32, #tpu.memory_space<vmem_shared>>
      tpu.enqueue_indirect_dma source(%arg9 : memref<128x128xf32, #tpu.memory_space<vmem>>) target(%dma_start3A_140 : memref<10240x128xf32, #tpu.memory_space<vmem_shared>>) offsets(%dma_start3A_137 : memref<128xi32, #tpu.memory_space<vmem>>) semaphore(%run_scoped3A_134 : memref<!tpu.dma_semaphore, #tpu.memory_space<semaphore_mem>>) {add = true}
      %dma_wait3A_141 = arith.constant 0 : i32
      %dma_wait3A_142 = tpu.memref_slice %arg8[%run_scoped3A_124, %dma_wait3A_141] : memref<40x128xi32, #tpu.memory_space<vmem>> -> memref<1x128xi32, #tpu.memory_space<vmem>>
      %dma_wait3A_143 = tpu.memref_squeeze %dma_wait3A_142 : memref<1x128xi32, #tpu.memory_space<vmem>> -> memref<128xi32, #tpu.memory_space<vmem>>
      %dma_wait3A_144 = arith.constant 0 : i32
      %dma_wait3A_145 = arith.constant 0 : i32
      %dma_wait3A_146 = tpu.memref_slice %arg11[%dma_wait3A_144, %dma_wait3A_145] : memref<10240x128xf32, #tpu.memory_space<vmem_shared>> -> memref<10240x128xf32, #tpu.memory_space<vmem_shared>>
      tpu.wait_indirect_dma semaphore(%run_scoped3A_134 : memref<!tpu.dma_semaphore, #tpu.memory_space<semaphore_mem>>) src(%arg9 : memref<128x128xf32, #tpu.memory_space<vmem>>) dst(%dma_wait3A_146 : memref<10240x128xf32, #tpu.memory_space<vmem_shared>>)
      tpu.yield
    }) : () -> ()
    %dma_wait3A_125 = arith.constant 0 : i32
    %dma_wait3A_126 = arith.constant 0 : i32
    %dma_wait3A_127 = tpu.memref_slice %arg7[%dma_wait3A_125, %dma_wait3A_126] : memref<40x128xi32, #tpu.memory_space<vmem>> -> memref<1x128xi32, #tpu.memory_space<vmem>>
    %dma_wait3A_128 = tpu.memref_squeeze %dma_wait3A_127 : memref<1x128xi32, #tpu.memory_space<vmem>> -> memref<128xi32, #tpu.memory_space<vmem>>
    %dma_wait3A_129 = arith.constant 0 : i32
    %dma_wait3A_130 = arith.constant 0 : i32
    %dma_wait3A_131 = tpu.memref_slice %arg2[%dma_wait3A_129, %dma_wait3A_130] : memref<10240x128xf32, #tpu.memory_space<hbm>> -> memref<10240x128xf32, #tpu.memory_space<hbm>>
    tpu.wait_indirect_dma semaphore(%arg13 : memref<!tpu.dma_semaphore, #tpu.memory_space<semaphore_mem>>) src(%dma_wait3A_131 : memref<10240x128xf32, #tpu.memory_space<hbm>>) dst(%arg10 : memref<128x128xf32, #tpu.memory_space<vmem>>)
    %run_scoped3A_132 = arith.constant 39 : i32
    "tpu.region"() ({
      %run_scoped3A_134 = tpu.sem_alloc : memref<!tpu.dma_semaphore, #tpu.memory_space<semaphore_mem>>
      %dma_start3A_135 = arith.constant 0 : i32
      %dma_start3A_136 = tpu.memref_slice %arg8[%run_scoped3A_132, %dma_start3A_135] : memref<40x128xi32, #tpu.memory_space<vmem>> -> memref<1x128xi32, #tpu.memory_space<vmem>>
      %dma_start3A_137 = tpu.memref_squeeze %dma_start3A_136 : memref<1x128xi32, #tpu.memory_space<vmem>> -> memref<128xi32, #tpu.memory_space<vmem>>
      %dma_start3A_138 = arith.constant 0 : i32
      %dma_start3A_139 = arith.constant 0 : i32
      %dma_start3A_140 = tpu.memref_slice %arg11[%dma_start3A_138, %dma_start3A_139] : memref<10240x128xf32, #tpu.memory_space<vmem_shared>> -> memref<10240x128xf32, #tpu.memory_space<vmem_shared>>
      tpu.enqueue_indirect_dma source(%arg10 : memref<128x128xf32, #tpu.memory_space<vmem>>) target(%dma_start3A_140 : memref<10240x128xf32, #tpu.memory_space<vmem_shared>>) offsets(%dma_start3A_137 : memref<128xi32, #tpu.memory_space<vmem>>) semaphore(%run_scoped3A_134 : memref<!tpu.dma_semaphore, #tpu.memory_space<semaphore_mem>>) {add = true}
      %dma_wait3A_141 = arith.constant 0 : i32
      %dma_wait3A_142 = tpu.memref_slice %arg8[%run_scoped3A_132, %dma_wait3A_141] : memref<40x128xi32, #tpu.memory_space<vmem>> -> memref<1x128xi32, #tpu.memory_space<vmem>>
      %dma_wait3A_143 = tpu.memref_squeeze %dma_wait3A_142 : memref<1x128xi32, #tpu.memory_space<vmem>> -> memref<128xi32, #tpu.memory_space<vmem>>
      %dma_wait3A_144 = arith.constant 0 : i32
      %dma_wait3A_145 = arith.constant 0 : i32
      %dma_wait3A_146 = tpu.memref_slice %arg11[%dma_wait3A_144, %dma_wait3A_145] : memref<10240x128xf32, #tpu.memory_space<vmem_shared>> -> memref<10240x128xf32, #tpu.memory_space<vmem_shared>>
      tpu.wait_indirect_dma semaphore(%run_scoped3A_134 : memref<!tpu.dma_semaphore, #tpu.memory_space<semaphore_mem>>) src(%arg10 : memref<128x128xf32, #tpu.memory_space<vmem>>) dst(%dma_wait3A_146 : memref<10240x128xf32, #tpu.memory_space<vmem_shared>>)
      tpu.yield
    }) : () -> ()
    %barrier3A_133 = arith.constant 0 : index
    tpu.barrier barrier_id(%barrier3A_133)
    "tpu.region"() ({
      %run_scoped3A_134 = tpu.sem_alloc : memref<!tpu.dma_semaphore, #tpu.memory_space<semaphore_mem>>
      %dma_start3A_135 = arith.constant 0 : i32
      %dma_start3A_136 = tpu.memref_slice %arg6[%arg0, %mul3A_0, %dma_start3A_135] : memref<2x10240x128xf32, #tpu.memory_space<hbm>> -> memref<1x640x128xf32, #tpu.memory_space<hbm>>
      %dma_start3A_137 = tpu.memref_squeeze %dma_start3A_136 : memref<1x640x128xf32, #tpu.memory_space<hbm>> -> memref<640x128xf32, #tpu.memory_space<hbm>>
      %dma_start3A_138 = arith.constant 0 : i32
      %dma_start3A_139 = tpu.memref_slice %arg11[%mul3A_0, %dma_start3A_138] : memref<10240x128xf32, #tpu.memory_space<vmem_shared>> -> memref<640x128xf32, #tpu.memory_space<vmem_shared>>
      tpu.enqueue_dma source(%dma_start3A_139 : memref<640x128xf32, #tpu.memory_space<vmem_shared>>) target(%dma_start3A_137 : memref<640x128xf32, #tpu.memory_space<hbm>>) target_semaphore(%run_scoped3A_134 : memref<!tpu.dma_semaphore, #tpu.memory_space<semaphore_mem>>)
      %dma_wait3A_140 = arith.constant 0 : i32
      %dma_wait3A_141 = tpu.memref_slice %arg6[%arg0, %mul3A_0, %dma_wait3A_140] : memref<2x10240x128xf32, #tpu.memory_space<hbm>> -> memref<1x640x128xf32, #tpu.memory_space<hbm>>
      %dma_wait3A_142 = tpu.memref_squeeze %dma_wait3A_141 : memref<1x640x128xf32, #tpu.memory_space<hbm>> -> memref<640x128xf32, #tpu.memory_space<hbm>>
      %dma_wait3A_143 = arith.constant 0 : i32
      %dma_wait3A_144 = tpu.memref_slice %arg11[%mul3A_0, %dma_wait3A_143] : memref<10240x128xf32, #tpu.memory_space<vmem_shared>> -> memref<640x128xf32, #tpu.memory_space<vmem_shared>>
      tpu.wait_dma2 semaphore(%run_scoped3A_134 : memref<!tpu.dma_semaphore, #tpu.memory_space<semaphore_mem>>) src(%dma_wait3A_144 : memref<640x128xf32, #tpu.memory_space<vmem_shared>>) dst(%dma_wait3A_142 : memref<640x128xf32, #tpu.memory_space<hbm>>)
      tpu.yield
    }) : () -> ()
    return
  }
}

module attributes {stable_mosaic.version = 14 : i64} {
  func.func @body(%arg0: i32, %arg1: memref<1024x256xf32, #tpu.memory_space<vmem>>, %arg2: memref<256x256xf32, #tpu.memory_space<vmem>>, %arg3: memref<256x256xf32, #tpu.memory_space<vmem>>, %arg4: memref<1x1xf32, #tpu.memory_space<smem>>, %arg5: memref<1024x256xf32, #tpu.memory_space<vmem>>, %arg6: memref<1024x256xf32, #tpu.memory_space<vmem>>) attributes {dimension_semantics = [#tpu.dimension_semantics<arbitrary>], iteration_bounds = array<i64: 10>, scalar_prefetch = 0 : i64, scratch_operands = 0 : i64, tpu.core_type = #tpu.core_type<tc>, window_params = [{transform_indices = @transform_0, window_bounds = array<i64: 1024, 256>}, {pipeline_mode = #tpu.pipeline_mode<synchronous>, transform_indices = @transform_1, window_bounds = array<i64: 256, 256>}, {pipeline_mode = #tpu.pipeline_mode<synchronous>, transform_indices = @transform_2, window_bounds = array<i64: 256, 256>}, {transform_indices = @transform_3, window_bounds = array<i64: 1, 1>}, {transform_indices = @transform_4, window_bounds = array<i64: 1024, 256>}, {transform_indices = @transform_5, window_bounds = array<i64: 1024, 256>}]} {
    %get3A = arith.constant 0 : index
    %get3A_0 = arith.constant 0 : index
    %get3A_1 = memref.load %arg4[%get3A, %get3A_0] : memref<1x1xf32, #tpu.memory_space<smem>>
    %get3A_2 = arith.constant 0 : index
    %get3A_3 = arith.constant 0 : index
    %get3A_4 = vector.load %arg1[%get3A_2, %get3A_3] : memref<1024x256xf32, #tpu.memory_space<vmem>>, vector<1024x256xf32>
    %get3A_5 = arith.constant 0 : index
    %get3A_6 = arith.constant 0 : index
    %get3A_7 = vector.load %arg2[%get3A_5, %get3A_6] : memref<256x256xf32, #tpu.memory_space<vmem>>, vector<256x256xf32>
    %dot_general3A = arith.constant dense<0.000000e+00> : vector<1024x256xf32>
    %dot_general3A_8 = tpu.matmul %get3A_4, %get3A_7, %dot_general3A {dimension_numbers = #tpu.dot_dimension_numbers<[1], [0], [0], [1], [0, 0, 1, 1], [], []>, transpose_lhs_hint = false} : vector<1024x256xf32>, vector<256x256xf32>, vector<1024x256xf32> -> vector<1024x256xf32>
    %swap3A = arith.constant 0 : index
    %swap3A_9 = arith.constant 0 : index
    %swap3A_10 = vector.load %arg5[%swap3A, %swap3A_9] : memref<1024x256xf32, #tpu.memory_space<vmem>>, vector<1024x256xf32>
    tpu.vector_store %arg5[%swap3A, %swap3A_9], %dot_general3A_8 {strides = array<i32>} : memref<1024x256xf32, #tpu.memory_space<vmem>>, vector<1024x256xf32>,
    %ge3A = arith.constant 0.000000e+00 : f32
    %ge3A_11 = vector.broadcast %ge3A : f32 to vector<1024x256xf32>
    %ge3A_12 = arith.cmpf oge, %dot_general3A_8, %ge3A_11 : vector<1024x256xf32>
    %mul3A = vector.broadcast %get3A_1 : f32 to vector<1024x256xf32>
    %mul3A_13 = arith.mulf %mul3A, %dot_general3A_8 : vector<1024x256xf32>
    %select_n3A = arith.select %ge3A_12, %dot_general3A_8, %mul3A_13 : vector<1024x256xi1>, vector<1024x256xf32>
    %get3A_14 = arith.constant 0 : index
    %get3A_15 = arith.constant 0 : index
    %get3A_16 = vector.load %arg3[%get3A_14, %get3A_15] : memref<256x256xf32, #tpu.memory_space<vmem>>, vector<256x256xf32>
    %dot_general3A_17 = arith.constant dense<0.000000e+00> : vector<1024x256xf32>
    %dot_general3A_18 = tpu.matmul %select_n3A, %get3A_16, %dot_general3A_17 {dimension_numbers = #tpu.dot_dimension_numbers<[1], [0], [0], [1], [0, 0, 1, 1], [], []>, transpose_lhs_hint = false} : vector<1024x256xf32>, vector<256x256xf32>, vector<1024x256xf32> -> vector<1024x256xf32>
    %swap3A_19 = arith.constant 0 : index
    %swap3A_20 = arith.constant 0 : index
    %swap3A_21 = vector.load %arg6[%swap3A_19, %swap3A_20] : memref<1024x256xf32, #tpu.memory_space<vmem>>, vector<1024x256xf32>
    tpu.vector_store %arg6[%swap3A_19, %swap3A_20], %dot_general3A_18 {strides = array<i32>} : memref<1024x256xf32, #tpu.memory_space<vmem>>, vector<1024x256xf32>,
    return
  }
  func.func @transform_0(%arg0: i32) -> (i32, i32) {
    %c0_i32 = arith.constant 0 : i32
    %c0_i32_0 = arith.constant 0 : i32
    return %arg0, %c0_i32 : i32, i32
  }
  func.func @transform_1(%arg0: i32) -> (i32, i32) {
    %c0_i32 = arith.constant 0 : i32
    %c0_i32_0 = arith.constant 0 : i32
    %c0_i32_1 = arith.constant 0 : i32
    return %c0_i32, %c0_i32_0 : i32, i32
  }
  func.func @transform_2(%arg0: i32) -> (i32, i32) {
    %c0_i32 = arith.constant 0 : i32
    %c0_i32_0 = arith.constant 0 : i32
    %c0_i32_1 = arith.constant 0 : i32
    return %c0_i32, %c0_i32_0 : i32, i32
  }
  func.func @transform_3(%arg0: i32) -> (i32, i32) {
    %c0_i32 = arith.constant 0 : i32
    %c0_i32_0 = arith.constant 0 : i32
    %c0_i32_1 = arith.constant 0 : i32
    return %c0_i32, %c0_i32_0 : i32, i32
  }
  func.func @transform_4(%arg0: i32) -> (i32, i32) {
    %c0_i32 = arith.constant 0 : i32
    %c0_i32_0 = arith.constant 0 : i32
    return %arg0, %c0_i32 : i32, i32
  }
  func.func @transform_5(%arg0: i32) -> (i32, i32) {
    %c0_i32 = arith.constant 0 : i32
    %c0_i32_0 = arith.constant 0 : i32
    return %arg0, %c0_i32 : i32, i32
  }
}

module attributes {stable_mosaic.version = 14 : i64} {
  func.func @body(%arg0: i32, %arg1: memref<1024x128xf32, #tpu.memory_space<vmem>>, %arg2: memref<1024x128xf32, #tpu.memory_space<vmem>>, %arg3: memref<1024x128xf32, #tpu.memory_space<vmem>>, %arg4: memref<256x256xf32, #tpu.memory_space<vmem>>, %arg5: memref<1x1xf32, #tpu.memory_space<smem>>, %arg6: memref<1024x256xf32, #tpu.memory_space<vmem>>) attributes {dimension_semantics = [#tpu.dimension_semantics<arbitrary>], iteration_bounds = array<i64: 5>, scalar_prefetch = 0 : i64, scratch_operands = 0 : i64, tpu.core_type = #tpu.core_type<tc>, window_params = [{transform_indices = @transform_0, window_bounds = array<i64: 1024, 128>}, {transform_indices = @transform_1, window_bounds = array<i64: 1024, 128>}, {transform_indices = @transform_2, window_bounds = array<i64: 1024, 128>}, {pipeline_mode = #tpu.pipeline_mode<synchronous>, transform_indices = @transform_3, window_bounds = array<i64: 256, 256>}, {transform_indices = @transform_4, window_bounds = array<i64: 1, 1>}, {transform_indices = @transform_5, window_bounds = array<i64: 1024, 256>}]} {
    %get3A = arith.constant 0 : index
    %get3A_0 = arith.constant 0 : index
    %get3A_1 = vector.load %arg3[%get3A, %get3A_0] : memref<1024x128xf32, #tpu.memory_space<vmem>>, vector<1024x1xf32>
    %gt3A = arith.constant 0.000000e+00 : f32
    %gt3A_2 = vector.broadcast %gt3A : f32 to vector<1024x1xf32>
    %gt3A_3 = arith.cmpf ogt, %get3A_1, %gt3A_2 : vector<1024x1xf32>
    %div3A = arith.constant 1.000000e+00 : f32
    %div3A_4 = vector.broadcast %div3A : f32 to vector<1024x1xf32>
    %div3A_5 = arith.divf %div3A_4, %get3A_1 : vector<1024x1xf32>
    %jit3A = arith.constant 0.000000e+00 : f32
    %broadcast_in_dim3A = vector.broadcast %jit3A : f32 to vector<1024x1xf32>
    %select_n3A = arith.select %gt3A_3, %div3A_5, %broadcast_in_dim3A : vector<1024x1xi1>, vector<1024x1xf32>
    %get3A_6 = arith.constant 0 : index
    %get3A_7 = arith.constant 0 : index
    %get3A_8 = memref.load %arg5[%get3A_6, %get3A_7] : memref<1x1xf32, #tpu.memory_space<smem>>
    %get3A_9 = arith.constant 0 : index
    %get3A_10 = arith.constant 0 : index
    %get3A_11 = vector.load %arg1[%get3A_9, %get3A_10] : memref<1024x128xf32, #tpu.memory_space<vmem>>, vector<1024x128xf32>
    %mul3A = vector.broadcast %select_n3A : vector<1024x1xf32> to vector<1024x128xf32>
    %mul3A_12 = arith.mulf %get3A_11, %mul3A : vector<1024x128xf32>
    %ge3A = arith.constant 0.000000e+00 : f32
    %ge3A_13 = vector.broadcast %ge3A : f32 to vector<1024x128xf32>
    %ge3A_14 = arith.cmpf oge, %mul3A_12, %ge3A_13 : vector<1024x128xf32>
    %mul3A_15 = vector.broadcast %get3A_8 : f32 to vector<1024x128xf32>
    %mul3A_16 = arith.mulf %mul3A_15, %mul3A_12 : vector<1024x128xf32>
    %select_n3A_17 = arith.select %ge3A_14, %mul3A_12, %mul3A_16 : vector<1024x128xi1>, vector<1024x128xf32>
    %get3A_18 = arith.constant 0 : index
    %get3A_19 = arith.constant 0 : index
    %get3A_20 = vector.load %arg2[%get3A_18, %get3A_19] : memref<1024x128xf32, #tpu.memory_space<vmem>>, vector<1024x128xf32>
    %mul3A_21 = vector.broadcast %select_n3A : vector<1024x1xf32> to vector<1024x128xf32>
    %mul3A_22 = arith.mulf %get3A_20, %mul3A_21 : vector<1024x128xf32>
    %ge3A_23 = arith.constant 0.000000e+00 : f32
    %ge3A_24 = vector.broadcast %ge3A_23 : f32 to vector<1024x128xf32>
    %ge3A_25 = arith.cmpf oge, %mul3A_22, %ge3A_24 : vector<1024x128xf32>
    %mul3A_26 = vector.broadcast %get3A_8 : f32 to vector<1024x128xf32>
    %mul3A_27 = arith.mulf %mul3A_26, %mul3A_22 : vector<1024x128xf32>
    %select_n3A_28 = arith.select %ge3A_25, %mul3A_22, %mul3A_27 : vector<1024x128xi1>, vector<1024x128xf32>
    %get3A_29 = arith.constant 0 : index
    %get3A_30 = arith.constant 0 : index
    %get3A_31 = vector.load %arg4[%get3A_29, %get3A_30] : memref<256x256xf32, #tpu.memory_space<vmem>>, vector<128x256xf32>
    %dot_general3A = arith.constant dense<0.000000e+00> : vector<1024x256xf32>
    %dot_general3A_32 = tpu.matmul %select_n3A_17, %get3A_31, %dot_general3A {dimension_numbers = #tpu.dot_dimension_numbers<[1], [0], [0], [1], [0, 0, 1, 1], [], []>, transpose_lhs_hint = false} : vector<1024x128xf32>, vector<128x256xf32>, vector<1024x256xf32> -> vector<1024x256xf32>
    %get3A_33 = arith.constant 128 : index
    %get3A_34 = arith.constant 0 : index
    %get3A_35 = vector.load %arg4[%get3A_33, %get3A_34] : memref<256x256xf32, #tpu.memory_space<vmem>>, vector<128x256xf32>
    %dot_general3A_36 = arith.constant dense<0.000000e+00> : vector<1024x256xf32>
    %dot_general3A_37 = tpu.matmul %select_n3A_28, %get3A_35, %dot_general3A_36 {dimension_numbers = #tpu.dot_dimension_numbers<[1], [0], [0], [1], [0, 0, 1, 1], [], []>, transpose_lhs_hint = false} : vector<1024x128xf32>, vector<128x256xf32>, vector<1024x256xf32> -> vector<1024x256xf32>
    %add3A = arith.addf %dot_general3A_32, %dot_general3A_37 : vector<1024x256xf32>
    %swap3A = arith.constant 0 : index
    %swap3A_38 = arith.constant 0 : index
    %swap3A_39 = vector.load %arg6[%swap3A, %swap3A_38] : memref<1024x256xf32, #tpu.memory_space<vmem>>, vector<1024x256xf32>
    tpu.vector_store %arg6[%swap3A, %swap3A_38], %add3A {strides = array<i32>} : memref<1024x256xf32, #tpu.memory_space<vmem>>, vector<1024x256xf32>,
    return
  }
  func.func @transform_0(%arg0: i32) -> (i32, i32) {
    %c0_i32 = arith.constant 0 : i32
    %c0_i32_0 = arith.constant 0 : i32
    return %arg0, %c0_i32 : i32, i32
  }
  func.func @transform_1(%arg0: i32) -> (i32, i32) {
    %c0_i32 = arith.constant 0 : i32
    %c0_i32_0 = arith.constant 0 : i32
    return %arg0, %c0_i32 : i32, i32
  }
  func.func @transform_2(%arg0: i32) -> (i32, i32) {
    %c0_i32 = arith.constant 0 : i32
    %c0_i32_0 = arith.constant 0 : i32
    return %arg0, %c0_i32 : i32, i32
  }
  func.func @transform_3(%arg0: i32) -> (i32, i32) {
    %c0_i32 = arith.constant 0 : i32
    %c0_i32_0 = arith.constant 0 : i32
    %c0_i32_1 = arith.constant 0 : i32
    return %c0_i32, %c0_i32_0 : i32, i32
  }
  func.func @transform_4(%arg0: i32) -> (i32, i32) {
    %c0_i32 = arith.constant 0 : i32
    %c0_i32_0 = arith.constant 0 : i32
    %c0_i32_1 = arith.constant 0 : i32
    return %c0_i32, %c0_i32_0 : i32, i32
  }
  func.func @transform_5(%arg0: i32) -> (i32, i32) {
    %c0_i32 = arith.constant 0 : i32
    %c0_i32_0 = arith.constant 0 : i32
    return %arg0, %c0_i32 : i32, i32
  }
}

module attributes {stable_mosaic.version = 14 : i64} {
  func.func @body(%arg0: i32, %arg1: memref<1024x128xf32, #tpu.memory_space<vmem>>, %arg2: memref<1024x128xf32, #tpu.memory_space<vmem>>, %arg3: memref<1024x256xf32, #tpu.memory_space<vmem>>, %arg4: memref<1024x128xf32, #tpu.memory_space<vmem>>, %arg5: memref<1x1xf32, #tpu.memory_space<smem>>, %arg6: memref<256x256xf32, #tpu.memory_space<vmem>>, %arg7: memref<256x256xf32, #tpu.memory_space<vmem>>, %arg8: memref<1x1xf32, #tpu.memory_space<smem>>, %arg9: memref<1024x256xf32, #tpu.memory_space<vmem>>, %arg10: memref<1024x256xf32, #tpu.memory_space<vmem>>) attributes {dimension_semantics = [#tpu.dimension_semantics<arbitrary>], iteration_bounds = array<i64: 10>, scalar_prefetch = 0 : i64, scratch_operands = 0 : i64, tpu.core_type = #tpu.core_type<tc>, window_params = [{transform_indices = @transform_0, window_bounds = array<i64: 1024, 128>}, {transform_indices = @transform_1, window_bounds = array<i64: 1024, 128>}, {transform_indices = @transform_2, window_bounds = array<i64: 1024, 256>}, {transform_indices = @transform_3, window_bounds = array<i64: 1024, 128>}, {transform_indices = @transform_4, window_bounds = array<i64: 1, 1>}, {pipeline_mode = #tpu.pipeline_mode<synchronous>, transform_indices = @transform_5, window_bounds = array<i64: 256, 256>}, {pipeline_mode = #tpu.pipeline_mode<synchronous>, transform_indices = @transform_6, window_bounds = array<i64: 256, 256>}, {transform_indices = @transform_7, window_bounds = array<i64: 1, 1>}, {transform_indices = @transform_8, window_bounds = array<i64: 1024, 256>}, {transform_indices = @transform_9, window_bounds = array<i64: 1024, 256>}]} {
    %get3A = arith.constant 0 : index
    %get3A_0 = arith.constant 0 : index
    %get3A_1 = vector.load %arg4[%get3A, %get3A_0] : memref<1024x128xf32, #tpu.memory_space<vmem>>, vector<1024x1xf32>
    %add3A = arith.constant 1.000000e+00 : f32
    %add3A_2 = vector.broadcast %add3A : f32 to vector<1024x1xf32>
    %add3A_3 = arith.addf %get3A_1, %add3A_2 : vector<1024x1xf32>
    %div3A = arith.constant 1.000000e+00 : f32
    %div3A_4 = vector.broadcast %div3A : f32 to vector<1024x1xf32>
    %div3A_5 = arith.divf %div3A_4, %add3A_3 : vector<1024x1xf32>
    %get3A_6 = arith.constant 0 : index
    %get3A_7 = arith.constant 0 : index
    %get3A_8 = memref.load %arg5[%get3A_6, %get3A_7] : memref<1x1xf32, #tpu.memory_space<smem>>
    %get3A_9 = arith.constant 0 : index
    %get3A_10 = arith.constant 0 : index
    %get3A_11 = memref.load %arg8[%get3A_9, %get3A_10] : memref<1x1xf32, #tpu.memory_space<smem>>
    %get3A_12 = arith.constant 0 : index
    %get3A_13 = arith.constant 0 : index
    %get3A_14 = vector.load %arg1[%get3A_12, %get3A_13] : memref<1024x128xf32, #tpu.memory_space<vmem>>, vector<1024x128xf32>
    %get3A_15 = arith.constant 0 : index
    %get3A_16 = arith.constant 0 : index
    %get3A_17 = vector.load %arg3[%get3A_15, %get3A_16] : memref<1024x256xf32, #tpu.memory_space<vmem>>, vector<1024x128xf32>
    %add3A_18 = arith.addf %get3A_14, %get3A_17 : vector<1024x128xf32>
    %mul3A = vector.broadcast %div3A_5 : vector<1024x1xf32> to vector<1024x128xf32>
    %mul3A_19 = arith.mulf %add3A_18, %mul3A : vector<1024x128xf32>
    %ge3A = arith.constant 0.000000e+00 : f32
    %ge3A_20 = vector.broadcast %ge3A : f32 to vector<1024x128xf32>
    %ge3A_21 = arith.cmpf oge, %mul3A_19, %ge3A_20 : vector<1024x128xf32>
    %mul3A_22 = vector.broadcast %get3A_8 : f32 to vector<1024x128xf32>
    %mul3A_23 = arith.mulf %mul3A_22, %mul3A_19 : vector<1024x128xf32>
    %select_n3A = arith.select %ge3A_21, %mul3A_19, %mul3A_23 : vector<1024x128xi1>, vector<1024x128xf32>
    %get3A_24 = arith.constant 0 : index
    %get3A_25 = arith.constant 0 : index
    %get3A_26 = vector.load %arg2[%get3A_24, %get3A_25] : memref<1024x128xf32, #tpu.memory_space<vmem>>, vector<1024x128xf32>
    %get3A_27 = arith.constant 0 : index
    %get3A_28 = arith.constant 128 : index
    %get3A_29 = vector.load %arg3[%get3A_27, %get3A_28] : memref<1024x256xf32, #tpu.memory_space<vmem>>, vector<1024x128xf32>
    %add3A_30 = arith.addf %get3A_26, %get3A_29 : vector<1024x128xf32>
    %mul3A_31 = vector.broadcast %div3A_5 : vector<1024x1xf32> to vector<1024x128xf32>
    %mul3A_32 = arith.mulf %add3A_30, %mul3A_31 : vector<1024x128xf32>
    %ge3A_33 = arith.constant 0.000000e+00 : f32
    %ge3A_34 = vector.broadcast %ge3A_33 : f32 to vector<1024x128xf32>
    %ge3A_35 = arith.cmpf oge, %mul3A_32, %ge3A_34 : vector<1024x128xf32>
    %mul3A_36 = vector.broadcast %get3A_8 : f32 to vector<1024x128xf32>
    %mul3A_37 = arith.mulf %mul3A_36, %mul3A_32 : vector<1024x128xf32>
    %select_n3A_38 = arith.select %ge3A_35, %mul3A_32, %mul3A_37 : vector<1024x128xi1>, vector<1024x128xf32>
    %get3A_39 = arith.constant 0 : index
    %get3A_40 = arith.constant 0 : index
    %get3A_41 = vector.load %arg6[%get3A_39, %get3A_40] : memref<256x256xf32, #tpu.memory_space<vmem>>, vector<128x256xf32>
    %dot_general3A = arith.constant dense<0.000000e+00> : vector<1024x256xf32>
    %dot_general3A_42 = tpu.matmul %select_n3A, %get3A_41, %dot_general3A {dimension_numbers = #tpu.dot_dimension_numbers<[1], [0], [0], [1], [0, 0, 1, 1], [], []>, transpose_lhs_hint = false} : vector<1024x128xf32>, vector<128x256xf32>, vector<1024x256xf32> -> vector<1024x256xf32>
    %get3A_43 = arith.constant 128 : index
    %get3A_44 = arith.constant 0 : index
    %get3A_45 = vector.load %arg6[%get3A_43, %get3A_44] : memref<256x256xf32, #tpu.memory_space<vmem>>, vector<128x256xf32>
    %dot_general3A_46 = arith.constant dense<0.000000e+00> : vector<1024x256xf32>
    %dot_general3A_47 = tpu.matmul %select_n3A_38, %get3A_45, %dot_general3A_46 {dimension_numbers = #tpu.dot_dimension_numbers<[1], [0], [0], [1], [0, 0, 1, 1], [], []>, transpose_lhs_hint = false} : vector<1024x128xf32>, vector<128x256xf32>, vector<1024x256xf32> -> vector<1024x256xf32>
    %add3A_48 = arith.addf %dot_general3A_42, %dot_general3A_47 : vector<1024x256xf32>
    %swap3A = arith.constant 0 : index
    %swap3A_49 = arith.constant 0 : index
    %swap3A_50 = vector.load %arg9[%swap3A, %swap3A_49] : memref<1024x256xf32, #tpu.memory_space<vmem>>, vector<1024x256xf32>
    tpu.vector_store %arg9[%swap3A, %swap3A_49], %add3A_48 {strides = array<i32>} : memref<1024x256xf32, #tpu.memory_space<vmem>>, vector<1024x256xf32>,
    %ge3A_51 = arith.constant 0.000000e+00 : f32
    %ge3A_52 = vector.broadcast %ge3A_51 : f32 to vector<1024x256xf32>
    %ge3A_53 = arith.cmpf oge, %add3A_48, %ge3A_52 : vector<1024x256xf32>
    %mul3A_54 = vector.broadcast %get3A_11 : f32 to vector<1024x256xf32>
    %mul3A_55 = arith.mulf %mul3A_54, %add3A_48 : vector<1024x256xf32>
    %select_n3A_56 = arith.select %ge3A_53, %add3A_48, %mul3A_55 : vector<1024x256xi1>, vector<1024x256xf32>
    %get3A_57 = arith.constant 0 : index
    %get3A_58 = arith.constant 0 : index
    %get3A_59 = vector.load %arg7[%get3A_57, %get3A_58] : memref<256x256xf32, #tpu.memory_space<vmem>>, vector<256x256xf32>
    %dot_general3A_60 = arith.constant dense<0.000000e+00> : vector<1024x256xf32>
    %dot_general3A_61 = tpu.matmul %select_n3A_56, %get3A_59, %dot_general3A_60 {dimension_numbers = #tpu.dot_dimension_numbers<[1], [0], [0], [1], [0, 0, 1, 1], [], []>, transpose_lhs_hint = false} : vector<1024x256xf32>, vector<256x256xf32>, vector<1024x256xf32> -> vector<1024x256xf32>
    %swap3A_62 = arith.constant 0 : index
    %swap3A_63 = arith.constant 0 : index
    %swap3A_64 = vector.load %arg10[%swap3A_62, %swap3A_63] : memref<1024x256xf32, #tpu.memory_space<vmem>>, vector<1024x256xf32>
    tpu.vector_store %arg10[%swap3A_62, %swap3A_63], %dot_general3A_61 {strides = array<i32>} : memref<1024x256xf32, #tpu.memory_space<vmem>>, vector<1024x256xf32>,
    return
  }
  func.func @transform_0(%arg0: i32) -> (i32, i32) {
    %c0_i32 = arith.constant 0 : i32
    %c0_i32_0 = arith.constant 0 : i32
    return %arg0, %c0_i32 : i32, i32
  }
  func.func @transform_1(%arg0: i32) -> (i32, i32) {
    %c0_i32 = arith.constant 0 : i32
    %c0_i32_0 = arith.constant 0 : i32
    return %arg0, %c0_i32 : i32, i32
  }
  func.func @transform_2(%arg0: i32) -> (i32, i32) {
    %c0_i32 = arith.constant 0 : i32
    %c0_i32_0 = arith.constant 0 : i32
    return %arg0, %c0_i32 : i32, i32
  }
  func.func @transform_3(%arg0: i32) -> (i32, i32) {
    %c0_i32 = arith.constant 0 : i32
    %c0_i32_0 = arith.constant 0 : i32
    return %arg0, %c0_i32 : i32, i32
  }
  func.func @transform_4(%arg0: i32) -> (i32, i32) {
    %c0_i32 = arith.constant 0 : i32
    %c0_i32_0 = arith.constant 0 : i32
    %c0_i32_1 = arith.constant 0 : i32
    return %c0_i32, %c0_i32_0 : i32, i32
  }
  func.func @transform_5(%arg0: i32) -> (i32, i32) {
    %c0_i32 = arith.constant 0 : i32
    %c0_i32_0 = arith.constant 0 : i32
    %c0_i32_1 = arith.constant 0 : i32
    return %c0_i32, %c0_i32_0 : i32, i32
  }
  func.func @transform_6(%arg0: i32) -> (i32, i32) {
    %c0_i32 = arith.constant 0 : i32
    %c0_i32_0 = arith.constant 0 : i32
    %c0_i32_1 = arith.constant 0 : i32
    return %c0_i32, %c0_i32_0 : i32, i32
  }
  func.func @transform_7(%arg0: i32) -> (i32, i32) {
    %c0_i32 = arith.constant 0 : i32
    %c0_i32_0 = arith.constant 0 : i32
    %c0_i32_1 = arith.constant 0 : i32
    return %c0_i32, %c0_i32_0 : i32, i32
  }
  func.func @transform_8(%arg0: i32) -> (i32, i32) {
    %c0_i32 = arith.constant 0 : i32
    %c0_i32_0 = arith.constant 0 : i32
    return %arg0, %c0_i32 : i32, i32
  }
  func.func @transform_9(%arg0: i32) -> (i32, i32) {
    %c0_i32 = arith.constant 0 : i32
    %c0_i32_0 = arith.constant 0 : i32
    return %arg0, %c0_i32 : i32, i32
  }
}

module attributes {stable_mosaic.version = 14 : i64} {
  func.func @body(%arg0: i32, %arg1: memref<1024x128xf32, #tpu.memory_space<vmem>>, %arg2: memref<1024x128xf32, #tpu.memory_space<vmem>>, %arg3: memref<1024x128xf32, #tpu.memory_space<vmem>>, %arg4: memref<256x256xf32, #tpu.memory_space<vmem>>, %arg5: memref<1x1xf32, #tpu.memory_space<smem>>, %arg6: memref<1024x256xf32, #tpu.memory_space<vmem>>, %arg7: memref<1024x256xf32, #tpu.memory_space<vmem>>) attributes {dimension_semantics = [#tpu.dimension_semantics<arbitrary>], iteration_bounds = array<i64: 5>, scalar_prefetch = 0 : i64, scratch_operands = 0 : i64, tpu.core_type = #tpu.core_type<tc>, window_params = [{transform_indices = @transform_0, window_bounds = array<i64: 1024, 128>}, {transform_indices = @transform_1, window_bounds = array<i64: 1024, 128>}, {transform_indices = @transform_2, window_bounds = array<i64: 1024, 128>}, {pipeline_mode = #tpu.pipeline_mode<synchronous>, transform_indices = @transform_3, window_bounds = array<i64: 256, 256>}, {transform_indices = @transform_4, window_bounds = array<i64: 1, 1>}, {transform_indices = @transform_5, window_bounds = array<i64: 1024, 256>}, {transform_indices = @transform_6, window_bounds = array<i64: 1024, 256>}]} {
    %get3A = arith.constant 0 : index
    %get3A_0 = arith.constant 0 : index
    %get3A_1 = vector.load %arg3[%get3A, %get3A_0] : memref<1024x128xf32, #tpu.memory_space<vmem>>, vector<1024x1xf32>
    %gt3A = arith.constant 0.000000e+00 : f32
    %gt3A_2 = vector.broadcast %gt3A : f32 to vector<1024x1xf32>
    %gt3A_3 = arith.cmpf ogt, %get3A_1, %gt3A_2 : vector<1024x1xf32>
    %div3A = arith.constant 1.000000e+00 : f32
    %div3A_4 = vector.broadcast %div3A : f32 to vector<1024x1xf32>
    %div3A_5 = arith.divf %div3A_4, %get3A_1 : vector<1024x1xf32>
    %jit3A = arith.constant 0.000000e+00 : f32
    %broadcast_in_dim3A = vector.broadcast %jit3A : f32 to vector<1024x1xf32>
    %select_n3A = arith.select %gt3A_3, %div3A_5, %broadcast_in_dim3A : vector<1024x1xi1>, vector<1024x1xf32>
    %get3A_6 = arith.constant 0 : index
    %get3A_7 = arith.constant 0 : index
    %get3A_8 = memref.load %arg5[%get3A_6, %get3A_7] : memref<1x1xf32, #tpu.memory_space<smem>>
    %get3A_9 = arith.constant 0 : index
    %get3A_10 = arith.constant 0 : index
    %get3A_11 = vector.load %arg1[%get3A_9, %get3A_10] : memref<1024x128xf32, #tpu.memory_space<vmem>>, vector<1024x128xf32>
    %mul3A = vector.broadcast %select_n3A : vector<1024x1xf32> to vector<1024x128xf32>
    %mul3A_12 = arith.mulf %get3A_11, %mul3A : vector<1024x128xf32>
    %ge3A = arith.constant 0.000000e+00 : f32
    %ge3A_13 = vector.broadcast %ge3A : f32 to vector<1024x128xf32>
    %ge3A_14 = arith.cmpf oge, %mul3A_12, %ge3A_13 : vector<1024x128xf32>
    %mul3A_15 = vector.broadcast %get3A_8 : f32 to vector<1024x128xf32>
    %mul3A_16 = arith.mulf %mul3A_15, %mul3A_12 : vector<1024x128xf32>
    %select_n3A_17 = arith.select %ge3A_14, %mul3A_12, %mul3A_16 : vector<1024x128xi1>, vector<1024x128xf32>
    %get3A_18 = arith.constant 0 : index
    %get3A_19 = arith.constant 0 : index
    %get3A_20 = vector.load %arg2[%get3A_18, %get3A_19] : memref<1024x128xf32, #tpu.memory_space<vmem>>, vector<1024x128xf32>
    %mul3A_21 = vector.broadcast %select_n3A : vector<1024x1xf32> to vector<1024x128xf32>
    %mul3A_22 = arith.mulf %get3A_20, %mul3A_21 : vector<1024x128xf32>
    %ge3A_23 = arith.constant 0.000000e+00 : f32
    %ge3A_24 = vector.broadcast %ge3A_23 : f32 to vector<1024x128xf32>
    %ge3A_25 = arith.cmpf oge, %mul3A_22, %ge3A_24 : vector<1024x128xf32>
    %mul3A_26 = vector.broadcast %get3A_8 : f32 to vector<1024x128xf32>
    %mul3A_27 = arith.mulf %mul3A_26, %mul3A_22 : vector<1024x128xf32>
    %select_n3A_28 = arith.select %ge3A_25, %mul3A_22, %mul3A_27 : vector<1024x128xi1>, vector<1024x128xf32>
    %get3A_29 = arith.constant 0 : index
    %get3A_30 = arith.constant 0 : index
    %get3A_31 = vector.load %arg4[%get3A_29, %get3A_30] : memref<256x256xf32, #tpu.memory_space<vmem>>, vector<128x256xf32>
    %dot_general3A = arith.constant dense<0.000000e+00> : vector<1024x256xf32>
    %dot_general3A_32 = tpu.matmul %select_n3A_17, %get3A_31, %dot_general3A {dimension_numbers = #tpu.dot_dimension_numbers<[1], [0], [0], [1], [0, 0, 1, 1], [], []>, transpose_lhs_hint = false} : vector<1024x128xf32>, vector<128x256xf32>, vector<1024x256xf32> -> vector<1024x256xf32>
    %get3A_33 = arith.constant 128 : index
    %get3A_34 = arith.constant 0 : index
    %get3A_35 = vector.load %arg4[%get3A_33, %get3A_34] : memref<256x256xf32, #tpu.memory_space<vmem>>, vector<128x256xf32>
    %dot_general3A_36 = arith.constant dense<0.000000e+00> : vector<1024x256xf32>
    %dot_general3A_37 = tpu.matmul %select_n3A_28, %get3A_35, %dot_general3A_36 {dimension_numbers = #tpu.dot_dimension_numbers<[1], [0], [0], [1], [0, 0, 1, 1], [], []>, transpose_lhs_hint = false} : vector<1024x128xf32>, vector<128x256xf32>, vector<1024x256xf32> -> vector<1024x256xf32>
    %add3A = arith.addf %dot_general3A_32, %dot_general3A_37 : vector<1024x256xf32>
    %swap3A = arith.constant 0 : index
    %swap3A_38 = arith.constant 0 : index
    %swap3A_39 = vector.load %arg6[%swap3A, %swap3A_38] : memref<1024x256xf32, #tpu.memory_space<vmem>>, vector<1024x256xf32>
    tpu.vector_store %arg6[%swap3A, %swap3A_38], %add3A {strides = array<i32>} : memref<1024x256xf32, #tpu.memory_space<vmem>>, vector<1024x256xf32>,
    %swap3A_40 = arith.constant 0 : index
    %swap3A_41 = arith.constant 0 : index
    %swap3A_42 = vector.load %arg7[%swap3A_40, %swap3A_41] : memref<1024x256xf32, #tpu.memory_space<vmem>>, vector<1024x128xf32>
    tpu.vector_store %arg7[%swap3A_40, %swap3A_41], %select_n3A_17 {strides = array<i32>} : memref<1024x256xf32, #tpu.memory_space<vmem>>, vector<1024x128xf32>,
    %swap3A_43 = arith.constant 0 : index
    %swap3A_44 = arith.constant 128 : index
    %swap3A_45 = vector.load %arg7[%swap3A_43, %swap3A_44] : memref<1024x256xf32, #tpu.memory_space<vmem>>, vector<1024x128xf32>
    tpu.vector_store %arg7[%swap3A_43, %swap3A_44], %select_n3A_28 {strides = array<i32>} : memref<1024x256xf32, #tpu.memory_space<vmem>>, vector<1024x128xf32>,
    return
  }
  func.func @transform_0(%arg0: i32) -> (i32, i32) {
    %c0_i32 = arith.constant 0 : i32
    %c0_i32_0 = arith.constant 0 : i32
    return %arg0, %c0_i32 : i32, i32
  }
  func.func @transform_1(%arg0: i32) -> (i32, i32) {
    %c0_i32 = arith.constant 0 : i32
    %c0_i32_0 = arith.constant 0 : i32
    return %arg0, %c0_i32 : i32, i32
  }
  func.func @transform_2(%arg0: i32) -> (i32, i32) {
    %c0_i32 = arith.constant 0 : i32
    %c0_i32_0 = arith.constant 0 : i32
    return %arg0, %c0_i32 : i32, i32
  }
  func.func @transform_3(%arg0: i32) -> (i32, i32) {
    %c0_i32 = arith.constant 0 : i32
    %c0_i32_0 = arith.constant 0 : i32
    %c0_i32_1 = arith.constant 0 : i32
    return %c0_i32, %c0_i32_0 : i32, i32
  }
  func.func @transform_4(%arg0: i32) -> (i32, i32) {
    %c0_i32 = arith.constant 0 : i32
    %c0_i32_0 = arith.constant 0 : i32
    %c0_i32_1 = arith.constant 0 : i32
    return %c0_i32, %c0_i32_0 : i32, i32
  }
  func.func @transform_5(%arg0: i32) -> (i32, i32) {
    %c0_i32 = arith.constant 0 : i32
    %c0_i32_0 = arith.constant 0 : i32
    return %arg0, %c0_i32 : i32, i32
  }
  func.func @transform_6(%arg0: i32) -> (i32, i32) {
    %c0_i32 = arith.constant 0 : i32
    %c0_i32_0 = arith.constant 0 : i32
    return %arg0, %c0_i32 : i32, i32
  }
}

module attributes {stable_mosaic.version = 14 : i64} {
  func.func @body(%arg0: i32, %arg1: memref<1024x128xf32, #tpu.memory_space<vmem>>, %arg2: memref<1024x128xf32, #tpu.memory_space<vmem>>, %arg3: memref<1024x256xf32, #tpu.memory_space<vmem>>, %arg4: memref<1024x128xf32, #tpu.memory_space<vmem>>, %arg5: memref<1x1xf32, #tpu.memory_space<smem>>, %arg6: memref<1024x256xf32, #tpu.memory_space<vmem>>) attributes {dimension_semantics = [#tpu.dimension_semantics<arbitrary>], iteration_bounds = array<i64: 10>, scalar_prefetch = 0 : i64, scratch_operands = 0 : i64, tpu.core_type = #tpu.core_type<tc>, window_params = [{transform_indices = @transform_0, window_bounds = array<i64: 1024, 128>}, {transform_indices = @transform_1, window_bounds = array<i64: 1024, 128>}, {transform_indices = @transform_2, window_bounds = array<i64: 1024, 256>}, {transform_indices = @transform_3, window_bounds = array<i64: 1024, 128>}, {transform_indices = @transform_4, window_bounds = array<i64: 1, 1>}, {transform_indices = @transform_5, window_bounds = array<i64: 1024, 256>}]} {
    %get3A = arith.constant 0 : index
    %get3A_0 = arith.constant 0 : index
    %get3A_1 = vector.load %arg4[%get3A, %get3A_0] : memref<1024x128xf32, #tpu.memory_space<vmem>>, vector<1024x1xf32>
    %add3A = arith.constant 1.000000e+00 : f32
    %add3A_2 = vector.broadcast %add3A : f32 to vector<1024x1xf32>
    %add3A_3 = arith.addf %get3A_1, %add3A_2 : vector<1024x1xf32>
    %div3A = arith.constant 1.000000e+00 : f32
    %div3A_4 = vector.broadcast %div3A : f32 to vector<1024x1xf32>
    %div3A_5 = arith.divf %div3A_4, %add3A_3 : vector<1024x1xf32>
    %get3A_6 = arith.constant 0 : index
    %get3A_7 = arith.constant 0 : index
    %get3A_8 = memref.load %arg5[%get3A_6, %get3A_7] : memref<1x1xf32, #tpu.memory_space<smem>>
    %get3A_9 = arith.constant 0 : index
    %get3A_10 = arith.constant 0 : index
    %get3A_11 = vector.load %arg1[%get3A_9, %get3A_10] : memref<1024x128xf32, #tpu.memory_space<vmem>>, vector<1024x128xf32>
    %get3A_12 = arith.constant 0 : index
    %get3A_13 = arith.constant 0 : index
    %get3A_14 = vector.load %arg3[%get3A_12, %get3A_13] : memref<1024x256xf32, #tpu.memory_space<vmem>>, vector<1024x128xf32>
    %add3A_15 = arith.addf %get3A_11, %get3A_14 : vector<1024x128xf32>
    %mul3A = vector.broadcast %div3A_5 : vector<1024x1xf32> to vector<1024x128xf32>
    %mul3A_16 = arith.mulf %add3A_15, %mul3A : vector<1024x128xf32>
    %ge3A = arith.constant 0.000000e+00 : f32
    %ge3A_17 = vector.broadcast %ge3A : f32 to vector<1024x128xf32>
    %ge3A_18 = arith.cmpf oge, %mul3A_16, %ge3A_17 : vector<1024x128xf32>
    %mul3A_19 = vector.broadcast %get3A_8 : f32 to vector<1024x128xf32>
    %mul3A_20 = arith.mulf %mul3A_19, %mul3A_16 : vector<1024x128xf32>
    %select_n3A = arith.select %ge3A_18, %mul3A_16, %mul3A_20 : vector<1024x128xi1>, vector<1024x128xf32>
    %get3A_21 = arith.constant 0 : index
    %get3A_22 = arith.constant 0 : index
    %get3A_23 = vector.load %arg2[%get3A_21, %get3A_22] : memref<1024x128xf32, #tpu.memory_space<vmem>>, vector<1024x128xf32>
    %get3A_24 = arith.constant 0 : index
    %get3A_25 = arith.constant 128 : index
    %get3A_26 = vector.load %arg3[%get3A_24, %get3A_25] : memref<1024x256xf32, #tpu.memory_space<vmem>>, vector<1024x128xf32>
    %add3A_27 = arith.addf %get3A_23, %get3A_26 : vector<1024x128xf32>
    %mul3A_28 = vector.broadcast %div3A_5 : vector<1024x1xf32> to vector<1024x128xf32>
    %mul3A_29 = arith.mulf %add3A_27, %mul3A_28 : vector<1024x128xf32>
    %ge3A_30 = arith.constant 0.000000e+00 : f32
    %ge3A_31 = vector.broadcast %ge3A_30 : f32 to vector<1024x128xf32>
    %ge3A_32 = arith.cmpf oge, %mul3A_29, %ge3A_31 : vector<1024x128xf32>
    %mul3A_33 = vector.broadcast %get3A_8 : f32 to vector<1024x128xf32>
    %mul3A_34 = arith.mulf %mul3A_33, %mul3A_29 : vector<1024x128xf32>
    %select_n3A_35 = arith.select %ge3A_32, %mul3A_29, %mul3A_34 : vector<1024x128xi1>, vector<1024x128xf32>
    %swap3A = arith.constant 0 : index
    %swap3A_36 = arith.constant 0 : index
    %swap3A_37 = vector.load %arg6[%swap3A, %swap3A_36] : memref<1024x256xf32, #tpu.memory_space<vmem>>, vector<1024x128xf32>
    tpu.vector_store %arg6[%swap3A, %swap3A_36], %select_n3A {strides = array<i32>} : memref<1024x256xf32, #tpu.memory_space<vmem>>, vector<1024x128xf32>,
    %swap3A_38 = arith.constant 0 : index
    %swap3A_39 = arith.constant 128 : index
    %swap3A_40 = vector.load %arg6[%swap3A_38, %swap3A_39] : memref<1024x256xf32, #tpu.memory_space<vmem>>, vector<1024x128xf32>
    tpu.vector_store %arg6[%swap3A_38, %swap3A_39], %select_n3A_35 {strides = array<i32>} : memref<1024x256xf32, #tpu.memory_space<vmem>>, vector<1024x128xf32>,
    return
  }
  func.func @transform_0(%arg0: i32) -> (i32, i32) {
    %c0_i32 = arith.constant 0 : i32
    %c0_i32_0 = arith.constant 0 : i32
    return %arg0, %c0_i32 : i32, i32
  }
  func.func @transform_1(%arg0: i32) -> (i32, i32) {
    %c0_i32 = arith.constant 0 : i32
    %c0_i32_0 = arith.constant 0 : i32
    return %arg0, %c0_i32 : i32, i32
  }
  func.func @transform_2(%arg0: i32) -> (i32, i32) {
    %c0_i32 = arith.constant 0 : i32
    %c0_i32_0 = arith.constant 0 : i32
    return %arg0, %c0_i32 : i32, i32
  }
  func.func @transform_3(%arg0: i32) -> (i32, i32) {
    %c0_i32 = arith.constant 0 : i32
    %c0_i32_0 = arith.constant 0 : i32
    return %arg0, %c0_i32 : i32, i32
  }
  func.func @transform_4(%arg0: i32) -> (i32, i32) {
    %c0_i32 = arith.constant 0 : i32
    %c0_i32_0 = arith.constant 0 : i32
    %c0_i32_1 = arith.constant 0 : i32
    return %c0_i32, %c0_i32_0 : i32, i32
  }
  func.func @transform_5(%arg0: i32) -> (i32, i32) {
    %c0_i32 = arith.constant 0 : i32
    %c0_i32_0 = arith.constant 0 : i32
    return %arg0, %c0_i32 : i32, i32
  }
}

</mosaic_0001>

<sc_bundles>
// kernel: kernel.12.cloned.1.call-start
scs
__scs_entry_jumppad:
0x0: {  	(pc) =	sbr.rel $0x88, $3  }
0x1: {  	(tag) =	ssettag $0x0;
	lr =	simm.s32 $0x1  }
0x2: {  	[smem:$0x3F98] =	sst lr;
	_ =	strace $0xD0000000  }
0x3: {  	_ = 	snop  }
0x4: {  	_ = 	snop  }
0x5: {  	_ = 	snop  }
0x6: {  	_ = 	snop  }
0x7: {  	_ = 	snop  }
__scs_overlays_trampoline_lowered:
0x8: {  	[smem:$0x3FA7] =	sst s0  }
0x9: {  	[smem:$0x3FA8] =	sst s1  }
0xa: {  	[smem:$0x3FA9] =	sst s2  }
0xb: {  	[smem:$0x3FAA] =	sst s3  }
0xc: {  	[smem:$0x3FAB] =	sst s4  }
0xd: {  	[smem:$0x3FAC] =	sst s5  }
0xe: {  	[smem:$0x3FAD] =	sst s6  }
0xf: {  	[smem:$0x3FAE] =	sst s7  }
0x10: {  	[smem:$0x3FAF] =	sst s8  }
0x11: {  	[smem:$0x3FB0] =	sst s9;
	s0 =	simm.s32 @!p0 $0x0  }
0x12: {  	s1 =	sld [smem:$0x3F96];
	s0 =	simm.s32 @p0 $0x1  }
0x13: {  	[smem:$0x3FB1] =	sst s0;
	s0 =	simm.s32 @!p1 $0x0  }
0x14: {  	s2 =	sld [smem:$0x3F95];
	s0 =	simm.s32 @p1 $0x1  }
0x15: {  	[smem:$0x3FB2] =	sst s0;
	s0 =	simm.s32 @!p2 $0x0  }
0x16: {  	s3 =	sld [smem:$0x3FDB];
	s0 =	simm.s32 @p2 $0x1  }
0x17: {  	s4 =	simm.s32 $0x1BF5;
	[smem:$0x3FB4] =	sst s0  }
0x18: {  	s0 =	sld [smem:$0x3F97];
	_ =	swait.ge [sflag:s4], $0x0  }
0x19: {  	s7 =	sld [smem:$0x3F98]  }
0x1a: {  	s8 =	sadd.s32 $0xFFFFE003, lr  }
0x1b: {  	s9 =	sadd.s32 $0xFFFFFEF7, lr;
	s5 =	simm.s32 $0xFFFFFFFF;
	p2 =	slt.u32 s8, $0xFFFFF086  }
0x1c: {  	p1 =	slt.u32 s9, $0xF7A;
	s5 =	simm.s32 @!p2 $0x0  }
0x1d: {  	s5 =	simm.s32 @p1 $0x1;
	p0 =	seq.s32 s7, s2  }
0x1e: {  	s7 =	smul.u32 @!p0 $0xF7A, s2;
	p2 =	seq.s32 @!p0 s5, $0x0  }
0x1f: {  	s9 =	smul.u32 $0xF7A, s1;
	s8 =	simm.s32 @!p0 $0x1BF5;
	p2 =	por !p2, p0  }
0x20: {  	[sflag:s8] =	ssyncset.s32 @!p0 $0xFFFFF086;
	s6 =	sadd.s32 @!p0 s3, s7;
	s7 =	simm.s32 @!p0 $0x108  }
0x21: {  	s3 =	sadd.s32 s3, s9;
	s6 =	sadd.s32 @!p0 $0x88, s6;
	s7 =	simm.s32 @p2 $0x1082  }
0x22: {  	[simem:s7], [sflag:s8] =	dma.local @!p0 [hbm:s6], $0xF7A  }
0x23: {  	s9 =	sor.u32 $0xD0000000, s2;
	s6 =	simm.s32 $0x108;
	_ =	swait.ge @!p0 [sflag:s8], $0x0  }
0x24: {  	s3 =	sadd.s32 $0x88, s3;
	s6 =	simm.s32 @!p1 $0x1082;
	[sflag:s4] =	ssyncset.s32 $0xFFFFF086  }
0x25: {  	[simem:s6], [sflag:s4] =	dma.local [hbm:s3], $0xF7A  }
0x26: {  	[smem:$0x3F98] =	sst s1;
	(tag) =	ssettag s2;
	_ =	strace s9  }
0x27: {  	s1 =	sld [smem:$0x3FA8]  }
0x28: {  	s2 =	sld [smem:$0x3FA9]  }
0x29: {  	s4 =	sld [smem:$0x3FAB]  }
0x2a: {  	p0 =	seq.s32 s5, $0x0;
	s5 =	sld [smem:$0x3FAC]  }
0x2b: {  	s6 =	sld [smem:$0x3FAD]  }
0x2c: {  	s7 =	sld [smem:$0x3FAE]  }
0x2d: {  	s3 =	simm.s32 $0x108;
	s8 =	sld [smem:$0x3FAF]  }
0x2e: {  	s3 =	simm.s32 @!p0 $0x1082;
	s9 =	sld [smem:$0x3FB0]  }
0x2f: {  	lr =	sadd.s32 s0, s3;
	s0 =	sld [smem:$0x3FA7]  }
0x30: {  	s3 =	sld [smem:$0x3FAA]  }
0x31: {  	[smem:$0x3FB3] =	sst s10  }
0x32: {  	s10 =	sld [smem:$0x3FB1];
	_ =	sdelay $0x3  }
0x33: {  	p0 =	seq.s32 s10, $0x1;
	s10 =	sld [smem:$0x3FB3];
	_ =	sdelay $0x3  }
0x34: {  	[smem:$0x3FB3] =	sst s10  }
0x35: {  	s10 =	sld [smem:$0x3FB2];
	_ =	sdelay $0x3  }
0x36: {  	p1 =	seq.s32 s10, $0x1;
	s10 =	sld [smem:$0x3FB3];
	_ =	sdelay $0x3  }
0x37: {  	[smem:$0x3FB3] =	sst s10  }
0x38: {  	s10 =	sld [smem:$0x3FB4]  }
0x39: {  	_ = 	snop;
	(pc) =	sbr.ind lr, $3  }
0x3a: {  	_ = 	snop  }
0x3b: {  	_ = 	snop  }
0x3c: {  	p2 =	seq.s32 s10, $0x1;
	s10 =	sld [smem:$0x3FB3]  }
0x3d: {  	_ =	shalt  }
0x3e: {  	_ =	shalt  }
0x3f: {  	_ =	shalt  }
0x40: {  	_ =	shalt  }
0x41: {  	_ =	shalt  }
0x42: {  	_ =	shalt  }
0x43: {  	_ =	shalt  }
0x44: {  	_ =	shalt  }
0x45: {  	_ =	shalt  }
0x46: {  	_ =	shalt  }
0x47: {  	_ =	shalt  }
0x48: {  	_ =	shalt  }
0x49: {  	_ =	shalt  }
0x4a: {  	_ =	shalt  }
0x4b: {  	_ =	shalt  }
0x4c: {  	_ =	shalt  }
0x4d: {  	_ =	shalt  }
0x4e: {  	_ =	shalt  }
0x4f: {  	_ =	shalt  }
0x50: {  	_ =	shalt  }
0x51: {  	_ =	shalt  }
0x52: {  	_ =	shalt  }
0x53: {  	_ =	shalt  }
0x54: {  	_ =	shalt  }
0x55: {  	_ =	shalt  }
0x56: {  	_ =	shalt  }
0x57: {  	_ =	shalt  }
0x58: {  	_ =	shalt  }
0x59: {  	_ =	shalt  }
0x5a: {  	_ =	shalt  }
0x5b: {  	_ =	shalt  }
0x5c: {  	_ =	shalt  }
0x5d: {  	_ =	shalt  }
0x5e: {  	_ =	shalt  }
0x5f: {  	_ =	shalt  }
0x60: {  	_ =	shalt  }
0x61: {  	_ =	shalt  }
0x62: {  	_ =	shalt  }
0x63: {  	_ =	shalt  }
0x64: {  	_ =	shalt  }
0x65: {  	_ =	shalt  }
0x66: {  	_ =	shalt  }
0x67: {  	_ =	shalt  }
0x68: {  	_ =	shalt  }
0x69: {  	_ =	shalt  }
0x6a: {  	_ =	shalt  }
0x6b: {  	_ =	shalt  }
0x6c: {  	_ =	shalt  }
0x6d: {  	_ =	shalt  }
0x6e: {  	_ =	shalt  }
0x6f: {  	_ =	shalt  }
0x70: {  	_ =	shalt  }
0x71: {  	_ =	shalt  }
0x72: {  	_ =	shalt  }
0x73: {  	_ =	shalt  }
0x74: {  	_ =	shalt  }
0x75: {  	_ =	shalt  }
0x76: {  	_ =	shalt  }
0x77: {  	_ =	shalt  }
0x78: {  	_ =	shalt  }
0x79: {  	_ =	shalt  }
0x7a: {  	_ =	shalt  }
0x7b: {  	_ =	shalt  }
0x7c: {  	_ =	shalt  }
0x7d: {  	_ =	shalt  }
0x7e: {  	_ =	shalt  }
0x7f: {  	_ =	shalt  }
0x80: {  	_ =	shalt  }
0x81: {  	_ =	shalt  }
0x82: {  	_ =	shalt  }
0x83: {  	_ =	shalt  }
0x84: {  	_ =	shalt  }
0x85: {  	_ =	shalt  }
0x86: {  	_ =	shalt  }
0x87: {  	_ =	shalt  }
.Lfunc_end0:
.L_simem_size_0:
called_computation_lowered:
.L_overlay_start_0:
0x88: {  	s2 =	sld [smem:$0x3FD9]  }
0x89: {  	s3 =	sld [smem:$0x3FFE];
	_ =	sdelay $0x1  }
0x8a: {  	s1 =	srdreg.scid  }
0x8b: {  	s0 =	sand.u32 $0x1, s1  }
0x8c: {  	s15 =	sshll.u32 s0, $0xA;
	s2 =	sadd.s32 s3, s2  }
0x8d: {  	s2 =	sadd.s32 s2, s15  }
0x8e: {  	[smem:$0x3FBF] =	sst s2  }
0x8f: {  	_ = 	snop  }
0x90: {  	s2 =	sld [smem:$0x3FD0];
	_ =	sdelay $0x2  }
0x91: {  	s16 =	simm.s32 $0xB;
	s4 =	simm.s32 $0x10  }
0x92: {  	[smem:s4], [sflag:s16] =	dma.local [hbm:s2], $0x1  }
0x93: {  	_ =	swait.eq [sflag:s16], $0x1  }
0x94: {  	[sflag:s16] =	ssyncset.done $0x0  }
0x95: {  	[sflag:s16] =	ssyncadd.s32 $0xFFFFFFFF  }
0x96: {  	s17 =	sld [smem:$0x10];
	(tm) =	ssettm $0x1  }
0x97: {  	s18 =	sld [smem:$0x3FFB];
	_ =	sdelay $0x3  }
0x98: {  	_ =	strace s18  }
0x99: {  	s2 =	sld [smem:$0x3FFC];
	_ =	sdelay $0x3  }
0x9a: {  	_ =	strace s2  }
0x9b: {  	s2 =	sld [smem:$0x3FFD];
	_ =	sdelay $0x3  }
0x9c: {  	_ =	strace s2  }
0x9d: {  	_ =	strace $0x8FFFFFFF  }
0x9e: {  	s19 =	sld [smem:$0x3FDB];
	_ =	sdelay $0x1  }
0x9f: {  	s20 =	simm.s32 $_scs_section_size  }
0xa0: {  	s5 =	simm.s32 $_size__tile_overlayer_lowered;
	s6 =	simm.s32 $_tile_overlayer_lowered  }
0xa1: {  	s7 =	simm.s32 $0x1BFF;
	s21 =	sshll.u32 s6, $0x1;
	s4 =	sadd.s32 s20, s19  }
0xa2: {  	s22 =	simm.s32 $0x0;
	s5 =	sshll.u32 s5, $0x1;
	s6 =	sadd.s32 s21, s4  }
0xa3: {  	[timem:s22], [sflag:s7] =	dma.local [hbm:s6], s5  }
0xa4: {  	_ =	swait.ge [sflag:s7], s5  }
0xa5: {  	s5 =	ssub.s32 $0x0, s5;
	[sflag:s7] =	ssyncset.done $0x0  }
0xa6: {  	[sflag:s7] =	ssyncadd.s32 s5;
	_ =	sdelay $0x1  }
0xa7: {  	s23 =	simm.s32 $0x1B8B  }
0xa8: {  	_ =	swait.ge [sflag:s23], $0x1  }
0xa9: {  	[sflag:s23] =	ssyncset.done $0x0  }
0xaa: {  	[sflag:s23] =	ssyncadd.s32 $0xFFFFFFFF  }
0xab: {  	s5 =	sld [smem:$0x0]  }
0xac: {  	s6 =	sand.u32 $0xFFFFFFFE, s1  }
0xad: {  	p0 =	sne.s32 s1, s6  }
0xae: {  	s6 =	sshll.u32 @p0 s6, $0xE  }
0xaf: {  	s6 =	sadd.s32 @p0 $0x11B8D, s6;
	s7 =	sshll.u32 @p0 s5, $0x11  }
0xb0: {  	s6 =	sor.u32 @p0 s7, s6  }
0xb1: {  	[sflag:s6] =	ssyncadd.remote.s32 @p0 $0x1;
	_ =	sdelay $0x1  }
0xb2: {  	s6 =	simm.s32 @p0 $0x1B8D  }
0xb3: {  	_ =	swait.eq @p0 [sflag:s6], $0x1  }
0xb4: {  	[sflag:s6] =	ssyncadd.s32 @p0 $0xFFFFFFFF  }
0xb5: {  	s7 =	sshll.u32 @!p0 s1, $0xE  }
0xb6: {  	s7 =	sor.u32 @!p0 $0x4000, s7;
	s6 =	simm.s32 @!p0 $0x1B8D  }
0xb7: {  	s5 =	sshll.u32 @!p0 s5, $0x11;
	s7 =	sadd.s32 @!p0 $0x11B8D, s7;
	_ =	swait.eq @!p0 [sflag:s6], $0x1  }
0xb8: {  	s5 =	sor.u32 @!p0 s5, s7;
	[sflag:s6] =	ssyncadd.s32 @!p0 $0xFFFFFFFF  }
0xb9: {  	s25 =	simm.s32 $0x1B8E;
	s24 =	sld [smem:$0x3FFE];
	[sflag:s5] =	ssyncadd.remote.s32 @!p0 $0x1  }
0xba: {  	s26 =	simm.s32 $execute0_lowered;
	[smem:$0x3FD2] =	sst s25  }
0xbb: {  	s6 =	sshll.u32 s26, $0x1;
	_ =	strace $0x80000049;
	[dreg:$0x1] =	wrdreg $0xFFFFFFFF  }
0xbc: {  	s28 =	simm.s32 $_size_execute0_lowered;
	s4 =	sadd.s32 s4, s6;
	[dreg:$0x0] =	wrdreg $0x0  }
0xbd: {  	s6 =	sshll.u32 s28, $0x1;
	[dreg:$0x2] =	wrdreg s4  }
0xbe: {  	[dreg:$0x3] =	wrdreg s6  }
0xbf: {  	[dreg:$0x4] =	wrdreg $0xC0  }
0xc0: {  	_ =	task [dreg:s22], $0x5FFFF  }
0xc1: {  	[dreg:$0x1] =	wrdreg $0xFFFFFFFF  }
0xc2: {  	[dreg:$0x0] =	wrdreg $0x60  }
0xc3: {  	[dreg:$0x2] =	wrdreg s24  }
0xc4: {  	[dreg:$0x3] =	wrdreg s17  }
0xc5: {  	[dreg:$0x4] =	wrdreg $0x68000  }
0xc6: {  	[dreg:$0x5] =	wrdreg $0x9  }
0xc7: {  	_ =	task.clear_ibuf [dreg:s22], $0x6FFFF;
	_ =	strace $0x90000049  }
0xc8: {  	s29 =	simm.s32 $0x9;
	_ =	strace $0x8000004B  }
0xc9: {  	_ =	swait.ge [sflag:s29], $0x1  }
0xca: {  	[sflag:s29] =	ssyncadd.s32 $0xFFFFFFFF  }
0xcb: {  	_ =	strace $0x9000004B  }
0xcc: {  	_ =	sfence  }
0xcd: {  	s30 =	sld [smem:$0x0];
	_ =	sdelay $0x2  }
0xce: {  	s31 =	sshll.u32 s1, $0xD;
	s1 =	sshrl.u32 s1, $0x2  }
0xcf: {  	s4 =	sand.u32 $0x4000, s31;
	s1 =	sadd.s32 s1, s30  }
0xd0: {  	s0 =	sor.u32 s4, s0;
	s1 =	sshll.u32 s1, $0x11  }
0xd1: {  	s0 =	sor.u32 s1, s0  }
0xd2: {  	s0 =	sadd.s32 $0x8F2B, s0  }
0xd3: {  	[sflag:s0] =	ssyncadd.remote.s32 $0x1  }
0xd4: {  	_ =	sfence.sel $0xFFFF  }
0xd5: {  	[dreg:$0x0] =	wrdreg $0xFFFFFFFF;
	(pc) =	sbr.abs _section_cstart, $3  }
0xd6: {  	[dreg:$0x1] =	wrdreg $0xFFFFFFFF  }
0xd7: {  	_ =	task.clear_ibuf [dreg:s22], $0x2FFFF;
	_ =	strace $0x9FFFFFFF  }
0xd8: {  	(tm) =	ssettm $0x7FFFFFFF  }
0xd9: {  	_ =	shalt  }
tec
execute0_lowered:
.L_overlay_start_1:
0x0: {  	(tag) =	ssettag $0x1  }
0x1: {  	s5 =	rddreg [dreg:$0x0]  }
0x2: {  	s0 =	srdreg.scid;
	s6 =	rddreg [dreg:$0x1]  }
0x3: {  	s2 =	rddreg [dreg:$0x2];
	s4 =	sand.u32 $0x1, s0  }
0x4: {  	s0 =	stileid.u32;
	s7 =	smul.u32 $0x28000, s4  }
0x5: {  	s1 =	rddreg [dreg:$0x3];
	s3 =	simm.s32 $0x0;
	s8 =	smul.u32 $0x2800, s0  }
0x6: {  	s13 =	simm.s32 $0x80;
	s14 =	simm.s32 $0x1;
	s9 =	smul.u32 $0x14000, s0  }
0x7: {  	s15 =	simm.s32 $0x0;
	[smem:$0x7FF] =	sst s3;
	s29 =	smul.u32 $0x140000, s4  }
0x8: {  	_ =	strace $0x8000004A;
	s10 =	ssub.s32 $0x2, s4;
	s12 =	smul.u32 $0x50000, s0  }
0x9: {  	s4 =	sadd.s32 $0xE9800, s5;
	s31 =	sshll.u32 s0, $0x6;
	s11 =	sshrl.u32 s10, $0x1  }
0xa: {  	s7 =	sadd.s32 s8, s7;
	s8 =	sadd.s32 s9, s29;
	s10 =	ssub.s32 s10, s11  }
0xb: {  	s30 =	sshrl.u32 s12, $0x2;
	s9 =	sshrl.u32 s9, $0x3;
	s11 =	simm.s32 $0x2  }
0xc: {  	s7 =	sshrl.u32 s7, $0x3;
	s8 =	sshrl.u32 s8, $0x3;
	s12 =	sadd.s32 s30, s2  }
0xd: {  	s7 =	sadd.s32 s7, s5;
	s8 =	sadd.s32 s8, s5;
	s5 =	sadd.s32 s6, s9  }
0xe: {  	s6 =	sor.u32 $0x1C02, s31;
	s9 =	smax.u32 s10, $0x1;
	s10 =	sshrl.u32 s12, $0x3  }
0xf: {  	s12 =	simm.s32 $0x2800;
	s7 =	sadd.s32 $0xDF800, s7;
	s8 =	sadd.s32 $0xEA000, s8  }
.LBB2_1:
0x10: {  	[spmem:s10], [sflag:s6] =	dma.local [hbm:s5], $0x2800  }
0x11: {  	_ =	swait.ge [sflag:s11], $0x2800  }
0x12: {  	[sflag:s11] =	ssyncset.done $0x0  }
0x13: {  	[sflag:s11] =	ssyncadd.s32 $0xFFFFD800  }
0x14: {  	[tilespmem:s12], [sflag:$0x2] =	stream.linear.gather [hbm4b:s4+s3], $0x4000, $0x38;
	[tilespmem:$0x1A800] =	vst v63  }
0x15: {  	_ =	swait.ge [sflag:s11], $0x4000  }
0x16: {  	[sflag:s11] =	ssyncset.done $0x0  }
0x17: {  	[sflag:s11] =	ssyncadd.s32 $0xFFFFC000  }
0x18: {  	[tilespmem:s3], [sflag:$0x2] =	stream.linear.gather [hbm4b:s7+s3], $0x2800, $0x38;
	[tilespmem:$0x1A800] =	vst v63  }
0x19: {  	_ =	swait.ge [sflag:s11], $0x2800  }
0x1a: {  	[sflag:s11] =	ssyncset.done $0x0  }
0x1b: {  	[sflag:s11] =	ssyncadd.s32 $0xFFFFD800  }
0x1c: {  	s16 =	simm.s32 $0x0;
	[bflag:$0x0] =	sbarrier.arrive $0xFFFF  }
0x1d: {  	[spmem:s2] =	stream.indirect.scatter.add.f32 [tilespmem:s12], [sflag:$0x1], $0x80, s16, s13, $0xb8;
	[tilespmem:$0x1A800] =	vst v63  }
0x1e: {  	s29 =	simm.s32 $0x80  }
0x1f: {  	[spmem:s2] =	stream.indirect.scatter.add.f32 [tilespmem:s12], [sflag:$0x1], $0x80, s29, s13, $0xb8;
	[tilespmem:$0x1A800] =	vst v63  }
0x20: {  	s30 =	simm.s32 $0x100  }
0x21: {  	[spmem:s2] =	stream.indirect.scatter.add.f32 [tilespmem:s12], [sflag:$0x1], $0x80, s30, s13, $0xb8;
	[tilespmem:$0x1A800] =	vst v63  }
0x22: {  	s31 =	simm.s32 $0x180  }
0x23: {  	[spmem:s2] =	stream.indirect.scatter.add.f32 [tilespmem:s12], [sflag:$0x1], $0x80, s31, s13, $0xb8;
	[tilespmem:$0x1A800] =	vst v63  }
0x24: {  	_ =	swait.ge [sflag:s14], $0x4000  }
0x25: {  	[sflag:s14] =	ssyncset.done $0x0  }
0x26: {  	[sflag:s14] =	ssyncadd.s32 $0xFFFFC000  }
0x27: {  	_ =	swait.ge [sflag:s14], $0x4000  }
0x28: {  	[sflag:s14] =	ssyncset.done $0x0  }
0x29: {  	[sflag:s14] =	ssyncadd.s32 $0xFFFFC000  }
0x2a: {  	_ =	swait.ge [sflag:s14], $0x4000  }
0x2b: {  	[sflag:s14] =	ssyncset.done $0x0  }
0x2c: {  	[sflag:s14] =	ssyncadd.s32 $0xFFFFC000  }
0x2d: {  	_ =	swait.ge [sflag:s14], $0x4000  }
0x2e: {  	s17 =	simm.s32 $0x1000;
	s16 =	simm.s32 $0x800;
	[sflag:s14] =	ssyncset.done $0x0  }
.LBB2_2:
0x2f: {  	s18 =	sshra.s32 s16, $0x2  }
0x30: {  	[sflag:s14] =	ssyncadd.s32 $0xFFFFC000;
	s16 =	smov.u32 s17;
	s19 =	sadd.s32 $0x800, s17  }
0x31: {  	[spmem:s2] =	stream.indirect.scatter.add.f32 [tilespmem:s12], [sflag:$0x1], $0x80, s18, s13, $0xb8;
	[tilespmem:$0x1A800] =	vst v63  }
0x32: {  	p0 =	sne.s32 s17, $0x9800;
	s17 =	sadd.s32 $0x80, s18  }
0x33: {  	[spmem:s2] =	stream.indirect.scatter.add.f32 [tilespmem:s12], [sflag:$0x1], $0x80, s17, s13, $0xb8;
	[tilespmem:$0x1A800] =	vst v63  }
0x34: {  	s17 =	sadd.s32 $0x100, s18  }
0x35: {  	[spmem:s2] =	stream.indirect.scatter.add.f32 [tilespmem:s12], [sflag:$0x1], $0x80, s17, s13, $0xb8;
	[tilespmem:$0x1A800] =	vst v63  }
0x36: {  	s17 =	sadd.s32 $0x180, s18  }
0x37: {  	[spmem:s2] =	stream.indirect.scatter.add.f32 [tilespmem:s12], [sflag:$0x1], $0x80, s17, s13, $0xb8;
	[tilespmem:$0x1A800] =	vst v63  }
0x38: {  	_ =	swait.ge [sflag:s14], $0x4000  }
0x39: {  	[sflag:s14] =	ssyncset.done $0x0  }
0x3a: {  	[sflag:s14] =	ssyncadd.s32 $0xFFFFC000  }
0x3b: {  	_ =	swait.ge [sflag:s14], $0x4000  }
0x3c: {  	[sflag:s14] =	ssyncset.done $0x0  }
0x3d: {  	[sflag:s14] =	ssyncadd.s32 $0xFFFFC000  }
.Ltmp0:
0x3e: {  	_ =	swait.ge [sflag:s14], $0x4000;
	(pc) =	sbr.rel @p0 .LBB2_2-.Ltmp0, $4  }
0x3f: {  	[sflag:s14] =	ssyncset.done $0x0  }
0x40: {  	[sflag:s14] =	ssyncadd.s32 $0xFFFFC000  }
0x41: {  	_ =	swait.ge [sflag:s14], $0x4000  }
0x42: {  	s17 =	smov.u32 s19;
	[sflag:s14] =	ssyncset.done $0x0  }
0x43: {  	s16 =	sshra.s32 s16, $0x2;
	[sflag:s14] =	ssyncadd.s32 $0xFFFFC000  }
0x44: {  	[spmem:s2] =	stream.indirect.scatter.add.f32 [tilespmem:s12], [sflag:$0x1], $0x80, s16, s13, $0xb8;
	[tilespmem:$0x1A800] =	vst v63  }
0x45: {  	s17 =	sadd.s32 $0x80, s16  }
0x46: {  	[spmem:s2] =	stream.indirect.scatter.add.f32 [tilespmem:s12], [sflag:$0x1], $0x80, s17, s13, $0xb8;
	[tilespmem:$0x1A800] =	vst v63  }
0x47: {  	s31 =	sadd.s32 $0x100, s16  }
0x48: {  	[spmem:s2] =	stream.indirect.scatter.add.f32 [tilespmem:s12], [sflag:$0x1], $0x80, s31, s13, $0xb8;
	[tilespmem:$0x1A800] =	vst v63  }
0x49: {  	s16 =	sadd.s32 $0x180, s16  }
0x4a: {  	[spmem:s2] =	stream.indirect.scatter.add.f32 [tilespmem:s12], [sflag:$0x1], $0x80, s16, s13, $0xb8;
	[tilespmem:$0x1A800] =	vst v63  }
0x4b: {  	_ =	swait.ge [sflag:s14], $0x4000  }
0x4c: {  	[sflag:s14] =	ssyncset.done $0x0  }
0x4d: {  	[sflag:s14] =	ssyncadd.s32 $0xFFFFC000  }
0x4e: {  	_ =	swait.ge [sflag:s14], $0x4000  }
0x4f: {  	[sflag:s14] =	ssyncset.done $0x0  }
0x50: {  	[sflag:s14] =	ssyncadd.s32 $0xFFFFC000  }
0x51: {  	_ =	swait.ge [sflag:s14], $0x4000  }
0x52: {  	[sflag:s14] =	ssyncset.done $0x0  }
0x53: {  	[sflag:s14] =	ssyncadd.s32 $0xFFFFC000  }
0x54: {  	_ =	swait.ge [sflag:s14], $0x4000  }
0x55: {  	s15 =	sadd.s32 $0x1, s15;
	[sflag:s14] =	ssyncset.done $0x0  }
0x56: {  	p0 =	sne.s32 s15, s9;
	[sflag:s14] =	ssyncadd.s32 $0xFFFFC000  }
.Ltmp1:
0x57: {  	[bflag:$0x0] =	sbarrier.arrive $0xFFFF;
	(pc) =	sbr.rel @p0 .LBB2_1-.Ltmp1, $4  }
0x58: {  	[hbm:s8], [sflag:s6] =	dma.local [spmem:s10], $0x2800  }
0x59: {  	_ =	swait.ge [sflag:s11], $0x2800  }
0x5a: {  	[sflag:s11] =	ssyncset.done $0x0  }
0x5b: {  	[sflag:s11] =	ssyncadd.s32 $0xFFFFD800  }
0x5c: {  	_ =	sfence.sel $0x180000  }
0x5d: {  	[bflag:$0x0] =	sbarrier.arrive $0xFFFF  }
0x5e: {  	p0 =	sne.s32 s0, $0x0;
	_ =	strace $0x9000004A  }
0x5f: {  	s0 =	sadd.s32 @!p0 $0x100000, s1;
	[bflag:$0x2] =	sbarrier.arrive $0xFFFF  }
0x60: {  	[sflag:s0] =	ssyncadd.tile.s32 @!p0 $0x1;
	_ =	shalt  }
.Lfunc_end2:
_tile_overlayer_lowered:
.L_overlay_start_2:
0x61: {  	(tag) =	ssettag $0x2  }
0x62: {  	s0 =	rddreg [dreg:$0x0];
	s2 =	stileid.u32  }
0x63: {  	s1 =	rddreg [dreg:$0x1];
	p0 =	sne.s32 s2, $0x0  }
0x64: {  	s3 =	rddreg [dreg:$0x2];
	[bflag:$0x3] =	sbarrier.arrive $0xFFFF;
	s2 =	simm.s32 @!p0 $0x1C02  }
0x65: {  	[timem:s3], [sflag:s2] =	dma.local @!p0 [hbm:s0], s1  }
0x66: {  	s0 =	simm.s32 @!p0 $0x2  }
0x67: {  	_ =	swait.ge @!p0 [sflag:s0], s1  }
0x68: {  	s1 =	ssub.s32 @!p0 $0x0, s1;
	[sflag:s0] =	ssyncset.done @!p0 $0x0  }
0x69: {  	[sflag:s0] =	ssyncadd.s32 @!p0 s1  }
0x6a: {  	[bflag:$0x3] =	sbarrier.arrive $0xFFFF  }
0x6b: {  	_ =	shalt  }

// kernel: kernel.15.cloned.1.call-start
scs
__scs_entry_jumppad:
0x0: {  	(pc) =	sbr.rel $0x88, $3  }
0x1: {  	(tag) =	ssettag $0x0;
	lr =	simm.s32 $0x1  }
0x2: {  	[smem:$0x3F98] =	sst lr;
	_ =	strace $0xD0000000  }
0x3: {  	_ = 	snop  }
0x4: {  	_ = 	snop  }
0x5: {  	_ = 	snop  }
0x6: {  	_ = 	snop  }
0x7: {  	_ = 	snop  }
__scs_overlays_trampoline_lowered:
0x8: {  	[smem:$0x3FA7] =	sst s0  }
0x9: {  	[smem:$0x3FA8] =	sst s1  }
0xa: {  	[smem:$0x3FA9] =	sst s2  }
0xb: {  	[smem:$0x3FAA] =	sst s3  }
0xc: {  	[smem:$0x3FAB] =	sst s4  }
0xd: {  	[smem:$0x3FAC] =	sst s5  }
0xe: {  	[smem:$0x3FAD] =	sst s6  }
0xf: {  	[smem:$0x3FAE] =	sst s7  }
0x10: {  	[smem:$0x3FAF] =	sst s8  }
0x11: {  	[smem:$0x3FB0] =	sst s9;
	s0 =	simm.s32 @!p0 $0x0  }
0x12: {  	s1 =	sld [smem:$0x3F96];
	s0 =	simm.s32 @p0 $0x1  }
0x13: {  	[smem:$0x3FB1] =	sst s0;
	s0 =	simm.s32 @!p1 $0x0  }
0x14: {  	s2 =	sld [smem:$0x3F95];
	s0 =	simm.s32 @p1 $0x1  }
0x15: {  	[smem:$0x3FB2] =	sst s0;
	s0 =	simm.s32 @!p2 $0x0  }
0x16: {  	s3 =	sld [smem:$0x3FDB];
	s0 =	simm.s32 @p2 $0x1  }
0x17: {  	s4 =	simm.s32 $0x1BF5;
	[smem:$0x3FB4] =	sst s0  }
0x18: {  	s0 =	sld [smem:$0x3F97];
	_ =	swait.ge [sflag:s4], $0x0  }
0x19: {  	s7 =	sld [smem:$0x3F98]  }
0x1a: {  	s8 =	sadd.s32 $0xFFFFE003, lr  }
0x1b: {  	s9 =	sadd.s32 $0xFFFFFEF7, lr;
	s5 =	simm.s32 $0xFFFFFFFF;
	p2 =	slt.u32 s8, $0xFFFFF086  }
0x1c: {  	p1 =	slt.u32 s9, $0xF7A;
	s5 =	simm.s32 @!p2 $0x0  }
0x1d: {  	s5 =	simm.s32 @p1 $0x1;
	p0 =	seq.s32 s7, s2  }
0x1e: {  	s7 =	smul.u32 @!p0 $0xF7A, s2;
	p2 =	seq.s32 @!p0 s5, $0x0  }
0x1f: {  	s9 =	smul.u32 $0xF7A, s1;
	s8 =	simm.s32 @!p0 $0x1BF5;
	p2 =	por !p2, p0  }
0x20: {  	[sflag:s8] =	ssyncset.s32 @!p0 $0xFFFFF086;
	s6 =	sadd.s32 @!p0 s3, s7;
	s7 =	simm.s32 @!p0 $0x108  }
0x21: {  	s3 =	sadd.s32 s3, s9;
	s6 =	sadd.s32 @!p0 $0x88, s6;
	s7 =	simm.s32 @p2 $0x1082  }
0x22: {  	[simem:s7], [sflag:s8] =	dma.local @!p0 [hbm:s6], $0xF7A  }
0x23: {  	s9 =	sor.u32 $0xD0000000, s2;
	s6 =	simm.s32 $0x108;
	_ =	swait.ge @!p0 [sflag:s8], $0x0  }
0x24: {  	s3 =	sadd.s32 $0x88, s3;
	s6 =	simm.s32 @!p1 $0x1082;
	[sflag:s4] =	ssyncset.s32 $0xFFFFF086  }
0x25: {  	[simem:s6], [sflag:s4] =	dma.local [hbm:s3], $0xF7A  }
0x26: {  	[smem:$0x3F98] =	sst s1;
	(tag) =	ssettag s2;
	_ =	strace s9  }
0x27: {  	s1 =	sld [smem:$0x3FA8]  }
0x28: {  	s2 =	sld [smem:$0x3FA9]  }
0x29: {  	s4 =	sld [smem:$0x3FAB]  }
0x2a: {  	p0 =	seq.s32 s5, $0x0;
	s5 =	sld [smem:$0x3FAC]  }
0x2b: {  	s6 =	sld [smem:$0x3FAD]  }
0x2c: {  	s7 =	sld [smem:$0x3FAE]  }
0x2d: {  	s3 =	simm.s32 $0x108;
	s8 =	sld [smem:$0x3FAF]  }
0x2e: {  	s3 =	simm.s32 @!p0 $0x1082;
	s9 =	sld [smem:$0x3FB0]  }
0x2f: {  	lr =	sadd.s32 s0, s3;
	s0 =	sld [smem:$0x3FA7]  }
0x30: {  	s3 =	sld [smem:$0x3FAA]  }
0x31: {  	[smem:$0x3FB3] =	sst s10  }
0x32: {  	s10 =	sld [smem:$0x3FB1];
	_ =	sdelay $0x3  }
0x33: {  	p0 =	seq.s32 s10, $0x1;
	s10 =	sld [smem:$0x3FB3];
	_ =	sdelay $0x3  }
0x34: {  	[smem:$0x3FB3] =	sst s10  }
0x35: {  	s10 =	sld [smem:$0x3FB2];
	_ =	sdelay $0x3  }
0x36: {  	p1 =	seq.s32 s10, $0x1;
	s10 =	sld [smem:$0x3FB3];
	_ =	sdelay $0x3  }
0x37: {  	[smem:$0x3FB3] =	sst s10  }
0x38: {  	s10 =	sld [smem:$0x3FB4]  }
0x39: {  	_ = 	snop;
	(pc) =	sbr.ind lr, $3  }
0x3a: {  	_ = 	snop  }
0x3b: {  	_ = 	snop  }
0x3c: {  	p2 =	seq.s32 s10, $0x1;
	s10 =	sld [smem:$0x3FB3]  }
0x3d: {  	_ =	shalt  }
0x3e: {  	_ =	shalt  }
0x3f: {  	_ =	shalt  }
0x40: {  	_ =	shalt  }
0x41: {  	_ =	shalt  }
0x42: {  	_ =	shalt  }
0x43: {  	_ =	shalt  }
0x44: {  	_ =	shalt  }
0x45: {  	_ =	shalt  }
0x46: {  	_ =	shalt  }
0x47: {  	_ =	shalt  }
0x48: {  	_ =	shalt  }
0x49: {  	_ =	shalt  }
0x4a: {  	_ =	shalt  }
0x4b: {  	_ =	shalt  }
0x4c: {  	_ =	shalt  }
0x4d: {  	_ =	shalt  }
0x4e: {  	_ =	shalt  }
0x4f: {  	_ =	shalt  }
0x50: {  	_ =	shalt  }
0x51: {  	_ =	shalt  }
0x52: {  	_ =	shalt  }
0x53: {  	_ =	shalt  }
0x54: {  	_ =	shalt  }
0x55: {  	_ =	shalt  }
0x56: {  	_ =	shalt  }
0x57: {  	_ =	shalt  }
0x58: {  	_ =	shalt  }
0x59: {  	_ =	shalt  }
0x5a: {  	_ =	shalt  }
0x5b: {  	_ =	shalt  }
0x5c: {  	_ =	shalt  }
0x5d: {  	_ =	shalt  }
0x5e: {  	_ =	shalt  }
0x5f: {  	_ =	shalt  }
0x60: {  	_ =	shalt  }
0x61: {  	_ =	shalt  }
0x62: {  	_ =	shalt  }
0x63: {  	_ =	shalt  }
0x64: {  	_ =	shalt  }
0x65: {  	_ =	shalt  }
0x66: {  	_ =	shalt  }
0x67: {  	_ =	shalt  }
0x68: {  	_ =	shalt  }
0x69: {  	_ =	shalt  }
0x6a: {  	_ =	shalt  }
0x6b: {  	_ =	shalt  }
0x6c: {  	_ =	shalt  }
0x6d: {  	_ =	shalt  }
0x6e: {  	_ =	shalt  }
0x6f: {  	_ =	shalt  }
0x70: {  	_ =	shalt  }
0x71: {  	_ =	shalt  }
0x72: {  	_ =	shalt  }
0x73: {  	_ =	shalt  }
0x74: {  	_ =	shalt  }
0x75: {  	_ =	shalt  }
0x76: {  	_ =	shalt  }
0x77: {  	_ =	shalt  }
0x78: {  	_ =	shalt  }
0x79: {  	_ =	shalt  }
0x7a: {  	_ =	shalt  }
0x7b: {  	_ =	shalt  }
0x7c: {  	_ =	shalt  }
0x7d: {  	_ =	shalt  }
0x7e: {  	_ =	shalt  }
0x7f: {  	_ =	shalt  }
0x80: {  	_ =	shalt  }
0x81: {  	_ =	shalt  }
0x82: {  	_ =	shalt  }
0x83: {  	_ =	shalt  }
0x84: {  	_ =	shalt  }
0x85: {  	_ =	shalt  }
0x86: {  	_ =	shalt  }
0x87: {  	_ =	shalt  }
.Lfunc_end0:
.L_simem_size_0:
called_computation.1_lowered:
.L_overlay_start_0:
0x88: {  	s2 =	sld [smem:$0x3FD9]  }
0x89: {  	s3 =	sld [smem:$0x3FFE];
	_ =	sdelay $0x1  }
0x8a: {  	s1 =	srdreg.scid  }
0x8b: {  	s0 =	sand.u32 $0x1, s1  }
0x8c: {  	s14 =	sshll.u32 s0, $0xA;
	s2 =	sadd.s32 s3, s2  }
0x8d: {  	s2 =	sadd.s32 s2, s14  }
0x8e: {  	[smem:$0x3FBF] =	sst s2  }
0x8f: {  	_ = 	snop  }
0x90: {  	s2 =	sld [smem:$0x3FD0];
	_ =	sdelay $0x2  }
0x91: {  	s15 =	simm.s32 $0xB;
	s4 =	simm.s32 $0x10  }
0x92: {  	[smem:s4], [sflag:s15] =	dma.local [hbm:s2], $0x1  }
0x93: {  	_ =	swait.eq [sflag:s15], $0x1  }
0x94: {  	[sflag:s15] =	ssyncset.done $0x0  }
0x95: {  	[sflag:s15] =	ssyncadd.s32 $0xFFFFFFFF  }
0x96: {  	s16 =	sld [smem:$0x11];
	(tm) =	ssettm $0x1  }
0x97: {  	s17 =	sld [smem:$0x3FFB];
	_ =	sdelay $0x3  }
0x98: {  	_ =	strace s17  }
0x99: {  	s3 =	sld [smem:$0x3FFC];
	_ =	sdelay $0x3  }
0x9a: {  	_ =	strace s3  }
0x9b: {  	s3 =	sld [smem:$0x3FFD];
	_ =	sdelay $0x3  }
0x9c: {  	_ =	strace s3  }
0x9d: {  	_ =	strace $0x8FFFFFFF  }
0x9e: {  	s18 =	sld [smem:$0x3FDB];
	_ =	sdelay $0x1  }
0x9f: {  	s19 =	simm.s32 $_scs_section_size  }
0xa0: {  	s5 =	simm.s32 $_size__tile_overlayer_lowered;
	s6 =	simm.s32 $_tile_overlayer_lowered  }
0xa1: {  	s22 =	simm.s32 $0x1BFF;
	s21 =	sshll.u32 s6, $0x1;
	s3 =	sadd.s32 s19, s18  }
0xa2: {  	s7 =	simm.s32 $0x0;
	s20 =	sshll.u32 s5, $0x1;
	s5 =	sadd.s32 s21, s3  }
0xa3: {  	[timem:s7], [sflag:s22] =	dma.local [hbm:s5], s20  }
0xa4: {  	_ =	swait.ge [sflag:s22], s20  }
0xa5: {  	s4 =	ssub.s32 $0x0, s20;
	[sflag:s22] =	ssyncset.done $0x0  }
0xa6: {  	[sflag:s22] =	ssyncadd.s32 s4;
	_ =	sdelay $0x1  }
0xa7: {  	s23 =	simm.s32 $0x1B8B  }
0xa8: {  	_ =	swait.ge [sflag:s23], $0x1  }
0xa9: {  	[sflag:s23] =	ssyncset.done $0x0  }
0xaa: {  	s25 =	simm.s32 $0x1B8E;
	s24 =	sld [smem:$0x3FFE];
	[sflag:s23] =	ssyncadd.s32 $0xFFFFFFFF  }
0xab: {  	s26 =	simm.s32 $execute0_lowered;
	[smem:$0x3FD2] =	sst s25  }
0xac: {  	s5 =	sshll.u32 s26, $0x1;
	_ =	strace $0x80000046;
	[dreg:$0x1] =	wrdreg $0xFFFFFFFF  }
0xad: {  	s28 =	simm.s32 $_size_execute0_lowered;
	s3 =	sadd.s32 s3, s5;
	[dreg:$0x0] =	wrdreg $0x0  }
0xae: {  	s5 =	sshll.u32 s28, $0x1;
	[dreg:$0x2] =	wrdreg s3  }
0xaf: {  	[dreg:$0x3] =	wrdreg s5  }
0xb0: {  	[dreg:$0x4] =	wrdreg $0xC0  }
0xb1: {  	_ =	task [dreg:s7], $0x5FFFF  }
0xb2: {  	[dreg:$0x1] =	wrdreg $0xFFFFFFFF  }
0xb3: {  	[dreg:$0x0] =	wrdreg $0x60  }
0xb4: {  	[dreg:$0x2] =	wrdreg s24  }
0xb5: {  	[dreg:$0x3] =	wrdreg s16  }
0xb6: {  	[dreg:$0x4] =	wrdreg $0xA8000  }
0xb7: {  	[dreg:$0x5] =	wrdreg $0xA  }
0xb8: {  	_ =	task.clear_ibuf [dreg:s7], $0x6FFFF;
	_ =	strace $0x90000046  }
0xb9: {  	s29 =	simm.s32 $0xA;
	_ =	strace $0x80000048  }
0xba: {  	_ =	swait.ge [sflag:s29], $0x1  }
0xbb: {  	[sflag:s29] =	ssyncadd.s32 $0xFFFFFFFF  }
0xbc: {  	_ =	strace $0x90000048  }
0xbd: {  	_ =	sfence  }
0xbe: {  	s30 =	sld [smem:$0x0];
	_ =	sdelay $0x2  }
0xbf: {  	s31 =	sshll.u32 s1, $0xD;
	s1 =	sshrl.u32 s1, $0x2  }
0xc0: {  	s3 =	sand.u32 $0x4000, s31;
	s1 =	sadd.s32 s1, s30  }
0xc1: {  	s0 =	sor.u32 s3, s0;
	s1 =	sshll.u32 s1, $0x11  }
0xc2: {  	s0 =	sor.u32 s1, s0  }
0xc3: {  	s0 =	sadd.s32 $0x8F2B, s0  }
0xc4: {  	[sflag:s0] =	ssyncadd.remote.s32 $0x1  }
0xc5: {  	_ =	sfence.sel $0xFFFF  }
0xc6: {  	[dreg:$0x0] =	wrdreg $0xFFFFFFFF;
	(pc) =	sbr.abs _section_cstart, $3  }
0xc7: {  	[dreg:$0x1] =	wrdreg $0xFFFFFFFF  }
0xc8: {  	_ =	task.clear_ibuf [dreg:s7], $0x2FFFF;
	_ =	strace $0x9FFFFFFF  }
0xc9: {  	(tm) =	ssettm $0x7FFFFFFF  }
tec
execute0_lowered:
.L_overlay_start_1:
0x0: {  	(tag) =	ssettag $0x1  }
0x1: {  	s5 =	rddreg [dreg:$0x0]  }
0x2: {  	s6 =	rddreg [dreg:$0x1]  }
0x3: {  	s2 =	rddreg [dreg:$0x2]  }
0x4: {  	s0 =	srdreg.scid;
	s1 =	rddreg [dreg:$0x3]  }
0x5: {  	s3 =	simm.s32 $0x0;
	s16 =	simm.s32 $0x80;
	s17 =	simm.s32 $0x2800  }
0x6: {  	s18 =	simm.s32 $0x6800;
	s19 =	simm.s32 $0x1;
	s7 =	sand.u32 $0x1, s0  }
0x7: {  	s20 =	simm.s32 $0x2;
	s0 =	stileid.u32;
	s4 =	smul.u32 $0x28000, s7  }
0x8: {  	s21 =	simm.s32 $0x1380;
	s22 =	simm.s32 $0x2700;
	s8 =	smul.u32 $0x2800, s0  }
0x9: {  	s23 =	simm.s32 $0x2780;
	s24 =	simm.s32 $0x0;
	s9 =	smul.u32 $0xA000, s0  }
0xa: {  	[smem:$0x7FF] =	sst s3;
	s13 =	sadd.s32 $0x3800, s5;
	s11 =	smul.u32 $0xA0000, s7  }
0xb: {  	_ =	strace $0x80000047;
	s12 =	smul.u32 $0x28000, s0;
	s7 =	ssub.s32 $0x2, s7  }
0xc: {  	s28 =	sshll.u32 s0, $0x6;
	s29 =	smul.u32 $0x500, s0;
	s25 =	sshrl.u32 s7, $0x1  }
0xd: {  	s10 =	sadd.s32 s8, s4;
	s4 =	sadd.s32 $0x5D800, s5;
	s11 =	sadd.s32 s9, s11  }
0xe: {  	s12 =	sshrl.u32 s12, $0x2;
	s14 =	ssub.s32 s7, s25;
	s26 =	sshrl.u32 s9, $0x3  }
0xf: {  	s30 =	sshrl.u32 s8, $0x3;
	s8 =	sadd.s32 s13, s29;
	s10 =	sshrl.u32 s10, $0x3  }
0x10: {  	s11 =	sshrl.u32 s11, $0x3;
	s15 =	sadd.s32 s12, s2;
	s31 =	sadd.s32 s13, s30  }
0x11: {  	s12 =	smax.u32 s14, $0x1;
	s14 =	simm.s32 $0x3;
	s10 =	sadd.s32 s10, s5  }
0x12: {  	s11 =	sadd.s32 s11, s5;
	s5 =	sadd.s32 s6, s26;
	s6 =	sor.u32 $0x1C03, s28  }
0x13: {  	s13 =	sshrl.u32 s15, $0x3;
	s15 =	simm.s32 $0x1400;
	s7 =	sadd.s32 $0xAD800, s10  }
0x14: {  	s9 =	sadd.s32 $0xADA80, s10;
	s10 =	sadd.s32 $0x280, s31;
	s11 =	sadd.s32 $0xB7800, s11  }
.LBB2_1:
0x15: {  	[spmem:s13], [sflag:s6] =	dma.local [hbm:s5], $0x1400  }
0x16: {  	_ =	swait.ge [sflag:s14], $0x1400  }
0x17: {  	[sflag:s14] =	ssyncset.done $0x0  }
0x18: {  	[sflag:s14] =	ssyncadd.s32 $0xFFFFEC00  }
0x19: {  	[bflag:$0x0] =	sbarrier.arrive $0xFFFF  }
0x1a: {  	[tilespmem:s3], [sflag:$0x3] =	stream.linear.gather [hbm4b:s7+s3], $0x1400, $0x38;
	[tilespmem:$0x14800] =	vst v63  }
0x1b: {  	_ =	swait.ge [sflag:s14], $0x1400  }
0x1c: {  	[sflag:s14] =	ssyncset.done $0x0  }
0x1d: {  	[sflag:s14] =	ssyncadd.s32 $0xFFFFEC00  }
0x1e: {  	[tilespmem:s15], [sflag:$0x3] =	stream.linear.gather [hbm4b:s8+s3], $0x1400, $0x38;
	[tilespmem:$0x14800] =	vst v63  }
0x1f: {  	_ =	swait.ge [sflag:s14], $0x1400  }
0x20: {  	[sflag:s14] =	ssyncset.done $0x0  }
0x21: {  	[sflag:s14] =	ssyncadd.s32 $0xFFFFEC00  }
0x22: {  	[tilespmem:s17], [sflag:$0x1] =	stream.indirect.gather [hbm4b:s4+s16], $0x80, s3, s16, $0xb8;
	[tilespmem:$0x14800] =	vst v63  }
0x23: {  	s25 =	simm.s32 $0x80  }
0x24: {  	[tilespmem:s18], [sflag:$0x2] =	stream.indirect.gather [hbm4b:s4+s16], $0x80, s25, s16, $0xb8;
	[tilespmem:$0x14800] =	vst v63  }
0x25: {  	_ =	swait.ge [sflag:s19], $0x4000  }
0x26: {  	[sflag:s19] =	ssyncset.done $0x0  }
0x27: {  	s29 =	simm.s32 $0x1400;
	[sflag:s19] =	ssyncadd.s32 $0xFFFFC000  }
0x28: {  	[spmem:s2] =	stream.indirect.scatter.add.f32 [tilespmem:s17], [sflag:$0x3], $0x80, s29, s16, $0xb8;
	[tilespmem:$0x14800] =	vst v63  }
0x29: {  	_ =	swait.ge [sflag:s14], $0x4000  }
0x2a: {  	[sflag:s14] =	ssyncset.done $0x0  }
0x2b: {  	s30 =	simm.s32 $0x100;
	[sflag:s14] =	ssyncadd.s32 $0xFFFFC000  }
0x2c: {  	[tilespmem:s17], [sflag:$0x1] =	stream.indirect.gather [hbm4b:s4+s16], $0x80, s30, s16, $0xb8;
	[tilespmem:$0x14800] =	vst v63  }
0x2d: {  	_ =	swait.ge [sflag:s20], $0x4000  }
0x2e: {  	[sflag:s20] =	ssyncset.done $0x0  }
0x2f: {  	s31 =	simm.s32 $0x1480;
	[sflag:s20] =	ssyncadd.s32 $0xFFFFC000  }
0x30: {  	[spmem:s2] =	stream.indirect.scatter.add.f32 [tilespmem:s18], [sflag:$0x3], $0x80, s31, s16, $0xb8;
	[tilespmem:$0x14800] =	vst v63  }
0x31: {  	_ =	swait.ge [sflag:s14], $0x4000  }
0x32: {  	s26 =	simm.s32 $0x800;
	s25 =	simm.s32 $0x100;
	[sflag:s14] =	ssyncset.done $0x0  }
.LBB2_2:
0x33: {  	s28 =	sadd.s32 $0x80, s25  }
0x34: {  	[sflag:s14] =	ssyncadd.s32 $0xFFFFC000;
	s29 =	smov.u32 s26;
	s30 =	sadd.s32 $0x400, s26  }
0x35: {  	[tilespmem:s18], [sflag:$0x2] =	stream.indirect.gather [hbm4b:s4+s16], $0x80, s28, s16, $0xb8;
	[tilespmem:$0x14800] =	vst v63  }
0x36: {  	p0 =	sne.s32 s26, $0x4800;
	_ =	swait.ge [sflag:s19], $0x4000  }
0x37: {  	[sflag:s19] =	ssyncset.done $0x0  }
0x38: {  	s26 =	sadd.s32 $0x1400, s25;
	[sflag:s19] =	ssyncadd.s32 $0xFFFFC000  }
0x39: {  	[spmem:s2] =	stream.indirect.scatter.add.f32 [tilespmem:s17], [sflag:$0x3], $0x80, s26, s16, $0xb8;
	[tilespmem:$0x14800] =	vst v63  }
0x3a: {  	_ =	swait.ge [sflag:s14], $0x4000  }
0x3b: {  	[sflag:s14] =	ssyncset.done $0x0  }
0x3c: {  	s26 =	sadd.s32 $0x100, s25;
	[sflag:s14] =	ssyncadd.s32 $0xFFFFC000  }
0x3d: {  	[tilespmem:s17], [sflag:$0x1] =	stream.indirect.gather [hbm4b:s4+s16], $0x80, s26, s16, $0xb8;
	[tilespmem:$0x14800] =	vst v63  }
0x3e: {  	_ =	swait.ge [sflag:s20], $0x4000  }
.Ltmp0:
0x3f: {  	[sflag:s20] =	ssyncset.done $0x0;
	(pc) =	sbr.rel @p0 .LBB2_2-.Ltmp0, $4  }
0x40: {  	s25 =	sadd.s32 $0x1480, s25;
	[sflag:s20] =	ssyncadd.s32 $0xFFFFC000  }
0x41: {  	[spmem:s2] =	stream.indirect.scatter.add.f32 [tilespmem:s18], [sflag:$0x3], $0x80, s25, s16, $0xb8;
	[tilespmem:$0x14800] =	vst v63  }
0x42: {  	_ =	swait.ge [sflag:s14], $0x4000  }
0x43: {  	s26 =	smov.u32 s30;
	s25 =	sshra.s32 s29, $0x2;
	[sflag:s14] =	ssyncset.done $0x0  }
0x44: {  	s26 =	sadd.s32 $0x80, s25;
	[sflag:s14] =	ssyncadd.s32 $0xFFFFC000  }
0x45: {  	[tilespmem:s18], [sflag:$0x2] =	stream.indirect.gather [hbm4b:s4+s16], $0x80, s26, s16, $0xb8;
	[tilespmem:$0x14800] =	vst v63  }
0x46: {  	_ =	swait.ge [sflag:s19], $0x4000  }
0x47: {  	[sflag:s19] =	ssyncset.done $0x0  }
0x48: {  	s29 =	sadd.s32 $0x1400, s25;
	[sflag:s19] =	ssyncadd.s32 $0xFFFFC000  }
0x49: {  	[spmem:s2] =	stream.indirect.scatter.add.f32 [tilespmem:s17], [sflag:$0x3], $0x80, s29, s16, $0xb8;
	[tilespmem:$0x14800] =	vst v63  }
0x4a: {  	_ =	swait.ge [sflag:s14], $0x4000  }
0x4b: {  	[sflag:s14] =	ssyncset.done $0x0  }
0x4c: {  	s30 =	sadd.s32 $0x100, s25;
	[sflag:s14] =	ssyncadd.s32 $0xFFFFC000  }
0x4d: {  	[tilespmem:s17], [sflag:$0x1] =	stream.indirect.gather [hbm4b:s4+s16], $0x80, s30, s16, $0xb8;
	[tilespmem:$0x14800] =	vst v63  }
0x4e: {  	_ =	swait.ge [sflag:s20], $0x4000  }
0x4f: {  	[sflag:s20] =	ssyncset.done $0x0  }
0x50: {  	s31 =	sadd.s32 $0x1480, s25;
	[sflag:s20] =	ssyncadd.s32 $0xFFFFC000  }
0x51: {  	[spmem:s2] =	stream.indirect.scatter.add.f32 [tilespmem:s18], [sflag:$0x3], $0x80, s31, s16, $0xb8;
	[tilespmem:$0x14800] =	vst v63  }
0x52: {  	_ =	swait.ge [sflag:s14], $0x4000  }
0x53: {  	[sflag:s14] =	ssyncset.done $0x0  }
0x54: {  	[sflag:s14] =	ssyncadd.s32 $0xFFFFC000  }
0x55: {  	[tilespmem:s18], [sflag:$0x2] =	stream.indirect.gather [hbm4b:s4+s16], $0x80, s21, s16, $0xb8;
	[tilespmem:$0x14800] =	vst v63  }
0x56: {  	_ =	swait.ge [sflag:s19], $0x4000  }
0x57: {  	[sflag:s19] =	ssyncset.done $0x0  }
0x58: {  	[sflag:s19] =	ssyncadd.s32 $0xFFFFC000  }
0x59: {  	[spmem:s2] =	stream.indirect.scatter.add.f32 [tilespmem:s17], [sflag:$0x3], $0x80, s22, s16, $0xb8;
	[tilespmem:$0x14800] =	vst v63  }
0x5a: {  	_ =	swait.ge [sflag:s14], $0x4000  }
0x5b: {  	[sflag:s14] =	ssyncset.done $0x0  }
0x5c: {  	[sflag:s14] =	ssyncadd.s32 $0xFFFFC000  }
0x5d: {  	_ =	swait.ge [sflag:s20], $0x4000  }
0x5e: {  	[sflag:s20] =	ssyncset.done $0x0  }
0x5f: {  	[sflag:s20] =	ssyncadd.s32 $0xFFFFC000  }
0x60: {  	[spmem:s2] =	stream.indirect.scatter.add.f32 [tilespmem:s18], [sflag:$0x3], $0x80, s23, s16, $0xb8;
	[tilespmem:$0x14800] =	vst v63  }
0x61: {  	_ =	swait.ge [sflag:s14], $0x4000  }
0x62: {  	[sflag:s14] =	ssyncset.done $0x0  }
0x63: {  	s26 =	simm.s32 $0x0;
	[sflag:s14] =	ssyncadd.s32 $0xFFFFC000  }
0x64: {  	[tilespmem:s26], [sflag:$0x3] =	stream.linear.gather [hbm4b:s9+s26], $0x1400, $0x38;
	[tilespmem:$0x14800] =	vst v63  }
0x65: {  	_ =	swait.ge [sflag:s14], $0x1400  }
0x66: {  	[sflag:s14] =	ssyncset.done $0x0  }
0x67: {  	[sflag:s14] =	ssyncadd.s32 $0xFFFFEC00  }
0x68: {  	[tilespmem:s15], [sflag:$0x3] =	stream.linear.gather [hbm4b:s10+s26], $0x1400, $0x38;
	[tilespmem:$0x14800] =	vst v63  }
0x69: {  	_ =	swait.ge [sflag:s14], $0x1400  }
0x6a: {  	[sflag:s14] =	ssyncset.done $0x0  }
0x6b: {  	[sflag:s14] =	ssyncadd.s32 $0xFFFFEC00  }
0x6c: {  	[tilespmem:s17], [sflag:$0x1] =	stream.indirect.gather [hbm4b:s4+s16], $0x80, s26, s16, $0xb8;
	[tilespmem:$0x14800] =	vst v63  }
0x6d: {  	s28 =	simm.s32 $0x80  }
0x6e: {  	[tilespmem:s18], [sflag:$0x2] =	stream.indirect.gather [hbm4b:s4+s16], $0x80, s28, s16, $0xb8;
	[tilespmem:$0x14800] =	vst v63  }
0x6f: {  	_ =	swait.ge [sflag:s19], $0x4000  }
0x70: {  	[sflag:s19] =	ssyncset.done $0x0  }
0x71: {  	s29 =	simm.s32 $0x1400;
	[sflag:s19] =	ssyncadd.s32 $0xFFFFC000  }
0x72: {  	[spmem:s2] =	stream.indirect.scatter.add.f32 [tilespmem:s17], [sflag:$0x3], $0x80, s29, s16, $0xb8;
	[tilespmem:$0x14800] =	vst v63  }
0x73: {  	_ =	swait.ge [sflag:s14], $0x4000  }
0x74: {  	[sflag:s14] =	ssyncset.done $0x0  }
0x75: {  	s30 =	simm.s32 $0x100;
	[sflag:s14] =	ssyncadd.s32 $0xFFFFC000  }
0x76: {  	[tilespmem:s17], [sflag:$0x1] =	stream.indirect.gather [hbm4b:s4+s16], $0x80, s30, s16, $0xb8;
	[tilespmem:$0x14800] =	vst v63  }
0x77: {  	_ =	swait.ge [sflag:s20], $0x4000  }
0x78: {  	[sflag:s20] =	ssyncset.done $0x0  }
0x79: {  	s31 =	simm.s32 $0x1480;
	[sflag:s20] =	ssyncadd.s32 $0xFFFFC000  }
0x7a: {  	[spmem:s2] =	stream.indirect.scatter.add.f32 [tilespmem:s18], [sflag:$0x3], $0x80, s31, s16, $0xb8;
	[tilespmem:$0x14800] =	vst v63  }
0x7b: {  	_ =	swait.ge [sflag:s14], $0x4000  }
0x7c: {  	s25 =	simm.s32 $0x100;
	s26 =	simm.s32 $0x800;
	[sflag:s14] =	ssyncset.done $0x0  }
.LBB2_4:
0x7d: {  	s28 =	sadd.s32 $0x80, s25  }
0x7e: {  	[sflag:s14] =	ssyncadd.s32 $0xFFFFC000;
	s29 =	smov.u32 s26;
	s30 =	sadd.s32 $0x400, s26  }
0x7f: {  	[tilespmem:s18], [sflag:$0x2] =	stream.indirect.gather [hbm4b:s4+s16], $0x80, s28, s16, $0xb8;
	[tilespmem:$0x14800] =	vst v63  }
0x80: {  	p0 =	sne.s32 s26, $0x4800;
	_ =	swait.ge [sflag:s19], $0x4000  }
0x81: {  	[sflag:s19] =	ssyncset.done $0x0  }
0x82: {  	s26 =	sadd.s32 $0x1400, s25;
	[sflag:s19] =	ssyncadd.s32 $0xFFFFC000  }
0x83: {  	[spmem:s2] =	stream.indirect.scatter.add.f32 [tilespmem:s17], [sflag:$0x3], $0x80, s26, s16, $0xb8;
	[tilespmem:$0x14800] =	vst v63  }
0x84: {  	_ =	swait.ge [sflag:s14], $0x4000  }
0x85: {  	[sflag:s14] =	ssyncset.done $0x0  }
0x86: {  	s26 =	sadd.s32 $0x100, s25;
	[sflag:s14] =	ssyncadd.s32 $0xFFFFC000  }
0x87: {  	[tilespmem:s17], [sflag:$0x1] =	stream.indirect.gather [hbm4b:s4+s16], $0x80, s26, s16, $0xb8;
	[tilespmem:$0x14800] =	vst v63  }
0x88: {  	_ =	swait.ge [sflag:s20], $0x4000  }
.Ltmp1:
0x89: {  	[sflag:s20] =	ssyncset.done $0x0;
	(pc) =	sbr.rel @p0 .LBB2_4-.Ltmp1, $4  }
0x8a: {  	s25 =	sadd.s32 $0x1480, s25;
	[sflag:s20] =	ssyncadd.s32 $0xFFFFC000  }
0x8b: {  	[spmem:s2] =	stream.indirect.scatter.add.f32 [tilespmem:s18], [sflag:$0x3], $0x80, s25, s16, $0xb8;
	[tilespmem:$0x14800] =	vst v63  }
0x8c: {  	_ =	swait.ge [sflag:s14], $0x4000  }
0x8d: {  	s26 =	smov.u32 s30;
	s25 =	sshra.s32 s29, $0x2;
	[sflag:s14] =	ssyncset.done $0x0  }
0x8e: {  	s26 =	sadd.s32 $0x80, s25;
	[sflag:s14] =	ssyncadd.s32 $0xFFFFC000  }
0x8f: {  	[tilespmem:s18], [sflag:$0x2] =	stream.indirect.gather [hbm4b:s4+s16], $0x80, s26, s16, $0xb8;
	[tilespmem:$0x14800] =	vst v63  }
0x90: {  	_ =	swait.ge [sflag:s19], $0x4000  }
0x91: {  	[sflag:s19] =	ssyncset.done $0x0  }
0x92: {  	s29 =	sadd.s32 $0x1400, s25;
	[sflag:s19] =	ssyncadd.s32 $0xFFFFC000  }
0x93: {  	[spmem:s2] =	stream.indirect.scatter.add.f32 [tilespmem:s17], [sflag:$0x3], $0x80, s29, s16, $0xb8;
	[tilespmem:$0x14800] =	vst v63  }
0x94: {  	_ =	swait.ge [sflag:s14], $0x4000  }
0x95: {  	[sflag:s14] =	ssyncset.done $0x0  }
0x96: {  	s30 =	sadd.s32 $0x100, s25;
	[sflag:s14] =	ssyncadd.s32 $0xFFFFC000  }
0x97: {  	[tilespmem:s17], [sflag:$0x1] =	stream.indirect.gather [hbm4b:s4+s16], $0x80, s30, s16, $0xb8;
	[tilespmem:$0x14800] =	vst v63  }
0x98: {  	_ =	swait.ge [sflag:s20], $0x4000  }
0x99: {  	[sflag:s20] =	ssyncset.done $0x0  }
0x9a: {  	s31 =	sadd.s32 $0x1480, s25;
	[sflag:s20] =	ssyncadd.s32 $0xFFFFC000  }
0x9b: {  	[spmem:s2] =	stream.indirect.scatter.add.f32 [tilespmem:s18], [sflag:$0x3], $0x80, s31, s16, $0xb8;
	[tilespmem:$0x14800] =	vst v63  }
0x9c: {  	_ =	swait.ge [sflag:s14], $0x4000  }
0x9d: {  	[sflag:s14] =	ssyncset.done $0x0  }
0x9e: {  	[sflag:s14] =	ssyncadd.s32 $0xFFFFC000  }
0x9f: {  	[tilespmem:s18], [sflag:$0x2] =	stream.indirect.gather [hbm4b:s4+s16], $0x80, s21, s16, $0xb8;
	[tilespmem:$0x14800] =	vst v63  }
0xa0: {  	_ =	swait.ge [sflag:s19], $0x4000  }
0xa1: {  	[sflag:s19] =	ssyncset.done $0x0  }
0xa2: {  	[sflag:s19] =	ssyncadd.s32 $0xFFFFC000  }
0xa3: {  	[spmem:s2] =	stream.indirect.scatter.add.f32 [tilespmem:s17], [sflag:$0x3], $0x80, s22, s16, $0xb8;
	[tilespmem:$0x14800] =	vst v63  }
0xa4: {  	_ =	swait.ge [sflag:s14], $0x4000  }
0xa5: {  	[sflag:s14] =	ssyncset.done $0x0  }
0xa6: {  	[sflag:s14] =	ssyncadd.s32 $0xFFFFC000  }
0xa7: {  	_ =	swait.ge [sflag:s20], $0x4000  }
0xa8: {  	[sflag:s20] =	ssyncset.done $0x0  }
0xa9: {  	[sflag:s20] =	ssyncadd.s32 $0xFFFFC000  }
0xaa: {  	[spmem:s2] =	stream.indirect.scatter.add.f32 [tilespmem:s18], [sflag:$0x3], $0x80, s23, s16, $0xb8;
	[tilespmem:$0x14800] =	vst v63  }
0xab: {  	_ =	swait.ge [sflag:s14], $0x4000  }
0xac: {  	s24 =	sadd.s32 $0x1, s24;
	[sflag:s14] =	ssyncset.done $0x0  }
0xad: {  	p0 =	sne.s32 s24, s12;
	[sflag:s14] =	ssyncadd.s32 $0xFFFFC000  }
.Ltmp2:
0xae: {  	[bflag:$0x0] =	sbarrier.arrive $0xFFFF;
	(pc) =	sbr.rel @p0 .LBB2_1-.Ltmp2, $4  }
0xaf: {  	[hbm:s11], [sflag:s6] =	dma.local [spmem:s13], $0x1400  }
0xb0: {  	_ =	swait.ge [sflag:s14], $0x1400  }
0xb1: {  	[sflag:s14] =	ssyncset.done $0x0  }
0xb2: {  	[sflag:s14] =	ssyncadd.s32 $0xFFFFEC00  }
0xb3: {  	_ =	sfence.sel $0x180000  }
0xb4: {  	[bflag:$0x0] =	sbarrier.arrive $0xFFFF  }
0xb5: {  	p0 =	sne.s32 s0, $0x0;
	_ =	strace $0x90000047  }
0xb6: {  	s0 =	sadd.s32 @!p0 $0x100000, s1;
	[bflag:$0x2] =	sbarrier.arrive $0xFFFF  }
0xb7: {  	[sflag:s0] =	ssyncadd.tile.s32 @!p0 $0x1;
	_ =	shalt  }
.Lfunc_end2:
_tile_overlayer_lowered:
.L_overlay_start_2:
0xb8: {  	(tag) =	ssettag $0x2  }
0xb9: {  	s0 =	rddreg [dreg:$0x0];
	s2 =	stileid.u32  }
0xba: {  	s1 =	rddreg [dreg:$0x1];
	p0 =	sne.s32 s2, $0x0  }
0xbb: {  	s3 =	rddreg [dreg:$0x2];
	[bflag:$0x3] =	sbarrier.arrive $0xFFFF;
	s2 =	simm.s32 @!p0 $0x1C03  }
0xbc: {  	[timem:s3], [sflag:s2] =	dma.local @!p0 [hbm:s0], s1  }
0xbd: {  	s0 =	simm.s32 @!p0 $0x3  }
0xbe: {  	_ =	swait.ge @!p0 [sflag:s0], s1  }
0xbf: {  	s1 =	ssub.s32 @!p0 $0x0, s1;
	[sflag:s0] =	ssyncset.done @!p0 $0x0  }
0xc0: {  	[sflag:s0] =	ssyncadd.s32 @!p0 s1  }
0xc1: {  	[bflag:$0x3] =	sbarrier.arrive $0xFFFF  }
0xc2: {  	_ =	shalt  }

// kernel: kernel.18.cloned.1.call-start
scs
__scs_entry_jumppad:
0x0: {  	(pc) =	sbr.rel $0x88, $3  }
0x1: {  	(tag) =	ssettag $0x0;
	lr =	simm.s32 $0x1  }
0x2: {  	[smem:$0x3F98] =	sst lr;
	_ =	strace $0xD0000000  }
0x3: {  	_ = 	snop  }
0x4: {  	_ = 	snop  }
0x5: {  	_ = 	snop  }
0x6: {  	_ = 	snop  }
0x7: {  	_ = 	snop  }
__scs_overlays_trampoline_lowered:
0x8: {  	[smem:$0x3FA7] =	sst s0  }
0x9: {  	[smem:$0x3FA8] =	sst s1  }
0xa: {  	[smem:$0x3FA9] =	sst s2  }
0xb: {  	[smem:$0x3FAA] =	sst s3  }
0xc: {  	[smem:$0x3FAB] =	sst s4  }
0xd: {  	[smem:$0x3FAC] =	sst s5  }
0xe: {  	[smem:$0x3FAD] =	sst s6  }
0xf: {  	[smem:$0x3FAE] =	sst s7  }
0x10: {  	[smem:$0x3FAF] =	sst s8  }
0x11: {  	[smem:$0x3FB0] =	sst s9;
	s0 =	simm.s32 @!p0 $0x0  }
0x12: {  	s1 =	sld [smem:$0x3F96];
	s0 =	simm.s32 @p0 $0x1  }
0x13: {  	[smem:$0x3FB1] =	sst s0;
	s0 =	simm.s32 @!p1 $0x0  }
0x14: {  	s2 =	sld [smem:$0x3F95];
	s0 =	simm.s32 @p1 $0x1  }
0x15: {  	[smem:$0x3FB2] =	sst s0;
	s0 =	simm.s32 @!p2 $0x0  }
0x16: {  	s3 =	sld [smem:$0x3FDB];
	s0 =	simm.s32 @p2 $0x1  }
0x17: {  	s4 =	simm.s32 $0x1BF5;
	[smem:$0x3FB4] =	sst s0  }
0x18: {  	s0 =	sld [smem:$0x3F97];
	_ =	swait.ge [sflag:s4], $0x0  }
0x19: {  	s7 =	sld [smem:$0x3F98]  }
0x1a: {  	s8 =	sadd.s32 $0xFFFFE003, lr  }
0x1b: {  	s9 =	sadd.s32 $0xFFFFFEF7, lr;
	s5 =	simm.s32 $0xFFFFFFFF;
	p2 =	slt.u32 s8, $0xFFFFF086  }
0x1c: {  	p1 =	slt.u32 s9, $0xF7A;
	s5 =	simm.s32 @!p2 $0x0  }
0x1d: {  	s5 =	simm.s32 @p1 $0x1;
	p0 =	seq.s32 s7, s2  }
0x1e: {  	s7 =	smul.u32 @!p0 $0xF7A, s2;
	p2 =	seq.s32 @!p0 s5, $0x0  }
0x1f: {  	s9 =	smul.u32 $0xF7A, s1;
	s8 =	simm.s32 @!p0 $0x1BF5;
	p2 =	por !p2, p0  }
0x20: {  	[sflag:s8] =	ssyncset.s32 @!p0 $0xFFFFF086;
	s6 =	sadd.s32 @!p0 s3, s7;
	s7 =	simm.s32 @!p0 $0x108  }
0x21: {  	s3 =	sadd.s32 s3, s9;
	s6 =	sadd.s32 @!p0 $0x88, s6;
	s7 =	simm.s32 @p2 $0x1082  }
0x22: {  	[simem:s7], [sflag:s8] =	dma.local @!p0 [hbm:s6], $0xF7A  }
0x23: {  	s9 =	sor.u32 $0xD0000000, s2;
	s6 =	simm.s32 $0x108;
	_ =	swait.ge @!p0 [sflag:s8], $0x0  }
0x24: {  	s3 =	sadd.s32 $0x88, s3;
	s6 =	simm.s32 @!p1 $0x1082;
	[sflag:s4] =	ssyncset.s32 $0xFFFFF086  }
0x25: {  	[simem:s6], [sflag:s4] =	dma.local [hbm:s3], $0xF7A  }
0x26: {  	[smem:$0x3F98] =	sst s1;
	(tag) =	ssettag s2;
	_ =	strace s9  }
0x27: {  	s1 =	sld [smem:$0x3FA8]  }
0x28: {  	s2 =	sld [smem:$0x3FA9]  }
0x29: {  	s4 =	sld [smem:$0x3FAB]  }
0x2a: {  	p0 =	seq.s32 s5, $0x0;
	s5 =	sld [smem:$0x3FAC]  }
0x2b: {  	s6 =	sld [smem:$0x3FAD]  }
0x2c: {  	s7 =	sld [smem:$0x3FAE]  }
0x2d: {  	s3 =	simm.s32 $0x108;
	s8 =	sld [smem:$0x3FAF]  }
0x2e: {  	s3 =	simm.s32 @!p0 $0x1082;
	s9 =	sld [smem:$0x3FB0]  }
0x2f: {  	lr =	sadd.s32 s0, s3;
	s0 =	sld [smem:$0x3FA7]  }
0x30: {  	s3 =	sld [smem:$0x3FAA]  }
0x31: {  	[smem:$0x3FB3] =	sst s10  }
0x32: {  	s10 =	sld [smem:$0x3FB1];
	_ =	sdelay $0x3  }
0x33: {  	p0 =	seq.s32 s10, $0x1;
	s10 =	sld [smem:$0x3FB3];
	_ =	sdelay $0x3  }
0x34: {  	[smem:$0x3FB3] =	sst s10  }
0x35: {  	s10 =	sld [smem:$0x3FB2];
	_ =	sdelay $0x3  }
0x36: {  	p1 =	seq.s32 s10, $0x1;
	s10 =	sld [smem:$0x3FB3];
	_ =	sdelay $0x3  }
0x37: {  	[smem:$0x3FB3] =	sst s10  }
0x38: {  	s10 =	sld [smem:$0x3FB4]  }
0x39: {  	_ = 	snop;
	(pc) =	sbr.ind lr, $3  }
0x3a: {  	_ = 	snop  }
0x3b: {  	_ = 	snop  }
0x3c: {  	p2 =	seq.s32 s10, $0x1;
	s10 =	sld [smem:$0x3FB3]  }
0x3d: {  	_ =	shalt  }
0x3e: {  	_ =	shalt  }
0x3f: {  	_ =	shalt  }
0x40: {  	_ =	shalt  }
0x41: {  	_ =	shalt  }
0x42: {  	_ =	shalt  }
0x43: {  	_ =	shalt  }
0x44: {  	_ =	shalt  }
0x45: {  	_ =	shalt  }
0x46: {  	_ =	shalt  }
0x47: {  	_ =	shalt  }
0x48: {  	_ =	shalt  }
0x49: {  	_ =	shalt  }
0x4a: {  	_ =	shalt  }
0x4b: {  	_ =	shalt  }
0x4c: {  	_ =	shalt  }
0x4d: {  	_ =	shalt  }
0x4e: {  	_ =	shalt  }
0x4f: {  	_ =	shalt  }
0x50: {  	_ =	shalt  }
0x51: {  	_ =	shalt  }
0x52: {  	_ =	shalt  }
0x53: {  	_ =	shalt  }
0x54: {  	_ =	shalt  }
0x55: {  	_ =	shalt  }
0x56: {  	_ =	shalt  }
0x57: {  	_ =	shalt  }
0x58: {  	_ =	shalt  }
0x59: {  	_ =	shalt  }
0x5a: {  	_ =	shalt  }
0x5b: {  	_ =	shalt  }
0x5c: {  	_ =	shalt  }
0x5d: {  	_ =	shalt  }
0x5e: {  	_ =	shalt  }
0x5f: {  	_ =	shalt  }
0x60: {  	_ =	shalt  }
0x61: {  	_ =	shalt  }
0x62: {  	_ =	shalt  }
0x63: {  	_ =	shalt  }
0x64: {  	_ =	shalt  }
0x65: {  	_ =	shalt  }
0x66: {  	_ =	shalt  }
0x67: {  	_ =	shalt  }
0x68: {  	_ =	shalt  }
0x69: {  	_ =	shalt  }
0x6a: {  	_ =	shalt  }
0x6b: {  	_ =	shalt  }
0x6c: {  	_ =	shalt  }
0x6d: {  	_ =	shalt  }
0x6e: {  	_ =	shalt  }
0x6f: {  	_ =	shalt  }
0x70: {  	_ =	shalt  }
0x71: {  	_ =	shalt  }
0x72: {  	_ =	shalt  }
0x73: {  	_ =	shalt  }
0x74: {  	_ =	shalt  }
0x75: {  	_ =	shalt  }
0x76: {  	_ =	shalt  }
0x77: {  	_ =	shalt  }
0x78: {  	_ =	shalt  }
0x79: {  	_ =	shalt  }
0x7a: {  	_ =	shalt  }
0x7b: {  	_ =	shalt  }
0x7c: {  	_ =	shalt  }
0x7d: {  	_ =	shalt  }
0x7e: {  	_ =	shalt  }
0x7f: {  	_ =	shalt  }
0x80: {  	_ =	shalt  }
0x81: {  	_ =	shalt  }
0x82: {  	_ =	shalt  }
0x83: {  	_ =	shalt  }
0x84: {  	_ =	shalt  }
0x85: {  	_ =	shalt  }
0x86: {  	_ =	shalt  }
0x87: {  	_ =	shalt  }
.Lfunc_end0:
.L_simem_size_0:
called_computation.2_lowered:
.L_overlay_start_0:
0x88: {  	s2 =	sld [smem:$0x3FD9]  }
0x89: {  	s3 =	sld [smem:$0x3FFE];
	_ =	sdelay $0x1  }
0x8a: {  	s1 =	srdreg.scid  }
0x8b: {  	s0 =	sand.u32 $0x1, s1  }
0x8c: {  	s14 =	sshll.u32 s0, $0xA;
	s2 =	sadd.s32 s3, s2  }
0x8d: {  	s2 =	sadd.s32 s2, s14  }
0x8e: {  	[smem:$0x3FBF] =	sst s2  }
0x8f: {  	_ = 	snop  }
0x90: {  	s2 =	sld [smem:$0x3FD0];
	_ =	sdelay $0x2  }
0x91: {  	s15 =	simm.s32 $0xB;
	s4 =	simm.s32 $0x10  }
0x92: {  	[smem:s4], [sflag:s15] =	dma.local [hbm:s2], $0x1  }
0x93: {  	_ =	swait.eq [sflag:s15], $0x1  }
0x94: {  	[sflag:s15] =	ssyncset.done $0x0  }
0x95: {  	[sflag:s15] =	ssyncadd.s32 $0xFFFFFFFF  }
0x96: {  	s16 =	sld [smem:$0x10];
	(tm) =	ssettm $0x1  }
0x97: {  	s17 =	sld [smem:$0x3FFB];
	_ =	sdelay $0x3  }
0x98: {  	_ =	strace s17  }
0x99: {  	s3 =	sld [smem:$0x3FFC];
	_ =	sdelay $0x3  }
0x9a: {  	_ =	strace s3  }
0x9b: {  	s3 =	sld [smem:$0x3FFD];
	_ =	sdelay $0x3  }
0x9c: {  	_ =	strace s3  }
0x9d: {  	_ =	strace $0x8FFFFFFF  }
0x9e: {  	s18 =	sld [smem:$0x3FDB];
	_ =	sdelay $0x1  }
0x9f: {  	s19 =	simm.s32 $_scs_section_size  }
0xa0: {  	s5 =	simm.s32 $_size__tile_overlayer_lowered;
	s6 =	simm.s32 $_tile_overlayer_lowered  }
0xa1: {  	s22 =	simm.s32 $0x1BFF;
	s21 =	sshll.u32 s6, $0x1;
	s3 =	sadd.s32 s19, s18  }
0xa2: {  	s7 =	simm.s32 $0x0;
	s20 =	sshll.u32 s5, $0x1;
	s5 =	sadd.s32 s21, s3  }
0xa3: {  	[timem:s7], [sflag:s22] =	dma.local [hbm:s5], s20  }
0xa4: {  	_ =	swait.ge [sflag:s22], s20  }
0xa5: {  	s4 =	ssub.s32 $0x0, s20;
	[sflag:s22] =	ssyncset.done $0x0  }
0xa6: {  	[sflag:s22] =	ssyncadd.s32 s4;
	_ =	sdelay $0x1  }
0xa7: {  	s23 =	simm.s32 $0x1B8B  }
0xa8: {  	_ =	swait.ge [sflag:s23], $0x1  }
0xa9: {  	[sflag:s23] =	ssyncset.done $0x0  }
0xaa: {  	s25 =	simm.s32 $0x1B8E;
	s24 =	sld [smem:$0x3FFE];
	[sflag:s23] =	ssyncadd.s32 $0xFFFFFFFF  }
0xab: {  	s26 =	simm.s32 $execute0_lowered;
	[smem:$0x3FD2] =	sst s25  }
0xac: {  	s5 =	sshll.u32 s26, $0x1;
	_ =	strace $0x8000004C;
	[dreg:$0x1] =	wrdreg $0xFFFFFFFF  }
0xad: {  	s28 =	simm.s32 $_size_execute0_lowered;
	s3 =	sadd.s32 s3, s5;
	[dreg:$0x0] =	wrdreg $0x0  }
0xae: {  	s5 =	sshll.u32 s28, $0x1;
	[dreg:$0x2] =	wrdreg s3  }
0xaf: {  	[dreg:$0x3] =	wrdreg s5  }
0xb0: {  	[dreg:$0x4] =	wrdreg $0xC0  }
0xb1: {  	_ =	task [dreg:s7], $0x5FFFF  }
0xb2: {  	[dreg:$0x1] =	wrdreg $0xFFFFFFFF  }
0xb3: {  	[dreg:$0x0] =	wrdreg $0x60  }
0xb4: {  	[dreg:$0x2] =	wrdreg s24  }
0xb5: {  	[dreg:$0x3] =	wrdreg s16  }
0xb6: {  	[dreg:$0x4] =	wrdreg $0xA8000  }
0xb7: {  	[dreg:$0x5] =	wrdreg $0x9  }
0xb8: {  	_ =	task.clear_ibuf [dreg:s7], $0x6FFFF;
	_ =	strace $0x9000004C  }
0xb9: {  	s29 =	simm.s32 $0x9;
	_ =	strace $0x8000004E  }
0xba: {  	_ =	swait.ge [sflag:s29], $0x1  }
0xbb: {  	[sflag:s29] =	ssyncadd.s32 $0xFFFFFFFF  }
0xbc: {  	_ =	strace $0x9000004E  }
0xbd: {  	_ =	sfence  }
0xbe: {  	s30 =	sld [smem:$0x0];
	_ =	sdelay $0x2  }
0xbf: {  	s31 =	sshll.u32 s1, $0xD;
	s1 =	sshrl.u32 s1, $0x2  }
0xc0: {  	s3 =	sand.u32 $0x4000, s31;
	s1 =	sadd.s32 s1, s30  }
0xc1: {  	s0 =	sor.u32 s3, s0;
	s1 =	sshll.u32 s1, $0x11  }
0xc2: {  	s0 =	sor.u32 s1, s0  }
0xc3: {  	s0 =	sadd.s32 $0x8F2B, s0  }
0xc4: {  	[sflag:s0] =	ssyncadd.remote.s32 $0x1  }
0xc5: {  	_ =	sfence.sel $0xFFFF  }
0xc6: {  	[dreg:$0x0] =	wrdreg $0xFFFFFFFF;
	(pc) =	sbr.abs _section_cstart, $3  }
0xc7: {  	[dreg:$0x1] =	wrdreg $0xFFFFFFFF  }
0xc8: {  	_ =	task.clear_ibuf [dreg:s7], $0x2FFFF;
	_ =	strace $0x9FFFFFFF  }
0xc9: {  	(tm) =	ssettm $0x7FFFFFFF  }
tec
execute0_lowered:
.L_overlay_start_1:
0x0: {  	(tag) =	ssettag $0x1  }
0x1: {  	s5 =	rddreg [dreg:$0x0]  }
0x2: {  	s6 =	rddreg [dreg:$0x1]  }
0x3: {  	s2 =	rddreg [dreg:$0x2]  }
0x4: {  	s0 =	srdreg.scid;
	s1 =	rddreg [dreg:$0x3]  }
0x5: {  	s3 =	simm.s32 $0x0;
	s16 =	simm.s32 $0x80;
	s17 =	simm.s32 $0x2800  }
0x6: {  	s18 =	simm.s32 $0x6800;
	s19 =	simm.s32 $0x1;
	s7 =	sand.u32 $0x1, s0  }
0x7: {  	s20 =	simm.s32 $0x2;
	s0 =	stileid.u32;
	s4 =	smul.u32 $0x28000, s7  }
0x8: {  	s21 =	simm.s32 $0x1380;
	s22 =	simm.s32 $0x2700;
	s8 =	smul.u32 $0x2800, s0  }
0x9: {  	s23 =	simm.s32 $0x2780;
	s24 =	simm.s32 $0x0;
	s9 =	smul.u32 $0x14000, s0  }
0xa: {  	[smem:$0x7FF] =	sst s3;
	s13 =	sadd.s32 $0x8800, s5;
	s11 =	smul.u32 $0x140000, s7  }
0xb: {  	_ =	strace $0x8000004D;
	s12 =	smul.u32 $0x50000, s0;
	s7 =	ssub.s32 $0x2, s7  }
0xc: {  	s28 =	sshll.u32 s0, $0x6;
	s29 =	smul.u32 $0x500, s0;
	s25 =	sshrl.u32 s7, $0x1  }
0xd: {  	s10 =	sadd.s32 s8, s4;
	s4 =	sadd.s32 $0xB7800, s5;
	s11 =	sadd.s32 s9, s11  }
0xe: {  	s12 =	sshrl.u32 s12, $0x2;
	s14 =	ssub.s32 s7, s25;
	s26 =	sshrl.u32 s9, $0x3  }
0xf: {  	s30 =	sshrl.u32 s8, $0x3;
	s8 =	sadd.s32 s13, s29;
	s10 =	sshrl.u32 s10, $0x3  }
0x10: {  	s11 =	sshrl.u32 s11, $0x3;
	s15 =	sadd.s32 s12, s2;
	s31 =	sadd.s32 s13, s30  }
0x11: {  	s12 =	smax.u32 s14, $0x1;
	s14 =	simm.s32 $0x3;
	s10 =	sadd.s32 s10, s5  }
0x12: {  	s11 =	sadd.s32 s11, s5;
	s5 =	sadd.s32 s6, s26;
	s6 =	sor.u32 $0x1C03, s28  }
0x13: {  	s13 =	sshrl.u32 s15, $0x3;
	s15 =	simm.s32 $0x1400;
	s7 =	sadd.s32 $0x13A000, s10  }
0x14: {  	s9 =	sadd.s32 $0x13A280, s10;
	s10 =	sadd.s32 $0x280, s31;
	s11 =	sadd.s32 $0x5D800, s11  }
.LBB2_1:
0x15: {  	[spmem:s13], [sflag:s6] =	dma.local [hbm:s5], $0x2800  }
0x16: {  	_ =	swait.ge [sflag:s14], $0x2800  }
0x17: {  	[sflag:s14] =	ssyncset.done $0x0  }
0x18: {  	[sflag:s14] =	ssyncadd.s32 $0xFFFFD800  }
0x19: {  	[bflag:$0x0] =	sbarrier.arrive $0xFFFF  }
0x1a: {  	[tilespmem:s3], [sflag:$0x3] =	stream.linear.gather [hbm4b:s7+s3], $0x1400, $0x38;
	[tilespmem:$0x1E800] =	vst v63  }
0x1b: {  	_ =	swait.ge [sflag:s14], $0x1400  }
0x1c: {  	[sflag:s14] =	ssyncset.done $0x0  }
0x1d: {  	[sflag:s14] =	ssyncadd.s32 $0xFFFFEC00  }
0x1e: {  	[tilespmem:s15], [sflag:$0x3] =	stream.linear.gather [hbm4b:s8+s3], $0x1400, $0x38;
	[tilespmem:$0x1E800] =	vst v63  }
0x1f: {  	_ =	swait.ge [sflag:s14], $0x1400  }
0x20: {  	[sflag:s14] =	ssyncset.done $0x0  }
0x21: {  	[sflag:s14] =	ssyncadd.s32 $0xFFFFEC00  }
0x22: {  	[tilespmem:s17], [sflag:$0x1] =	stream.indirect.gather [hbm4b:s4+s16], $0x80, s3, s16, $0xb8;
	[tilespmem:$0x1E800] =	vst v63  }
0x23: {  	s25 =	simm.s32 $0x80  }
0x24: {  	[tilespmem:s18], [sflag:$0x2] =	stream.indirect.gather [hbm4b:s4+s16], $0x80, s25, s16, $0xb8;
	[tilespmem:$0x1E800] =	vst v63  }
0x25: {  	_ =	swait.ge [sflag:s19], $0x4000  }
0x26: {  	[sflag:s19] =	ssyncset.done $0x0  }
0x27: {  	s29 =	simm.s32 $0x1400;
	[sflag:s19] =	ssyncadd.s32 $0xFFFFC000  }
0x28: {  	[spmem:s2] =	stream.indirect.scatter.add.f32 [tilespmem:s17], [sflag:$0x3], $0x80, s29, s16, $0xb8;
	[tilespmem:$0x1E800] =	vst v63  }
0x29: {  	_ =	swait.ge [sflag:s14], $0x4000  }
0x2a: {  	[sflag:s14] =	ssyncset.done $0x0  }
0x2b: {  	s30 =	simm.s32 $0x100;
	[sflag:s14] =	ssyncadd.s32 $0xFFFFC000  }
0x2c: {  	[tilespmem:s17], [sflag:$0x1] =	stream.indirect.gather [hbm4b:s4+s16], $0x80, s30, s16, $0xb8;
	[tilespmem:$0x1E800] =	vst v63  }
0x2d: {  	_ =	swait.ge [sflag:s20], $0x4000  }
0x2e: {  	[sflag:s20] =	ssyncset.done $0x0  }
0x2f: {  	s31 =	simm.s32 $0x1480;
	[sflag:s20] =	ssyncadd.s32 $0xFFFFC000  }
0x30: {  	[spmem:s2] =	stream.indirect.scatter.add.f32 [tilespmem:s18], [sflag:$0x3], $0x80, s31, s16, $0xb8;
	[tilespmem:$0x1E800] =	vst v63  }
0x31: {  	_ =	swait.ge [sflag:s14], $0x4000  }
0x32: {  	s26 =	simm.s32 $0x800;
	s25 =	simm.s32 $0x100;
	[sflag:s14] =	ssyncset.done $0x0  }
.LBB2_2:
0x33: {  	s28 =	sadd.s32 $0x80, s25  }
0x34: {  	[sflag:s14] =	ssyncadd.s32 $0xFFFFC000;
	s29 =	smov.u32 s26;
	s30 =	sadd.s32 $0x400, s26  }
0x35: {  	[tilespmem:s18], [sflag:$0x2] =	stream.indirect.gather [hbm4b:s4+s16], $0x80, s28, s16, $0xb8;
	[tilespmem:$0x1E800] =	vst v63  }
0x36: {  	p0 =	sne.s32 s26, $0x4800;
	_ =	swait.ge [sflag:s19], $0x4000  }
0x37: {  	[sflag:s19] =	ssyncset.done $0x0  }
0x38: {  	s26 =	sadd.s32 $0x1400, s25;
	[sflag:s19] =	ssyncadd.s32 $0xFFFFC000  }
0x39: {  	[spmem:s2] =	stream.indirect.scatter.add.f32 [tilespmem:s17], [sflag:$0x3], $0x80, s26, s16, $0xb8;
	[tilespmem:$0x1E800] =	vst v63  }
0x3a: {  	_ =	swait.ge [sflag:s14], $0x4000  }
0x3b: {  	[sflag:s14] =	ssyncset.done $0x0  }
0x3c: {  	s26 =	sadd.s32 $0x100, s25;
	[sflag:s14] =	ssyncadd.s32 $0xFFFFC000  }
0x3d: {  	[tilespmem:s17], [sflag:$0x1] =	stream.indirect.gather [hbm4b:s4+s16], $0x80, s26, s16, $0xb8;
	[tilespmem:$0x1E800] =	vst v63  }
0x3e: {  	_ =	swait.ge [sflag:s20], $0x4000  }
.Ltmp0:
0x3f: {  	[sflag:s20] =	ssyncset.done $0x0;
	(pc) =	sbr.rel @p0 .LBB2_2-.Ltmp0, $4  }
0x40: {  	s25 =	sadd.s32 $0x1480, s25;
	[sflag:s20] =	ssyncadd.s32 $0xFFFFC000  }
0x41: {  	[spmem:s2] =	stream.indirect.scatter.add.f32 [tilespmem:s18], [sflag:$0x3], $0x80, s25, s16, $0xb8;
	[tilespmem:$0x1E800] =	vst v63  }
0x42: {  	_ =	swait.ge [sflag:s14], $0x4000  }
0x43: {  	s26 =	smov.u32 s30;
	s25 =	sshra.s32 s29, $0x2;
	[sflag:s14] =	ssyncset.done $0x0  }
0x44: {  	s26 =	sadd.s32 $0x80, s25;
	[sflag:s14] =	ssyncadd.s32 $0xFFFFC000  }
0x45: {  	[tilespmem:s18], [sflag:$0x2] =	stream.indirect.gather [hbm4b:s4+s16], $0x80, s26, s16, $0xb8;
	[tilespmem:$0x1E800] =	vst v63  }
0x46: {  	_ =	swait.ge [sflag:s19], $0x4000  }
0x47: {  	[sflag:s19] =	ssyncset.done $0x0  }
0x48: {  	s29 =	sadd.s32 $0x1400, s25;
	[sflag:s19] =	ssyncadd.s32 $0xFFFFC000  }
0x49: {  	[spmem:s2] =	stream.indirect.scatter.add.f32 [tilespmem:s17], [sflag:$0x3], $0x80, s29, s16, $0xb8;
	[tilespmem:$0x1E800] =	vst v63  }
0x4a: {  	_ =	swait.ge [sflag:s14], $0x4000  }
0x4b: {  	[sflag:s14] =	ssyncset.done $0x0  }
0x4c: {  	s30 =	sadd.s32 $0x100, s25;
	[sflag:s14] =	ssyncadd.s32 $0xFFFFC000  }
0x4d: {  	[tilespmem:s17], [sflag:$0x1] =	stream.indirect.gather [hbm4b:s4+s16], $0x80, s30, s16, $0xb8;
	[tilespmem:$0x1E800] =	vst v63  }
0x4e: {  	_ =	swait.ge [sflag:s20], $0x4000  }
0x4f: {  	[sflag:s20] =	ssyncset.done $0x0  }
0x50: {  	s31 =	sadd.s32 $0x1480, s25;
	[sflag:s20] =	ssyncadd.s32 $0xFFFFC000  }
0x51: {  	[spmem:s2] =	stream.indirect.scatter.add.f32 [tilespmem:s18], [sflag:$0x3], $0x80, s31, s16, $0xb8;
	[tilespmem:$0x1E800] =	vst v63  }
0x52: {  	_ =	swait.ge [sflag:s14], $0x4000  }
0x53: {  	[sflag:s14] =	ssyncset.done $0x0  }
0x54: {  	[sflag:s14] =	ssyncadd.s32 $0xFFFFC000  }
0x55: {  	[tilespmem:s18], [sflag:$0x2] =	stream.indirect.gather [hbm4b:s4+s16], $0x80, s21, s16, $0xb8;
	[tilespmem:$0x1E800] =	vst v63  }
0x56: {  	_ =	swait.ge [sflag:s19], $0x4000  }
0x57: {  	[sflag:s19] =	ssyncset.done $0x0  }
0x58: {  	[sflag:s19] =	ssyncadd.s32 $0xFFFFC000  }
0x59: {  	[spmem:s2] =	stream.indirect.scatter.add.f32 [tilespmem:s17], [sflag:$0x3], $0x80, s22, s16, $0xb8;
	[tilespmem:$0x1E800] =	vst v63  }
0x5a: {  	_ =	swait.ge [sflag:s14], $0x4000  }
0x5b: {  	[sflag:s14] =	ssyncset.done $0x0  }
0x5c: {  	[sflag:s14] =	ssyncadd.s32 $0xFFFFC000  }
0x5d: {  	_ =	swait.ge [sflag:s20], $0x4000  }
0x5e: {  	[sflag:s20] =	ssyncset.done $0x0  }
0x5f: {  	[sflag:s20] =	ssyncadd.s32 $0xFFFFC000  }
0x60: {  	[spmem:s2] =	stream.indirect.scatter.add.f32 [tilespmem:s18], [sflag:$0x3], $0x80, s23, s16, $0xb8;
	[tilespmem:$0x1E800] =	vst v63  }
0x61: {  	_ =	swait.ge [sflag:s14], $0x4000  }
0x62: {  	[sflag:s14] =	ssyncset.done $0x0  }
0x63: {  	s26 =	simm.s32 $0x0;
	[sflag:s14] =	ssyncadd.s32 $0xFFFFC000  }
0x64: {  	[tilespmem:s26], [sflag:$0x3] =	stream.linear.gather [hbm4b:s9+s26], $0x1400, $0x38;
	[tilespmem:$0x1E800] =	vst v63  }
0x65: {  	_ =	swait.ge [sflag:s14], $0x1400  }
0x66: {  	[sflag:s14] =	ssyncset.done $0x0  }
0x67: {  	[sflag:s14] =	ssyncadd.s32 $0xFFFFEC00  }
0x68: {  	[tilespmem:s15], [sflag:$0x3] =	stream.linear.gather [hbm4b:s10+s26], $0x1400, $0x38;
	[tilespmem:$0x1E800] =	vst v63  }
0x69: {  	_ =	swait.ge [sflag:s14], $0x1400  }
0x6a: {  	[sflag:s14] =	ssyncset.done $0x0  }
0x6b: {  	[sflag:s14] =	ssyncadd.s32 $0xFFFFEC00  }
0x6c: {  	[tilespmem:s17], [sflag:$0x1] =	stream.indirect.gather [hbm4b:s4+s16], $0x80, s26, s16, $0xb8;
	[tilespmem:$0x1E800] =	vst v63  }
0x6d: {  	s28 =	simm.s32 $0x80  }
0x6e: {  	[tilespmem:s18], [sflag:$0x2] =	stream.indirect.gather [hbm4b:s4+s16], $0x80, s28, s16, $0xb8;
	[tilespmem:$0x1E800] =	vst v63  }
0x6f: {  	_ =	swait.ge [sflag:s19], $0x4000  }
0x70: {  	[sflag:s19] =	ssyncset.done $0x0  }
0x71: {  	s29 =	simm.s32 $0x1400;
	[sflag:s19] =	ssyncadd.s32 $0xFFFFC000  }
0x72: {  	[spmem:s2] =	stream.indirect.scatter.add.f32 [tilespmem:s17], [sflag:$0x3], $0x80, s29, s16, $0xb8;
	[tilespmem:$0x1E800] =	vst v63  }
0x73: {  	_ =	swait.ge [sflag:s14], $0x4000  }
0x74: {  	[sflag:s14] =	ssyncset.done $0x0  }
0x75: {  	s30 =	simm.s32 $0x100;
	[sflag:s14] =	ssyncadd.s32 $0xFFFFC000  }
0x76: {  	[tilespmem:s17], [sflag:$0x1] =	stream.indirect.gather [hbm4b:s4+s16], $0x80, s30, s16, $0xb8;
	[tilespmem:$0x1E800] =	vst v63  }
0x77: {  	_ =	swait.ge [sflag:s20], $0x4000  }
0x78: {  	[sflag:s20] =	ssyncset.done $0x0  }
0x79: {  	s31 =	simm.s32 $0x1480;
	[sflag:s20] =	ssyncadd.s32 $0xFFFFC000  }
0x7a: {  	[spmem:s2] =	stream.indirect.scatter.add.f32 [tilespmem:s18], [sflag:$0x3], $0x80, s31, s16, $0xb8;
	[tilespmem:$0x1E800] =	vst v63  }
0x7b: {  	_ =	swait.ge [sflag:s14], $0x4000  }
0x7c: {  	s25 =	simm.s32 $0x100;
	s26 =	simm.s32 $0x800;
	[sflag:s14] =	ssyncset.done $0x0  }
.LBB2_4:
0x7d: {  	s28 =	sadd.s32 $0x80, s25  }
0x7e: {  	[sflag:s14] =	ssyncadd.s32 $0xFFFFC000;
	s29 =	smov.u32 s26;
	s30 =	sadd.s32 $0x400, s26  }
0x7f: {  	[tilespmem:s18], [sflag:$0x2] =	stream.indirect.gather [hbm4b:s4+s16], $0x80, s28, s16, $0xb8;
	[tilespmem:$0x1E800] =	vst v63  }
0x80: {  	p0 =	sne.s32 s26, $0x4800;
	_ =	swait.ge [sflag:s19], $0x4000  }
0x81: {  	[sflag:s19] =	ssyncset.done $0x0  }
0x82: {  	s26 =	sadd.s32 $0x1400, s25;
	[sflag:s19] =	ssyncadd.s32 $0xFFFFC000  }
0x83: {  	[spmem:s2] =	stream.indirect.scatter.add.f32 [tilespmem:s17], [sflag:$0x3], $0x80, s26, s16, $0xb8;
	[tilespmem:$0x1E800] =	vst v63  }
0x84: {  	_ =	swait.ge [sflag:s14], $0x4000  }
0x85: {  	[sflag:s14] =	ssyncset.done $0x0  }
0x86: {  	s26 =	sadd.s32 $0x100, s25;
	[sflag:s14] =	ssyncadd.s32 $0xFFFFC000  }
0x87: {  	[tilespmem:s17], [sflag:$0x1] =	stream.indirect.gather [hbm4b:s4+s16], $0x80, s26, s16, $0xb8;
	[tilespmem:$0x1E800] =	vst v63  }
0x88: {  	_ =	swait.ge [sflag:s20], $0x4000  }
.Ltmp1:
0x89: {  	[sflag:s20] =	ssyncset.done $0x0;
	(pc) =	sbr.rel @p0 .LBB2_4-.Ltmp1, $4  }
0x8a: {  	s25 =	sadd.s32 $0x1480, s25;
	[sflag:s20] =	ssyncadd.s32 $0xFFFFC000  }
0x8b: {  	[spmem:s2] =	stream.indirect.scatter.add.f32 [tilespmem:s18], [sflag:$0x3], $0x80, s25, s16, $0xb8;
	[tilespmem:$0x1E800] =	vst v63  }
0x8c: {  	_ =	swait.ge [sflag:s14], $0x4000  }
0x8d: {  	s26 =	smov.u32 s30;
	s25 =	sshra.s32 s29, $0x2;
	[sflag:s14] =	ssyncset.done $0x0  }
0x8e: {  	s26 =	sadd.s32 $0x80, s25;
	[sflag:s14] =	ssyncadd.s32 $0xFFFFC000  }
0x8f: {  	[tilespmem:s18], [sflag:$0x2] =	stream.indirect.gather [hbm4b:s4+s16], $0x80, s26, s16, $0xb8;
	[tilespmem:$0x1E800] =	vst v63  }
0x90: {  	_ =	swait.ge [sflag:s19], $0x4000  }
0x91: {  	[sflag:s19] =	ssyncset.done $0x0  }
0x92: {  	s29 =	sadd.s32 $0x1400, s25;
	[sflag:s19] =	ssyncadd.s32 $0xFFFFC000  }
0x93: {  	[spmem:s2] =	stream.indirect.scatter.add.f32 [tilespmem:s17], [sflag:$0x3], $0x80, s29, s16, $0xb8;
	[tilespmem:$0x1E800] =	vst v63  }
0x94: {  	_ =	swait.ge [sflag:s14], $0x4000  }
0x95: {  	[sflag:s14] =	ssyncset.done $0x0  }
0x96: {  	s30 =	sadd.s32 $0x100, s25;
	[sflag:s14] =	ssyncadd.s32 $0xFFFFC000  }
0x97: {  	[tilespmem:s17], [sflag:$0x1] =	stream.indirect.gather [hbm4b:s4+s16], $0x80, s30, s16, $0xb8;
	[tilespmem:$0x1E800] =	vst v63  }
0x98: {  	_ =	swait.ge [sflag:s20], $0x4000  }
0x99: {  	[sflag:s20] =	ssyncset.done $0x0  }
0x9a: {  	s31 =	sadd.s32 $0x1480, s25;
	[sflag:s20] =	ssyncadd.s32 $0xFFFFC000  }
0x9b: {  	[spmem:s2] =	stream.indirect.scatter.add.f32 [tilespmem:s18], [sflag:$0x3], $0x80, s31, s16, $0xb8;
	[tilespmem:$0x1E800] =	vst v63  }
0x9c: {  	_ =	swait.ge [sflag:s14], $0x4000  }
0x9d: {  	[sflag:s14] =	ssyncset.done $0x0  }
0x9e: {  	[sflag:s14] =	ssyncadd.s32 $0xFFFFC000  }
0x9f: {  	[tilespmem:s18], [sflag:$0x2] =	stream.indirect.gather [hbm4b:s4+s16], $0x80, s21, s16, $0xb8;
	[tilespmem:$0x1E800] =	vst v63  }
0xa0: {  	_ =	swait.ge [sflag:s19], $0x4000  }
0xa1: {  	[sflag:s19] =	ssyncset.done $0x0  }
0xa2: {  	[sflag:s19] =	ssyncadd.s32 $0xFFFFC000  }
0xa3: {  	[spmem:s2] =	stream.indirect.scatter.add.f32 [tilespmem:s17], [sflag:$0x3], $0x80, s22, s16, $0xb8;
	[tilespmem:$0x1E800] =	vst v63  }
0xa4: {  	_ =	swait.ge [sflag:s14], $0x4000  }
0xa5: {  	[sflag:s14] =	ssyncset.done $0x0  }
0xa6: {  	[sflag:s14] =	ssyncadd.s32 $0xFFFFC000  }
0xa7: {  	_ =	swait.ge [sflag:s20], $0x4000  }
0xa8: {  	[sflag:s20] =	ssyncset.done $0x0  }
0xa9: {  	[sflag:s20] =	ssyncadd.s32 $0xFFFFC000  }
0xaa: {  	[spmem:s2] =	stream.indirect.scatter.add.f32 [tilespmem:s18], [sflag:$0x3], $0x80, s23, s16, $0xb8;
	[tilespmem:$0x1E800] =	vst v63  }
0xab: {  	_ =	swait.ge [sflag:s14], $0x4000  }
0xac: {  	s24 =	sadd.s32 $0x1, s24;
	[sflag:s14] =	ssyncset.done $0x0  }
0xad: {  	p0 =	sne.s32 s24, s12;
	[sflag:s14] =	ssyncadd.s32 $0xFFFFC000  }
.Ltmp2:
0xae: {  	[bflag:$0x0] =	sbarrier.arrive $0xFFFF;
	(pc) =	sbr.rel @p0 .LBB2_1-.Ltmp2, $4  }
0xaf: {  	[hbm:s11], [sflag:s6] =	dma.local [spmem:s13], $0x2800  }
0xb0: {  	_ =	swait.ge [sflag:s14], $0x2800  }
0xb1: {  	[sflag:s14] =	ssyncset.done $0x0  }
0xb2: {  	[sflag:s14] =	ssyncadd.s32 $0xFFFFD800  }
0xb3: {  	_ =	sfence.sel $0x180000  }
0xb4: {  	[bflag:$0x0] =	sbarrier.arrive $0xFFFF  }
0xb5: {  	p0 =	sne.s32 s0, $0x0;
	_ =	strace $0x9000004D  }
0xb6: {  	s0 =	sadd.s32 @!p0 $0x100000, s1;
	[bflag:$0x2] =	sbarrier.arrive $0xFFFF  }
0xb7: {  	[sflag:s0] =	ssyncadd.tile.s32 @!p0 $0x1;
	_ =	shalt  }
.Lfunc_end2:
_tile_overlayer_lowered:
.L_overlay_start_2:
0xb8: {  	(tag) =	ssettag $0x2  }
0xb9: {  	s0 =	rddreg [dreg:$0x0];
	s2 =	stileid.u32  }
0xba: {  	s1 =	rddreg [dreg:$0x1];
	p0 =	sne.s32 s2, $0x0  }
0xbb: {  	s3 =	rddreg [dreg:$0x2];
	[bflag:$0x3] =	sbarrier.arrive $0xFFFF;
	s2 =	simm.s32 @!p0 $0x1C03  }
0xbc: {  	[timem:s3], [sflag:s2] =	dma.local @!p0 [hbm:s0], s1  }
0xbd: {  	s0 =	simm.s32 @!p0 $0x3  }
0xbe: {  	_ =	swait.ge @!p0 [sflag:s0], s1  }
0xbf: {  	s1 =	ssub.s32 @!p0 $0x0, s1;
	[sflag:s0] =	ssyncset.done @!p0 $0x0  }
0xc0: {  	[sflag:s0] =	ssyncadd.s32 @!p0 s1  }
0xc1: {  	[bflag:$0x3] =	sbarrier.arrive $0xFFFF  }
0xc2: {  	_ =	shalt  }

// kernel: kernel.21.cloned.1.call-start
scs
__scs_entry_jumppad:
0x0: {  	(pc) =	sbr.rel $0x88, $3  }
0x1: {  	(tag) =	ssettag $0x0;
	lr =	simm.s32 $0x1  }
0x2: {  	[smem:$0x3F98] =	sst lr;
	_ =	strace $0xD0000000  }
0x3: {  	_ = 	snop  }
0x4: {  	_ = 	snop  }
0x5: {  	_ = 	snop  }
0x6: {  	_ = 	snop  }
0x7: {  	_ = 	snop  }
__scs_overlays_trampoline_lowered:
0x8: {  	[smem:$0x3FA7] =	sst s0  }
0x9: {  	[smem:$0x3FA8] =	sst s1  }
0xa: {  	[smem:$0x3FA9] =	sst s2  }
0xb: {  	[smem:$0x3FAA] =	sst s3  }
0xc: {  	[smem:$0x3FAB] =	sst s4  }
0xd: {  	[smem:$0x3FAC] =	sst s5  }
0xe: {  	[smem:$0x3FAD] =	sst s6  }
0xf: {  	[smem:$0x3FAE] =	sst s7  }
0x10: {  	[smem:$0x3FAF] =	sst s8  }
0x11: {  	[smem:$0x3FB0] =	sst s9;
	s0 =	simm.s32 @!p0 $0x0  }
0x12: {  	s1 =	sld [smem:$0x3F96];
	s0 =	simm.s32 @p0 $0x1  }
0x13: {  	[smem:$0x3FB1] =	sst s0;
	s0 =	simm.s32 @!p1 $0x0  }
0x14: {  	s2 =	sld [smem:$0x3F95];
	s0 =	simm.s32 @p1 $0x1  }
0x15: {  	[smem:$0x3FB2] =	sst s0;
	s0 =	simm.s32 @!p2 $0x0  }
0x16: {  	s3 =	sld [smem:$0x3FDB];
	s0 =	simm.s32 @p2 $0x1  }
0x17: {  	s4 =	simm.s32 $0x1BF5;
	[smem:$0x3FB4] =	sst s0  }
0x18: {  	s0 =	sld [smem:$0x3F97];
	_ =	swait.ge [sflag:s4], $0x0  }
0x19: {  	s7 =	sld [smem:$0x3F98]  }
0x1a: {  	s8 =	sadd.s32 $0xFFFFE003, lr  }
0x1b: {  	s9 =	sadd.s32 $0xFFFFFEF7, lr;
	s5 =	simm.s32 $0xFFFFFFFF;
	p2 =	slt.u32 s8, $0xFFFFF086  }
0x1c: {  	p1 =	slt.u32 s9, $0xF7A;
	s5 =	simm.s32 @!p2 $0x0  }
0x1d: {  	s5 =	simm.s32 @p1 $0x1;
	p0 =	seq.s32 s7, s2  }
0x1e: {  	s7 =	smul.u32 @!p0 $0xF7A, s2;
	p2 =	seq.s32 @!p0 s5, $0x0  }
0x1f: {  	s9 =	smul.u32 $0xF7A, s1;
	s8 =	simm.s32 @!p0 $0x1BF5;
	p2 =	por !p2, p0  }
0x20: {  	[sflag:s8] =	ssyncset.s32 @!p0 $0xFFFFF086;
	s6 =	sadd.s32 @!p0 s3, s7;
	s7 =	simm.s32 @!p0 $0x108  }
0x21: {  	s3 =	sadd.s32 s3, s9;
	s6 =	sadd.s32 @!p0 $0x88, s6;
	s7 =	simm.s32 @p2 $0x1082  }
0x22: {  	[simem:s7], [sflag:s8] =	dma.local @!p0 [hbm:s6], $0xF7A  }
0x23: {  	s9 =	sor.u32 $0xD0000000, s2;
	s6 =	simm.s32 $0x108;
	_ =	swait.ge @!p0 [sflag:s8], $0x0  }
0x24: {  	s3 =	sadd.s32 $0x88, s3;
	s6 =	simm.s32 @!p1 $0x1082;
	[sflag:s4] =	ssyncset.s32 $0xFFFFF086  }
0x25: {  	[simem:s6], [sflag:s4] =	dma.local [hbm:s3], $0xF7A  }
0x26: {  	[smem:$0x3F98] =	sst s1;
	(tag) =	ssettag s2;
	_ =	strace s9  }
0x27: {  	s1 =	sld [smem:$0x3FA8]  }
0x28: {  	s2 =	sld [smem:$0x3FA9]  }
0x29: {  	s4 =	sld [smem:$0x3FAB]  }
0x2a: {  	p0 =	seq.s32 s5, $0x0;
	s5 =	sld [smem:$0x3FAC]  }
0x2b: {  	s6 =	sld [smem:$0x3FAD]  }
0x2c: {  	s7 =	sld [smem:$0x3FAE]  }
0x2d: {  	s3 =	simm.s32 $0x108;
	s8 =	sld [smem:$0x3FAF]  }
0x2e: {  	s3 =	simm.s32 @!p0 $0x1082;
	s9 =	sld [smem:$0x3FB0]  }
0x2f: {  	lr =	sadd.s32 s0, s3;
	s0 =	sld [smem:$0x3FA7]  }
0x30: {  	s3 =	sld [smem:$0x3FAA]  }
0x31: {  	[smem:$0x3FB3] =	sst s10  }
0x32: {  	s10 =	sld [smem:$0x3FB1];
	_ =	sdelay $0x3  }
0x33: {  	p0 =	seq.s32 s10, $0x1;
	s10 =	sld [smem:$0x3FB3];
	_ =	sdelay $0x3  }
0x34: {  	[smem:$0x3FB3] =	sst s10  }
0x35: {  	s10 =	sld [smem:$0x3FB2];
	_ =	sdelay $0x3  }
0x36: {  	p1 =	seq.s32 s10, $0x1;
	s10 =	sld [smem:$0x3FB3];
	_ =	sdelay $0x3  }
0x37: {  	[smem:$0x3FB3] =	sst s10  }
0x38: {  	s10 =	sld [smem:$0x3FB4]  }
0x39: {  	_ = 	snop;
	(pc) =	sbr.ind lr, $3  }
0x3a: {  	_ = 	snop  }
0x3b: {  	_ = 	snop  }
0x3c: {  	p2 =	seq.s32 s10, $0x1;
	s10 =	sld [smem:$0x3FB3]  }
0x3d: {  	_ =	shalt  }
0x3e: {  	_ =	shalt  }
0x3f: {  	_ =	shalt  }
0x40: {  	_ =	shalt  }
0x41: {  	_ =	shalt  }
0x42: {  	_ =	shalt  }
0x43: {  	_ =	shalt  }
0x44: {  	_ =	shalt  }
0x45: {  	_ =	shalt  }
0x46: {  	_ =	shalt  }
0x47: {  	_ =	shalt  }
0x48: {  	_ =	shalt  }
0x49: {  	_ =	shalt  }
0x4a: {  	_ =	shalt  }
0x4b: {  	_ =	shalt  }
0x4c: {  	_ =	shalt  }
0x4d: {  	_ =	shalt  }
0x4e: {  	_ =	shalt  }
0x4f: {  	_ =	shalt  }
0x50: {  	_ =	shalt  }
0x51: {  	_ =	shalt  }
0x52: {  	_ =	shalt  }
0x53: {  	_ =	shalt  }
0x54: {  	_ =	shalt  }
0x55: {  	_ =	shalt  }
0x56: {  	_ =	shalt  }
0x57: {  	_ =	shalt  }
0x58: {  	_ =	shalt  }
0x59: {  	_ =	shalt  }
0x5a: {  	_ =	shalt  }
0x5b: {  	_ =	shalt  }
0x5c: {  	_ =	shalt  }
0x5d: {  	_ =	shalt  }
0x5e: {  	_ =	shalt  }
0x5f: {  	_ =	shalt  }
0x60: {  	_ =	shalt  }
0x61: {  	_ =	shalt  }
0x62: {  	_ =	shalt  }
0x63: {  	_ =	shalt  }
0x64: {  	_ =	shalt  }
0x65: {  	_ =	shalt  }
0x66: {  	_ =	shalt  }
0x67: {  	_ =	shalt  }
0x68: {  	_ =	shalt  }
0x69: {  	_ =	shalt  }
0x6a: {  	_ =	shalt  }
0x6b: {  	_ =	shalt  }
0x6c: {  	_ =	shalt  }
0x6d: {  	_ =	shalt  }
0x6e: {  	_ =	shalt  }
0x6f: {  	_ =	shalt  }
0x70: {  	_ =	shalt  }
0x71: {  	_ =	shalt  }
0x72: {  	_ =	shalt  }
0x73: {  	_ =	shalt  }
0x74: {  	_ =	shalt  }
0x75: {  	_ =	shalt  }
0x76: {  	_ =	shalt  }
0x77: {  	_ =	shalt  }
0x78: {  	_ =	shalt  }
0x79: {  	_ =	shalt  }
0x7a: {  	_ =	shalt  }
0x7b: {  	_ =	shalt  }
0x7c: {  	_ =	shalt  }
0x7d: {  	_ =	shalt  }
0x7e: {  	_ =	shalt  }
0x7f: {  	_ =	shalt  }
0x80: {  	_ =	shalt  }
0x81: {  	_ =	shalt  }
0x82: {  	_ =	shalt  }
0x83: {  	_ =	shalt  }
0x84: {  	_ =	shalt  }
0x85: {  	_ =	shalt  }
0x86: {  	_ =	shalt  }
0x87: {  	_ =	shalt  }
.Lfunc_end0:
.L_simem_size_0:
called_computation.3_lowered:
.L_overlay_start_0:
0x88: {  	s2 =	sld [smem:$0x3FD9]  }
0x89: {  	s3 =	sld [smem:$0x3FFE];
	_ =	sdelay $0x1  }
0x8a: {  	s1 =	srdreg.scid  }
0x8b: {  	s0 =	sand.u32 $0x1, s1  }
0x8c: {  	s14 =	sshll.u32 s0, $0xA;
	s2 =	sadd.s32 s3, s2  }
0x8d: {  	s2 =	sadd.s32 s2, s14  }
0x8e: {  	[smem:$0x3FBF] =	sst s2  }
0x8f: {  	_ = 	snop  }
0x90: {  	s2 =	sld [smem:$0x3FD0];
	_ =	sdelay $0x2  }
0x91: {  	s15 =	simm.s32 $0xB;
	s4 =	simm.s32 $0x10  }
0x92: {  	[smem:s4], [sflag:s15] =	dma.local [hbm:s2], $0x1  }
0x93: {  	_ =	swait.eq [sflag:s15], $0x1  }
0x94: {  	[sflag:s15] =	ssyncset.done $0x0  }
0x95: {  	[sflag:s15] =	ssyncadd.s32 $0xFFFFFFFF  }
0x96: {  	s16 =	sld [smem:$0x11];
	(tm) =	ssettm $0x1  }
0x97: {  	s17 =	sld [smem:$0x3FFB];
	_ =	sdelay $0x3  }
0x98: {  	_ =	strace s17  }
0x99: {  	s3 =	sld [smem:$0x3FFC];
	_ =	sdelay $0x3  }
0x9a: {  	_ =	strace s3  }
0x9b: {  	s3 =	sld [smem:$0x3FFD];
	_ =	sdelay $0x3  }
0x9c: {  	_ =	strace s3  }
0x9d: {  	_ =	strace $0x8FFFFFFF  }
0x9e: {  	s18 =	sld [smem:$0x3FDB];
	_ =	sdelay $0x1  }
0x9f: {  	s19 =	simm.s32 $_scs_section_size  }
0xa0: {  	s5 =	simm.s32 $_size__tile_overlayer_lowered;
	s6 =	simm.s32 $_tile_overlayer_lowered  }
0xa1: {  	s22 =	simm.s32 $0x1BFF;
	s21 =	sshll.u32 s6, $0x1;
	s3 =	sadd.s32 s19, s18  }
0xa2: {  	s7 =	simm.s32 $0x0;
	s20 =	sshll.u32 s5, $0x1;
	s5 =	sadd.s32 s21, s3  }
0xa3: {  	[timem:s7], [sflag:s22] =	dma.local [hbm:s5], s20  }
0xa4: {  	_ =	swait.ge [sflag:s22], s20  }
0xa5: {  	s4 =	ssub.s32 $0x0, s20;
	[sflag:s22] =	ssyncset.done $0x0  }
0xa6: {  	[sflag:s22] =	ssyncadd.s32 s4;
	_ =	sdelay $0x1  }
0xa7: {  	s23 =	simm.s32 $0x1B8B  }
0xa8: {  	_ =	swait.ge [sflag:s23], $0x1  }
0xa9: {  	[sflag:s23] =	ssyncset.done $0x0  }
0xaa: {  	s25 =	simm.s32 $0x1B8E;
	s24 =	sld [smem:$0x3FFE];
	[sflag:s23] =	ssyncadd.s32 $0xFFFFFFFF  }
0xab: {  	s26 =	simm.s32 $execute0_lowered;
	[smem:$0x3FD2] =	sst s25  }
0xac: {  	s5 =	sshll.u32 s26, $0x1;
	_ =	strace $0x8000004F;
	[dreg:$0x1] =	wrdreg $0xFFFFFFFF  }
0xad: {  	s28 =	simm.s32 $_size_execute0_lowered;
	s3 =	sadd.s32 s3, s5;
	[dreg:$0x0] =	wrdreg $0x0  }
0xae: {  	s5 =	sshll.u32 s28, $0x1;
	[dreg:$0x2] =	wrdreg s3  }
0xaf: {  	[dreg:$0x3] =	wrdreg s5  }
0xb0: {  	[dreg:$0x4] =	wrdreg $0xC0  }
0xb1: {  	_ =	task [dreg:s7], $0x5FFFF  }
0xb2: {  	[dreg:$0x1] =	wrdreg $0xFFFFFFFF  }
0xb3: {  	[dreg:$0x0] =	wrdreg $0x60  }
0xb4: {  	[dreg:$0x2] =	wrdreg s24  }
0xb5: {  	[dreg:$0x3] =	wrdreg s16  }
0xb6: {  	[dreg:$0x4] =	wrdreg $0xA8000  }
0xb7: {  	[dreg:$0x5] =	wrdreg $0x9  }
0xb8: {  	_ =	task.clear_ibuf [dreg:s7], $0x6FFFF;
	_ =	strace $0x9000004F  }
0xb9: {  	s29 =	simm.s32 $0x9;
	_ =	strace $0x80000051  }
0xba: {  	_ =	swait.ge [sflag:s29], $0x1  }
0xbb: {  	[sflag:s29] =	ssyncadd.s32 $0xFFFFFFFF  }
0xbc: {  	_ =	strace $0x90000051  }
0xbd: {  	_ =	sfence  }
0xbe: {  	s30 =	sld [smem:$0x0];
	_ =	sdelay $0x2  }
0xbf: {  	s31 =	sshll.u32 s1, $0xD;
	s1 =	sshrl.u32 s1, $0x2  }
0xc0: {  	s3 =	sand.u32 $0x4000, s31;
	s1 =	sadd.s32 s1, s30  }
0xc1: {  	s0 =	sor.u32 s3, s0;
	s1 =	sshll.u32 s1, $0x11  }
0xc2: {  	s0 =	sor.u32 s1, s0  }
0xc3: {  	s0 =	sadd.s32 $0x8F2B, s0  }
0xc4: {  	[sflag:s0] =	ssyncadd.remote.s32 $0x1  }
0xc5: {  	_ =	sfence.sel $0xFFFF  }
0xc6: {  	[dreg:$0x0] =	wrdreg $0xFFFFFFFF;
	(pc) =	sbr.abs _section_cstart, $3  }
0xc7: {  	[dreg:$0x1] =	wrdreg $0xFFFFFFFF  }
0xc8: {  	_ =	task.clear_ibuf [dreg:s7], $0x2FFFF;
	_ =	strace $0x9FFFFFFF  }
0xc9: {  	(tm) =	ssettm $0x7FFFFFFF  }
tec
execute0_lowered:
.L_overlay_start_1:
0x0: {  	(tag) =	ssettag $0x1  }
0x1: {  	s5 =	rddreg [dreg:$0x0]  }
0x2: {  	s6 =	rddreg [dreg:$0x1]  }
0x3: {  	s2 =	rddreg [dreg:$0x2]  }
0x4: {  	s0 =	srdreg.scid;
	s1 =	rddreg [dreg:$0x3]  }
0x5: {  	s3 =	simm.s32 $0x0;
	s16 =	simm.s32 $0x80;
	s17 =	simm.s32 $0x2800  }
0x6: {  	s18 =	simm.s32 $0x6800;
	s19 =	simm.s32 $0x1;
	s7 =	sand.u32 $0x1, s0  }
0x7: {  	s20 =	simm.s32 $0x2;
	s0 =	stileid.u32;
	s4 =	smul.u32 $0x28000, s7  }
0x8: {  	s21 =	simm.s32 $0x1380;
	s22 =	simm.s32 $0x2700;
	s8 =	smul.u32 $0x2800, s0  }
0x9: {  	s23 =	simm.s32 $0x2780;
	s24 =	simm.s32 $0x0;
	s9 =	smul.u32 $0xA000, s0  }
0xa: {  	[smem:$0x7FF] =	sst s3;
	s13 =	sadd.s32 $0x3800, s5;
	s11 =	smul.u32 $0xA0000, s7  }
0xb: {  	_ =	strace $0x80000050;
	s12 =	smul.u32 $0x28000, s0;
	s7 =	ssub.s32 $0x2, s7  }
0xc: {  	s28 =	sshll.u32 s0, $0x6;
	s29 =	smul.u32 $0x500, s0;
	s25 =	sshrl.u32 s7, $0x1  }
0xd: {  	s10 =	sadd.s32 s8, s4;
	s4 =	sadd.s32 $0xD800, s5;
	s11 =	sadd.s32 s9, s11  }
0xe: {  	s12 =	sshrl.u32 s12, $0x2;
	s14 =	ssub.s32 s7, s25;
	s26 =	sshrl.u32 s9, $0x3  }
0xf: {  	s30 =	sshrl.u32 s8, $0x3;
	s8 =	sadd.s32 s13, s29;
	s10 =	sshrl.u32 s10, $0x3  }
0x10: {  	s11 =	sshrl.u32 s11, $0x3;
	s15 =	sadd.s32 s12, s2;
	s31 =	sadd.s32 s13, s30  }
0x11: {  	s12 =	smax.u32 s14, $0x1;
	s14 =	simm.s32 $0x3;
	s10 =	sadd.s32 s10, s5  }
0x12: {  	s11 =	sadd.s32 s11, s5;
	s5 =	sadd.s32 s6, s26;
	s6 =	sor.u32 $0x1C03, s28  }
0x13: {  	s13 =	sshrl.u32 s15, $0x3;
	s15 =	simm.s32 $0x1400;
	s7 =	sadd.s32 $0xAD800, s10  }
0x14: {  	s9 =	sadd.s32 $0xADA80, s10;
	s10 =	sadd.s32 $0x280, s31;
	s11 =	sadd.s32 $0xB7800, s11  }
.LBB2_1:
0x15: {  	[spmem:s13], [sflag:s6] =	dma.local [hbm:s5], $0x1400  }
0x16: {  	_ =	swait.ge [sflag:s14], $0x1400  }
0x17: {  	[sflag:s14] =	ssyncset.done $0x0  }
0x18: {  	[sflag:s14] =	ssyncadd.s32 $0xFFFFEC00  }
0x19: {  	[bflag:$0x0] =	sbarrier.arrive $0xFFFF  }
0x1a: {  	[tilespmem:s3], [sflag:$0x3] =	stream.linear.gather [hbm4b:s7+s3], $0x1400, $0x38;
	[tilespmem:$0x14800] =	vst v63  }
0x1b: {  	_ =	swait.ge [sflag:s14], $0x1400  }
0x1c: {  	[sflag:s14] =	ssyncset.done $0x0  }
0x1d: {  	[sflag:s14] =	ssyncadd.s32 $0xFFFFEC00  }
0x1e: {  	[tilespmem:s15], [sflag:$0x3] =	stream.linear.gather [hbm4b:s8+s3], $0x1400, $0x38;
	[tilespmem:$0x14800] =	vst v63  }
0x1f: {  	_ =	swait.ge [sflag:s14], $0x1400  }
0x20: {  	[sflag:s14] =	ssyncset.done $0x0  }
0x21: {  	[sflag:s14] =	ssyncadd.s32 $0xFFFFEC00  }
0x22: {  	[tilespmem:s17], [sflag:$0x1] =	stream.indirect.gather [hbm4b:s4+s16], $0x80, s3, s16, $0xb8;
	[tilespmem:$0x14800] =	vst v63  }
0x23: {  	s25 =	simm.s32 $0x80  }
0x24: {  	[tilespmem:s18], [sflag:$0x2] =	stream.indirect.gather [hbm4b:s4+s16], $0x80, s25, s16, $0xb8;
	[tilespmem:$0x14800] =	vst v63  }
0x25: {  	_ =	swait.ge [sflag:s19], $0x4000  }
0x26: {  	[sflag:s19] =	ssyncset.done $0x0  }
0x27: {  	s29 =	simm.s32 $0x1400;
	[sflag:s19] =	ssyncadd.s32 $0xFFFFC000  }
0x28: {  	[spmem:s2] =	stream.indirect.scatter.add.f32 [tilespmem:s17], [sflag:$0x3], $0x80, s29, s16, $0xb8;
	[tilespmem:$0x14800] =	vst v63  }
0x29: {  	_ =	swait.ge [sflag:s14], $0x4000  }
0x2a: {  	[sflag:s14] =	ssyncset.done $0x0  }
0x2b: {  	s30 =	simm.s32 $0x100;
	[sflag:s14] =	ssyncadd.s32 $0xFFFFC000  }
0x2c: {  	[tilespmem:s17], [sflag:$0x1] =	stream.indirect.gather [hbm4b:s4+s16], $0x80, s30, s16, $0xb8;
	[tilespmem:$0x14800] =	vst v63  }
0x2d: {  	_ =	swait.ge [sflag:s20], $0x4000  }
0x2e: {  	[sflag:s20] =	ssyncset.done $0x0  }
0x2f: {  	s31 =	simm.s32 $0x1480;
	[sflag:s20] =	ssyncadd.s32 $0xFFFFC000  }
0x30: {  	[spmem:s2] =	stream.indirect.scatter.add.f32 [tilespmem:s18], [sflag:$0x3], $0x80, s31, s16, $0xb8;
	[tilespmem:$0x14800] =	vst v63  }
0x31: {  	_ =	swait.ge [sflag:s14], $0x4000  }
0x32: {  	s26 =	simm.s32 $0x800;
	s25 =	simm.s32 $0x100;
	[sflag:s14] =	ssyncset.done $0x0  }
.LBB2_2:
0x33: {  	s28 =	sadd.s32 $0x80, s25  }
0x34: {  	[sflag:s14] =	ssyncadd.s32 $0xFFFFC000;
	s29 =	smov.u32 s26;
	s30 =	sadd.s32 $0x400, s26  }
0x35: {  	[tilespmem:s18], [sflag:$0x2] =	stream.indirect.gather [hbm4b:s4+s16], $0x80, s28, s16, $0xb8;
	[tilespmem:$0x14800] =	vst v63  }
0x36: {  	p0 =	sne.s32 s26, $0x4800;
	_ =	swait.ge [sflag:s19], $0x4000  }
0x37: {  	[sflag:s19] =	ssyncset.done $0x0  }
0x38: {  	s26 =	sadd.s32 $0x1400, s25;
	[sflag:s19] =	ssyncadd.s32 $0xFFFFC000  }
0x39: {  	[spmem:s2] =	stream.indirect.scatter.add.f32 [tilespmem:s17], [sflag:$0x3], $0x80, s26, s16, $0xb8;
	[tilespmem:$0x14800] =	vst v63  }
0x3a: {  	_ =	swait.ge [sflag:s14], $0x4000  }
0x3b: {  	[sflag:s14] =	ssyncset.done $0x0  }
0x3c: {  	s26 =	sadd.s32 $0x100, s25;
	[sflag:s14] =	ssyncadd.s32 $0xFFFFC000  }
0x3d: {  	[tilespmem:s17], [sflag:$0x1] =	stream.indirect.gather [hbm4b:s4+s16], $0x80, s26, s16, $0xb8;
	[tilespmem:$0x14800] =	vst v63  }
0x3e: {  	_ =	swait.ge [sflag:s20], $0x4000  }
.Ltmp0:
0x3f: {  	[sflag:s20] =	ssyncset.done $0x0;
	(pc) =	sbr.rel @p0 .LBB2_2-.Ltmp0, $4  }
0x40: {  	s25 =	sadd.s32 $0x1480, s25;
	[sflag:s20] =	ssyncadd.s32 $0xFFFFC000  }
0x41: {  	[spmem:s2] =	stream.indirect.scatter.add.f32 [tilespmem:s18], [sflag:$0x3], $0x80, s25, s16, $0xb8;
	[tilespmem:$0x14800] =	vst v63  }
0x42: {  	_ =	swait.ge [sflag:s14], $0x4000  }
0x43: {  	s26 =	smov.u32 s30;
	s25 =	sshra.s32 s29, $0x2;
	[sflag:s14] =	ssyncset.done $0x0  }
0x44: {  	s26 =	sadd.s32 $0x80, s25;
	[sflag:s14] =	ssyncadd.s32 $0xFFFFC000  }
0x45: {  	[tilespmem:s18], [sflag:$0x2] =	stream.indirect.gather [hbm4b:s4+s16], $0x80, s26, s16, $0xb8;
	[tilespmem:$0x14800] =	vst v63  }
0x46: {  	_ =	swait.ge [sflag:s19], $0x4000  }
0x47: {  	[sflag:s19] =	ssyncset.done $0x0  }
0x48: {  	s29 =	sadd.s32 $0x1400, s25;
	[sflag:s19] =	ssyncadd.s32 $0xFFFFC000  }
0x49: {  	[spmem:s2] =	stream.indirect.scatter.add.f32 [tilespmem:s17], [sflag:$0x3], $0x80, s29, s16, $0xb8;
	[tilespmem:$0x14800] =	vst v63  }
0x4a: {  	_ =	swait.ge [sflag:s14], $0x4000  }
0x4b: {  	[sflag:s14] =	ssyncset.done $0x0  }
0x4c: {  	s30 =	sadd.s32 $0x100, s25;
	[sflag:s14] =	ssyncadd.s32 $0xFFFFC000  }
0x4d: {  	[tilespmem:s17], [sflag:$0x1] =	stream.indirect.gather [hbm4b:s4+s16], $0x80, s30, s16, $0xb8;
	[tilespmem:$0x14800] =	vst v63  }
0x4e: {  	_ =	swait.ge [sflag:s20], $0x4000  }
0x4f: {  	[sflag:s20] =	ssyncset.done $0x0  }
0x50: {  	s31 =	sadd.s32 $0x1480, s25;
	[sflag:s20] =	ssyncadd.s32 $0xFFFFC000  }
0x51: {  	[spmem:s2] =	stream.indirect.scatter.add.f32 [tilespmem:s18], [sflag:$0x3], $0x80, s31, s16, $0xb8;
	[tilespmem:$0x14800] =	vst v63  }
0x52: {  	_ =	swait.ge [sflag:s14], $0x4000  }
0x53: {  	[sflag:s14] =	ssyncset.done $0x0  }
0x54: {  	[sflag:s14] =	ssyncadd.s32 $0xFFFFC000  }
0x55: {  	[tilespmem:s18], [sflag:$0x2] =	stream.indirect.gather [hbm4b:s4+s16], $0x80, s21, s16, $0xb8;
	[tilespmem:$0x14800] =	vst v63  }
0x56: {  	_ =	swait.ge [sflag:s19], $0x4000  }
0x57: {  	[sflag:s19] =	ssyncset.done $0x0  }
0x58: {  	[sflag:s19] =	ssyncadd.s32 $0xFFFFC000  }
0x59: {  	[spmem:s2] =	stream.indirect.scatter.add.f32 [tilespmem:s17], [sflag:$0x3], $0x80, s22, s16, $0xb8;
	[tilespmem:$0x14800] =	vst v63  }
0x5a: {  	_ =	swait.ge [sflag:s14], $0x4000  }
0x5b: {  	[sflag:s14] =	ssyncset.done $0x0  }
0x5c: {  	[sflag:s14] =	ssyncadd.s32 $0xFFFFC000  }
0x5d: {  	_ =	swait.ge [sflag:s20], $0x4000  }
0x5e: {  	[sflag:s20] =	ssyncset.done $0x0  }
0x5f: {  	[sflag:s20] =	ssyncadd.s32 $0xFFFFC000  }
0x60: {  	[spmem:s2] =	stream.indirect.scatter.add.f32 [tilespmem:s18], [sflag:$0x3], $0x80, s23, s16, $0xb8;
	[tilespmem:$0x14800] =	vst v63  }
0x61: {  	_ =	swait.ge [sflag:s14], $0x4000  }
0x62: {  	[sflag:s14] =	ssyncset.done $0x0  }
0x63: {  	s26 =	simm.s32 $0x0;
	[sflag:s14] =	ssyncadd.s32 $0xFFFFC000  }
0x64: {  	[tilespmem:s26], [sflag:$0x3] =	stream.linear.gather [hbm4b:s9+s26], $0x1400, $0x38;
	[tilespmem:$0x14800] =	vst v63  }
0x65: {  	_ =	swait.ge [sflag:s14], $0x1400  }
0x66: {  	[sflag:s14] =	ssyncset.done $0x0  }
0x67: {  	[sflag:s14] =	ssyncadd.s32 $0xFFFFEC00  }
0x68: {  	[tilespmem:s15], [sflag:$0x3] =	stream.linear.gather [hbm4b:s10+s26], $0x1400, $0x38;
	[tilespmem:$0x14800] =	vst v63  }
0x69: {  	_ =	swait.ge [sflag:s14], $0x1400  }
0x6a: {  	[sflag:s14] =	ssyncset.done $0x0  }
0x6b: {  	[sflag:s14] =	ssyncadd.s32 $0xFFFFEC00  }
0x6c: {  	[tilespmem:s17], [sflag:$0x1] =	stream.indirect.gather [hbm4b:s4+s16], $0x80, s26, s16, $0xb8;
	[tilespmem:$0x14800] =	vst v63  }
0x6d: {  	s28 =	simm.s32 $0x80  }
0x6e: {  	[tilespmem:s18], [sflag:$0x2] =	stream.indirect.gather [hbm4b:s4+s16], $0x80, s28, s16, $0xb8;
	[tilespmem:$0x14800] =	vst v63  }
0x6f: {  	_ =	swait.ge [sflag:s19], $0x4000  }
0x70: {  	[sflag:s19] =	ssyncset.done $0x0  }
0x71: {  	s29 =	simm.s32 $0x1400;
	[sflag:s19] =	ssyncadd.s32 $0xFFFFC000  }
0x72: {  	[spmem:s2] =	stream.indirect.scatter.add.f32 [tilespmem:s17], [sflag:$0x3], $0x80, s29, s16, $0xb8;
	[tilespmem:$0x14800] =	vst v63  }
0x73: {  	_ =	swait.ge [sflag:s14], $0x4000  }
0x74: {  	[sflag:s14] =	ssyncset.done $0x0  }
0x75: {  	s30 =	simm.s32 $0x100;
	[sflag:s14] =	ssyncadd.s32 $0xFFFFC000  }
0x76: {  	[tilespmem:s17], [sflag:$0x1] =	stream.indirect.gather [hbm4b:s4+s16], $0x80, s30, s16, $0xb8;
	[tilespmem:$0x14800] =	vst v63  }
0x77: {  	_ =	swait.ge [sflag:s20], $0x4000  }
0x78: {  	[sflag:s20] =	ssyncset.done $0x0  }
0x79: {  	s31 =	simm.s32 $0x1480;
	[sflag:s20] =	ssyncadd.s32 $0xFFFFC000  }
0x7a: {  	[spmem:s2] =	stream.indirect.scatter.add.f32 [tilespmem:s18], [sflag:$0x3], $0x80, s31, s16, $0xb8;
	[tilespmem:$0x14800] =	vst v63  }
0x7b: {  	_ =	swait.ge [sflag:s14], $0x4000  }
0x7c: {  	s25 =	simm.s32 $0x100;
	s26 =	simm.s32 $0x800;
	[sflag:s14] =	ssyncset.done $0x0  }
.LBB2_4:
0x7d: {  	s28 =	sadd.s32 $0x80, s25  }
0x7e: {  	[sflag:s14] =	ssyncadd.s32 $0xFFFFC000;
	s29 =	smov.u32 s26;
	s30 =	sadd.s32 $0x400, s26  }
0x7f: {  	[tilespmem:s18], [sflag:$0x2] =	stream.indirect.gather [hbm4b:s4+s16], $0x80, s28, s16, $0xb8;
	[tilespmem:$0x14800] =	vst v63  }
0x80: {  	p0 =	sne.s32 s26, $0x4800;
	_ =	swait.ge [sflag:s19], $0x4000  }
0x81: {  	[sflag:s19] =	ssyncset.done $0x0  }
0x82: {  	s26 =	sadd.s32 $0x1400, s25;
	[sflag:s19] =	ssyncadd.s32 $0xFFFFC000  }
0x83: {  	[spmem:s2] =	stream.indirect.scatter.add.f32 [tilespmem:s17], [sflag:$0x3], $0x80, s26, s16, $0xb8;
	[tilespmem:$0x14800] =	vst v63  }
0x84: {  	_ =	swait.ge [sflag:s14], $0x4000  }
0x85: {  	[sflag:s14] =	ssyncset.done $0x0  }
0x86: {  	s26 =	sadd.s32 $0x100, s25;
	[sflag:s14] =	ssyncadd.s32 $0xFFFFC000  }
0x87: {  	[tilespmem:s17], [sflag:$0x1] =	stream.indirect.gather [hbm4b:s4+s16], $0x80, s26, s16, $0xb8;
	[tilespmem:$0x14800] =	vst v63  }
0x88: {  	_ =	swait.ge [sflag:s20], $0x4000  }
.Ltmp1:
0x89: {  	[sflag:s20] =	ssyncset.done $0x0;
	(pc) =	sbr.rel @p0 .LBB2_4-.Ltmp1, $4  }
0x8a: {  	s25 =	sadd.s32 $0x1480, s25;
	[sflag:s20] =	ssyncadd.s32 $0xFFFFC000  }
0x8b: {  	[spmem:s2] =	stream.indirect.scatter.add.f32 [tilespmem:s18], [sflag:$0x3], $0x80, s25, s16, $0xb8;
	[tilespmem:$0x14800] =	vst v63  }
0x8c: {  	_ =	swait.ge [sflag:s14], $0x4000  }
0x8d: {  	s26 =	smov.u32 s30;
	s25 =	sshra.s32 s29, $0x2;
	[sflag:s14] =	ssyncset.done $0x0  }
0x8e: {  	s26 =	sadd.s32 $0x80, s25;
	[sflag:s14] =	ssyncadd.s32 $0xFFFFC000  }
0x8f: {  	[tilespmem:s18], [sflag:$0x2] =	stream.indirect.gather [hbm4b:s4+s16], $0x80, s26, s16, $0xb8;
	[tilespmem:$0x14800] =	vst v63  }
0x90: {  	_ =	swait.ge [sflag:s19], $0x4000  }
0x91: {  	[sflag:s19] =	ssyncset.done $0x0  }
0x92: {  	s29 =	sadd.s32 $0x1400, s25;
	[sflag:s19] =	ssyncadd.s32 $0xFFFFC000  }
0x93: {  	[spmem:s2] =	stream.indirect.scatter.add.f32 [tilespmem:s17], [sflag:$0x3], $0x80, s29, s16, $0xb8;
	[tilespmem:$0x14800] =	vst v63  }
0x94: {  	_ =	swait.ge [sflag:s14], $0x4000  }
0x95: {  	[sflag:s14] =	ssyncset.done $0x0  }
0x96: {  	s30 =	sadd.s32 $0x100, s25;
	[sflag:s14] =	ssyncadd.s32 $0xFFFFC000  }
0x97: {  	[tilespmem:s17], [sflag:$0x1] =	stream.indirect.gather [hbm4b:s4+s16], $0x80, s30, s16, $0xb8;
	[tilespmem:$0x14800] =	vst v63  }
0x98: {  	_ =	swait.ge [sflag:s20], $0x4000  }
0x99: {  	[sflag:s20] =	ssyncset.done $0x0  }
0x9a: {  	s31 =	sadd.s32 $0x1480, s25;
	[sflag:s20] =	ssyncadd.s32 $0xFFFFC000  }
0x9b: {  	[spmem:s2] =	stream.indirect.scatter.add.f32 [tilespmem:s18], [sflag:$0x3], $0x80, s31, s16, $0xb8;
	[tilespmem:$0x14800] =	vst v63  }
0x9c: {  	_ =	swait.ge [sflag:s14], $0x4000  }
0x9d: {  	[sflag:s14] =	ssyncset.done $0x0  }
0x9e: {  	[sflag:s14] =	ssyncadd.s32 $0xFFFFC000  }
0x9f: {  	[tilespmem:s18], [sflag:$0x2] =	stream.indirect.gather [hbm4b:s4+s16], $0x80, s21, s16, $0xb8;
	[tilespmem:$0x14800] =	vst v63  }
0xa0: {  	_ =	swait.ge [sflag:s19], $0x4000  }
0xa1: {  	[sflag:s19] =	ssyncset.done $0x0  }
0xa2: {  	[sflag:s19] =	ssyncadd.s32 $0xFFFFC000  }
0xa3: {  	[spmem:s2] =	stream.indirect.scatter.add.f32 [tilespmem:s17], [sflag:$0x3], $0x80, s22, s16, $0xb8;
	[tilespmem:$0x14800] =	vst v63  }
0xa4: {  	_ =	swait.ge [sflag:s14], $0x4000  }
0xa5: {  	[sflag:s14] =	ssyncset.done $0x0  }
0xa6: {  	[sflag:s14] =	ssyncadd.s32 $0xFFFFC000  }
0xa7: {  	_ =	swait.ge [sflag:s20], $0x4000  }
0xa8: {  	[sflag:s20] =	ssyncset.done $0x0  }
0xa9: {  	[sflag:s20] =	ssyncadd.s32 $0xFFFFC000  }
0xaa: {  	[spmem:s2] =	stream.indirect.scatter.add.f32 [tilespmem:s18], [sflag:$0x3], $0x80, s23, s16, $0xb8;
	[tilespmem:$0x14800] =	vst v63  }
0xab: {  	_ =	swait.ge [sflag:s14], $0x4000  }
0xac: {  	s24 =	sadd.s32 $0x1, s24;
	[sflag:s14] =	ssyncset.done $0x0  }
0xad: {  	p0 =	sne.s32 s24, s12;
	[sflag:s14] =	ssyncadd.s32 $0xFFFFC000  }
.Ltmp2:
0xae: {  	[bflag:$0x0] =	sbarrier.arrive $0xFFFF;
	(pc) =	sbr.rel @p0 .LBB2_1-.Ltmp2, $4  }
0xaf: {  	[hbm:s11], [sflag:s6] =	dma.local [spmem:s13], $0x1400  }
0xb0: {  	_ =	swait.ge [sflag:s14], $0x1400  }
0xb1: {  	[sflag:s14] =	ssyncset.done $0x0  }
0xb2: {  	[sflag:s14] =	ssyncadd.s32 $0xFFFFEC00  }
0xb3: {  	_ =	sfence.sel $0x180000  }
0xb4: {  	[bflag:$0x0] =	sbarrier.arrive $0xFFFF  }
0xb5: {  	p0 =	sne.s32 s0, $0x0;
	_ =	strace $0x90000050  }
0xb6: {  	s0 =	sadd.s32 @!p0 $0x100000, s1;
	[bflag:$0x2] =	sbarrier.arrive $0xFFFF  }
0xb7: {  	[sflag:s0] =	ssyncadd.tile.s32 @!p0 $0x1;
	_ =	shalt  }
.Lfunc_end2:
_tile_overlayer_lowered:
.L_overlay_start_2:
0xb8: {  	(tag) =	ssettag $0x2  }
0xb9: {  	s0 =	rddreg [dreg:$0x0];
	s2 =	stileid.u32  }
0xba: {  	s1 =	rddreg [dreg:$0x1];
	p0 =	sne.s32 s2, $0x0  }
0xbb: {  	s3 =	rddreg [dreg:$0x2];
	[bflag:$0x3] =	sbarrier.arrive $0xFFFF;
	s2 =	simm.s32 @!p0 $0x1C03  }
0xbc: {  	[timem:s3], [sflag:s2] =	dma.local @!p0 [hbm:s0], s1  }
0xbd: {  	s0 =	simm.s32 @!p0 $0x3  }
0xbe: {  	_ =	swait.ge @!p0 [sflag:s0], s1  }
0xbf: {  	s1 =	ssub.s32 @!p0 $0x0, s1;
	[sflag:s0] =	ssyncset.done @!p0 $0x0  }
0xc0: {  	[sflag:s0] =	ssyncadd.s32 @!p0 s1  }
0xc1: {  	[bflag:$0x3] =	sbarrier.arrive $0xFFFF  }
0xc2: {  	_ =	shalt  }

// kernel: kernel.24.cloned.1.call-start
scs
__scs_entry_jumppad:
0x0: {  	(pc) =	sbr.rel $0x88, $3  }
0x1: {  	(tag) =	ssettag $0x0;
	lr =	simm.s32 $0x1  }
0x2: {  	[smem:$0x3F98] =	sst lr;
	_ =	strace $0xD0000000  }
0x3: {  	_ = 	snop  }
0x4: {  	_ = 	snop  }
0x5: {  	_ = 	snop  }
0x6: {  	_ = 	snop  }
0x7: {  	_ = 	snop  }
__scs_overlays_trampoline_lowered:
0x8: {  	[smem:$0x3FA7] =	sst s0  }
0x9: {  	[smem:$0x3FA8] =	sst s1  }
0xa: {  	[smem:$0x3FA9] =	sst s2  }
0xb: {  	[smem:$0x3FAA] =	sst s3  }
0xc: {  	[smem:$0x3FAB] =	sst s4  }
0xd: {  	[smem:$0x3FAC] =	sst s5  }
0xe: {  	[smem:$0x3FAD] =	sst s6  }
0xf: {  	[smem:$0x3FAE] =	sst s7  }
0x10: {  	[smem:$0x3FAF] =	sst s8  }
0x11: {  	[smem:$0x3FB0] =	sst s9;
	s0 =	simm.s32 @!p0 $0x0  }
0x12: {  	s1 =	sld [smem:$0x3F96];
	s0 =	simm.s32 @p0 $0x1  }
0x13: {  	[smem:$0x3FB1] =	sst s0;
	s0 =	simm.s32 @!p1 $0x0  }
0x14: {  	s2 =	sld [smem:$0x3F95];
	s0 =	simm.s32 @p1 $0x1  }
0x15: {  	[smem:$0x3FB2] =	sst s0;
	s0 =	simm.s32 @!p2 $0x0  }
0x16: {  	s3 =	sld [smem:$0x3FDB];
	s0 =	simm.s32 @p2 $0x1  }
0x17: {  	s4 =	simm.s32 $0x1BF5;
	[smem:$0x3FB4] =	sst s0  }
0x18: {  	s0 =	sld [smem:$0x3F97];
	_ =	swait.ge [sflag:s4], $0x0  }
0x19: {  	s7 =	sld [smem:$0x3F98]  }
0x1a: {  	s8 =	sadd.s32 $0xFFFFE003, lr  }
0x1b: {  	s9 =	sadd.s32 $0xFFFFFEF7, lr;
	s5 =	simm.s32 $0xFFFFFFFF;
	p2 =	slt.u32 s8, $0xFFFFF086  }
0x1c: {  	p1 =	slt.u32 s9, $0xF7A;
	s5 =	simm.s32 @!p2 $0x0  }
0x1d: {  	s5 =	simm.s32 @p1 $0x1;
	p0 =	seq.s32 s7, s2  }
0x1e: {  	s7 =	smul.u32 @!p0 $0xF7A, s2;
	p2 =	seq.s32 @!p0 s5, $0x0  }
0x1f: {  	s9 =	smul.u32 $0xF7A, s1;
	s8 =	simm.s32 @!p0 $0x1BF5;
	p2 =	por !p2, p0  }
0x20: {  	[sflag:s8] =	ssyncset.s32 @!p0 $0xFFFFF086;
	s6 =	sadd.s32 @!p0 s3, s7;
	s7 =	simm.s32 @!p0 $0x108  }
0x21: {  	s3 =	sadd.s32 s3, s9;
	s6 =	sadd.s32 @!p0 $0x88, s6;
	s7 =	simm.s32 @p2 $0x1082  }
0x22: {  	[simem:s7], [sflag:s8] =	dma.local @!p0 [hbm:s6], $0xF7A  }
0x23: {  	s9 =	sor.u32 $0xD0000000, s2;
	s6 =	simm.s32 $0x108;
	_ =	swait.ge @!p0 [sflag:s8], $0x0  }
0x24: {  	s3 =	sadd.s32 $0x88, s3;
	s6 =	simm.s32 @!p1 $0x1082;
	[sflag:s4] =	ssyncset.s32 $0xFFFFF086  }
0x25: {  	[simem:s6], [sflag:s4] =	dma.local [hbm:s3], $0xF7A  }
0x26: {  	[smem:$0x3F98] =	sst s1;
	(tag) =	ssettag s2;
	_ =	strace s9  }
0x27: {  	s1 =	sld [smem:$0x3FA8]  }
0x28: {  	s2 =	sld [smem:$0x3FA9]  }
0x29: {  	s4 =	sld [smem:$0x3FAB]  }
0x2a: {  	p0 =	seq.s32 s5, $0x0;
	s5 =	sld [smem:$0x3FAC]  }
0x2b: {  	s6 =	sld [smem:$0x3FAD]  }
0x2c: {  	s7 =	sld [smem:$0x3FAE]  }
0x2d: {  	s3 =	simm.s32 $0x108;
	s8 =	sld [smem:$0x3FAF]  }
0x2e: {  	s3 =	simm.s32 @!p0 $0x1082;
	s9 =	sld [smem:$0x3FB0]  }
0x2f: {  	lr =	sadd.s32 s0, s3;
	s0 =	sld [smem:$0x3FA7]  }
0x30: {  	s3 =	sld [smem:$0x3FAA]  }
0x31: {  	[smem:$0x3FB3] =	sst s10  }
0x32: {  	s10 =	sld [smem:$0x3FB1];
	_ =	sdelay $0x3  }
0x33: {  	p0 =	seq.s32 s10, $0x1;
	s10 =	sld [smem:$0x3FB3];
	_ =	sdelay $0x3  }
0x34: {  	[smem:$0x3FB3] =	sst s10  }
0x35: {  	s10 =	sld [smem:$0x3FB2];
	_ =	sdelay $0x3  }
0x36: {  	p1 =	seq.s32 s10, $0x1;
	s10 =	sld [smem:$0x3FB3];
	_ =	sdelay $0x3  }
0x37: {  	[smem:$0x3FB3] =	sst s10  }
0x38: {  	s10 =	sld [smem:$0x3FB4]  }
0x39: {  	_ = 	snop;
	(pc) =	sbr.ind lr, $3  }
0x3a: {  	_ = 	snop  }
0x3b: {  	_ = 	snop  }
0x3c: {  	p2 =	seq.s32 s10, $0x1;
	s10 =	sld [smem:$0x3FB3]  }
0x3d: {  	_ =	shalt  }
0x3e: {  	_ =	shalt  }
0x3f: {  	_ =	shalt  }
0x40: {  	_ =	shalt  }
0x41: {  	_ =	shalt  }
0x42: {  	_ =	shalt  }
0x43: {  	_ =	shalt  }
0x44: {  	_ =	shalt  }
0x45: {  	_ =	shalt  }
0x46: {  	_ =	shalt  }
0x47: {  	_ =	shalt  }
0x48: {  	_ =	shalt  }
0x49: {  	_ =	shalt  }
0x4a: {  	_ =	shalt  }
0x4b: {  	_ =	shalt  }
0x4c: {  	_ =	shalt  }
0x4d: {  	_ =	shalt  }
0x4e: {  	_ =	shalt  }
0x4f: {  	_ =	shalt  }
0x50: {  	_ =	shalt  }
0x51: {  	_ =	shalt  }
0x52: {  	_ =	shalt  }
0x53: {  	_ =	shalt  }
0x54: {  	_ =	shalt  }
0x55: {  	_ =	shalt  }
0x56: {  	_ =	shalt  }
0x57: {  	_ =	shalt  }
0x58: {  	_ =	shalt  }
0x59: {  	_ =	shalt  }
0x5a: {  	_ =	shalt  }
0x5b: {  	_ =	shalt  }
0x5c: {  	_ =	shalt  }
0x5d: {  	_ =	shalt  }
0x5e: {  	_ =	shalt  }
0x5f: {  	_ =	shalt  }
0x60: {  	_ =	shalt  }
0x61: {  	_ =	shalt  }
0x62: {  	_ =	shalt  }
0x63: {  	_ =	shalt  }
0x64: {  	_ =	shalt  }
0x65: {  	_ =	shalt  }
0x66: {  	_ =	shalt  }
0x67: {  	_ =	shalt  }
0x68: {  	_ =	shalt  }
0x69: {  	_ =	shalt  }
0x6a: {  	_ =	shalt  }
0x6b: {  	_ =	shalt  }
0x6c: {  	_ =	shalt  }
0x6d: {  	_ =	shalt  }
0x6e: {  	_ =	shalt  }
0x6f: {  	_ =	shalt  }
0x70: {  	_ =	shalt  }
0x71: {  	_ =	shalt  }
0x72: {  	_ =	shalt  }
0x73: {  	_ =	shalt  }
0x74: {  	_ =	shalt  }
0x75: {  	_ =	shalt  }
0x76: {  	_ =	shalt  }
0x77: {  	_ =	shalt  }
0x78: {  	_ =	shalt  }
0x79: {  	_ =	shalt  }
0x7a: {  	_ =	shalt  }
0x7b: {  	_ =	shalt  }
0x7c: {  	_ =	shalt  }
0x7d: {  	_ =	shalt  }
0x7e: {  	_ =	shalt  }
0x7f: {  	_ =	shalt  }
0x80: {  	_ =	shalt  }
0x81: {  	_ =	shalt  }
0x82: {  	_ =	shalt  }
0x83: {  	_ =	shalt  }
0x84: {  	_ =	shalt  }
0x85: {  	_ =	shalt  }
0x86: {  	_ =	shalt  }
0x87: {  	_ =	shalt  }
.Lfunc_end0:
.L_simem_size_0:
called_computation.4_lowered:
.L_overlay_start_0:
0x88: {  	s2 =	sld [smem:$0x3FD9]  }
0x89: {  	s3 =	sld [smem:$0x3FFE];
	_ =	sdelay $0x1  }
0x8a: {  	s1 =	srdreg.scid  }
0x8b: {  	s0 =	sand.u32 $0x1, s1  }
0x8c: {  	s14 =	sshll.u32 s0, $0xA;
	s2 =	sadd.s32 s3, s2  }
0x8d: {  	s2 =	sadd.s32 s2, s14  }
0x8e: {  	[smem:$0x3FBF] =	sst s2  }
0x8f: {  	_ = 	snop  }
0x90: {  	s2 =	sld [smem:$0x3FD0];
	_ =	sdelay $0x2  }
0x91: {  	s15 =	simm.s32 $0xB;
	s4 =	simm.s32 $0x10  }
0x92: {  	[smem:s4], [sflag:s15] =	dma.local [hbm:s2], $0x1  }
0x93: {  	_ =	swait.eq [sflag:s15], $0x1  }
0x94: {  	[sflag:s15] =	ssyncset.done $0x0  }
0x95: {  	[sflag:s15] =	ssyncadd.s32 $0xFFFFFFFF  }
0x96: {  	s16 =	sld [smem:$0x10];
	(tm) =	ssettm $0x1  }
0x97: {  	s17 =	sld [smem:$0x3FFB];
	_ =	sdelay $0x3  }
0x98: {  	_ =	strace s17  }
0x99: {  	s3 =	sld [smem:$0x3FFC];
	_ =	sdelay $0x3  }
0x9a: {  	_ =	strace s3  }
0x9b: {  	s3 =	sld [smem:$0x3FFD];
	_ =	sdelay $0x3  }
0x9c: {  	_ =	strace s3  }
0x9d: {  	_ =	strace $0x8FFFFFFF  }
0x9e: {  	s18 =	sld [smem:$0x3FDB];
	_ =	sdelay $0x1  }
0x9f: {  	s19 =	simm.s32 $_scs_section_size  }
0xa0: {  	s5 =	simm.s32 $_size__tile_overlayer_lowered;
	s6 =	simm.s32 $_tile_overlayer_lowered  }
0xa1: {  	s22 =	simm.s32 $0x1BFF;
	s21 =	sshll.u32 s6, $0x1;
	s3 =	sadd.s32 s19, s18  }
0xa2: {  	s7 =	simm.s32 $0x0;
	s20 =	sshll.u32 s5, $0x1;
	s5 =	sadd.s32 s21, s3  }
0xa3: {  	[timem:s7], [sflag:s22] =	dma.local [hbm:s5], s20  }
0xa4: {  	_ =	swait.ge [sflag:s22], s20  }
0xa5: {  	s4 =	ssub.s32 $0x0, s20;
	[sflag:s22] =	ssyncset.done $0x0  }
0xa6: {  	[sflag:s22] =	ssyncadd.s32 s4;
	_ =	sdelay $0x1  }
0xa7: {  	s23 =	simm.s32 $0x1B8B  }
0xa8: {  	_ =	swait.ge [sflag:s23], $0x1  }
0xa9: {  	[sflag:s23] =	ssyncset.done $0x0  }
0xaa: {  	s25 =	simm.s32 $0x1B8E;
	s24 =	sld [smem:$0x3FFE];
	[sflag:s23] =	ssyncadd.s32 $0xFFFFFFFF  }
0xab: {  	s26 =	simm.s32 $execute0_lowered;
	[smem:$0x3FD2] =	sst s25  }
0xac: {  	s5 =	sshll.u32 s26, $0x1;
	_ =	strace $0x80000052;
	[dreg:$0x1] =	wrdreg $0xFFFFFFFF  }
0xad: {  	s28 =	simm.s32 $_size_execute0_lowered;
	s3 =	sadd.s32 s3, s5;
	[dreg:$0x0] =	wrdreg $0x0  }
0xae: {  	s5 =	sshll.u32 s28, $0x1;
	[dreg:$0x2] =	wrdreg s3  }
0xaf: {  	[dreg:$0x3] =	wrdreg s5  }
0xb0: {  	[dreg:$0x4] =	wrdreg $0xC0  }
0xb1: {  	_ =	task [dreg:s7], $0x5FFFF  }
0xb2: {  	[dreg:$0x1] =	wrdreg $0xFFFFFFFF  }
0xb3: {  	[dreg:$0x0] =	wrdreg $0x60  }
0xb4: {  	[dreg:$0x2] =	wrdreg s24  }
0xb5: {  	[dreg:$0x3] =	wrdreg s16  }
0xb6: {  	[dreg:$0x4] =	wrdreg $0xA8000  }
0xb7: {  	[dreg:$0x5] =	wrdreg $0x9  }
0xb8: {  	_ =	task.clear_ibuf [dreg:s7], $0x6FFFF;
	_ =	strace $0x90000052  }
0xb9: {  	s29 =	simm.s32 $0x9;
	_ =	strace $0x80000054  }
0xba: {  	_ =	swait.ge [sflag:s29], $0x1  }
0xbb: {  	[sflag:s29] =	ssyncadd.s32 $0xFFFFFFFF  }
0xbc: {  	_ =	strace $0x90000054  }
0xbd: {  	_ =	sfence  }
0xbe: {  	s30 =	sld [smem:$0x0];
	_ =	sdelay $0x2  }
0xbf: {  	s31 =	sshll.u32 s1, $0xD;
	s1 =	sshrl.u32 s1, $0x2  }
0xc0: {  	s3 =	sand.u32 $0x4000, s31;
	s1 =	sadd.s32 s1, s30  }
0xc1: {  	s0 =	sor.u32 s3, s0;
	s1 =	sshll.u32 s1, $0x11  }
0xc2: {  	s0 =	sor.u32 s1, s0  }
0xc3: {  	s0 =	sadd.s32 $0x8F2B, s0  }
0xc4: {  	[sflag:s0] =	ssyncadd.remote.s32 $0x1  }
0xc5: {  	_ =	sfence.sel $0xFFFF  }
0xc6: {  	[dreg:$0x0] =	wrdreg $0xFFFFFFFF;
	(pc) =	sbr.abs _section_cstart, $3  }
0xc7: {  	[dreg:$0x1] =	wrdreg $0xFFFFFFFF  }
0xc8: {  	_ =	task.clear_ibuf [dreg:s7], $0x2FFFF;
	_ =	strace $0x9FFFFFFF  }
0xc9: {  	(tm) =	ssettm $0x7FFFFFFF  }
tec
execute0_lowered:
.L_overlay_start_1:
0x0: {  	(tag) =	ssettag $0x1  }
0x1: {  	s5 =	rddreg [dreg:$0x0]  }
0x2: {  	s6 =	rddreg [dreg:$0x1]  }
0x3: {  	s2 =	rddreg [dreg:$0x2]  }
0x4: {  	s0 =	srdreg.scid;
	s1 =	rddreg [dreg:$0x3]  }
0x5: {  	s3 =	simm.s32 $0x0;
	s16 =	simm.s32 $0x80;
	s17 =	simm.s32 $0x2800  }
0x6: {  	s18 =	simm.s32 $0x6800;
	s19 =	simm.s32 $0x1;
	s7 =	sand.u32 $0x1, s0  }
0x7: {  	s20 =	simm.s32 $0x2;
	s0 =	stileid.u32;
	s4 =	smul.u32 $0x28000, s7  }
0x8: {  	s21 =	simm.s32 $0x1380;
	s22 =	simm.s32 $0x2700;
	s8 =	smul.u32 $0x2800, s0  }
0x9: {  	s23 =	simm.s32 $0x2780;
	s24 =	simm.s32 $0x0;
	s9 =	smul.u32 $0x14000, s0  }
0xa: {  	[smem:$0x7FF] =	sst s3;
	s13 =	sadd.s32 $0x8800, s5;
	s11 =	smul.u32 $0x140000, s7  }
0xb: {  	_ =	strace $0x80000053;
	s12 =	smul.u32 $0x50000, s0;
	s7 =	ssub.s32 $0x2, s7  }
0xc: {  	s28 =	sshll.u32 s0, $0x6;
	s29 =	smul.u32 $0x500, s0;
	s25 =	sshrl.u32 s7, $0x1  }
0xd: {  	s10 =	sadd.s32 s8, s4;
	s4 =	sadd.s32 $0xD800, s5;
	s11 =	sadd.s32 s9, s11  }
0xe: {  	s12 =	sshrl.u32 s12, $0x2;
	s14 =	ssub.s32 s7, s25;
	s26 =	sshrl.u32 s9, $0x3  }
0xf: {  	s30 =	sshrl.u32 s8, $0x3;
	s8 =	sadd.s32 s13, s29;
	s10 =	sshrl.u32 s10, $0x3  }
0x10: {  	s11 =	sshrl.u32 s11, $0x3;
	s15 =	sadd.s32 s12, s2;
	s31 =	sadd.s32 s13, s30  }
0x11: {  	s12 =	smax.u32 s14, $0x1;
	s14 =	simm.s32 $0x3;
	s10 =	sadd.s32 s10, s5  }
0x12: {  	s11 =	sadd.s32 s11, s5;
	s5 =	sadd.s32 s6, s26;
	s6 =	sor.u32 $0x1C03, s28  }
0x13: {  	s13 =	sshrl.u32 s15, $0x3;
	s15 =	simm.s32 $0x1400;
	s7 =	sadd.s32 $0x13A000, s10  }
0x14: {  	s9 =	sadd.s32 $0x13A280, s10;
	s10 =	sadd.s32 $0x280, s31;
	s11 =	sadd.s32 $0x35800, s11  }
.LBB2_1:
0x15: {  	[spmem:s13], [sflag:s6] =	dma.local [hbm:s5], $0x2800  }
0x16: {  	_ =	swait.ge [sflag:s14], $0x2800  }
0x17: {  	[sflag:s14] =	ssyncset.done $0x0  }
0x18: {  	[sflag:s14] =	ssyncadd.s32 $0xFFFFD800  }
0x19: {  	[bflag:$0x0] =	sbarrier.arrive $0xFFFF  }
0x1a: {  	[tilespmem:s3], [sflag:$0x3] =	stream.linear.gather [hbm4b:s7+s3], $0x1400, $0x38;
	[tilespmem:$0x1E800] =	vst v63  }
0x1b: {  	_ =	swait.ge [sflag:s14], $0x1400  }
0x1c: {  	[sflag:s14] =	ssyncset.done $0x0  }
0x1d: {  	[sflag:s14] =	ssyncadd.s32 $0xFFFFEC00  }
0x1e: {  	[tilespmem:s15], [sflag:$0x3] =	stream.linear.gather [hbm4b:s8+s3], $0x1400, $0x38;
	[tilespmem:$0x1E800] =	vst v63  }
0x1f: {  	_ =	swait.ge [sflag:s14], $0x1400  }
0x20: {  	[sflag:s14] =	ssyncset.done $0x0  }
0x21: {  	[sflag:s14] =	ssyncadd.s32 $0xFFFFEC00  }
0x22: {  	[tilespmem:s17], [sflag:$0x1] =	stream.indirect.gather [hbm4b:s4+s16], $0x80, s3, s16, $0xb8;
	[tilespmem:$0x1E800] =	vst v63  }
0x23: {  	s25 =	simm.s32 $0x80  }
0x24: {  	[tilespmem:s18], [sflag:$0x2] =	stream.indirect.gather [hbm4b:s4+s16], $0x80, s25, s16, $0xb8;
	[tilespmem:$0x1E800] =	vst v63  }
0x25: {  	_ =	swait.ge [sflag:s19], $0x4000  }
0x26: {  	[sflag:s19] =	ssyncset.done $0x0  }
0x27: {  	s29 =	simm.s32 $0x1400;
	[sflag:s19] =	ssyncadd.s32 $0xFFFFC000  }
0x28: {  	[spmem:s2] =	stream.indirect.scatter.add.f32 [tilespmem:s17], [sflag:$0x3], $0x80, s29, s16, $0xb8;
	[tilespmem:$0x1E800] =	vst v63  }
0x29: {  	_ =	swait.ge [sflag:s14], $0x4000  }
0x2a: {  	[sflag:s14] =	ssyncset.done $0x0  }
0x2b: {  	s30 =	simm.s32 $0x100;
	[sflag:s14] =	ssyncadd.s32 $0xFFFFC000  }
0x2c: {  	[tilespmem:s17], [sflag:$0x1] =	stream.indirect.gather [hbm4b:s4+s16], $0x80, s30, s16, $0xb8;
	[tilespmem:$0x1E800] =	vst v63  }
0x2d: {  	_ =	swait.ge [sflag:s20], $0x4000  }
0x2e: {  	[sflag:s20] =	ssyncset.done $0x0  }
0x2f: {  	s31 =	simm.s32 $0x1480;
	[sflag:s20] =	ssyncadd.s32 $0xFFFFC000  }
0x30: {  	[spmem:s2] =	stream.indirect.scatter.add.f32 [tilespmem:s18], [sflag:$0x3], $0x80, s31, s16, $0xb8;
	[tilespmem:$0x1E800] =	vst v63  }
0x31: {  	_ =	swait.ge [sflag:s14], $0x4000  }
0x32: {  	s26 =	simm.s32 $0x800;
	s25 =	simm.s32 $0x100;
	[sflag:s14] =	ssyncset.done $0x0  }
.LBB2_2:
0x33: {  	s28 =	sadd.s32 $0x80, s25  }
0x34: {  	[sflag:s14] =	ssyncadd.s32 $0xFFFFC000;
	s29 =	smov.u32 s26;
	s30 =	sadd.s32 $0x400, s26  }
0x35: {  	[tilespmem:s18], [sflag:$0x2] =	stream.indirect.gather [hbm4b:s4+s16], $0x80, s28, s16, $0xb8;
	[tilespmem:$0x1E800] =	vst v63  }
0x36: {  	p0 =	sne.s32 s26, $0x4800;
	_ =	swait.ge [sflag:s19], $0x4000  }
0x37: {  	[sflag:s19] =	ssyncset.done $0x0  }
0x38: {  	s26 =	sadd.s32 $0x1400, s25;
	[sflag:s19] =	ssyncadd.s32 $0xFFFFC000  }
0x39: {  	[spmem:s2] =	stream.indirect.scatter.add.f32 [tilespmem:s17], [sflag:$0x3], $0x80, s26, s16, $0xb8;
	[tilespmem:$0x1E800] =	vst v63  }
0x3a: {  	_ =	swait.ge [sflag:s14], $0x4000  }
0x3b: {  	[sflag:s14] =	ssyncset.done $0x0  }
0x3c: {  	s26 =	sadd.s32 $0x100, s25;
	[sflag:s14] =	ssyncadd.s32 $0xFFFFC000  }
0x3d: {  	[tilespmem:s17], [sflag:$0x1] =	stream.indirect.gather [hbm4b:s4+s16], $0x80, s26, s16, $0xb8;
	[tilespmem:$0x1E800] =	vst v63  }
0x3e: {  	_ =	swait.ge [sflag:s20], $0x4000  }
.Ltmp0:
0x3f: {  	[sflag:s20] =	ssyncset.done $0x0;
	(pc) =	sbr.rel @p0 .LBB2_2-.Ltmp0, $4  }
0x40: {  	s25 =	sadd.s32 $0x1480, s25;
	[sflag:s20] =	ssyncadd.s32 $0xFFFFC000  }
0x41: {  	[spmem:s2] =	stream.indirect.scatter.add.f32 [tilespmem:s18], [sflag:$0x3], $0x80, s25, s16, $0xb8;
	[tilespmem:$0x1E800] =	vst v63  }
0x42: {  	_ =	swait.ge [sflag:s14], $0x4000  }
0x43: {  	s26 =	smov.u32 s30;
	s25 =	sshra.s32 s29, $0x2;
	[sflag:s14] =	ssyncset.done $0x0  }
0x44: {  	s26 =	sadd.s32 $0x80, s25;
	[sflag:s14] =	ssyncadd.s32 $0xFFFFC000  }
0x45: {  	[tilespmem:s18], [sflag:$0x2] =	stream.indirect.gather [hbm4b:s4+s16], $0x80, s26, s16, $0xb8;
	[tilespmem:$0x1E800] =	vst v63  }
0x46: {  	_ =	swait.ge [sflag:s19], $0x4000  }
0x47: {  	[sflag:s19] =	ssyncset.done $0x0  }
0x48: {  	s29 =	sadd.s32 $0x1400, s25;
	[sflag:s19] =	ssyncadd.s32 $0xFFFFC000  }
0x49: {  	[spmem:s2] =	stream.indirect.scatter.add.f32 [tilespmem:s17], [sflag:$0x3], $0x80, s29, s16, $0xb8;
	[tilespmem:$0x1E800] =	vst v63  }
0x4a: {  	_ =	swait.ge [sflag:s14], $0x4000  }
0x4b: {  	[sflag:s14] =	ssyncset.done $0x0  }
0x4c: {  	s30 =	sadd.s32 $0x100, s25;
	[sflag:s14] =	ssyncadd.s32 $0xFFFFC000  }
0x4d: {  	[tilespmem:s17], [sflag:$0x1] =	stream.indirect.gather [hbm4b:s4+s16], $0x80, s30, s16, $0xb8;
	[tilespmem:$0x1E800] =	vst v63  }
0x4e: {  	_ =	swait.ge [sflag:s20], $0x4000  }
0x4f: {  	[sflag:s20] =	ssyncset.done $0x0  }
0x50: {  	s31 =	sadd.s32 $0x1480, s25;
	[sflag:s20] =	ssyncadd.s32 $0xFFFFC000  }
0x51: {  	[spmem:s2] =	stream.indirect.scatter.add.f32 [tilespmem:s18], [sflag:$0x3], $0x80, s31, s16, $0xb8;
	[tilespmem:$0x1E800] =	vst v63  }
0x52: {  	_ =	swait.ge [sflag:s14], $0x4000  }
0x53: {  	[sflag:s14] =	ssyncset.done $0x0  }
0x54: {  	[sflag:s14] =	ssyncadd.s32 $0xFFFFC000  }
0x55: {  	[tilespmem:s18], [sflag:$0x2] =	stream.indirect.gather [hbm4b:s4+s16], $0x80, s21, s16, $0xb8;
	[tilespmem:$0x1E800] =	vst v63  }
0x56: {  	_ =	swait.ge [sflag:s19], $0x4000  }
0x57: {  	[sflag:s19] =	ssyncset.done $0x0  }
0x58: {  	[sflag:s19] =	ssyncadd.s32 $0xFFFFC000  }
0x59: {  	[spmem:s2] =	stream.indirect.scatter.add.f32 [tilespmem:s17], [sflag:$0x3], $0x80, s22, s16, $0xb8;
	[tilespmem:$0x1E800] =	vst v63  }
0x5a: {  	_ =	swait.ge [sflag:s14], $0x4000  }
0x5b: {  	[sflag:s14] =	ssyncset.done $0x0  }
0x5c: {  	[sflag:s14] =	ssyncadd.s32 $0xFFFFC000  }
0x5d: {  	_ =	swait.ge [sflag:s20], $0x4000  }
0x5e: {  	[sflag:s20] =	ssyncset.done $0x0  }
0x5f: {  	[sflag:s20] =	ssyncadd.s32 $0xFFFFC000  }
0x60: {  	[spmem:s2] =	stream.indirect.scatter.add.f32 [tilespmem:s18], [sflag:$0x3], $0x80, s23, s16, $0xb8;
	[tilespmem:$0x1E800] =	vst v63  }
0x61: {  	_ =	swait.ge [sflag:s14], $0x4000  }
0x62: {  	[sflag:s14] =	ssyncset.done $0x0  }
0x63: {  	s26 =	simm.s32 $0x0;
	[sflag:s14] =	ssyncadd.s32 $0xFFFFC000  }
0x64: {  	[tilespmem:s26], [sflag:$0x3] =	stream.linear.gather [hbm4b:s9+s26], $0x1400, $0x38;
	[tilespmem:$0x1E800] =	vst v63  }
0x65: {  	_ =	swait.ge [sflag:s14], $0x1400  }
0x66: {  	[sflag:s14] =	ssyncset.done $0x0  }
0x67: {  	[sflag:s14] =	ssyncadd.s32 $0xFFFFEC00  }
0x68: {  	[tilespmem:s15], [sflag:$0x3] =	stream.linear.gather [hbm4b:s10+s26], $0x1400, $0x38;
	[tilespmem:$0x1E800] =	vst v63  }
0x69: {  	_ =	swait.ge [sflag:s14], $0x1400  }
0x6a: {  	[sflag:s14] =	ssyncset.done $0x0  }
0x6b: {  	[sflag:s14] =	ssyncadd.s32 $0xFFFFEC00  }
0x6c: {  	[tilespmem:s17], [sflag:$0x1] =	stream.indirect.gather [hbm4b:s4+s16], $0x80, s26, s16, $0xb8;
	[tilespmem:$0x1E800] =	vst v63  }
0x6d: {  	s28 =	simm.s32 $0x80  }
0x6e: {  	[tilespmem:s18], [sflag:$0x2] =	stream.indirect.gather [hbm4b:s4+s16], $0x80, s28, s16, $0xb8;
	[tilespmem:$0x1E800] =	vst v63  }
0x6f: {  	_ =	swait.ge [sflag:s19], $0x4000  }
0x70: {  	[sflag:s19] =	ssyncset.done $0x0  }
0x71: {  	s29 =	simm.s32 $0x1400;
	[sflag:s19] =	ssyncadd.s32 $0xFFFFC000  }
0x72: {  	[spmem:s2] =	stream.indirect.scatter.add.f32 [tilespmem:s17], [sflag:$0x3], $0x80, s29, s16, $0xb8;
	[tilespmem:$0x1E800] =	vst v63  }
0x73: {  	_ =	swait.ge [sflag:s14], $0x4000  }
0x74: {  	[sflag:s14] =	ssyncset.done $0x0  }
0x75: {  	s30 =	simm.s32 $0x100;
	[sflag:s14] =	ssyncadd.s32 $0xFFFFC000  }
0x76: {  	[tilespmem:s17], [sflag:$0x1] =	stream.indirect.gather [hbm4b:s4+s16], $0x80, s30, s16, $0xb8;
	[tilespmem:$0x1E800] =	vst v63  }
0x77: {  	_ =	swait.ge [sflag:s20], $0x4000  }
0x78: {  	[sflag:s20] =	ssyncset.done $0x0  }
0x79: {  	s31 =	simm.s32 $0x1480;
	[sflag:s20] =	ssyncadd.s32 $0xFFFFC000  }
0x7a: {  	[spmem:s2] =	stream.indirect.scatter.add.f32 [tilespmem:s18], [sflag:$0x3], $0x80, s31, s16, $0xb8;
	[tilespmem:$0x1E800] =	vst v63  }
0x7b: {  	_ =	swait.ge [sflag:s14], $0x4000  }
0x7c: {  	s25 =	simm.s32 $0x100;
	s26 =	simm.s32 $0x800;
	[sflag:s14] =	ssyncset.done $0x0  }
.LBB2_4:
0x7d: {  	s28 =	sadd.s32 $0x80, s25  }
0x7e: {  	[sflag:s14] =	ssyncadd.s32 $0xFFFFC000;
	s29 =	smov.u32 s26;
	s30 =	sadd.s32 $0x400, s26  }
0x7f: {  	[tilespmem:s18], [sflag:$0x2] =	stream.indirect.gather [hbm4b:s4+s16], $0x80, s28, s16, $0xb8;
	[tilespmem:$0x1E800] =	vst v63  }
0x80: {  	p0 =	sne.s32 s26, $0x4800;
	_ =	swait.ge [sflag:s19], $0x4000  }
0x81: {  	[sflag:s19] =	ssyncset.done $0x0  }
0x82: {  	s26 =	sadd.s32 $0x1400, s25;
	[sflag:s19] =	ssyncadd.s32 $0xFFFFC000  }
0x83: {  	[spmem:s2] =	stream.indirect.scatter.add.f32 [tilespmem:s17], [sflag:$0x3], $0x80, s26, s16, $0xb8;
	[tilespmem:$0x1E800] =	vst v63  }
0x84: {  	_ =	swait.ge [sflag:s14], $0x4000  }
0x85: {  	[sflag:s14] =	ssyncset.done $0x0  }
0x86: {  	s26 =	sadd.s32 $0x100, s25;
	[sflag:s14] =	ssyncadd.s32 $0xFFFFC000  }
0x87: {  	[tilespmem:s17], [sflag:$0x1] =	stream.indirect.gather [hbm4b:s4+s16], $0x80, s26, s16, $0xb8;
	[tilespmem:$0x1E800] =	vst v63  }
0x88: {  	_ =	swait.ge [sflag:s20], $0x4000  }
.Ltmp1:
0x89: {  	[sflag:s20] =	ssyncset.done $0x0;
	(pc) =	sbr.rel @p0 .LBB2_4-.Ltmp1, $4  }
0x8a: {  	s25 =	sadd.s32 $0x1480, s25;
	[sflag:s20] =	ssyncadd.s32 $0xFFFFC000  }
0x8b: {  	[spmem:s2] =	stream.indirect.scatter.add.f32 [tilespmem:s18], [sflag:$0x3], $0x80, s25, s16, $0xb8;
	[tilespmem:$0x1E800] =	vst v63  }
0x8c: {  	_ =	swait.ge [sflag:s14], $0x4000  }
0x8d: {  	s26 =	smov.u32 s30;
	s25 =	sshra.s32 s29, $0x2;
	[sflag:s14] =	ssyncset.done $0x0  }
0x8e: {  	s26 =	sadd.s32 $0x80, s25;
	[sflag:s14] =	ssyncadd.s32 $0xFFFFC000  }
0x8f: {  	[tilespmem:s18], [sflag:$0x2] =	stream.indirect.gather [hbm4b:s4+s16], $0x80, s26, s16, $0xb8;
	[tilespmem:$0x1E800] =	vst v63  }
0x90: {  	_ =	swait.ge [sflag:s19], $0x4000  }
0x91: {  	[sflag:s19] =	ssyncset.done $0x0  }
0x92: {  	s29 =	sadd.s32 $0x1400, s25;
	[sflag:s19] =	ssyncadd.s32 $0xFFFFC000  }
0x93: {  	[spmem:s2] =	stream.indirect.scatter.add.f32 [tilespmem:s17], [sflag:$0x3], $0x80, s29, s16, $0xb8;
	[tilespmem:$0x1E800] =	vst v63  }
0x94: {  	_ =	swait.ge [sflag:s14], $0x4000  }
0x95: {  	[sflag:s14] =	ssyncset.done $0x0  }
0x96: {  	s30 =	sadd.s32 $0x100, s25;
	[sflag:s14] =	ssyncadd.s32 $0xFFFFC000  }
0x97: {  	[tilespmem:s17], [sflag:$0x1] =	stream.indirect.gather [hbm4b:s4+s16], $0x80, s30, s16, $0xb8;
	[tilespmem:$0x1E800] =	vst v63  }
0x98: {  	_ =	swait.ge [sflag:s20], $0x4000  }
0x99: {  	[sflag:s20] =	ssyncset.done $0x0  }
0x9a: {  	s31 =	sadd.s32 $0x1480, s25;
	[sflag:s20] =	ssyncadd.s32 $0xFFFFC000  }
0x9b: {  	[spmem:s2] =	stream.indirect.scatter.add.f32 [tilespmem:s18], [sflag:$0x3], $0x80, s31, s16, $0xb8;
	[tilespmem:$0x1E800] =	vst v63  }
0x9c: {  	_ =	swait.ge [sflag:s14], $0x4000  }
0x9d: {  	[sflag:s14] =	ssyncset.done $0x0  }
0x9e: {  	[sflag:s14] =	ssyncadd.s32 $0xFFFFC000  }
0x9f: {  	[tilespmem:s18], [sflag:$0x2] =	stream.indirect.gather [hbm4b:s4+s16], $0x80, s21, s16, $0xb8;
	[tilespmem:$0x1E800] =	vst v63  }
0xa0: {  	_ =	swait.ge [sflag:s19], $0x4000  }
0xa1: {  	[sflag:s19] =	ssyncset.done $0x0  }
0xa2: {  	[sflag:s19] =	ssyncadd.s32 $0xFFFFC000  }
0xa3: {  	[spmem:s2] =	stream.indirect.scatter.add.f32 [tilespmem:s17], [sflag:$0x3], $0x80, s22, s16, $0xb8;
	[tilespmem:$0x1E800] =	vst v63  }
0xa4: {  	_ =	swait.ge [sflag:s14], $0x4000  }
0xa5: {  	[sflag:s14] =	ssyncset.done $0x0  }
0xa6: {  	[sflag:s14] =	ssyncadd.s32 $0xFFFFC000  }
0xa7: {  	_ =	swait.ge [sflag:s20], $0x4000  }
0xa8: {  	[sflag:s20] =	ssyncset.done $0x0  }
0xa9: {  	[sflag:s20] =	ssyncadd.s32 $0xFFFFC000  }
0xaa: {  	[spmem:s2] =	stream.indirect.scatter.add.f32 [tilespmem:s18], [sflag:$0x3], $0x80, s23, s16, $0xb8;
	[tilespmem:$0x1E800] =	vst v63  }
0xab: {  	_ =	swait.ge [sflag:s14], $0x4000  }
0xac: {  	s24 =	sadd.s32 $0x1, s24;
	[sflag:s14] =	ssyncset.done $0x0  }
0xad: {  	p0 =	sne.s32 s24, s12;
	[sflag:s14] =	ssyncadd.s32 $0xFFFFC000  }
.Ltmp2:
0xae: {  	[bflag:$0x0] =	sbarrier.arrive $0xFFFF;
	(pc) =	sbr.rel @p0 .LBB2_1-.Ltmp2, $4  }
0xaf: {  	[hbm:s11], [sflag:s6] =	dma.local [spmem:s13], $0x2800  }
0xb0: {  	_ =	swait.ge [sflag:s14], $0x2800  }
0xb1: {  	[sflag:s14] =	ssyncset.done $0x0  }
0xb2: {  	[sflag:s14] =	ssyncadd.s32 $0xFFFFD800  }
0xb3: {  	_ =	sfence.sel $0x180000  }
0xb4: {  	[bflag:$0x0] =	sbarrier.arrive $0xFFFF  }
0xb5: {  	p0 =	sne.s32 s0, $0x0;
	_ =	strace $0x90000053  }
0xb6: {  	s0 =	sadd.s32 @!p0 $0x100000, s1;
	[bflag:$0x2] =	sbarrier.arrive $0xFFFF  }
0xb7: {  	[sflag:s0] =	ssyncadd.tile.s32 @!p0 $0x1;
	_ =	shalt  }
.Lfunc_end2:
_tile_overlayer_lowered:
.L_overlay_start_2:
0xb8: {  	(tag) =	ssettag $0x2  }
0xb9: {  	s0 =	rddreg [dreg:$0x0];
	s2 =	stileid.u32  }
0xba: {  	s1 =	rddreg [dreg:$0x1];
	p0 =	sne.s32 s2, $0x0  }
0xbb: {  	s3 =	rddreg [dreg:$0x2];
	[bflag:$0x3] =	sbarrier.arrive $0xFFFF;
	s2 =	simm.s32 @!p0 $0x1C03  }
0xbc: {  	[timem:s3], [sflag:s2] =	dma.local @!p0 [hbm:s0], s1  }
0xbd: {  	s0 =	simm.s32 @!p0 $0x3  }
0xbe: {  	_ =	swait.ge @!p0 [sflag:s0], s1  }
0xbf: {  	s1 =	ssub.s32 @!p0 $0x0, s1;
	[sflag:s0] =	ssyncset.done @!p0 $0x0  }
0xc0: {  	[sflag:s0] =	ssyncadd.s32 @!p0 s1  }
0xc1: {  	[bflag:$0x3] =	sbarrier.arrive $0xFFFF  }
0xc2: {  	_ =	shalt  }

</sc_bundles>
